<compile_context>
chip_gen: v7x
topology: tpu7x:2x2x1
jax: 0.10.2.dev20260603
libtpu: 0.0.44.dev20260713+nightly
codegen_flags: <defaults>
</compile_context>

<pallas_src>
import functools

import jax
import jax.numpy as jnp
from jax import lax
from jax.experimental import pallas as pl
from jax.experimental.pallas import tpu as pltpu
from jax.experimental.pallas import tpu_sc as plsc

B = 16384
H = 4
BH = B // H
D = 256
TB = 512


def _vq_body(n, K, x_ref, w1_ref, b1_ref, w2_ref, b2_ref, cb_ref,
             idx_ref, loss_ref):
    i = pl.program_id(0)
    x = x_ref[...]
    h = jnp.maximum(
        jnp.dot(x, w1_ref[...], preferred_element_type=jnp.float32)
        + b1_ref[...], 0.0)
    z = (jnp.dot(h, w2_ref[...], preferred_element_type=jnp.float32)
         + b2_ref[...])
    cb = cb_ref[...]
    cbn = jnp.sum(cb * cb, axis=1)
    acc = jnp.zeros((), jnp.float32)
    cols = []
    for j in range(n):
        zj = z[:, j * D:(j + 1) * D]
        zn = jnp.sum(zj * zj, axis=1, keepdims=True)
        mm = lax.dot_general(zj, cb, (((1,), (1,)), ((), ())),
                             preferred_element_type=jnp.float32)
        d = zn + cbn[None, :] - 2.0 * mm
        m = jnp.min(d, axis=1, keepdims=True)
        iota = lax.broadcasted_iota(jnp.int32, d.shape, 1)
        aj = jnp.min(jnp.where(d == m, iota, K), axis=1, keepdims=True)
        cols.append(aj)
        acc = acc + jnp.sum(m)
    idx_ref[...] = jnp.concatenate(cols, axis=1)

    @pl.when(i == 0)
    def _init():
        loss_ref[0, 0] = 0.0

    loss_ref[0, 0] += acc


def _stream_tc(x, W1, b1, W2, b2, cb, n, K, h):
    base = h * (BH // TB)
    idx, losssum = pl.pallas_call(
        functools.partial(_vq_body, n, K),
        grid=(BH // TB,),
        in_specs=[
            pl.BlockSpec((TB, D), lambda i: (base + i, 0)),
            pl.BlockSpec((D, D), lambda i: (0, 0)),
            pl.BlockSpec((1, D), lambda i: (0, 0)),
            pl.BlockSpec((D, n * D), lambda i: (0, 0)),
            pl.BlockSpec((1, n * D), lambda i: (0, 0)),
            pl.BlockSpec((K, D), lambda i: (0, 0)),
        ],
        out_specs=[
            pl.BlockSpec((TB, n), lambda i: (i, 0)),
            pl.BlockSpec((1, 1), lambda i: (0, 0),
                         memory_space=pltpu.SMEM),
        ],
        out_shape=[
            jax.ShapeDtypeStruct((BH, n), jnp.int32),
            jax.ShapeDtypeStruct((1, 1), jnp.float32),
        ],
    )(x, W1, b1.reshape(1, D), W2, b2.reshape(1, n * D), cb)
    return idx, losssum


_N_TOP_ROWS = B * 3
_N_GEO_ROWS = B * 4
_N_EXT_ROWS = B * 3
_NH_ROWS = BH * 10
_NW = 32
_CH = 128
_PER_W = _NH_ROWS // _NW
_NCH = _PER_W // _CH


def _sc_gather_body(tab, idx_h, out_h,
                    idx_a, idx_b, rows_a, rows_b, sem_a, sem_b):
    wid = lax.axis_index("s") * 2 + lax.axis_index("c")
    base = wid * _PER_W

    pltpu.sync_copy(idx_h.at[pl.ds(base, _CH)], idx_a)
    pltpu.async_copy(tab.at[idx_a], rows_a, sem_a)

    def body(cc, _):
        o1 = base + (2 * cc + 1) * _CH
        pltpu.sync_copy(idx_h.at[pl.ds(o1, _CH)], idx_b)
        cp_b = pltpu.async_copy(tab.at[idx_b], rows_b, sem_b)
        o0 = base + (2 * cc) * _CH
        pltpu.make_async_copy(tab.at[idx_a], rows_a, sem_a).wait()
        pltpu.sync_copy(rows_a, out_h.at[pl.ds(o0, _CH)])

        @pl.when(cc + 1 < _NCH // 2)
        def _next():
            o2 = base + (2 * cc + 2) * _CH
            pltpu.sync_copy(idx_h.at[pl.ds(o2, _CH)], idx_a)
            pltpu.async_copy(tab.at[idx_a], rows_a, sem_a)

        cp_b.wait()
        pltpu.sync_copy(rows_b, out_h.at[pl.ds(o1, _CH)])
        return 0

    lax.fori_loop(0, _NCH // 2, body, 0)


def _sc_gather(tab, idx_half):
    mesh = plsc.VectorSubcoreMesh(core_axis_name="c", subcore_axis_name="s")
    fn = functools.partial(
        pl.kernel, mesh=mesh,
        out_type=jax.ShapeDtypeStruct((_NH_ROWS, D), jnp.float32),
        scratch_types=[
            pltpu.VMEM((_CH,), jnp.int32),
            pltpu.VMEM((_CH,), jnp.int32),
            pltpu.VMEM((_CH, D), jnp.float32),
            pltpu.VMEM((_CH, D), jnp.float32),
            pltpu.SemaphoreType.DMA,
            pltpu.SemaphoreType.DMA,
        ],
    )(_sc_gather_body)
    return fn(tab, idx_half)


_TQ = 256


def _repack_first_body(in_ref, out_ref):
    out_ref[...] = in_ref[...].reshape(_TQ, 10, D)


def _repack_rest_body(in_ref, alias_ref, out_ref):
    out_ref[...] = in_ref[...].reshape(_TQ, 10, D)


def _repack_first(q_half):
    return pl.pallas_call(
        _repack_first_body,
        grid=(BH // _TQ,),
        in_specs=[pl.BlockSpec((_TQ * 10, D), lambda i: (i, 0))],
        out_specs=pl.BlockSpec((_TQ, 10, D), lambda i: (i, 0, 0)),
        out_shape=jax.ShapeDtypeStruct((B, 10, D), jnp.float32),
    )(q_half)


def _repack_rest(q_half, partial_out, h):
    base = h * (BH // _TQ)
    return pl.pallas_call(
        _repack_rest_body,
        grid=(BH // _TQ,),
        in_specs=[
            pl.BlockSpec((_TQ * 10, D), lambda i: (i, 0)),
            pl.BlockSpec(memory_space=pl.ANY),
        ],
        out_specs=pl.BlockSpec((_TQ, 10, D), lambda i: (base + i, 0, 0)),
        out_shape=jax.ShapeDtypeStruct((B, 10, D), jnp.float32),
        input_output_aliases={1: 0},
    )(q_half, partial_out)


def kernel(topology_features, geometry_features, extrusion_features,
           top_W1, top_b1, top_W2, top_b2,
           geo_W1, geo_b1, geo_W2, geo_b2,
           ext_W1, ext_b1, ext_W2, ext_b2,
           top_codebook, geo_codebook, ext_codebook):
    tab = jnp.concatenate([top_codebook, geo_codebook, ext_codebook], axis=0)
    its, igs, ies, losses, qs = [], [], [], [], []
    for h in range(H):
        it2, st = _stream_tc(topology_features, top_W1, top_b1, top_W2,
                             top_b2, top_codebook, 3, 512, h)
        ig2, sg = _stream_tc(geometry_features, geo_W1, geo_b1, geo_W2,
                             geo_b2, geo_codebook, 4, 1024, h)
        ie2, se = _stream_tc(extrusion_features, ext_W1, ext_b1, ext_W2,
                             ext_b2, ext_codebook, 3, 1024, h)
        idx_half = jnp.concatenate(
            [it2, ig2 + 512, ie2 + 1536], axis=1).reshape(_NH_ROWS)
        qs.append(_sc_gather(tab, idx_half))
        its.append(it2)
        igs.append(ig2)
        ies.append(ie2)
        losses.append(0.25 * (st[0, 0] / (_N_TOP_ROWS * D)
                              + sg[0, 0] / (_N_GEO_ROWS * D)
                              + se[0, 0] / (_N_EXT_ROWS * D)))
    quantized = _repack_first(qs[0])
    for h in range(1, H):
        quantized = _repack_rest(qs[h], quantized, h)
    it = jnp.concatenate(its, axis=0).reshape(_N_TOP_ROWS)
    ig = jnp.concatenate(igs, axis=0).reshape(_N_GEO_ROWS)
    ie = jnp.concatenate(ies, axis=0).reshape(_N_EXT_ROWS)
    total_loss = sum(losses)
    return quantized, total_loss, it, ig, ie

# --- scband reference (transcript-rebuilt; emitter-appended) ---
"""Pipeline reference for scband-disentangled-codebooks-56049323213428 (READ-ONLY COPY).

The authoritative reference and input builder live on the scoring server;
editing this copy changes nothing except your own understanding.
"""

import jax, jax.numpy as jnp
import numpy as np

B = 16384
D = 256
K_TOP, K_GEO, K_EXT = 512, 1024, 1024
N_TOP, N_GEO, N_EXT = 3, 4, 3


def setup_inputs(seed: int = 0):
    key = jax.random.key(seed)
    ks = jax.random.split(key, 12)
    s = 1.0 / np.sqrt(D)
    inp = {}
    inp['topology_features'] = jax.random.normal(ks[0], (B, D), jnp.float32)
    inp['geometry_features'] = jax.random.normal(ks[1], (B, D), jnp.float32)
    inp['extrusion_features'] = jax.random.normal(ks[2], (B, D), jnp.float32)
    def lin(k, fin, fout):
        return jax.random.uniform(k, (fin, fout), jnp.float32, -s, s)
    inp['top_W1'] = lin(ks[3], D, D)
    inp['top_b1'] = jnp.zeros((D,), jnp.float32)
    inp['top_W2'] = lin(ks[4], D, D * N_TOP)
    inp['top_b2'] = jnp.zeros((D * N_TOP,), jnp.float32)
    inp['geo_W1'] = lin(ks[5], D, D)
    inp['geo_b1'] = jnp.zeros((D,), jnp.float32)
    inp['geo_W2'] = lin(ks[6], D, D * N_GEO)
    inp['geo_b2'] = jnp.zeros((D * N_GEO,), jnp.float32)
    inp['ext_W1'] = lin(ks[7], D, D)
    inp['ext_b1'] = jnp.zeros((D,), jnp.float32)
    inp['ext_W2'] = lin(ks[8], D, D * N_EXT)
    inp['ext_b2'] = jnp.zeros((D * N_EXT,), jnp.float32)
    inp['top_codebook'] = jax.random.uniform(ks[9], (K_TOP, D), jnp.float32, -1.0 / K_TOP, 1.0 / K_TOP)
    inp['geo_codebook'] = jax.random.uniform(ks[10], (K_GEO, D), jnp.float32, -1.0 / K_GEO, 1.0 / K_GEO)
    inp['ext_codebook'] = jax.random.uniform(ks[11], (K_EXT, D), jnp.float32, -1.0 / K_EXT, 1.0 / K_EXT)
    return inp


def _vq(flat, codebook):
    # distances: ||z||^2 + ||e||^2 - 2 z e^T  (same math as torch VectorQuantizer, eval mode)
    d = jnp.sum(flat ** 2, axis=1, keepdims=True) + jnp.sum(codebook ** 2, axis=1) - 2.0 * (flat @ codebook.T)
    idx = jnp.argmin(d, axis=1)
    q = jnp.take(codebook, idx, axis=0)
    loss = 0.25 * jnp.mean((flat - jax.lax.stop_gradient(q)) ** 2)
    q_st = flat + jax.lax.stop_gradient(q - flat)
    return q_st, loss, idx


def _stream(x, W1, b1, W2, b2, codebook, n):
    h = jax.nn.relu(x @ W1 + b1)
    z = (h @ W2 + b2).reshape(-1, D)
    q, loss, idx = _vq(z, codebook)
    return q.reshape(-1, n, D), loss, idx


def reference(topology_features, geometry_features, extrusion_features,
              top_W1, top_b1, top_W2, top_b2,
              geo_W1, geo_b1, geo_W2, geo_b2,
              ext_W1, ext_b1, ext_W2, ext_b2,
              top_codebook, geo_codebook, ext_codebook):
    qt, lt, it = _stream(topology_features, top_W1, top_b1, top_W2, top_b2, top_codebook, N_TOP)
    qg, lg, ig = _stream(geometry_features, geo_W1, geo_b1, geo_W2, geo_b2, geo_codebook, N_GEO)
    qe, le, ie = _stream(extrusion_features, ext_W1, ext_b1, ext_W2, ext_b2, ext_codebook, N_EXT)
    quantized = jnp.concatenate([qt, qg, qe], axis=1)  # (B, 10, D)
    total_loss = lt + lg + le
    return quantized, total_loss, it, ig, ie

if __name__ == "__main__":
    import jax
    _d = setup_inputs()
    print(jax.jit(kernel)(*tuple(_d.values())))

</pallas_src>

<mosaic_0001>
#map = affine_map<(d0, d1) -> (0, 0)>
#map1 = affine_map<(d0, d1) -> (0)>
module attributes {stable_mosaic.version = 14 : i64} {
  func.func @_sc_gather_body(%arg0: i32, %arg1: i32, %arg2: memref<2560x256xf32, #tpu.memory_space<hbm>>, %arg3: memref<40960xi32, #tpu.memory_space<hbm>>, %arg4: memref<40960x256xf32, #tpu.memory_space<hbm>>, %arg5: memref<128xi32, #tpu.memory_space<vmem>>, %arg6: memref<128xi32, #tpu.memory_space<vmem>>, %arg7: memref<128x256xf32, #tpu.memory_space<vmem>>, %arg8: memref<128x256xf32, #tpu.memory_space<vmem>>, %arg9: memref<!tpu.dma_semaphore, #tpu.memory_space<semaphore_mem>>, %arg10: memref<!tpu.dma_semaphore, #tpu.memory_space<semaphore_mem>>) attributes {dimension_semantics = [#tpu.dimension_semantics<core_parallel>, #tpu.dimension_semantics<subcore_parallel>], iteration_bounds = array<i64: 2, 16>, scalar_prefetch = 0 : i64, scratch_operands = 6 : i64, tpu.core_type = #tpu.core_type<sc_vector_subcore>, window_params = [{transform_indices = #map}, {transform_indices = #map1}, {transform_indices = #map}]} {
    %mul3A = arith.constant 2 : i32
    %mul3A_0 = arith.muli %arg1, %mul3A : i32
    %add3A = arith.addi %mul3A_0, %arg0 : i32
    %mul3A_1 = arith.constant 1280 : i32
    %mul3A_2 = arith.muli %add3A, %mul3A_1 : i32
    "tpu.region"() ({
      %run_scoped3A = tpu.sem_alloc : memref<!tpu.dma_semaphore, #tpu.memory_space<semaphore_mem>>
      %dma_start3A_11 = tpu.memref_slice %arg3[%mul3A_2] : memref<40960xi32, #tpu.memory_space<hbm>> -> memref<128xi32, #tpu.memory_space<hbm>>
      %dma_start3A_12 = tpu.memref_slice %arg3[%mul3A_2] : memref<40960xi32, #tpu.memory_space<hbm>> -> memref<128xi32, #tpu.memory_space<hbm>>
      tpu.enqueue_dma source(%dma_start3A_12 : memref<128xi32, #tpu.memory_space<hbm>>) target(%arg5 : memref<128xi32, #tpu.memory_space<vmem>>) target_semaphore(%run_scoped3A : memref<!tpu.dma_semaphore, #tpu.memory_space<semaphore_mem>>)
      %dma_wait3A = tpu.memref_slice %arg3[%mul3A_2] : memref<40960xi32, #tpu.memory_space<hbm>> -> memref<128xi32, #tpu.memory_space<hbm>>
      %dma_wait3A_13 = tpu.memref_slice %arg3[%mul3A_2] : memref<40960xi32, #tpu.memory_space<hbm>> -> memref<128xi32, #tpu.memory_space<hbm>>
      tpu.wait_dma2 semaphore(%run_scoped3A : memref<!tpu.dma_semaphore, #tpu.memory_space<semaphore_mem>>) src(%dma_wait3A_13 : memref<128xi32, #tpu.memory_space<hbm>>) dst(%arg5 : memref<128xi32, #tpu.memory_space<vmem>>)
      tpu.yield
    }) : () -> ()
    %dma_start3A = arith.constant 0 : i32
    %dma_start3A_3 = arith.constant 0 : i32
    %dma_start3A_4 = tpu.memref_slice %arg2[%dma_start3A, %dma_start3A_3] : memref<2560x256xf32, #tpu.memory_space<hbm>> -> memref<2560x256xf32, #tpu.memory_space<hbm>>
    tpu.enqueue_indirect_dma source(%dma_start3A_4 : memref<2560x256xf32, #tpu.memory_space<hbm>>) target(%arg7 : memref<128x256xf32, #tpu.memory_space<vmem>>) offsets(%arg5 : memref<128xi32, #tpu.memory_space<vmem>>) semaphore(%arg9 : memref<!tpu.dma_semaphore, #tpu.memory_space<semaphore_mem>>)
    %scan3A = arith.constant 0 : i32
    %scan3A_5 = arith.constant 0 : i32
    %scan3A_6 = arith.constant 5 : i32
    %scan3A_7 = arith.addi %scan3A_5, %scan3A_6 : i32
    %scan3A_8 = arith.constant 1 : i32
    %scan3A_9 = scf.for %scan3A_11 = %scan3A_5 to %scan3A_7 step %scan3A_8 iter_args(%scan3A_12 = %scan3A) -> (i32)  : i32 {
      %mul3A_13 = arith.constant 2 : i32
      %mul3A_14 = arith.muli %mul3A_13, %scan3A_11 : i32
      %add3A_15 = arith.constant 1 : i32
      %add3A_16 = arith.addi %mul3A_14, %add3A_15 : i32
      %mul3A_17 = arith.constant 128 : i32
      %mul3A_18 = arith.muli %add3A_16, %mul3A_17 : i32
      %add3A_19 = arith.addi %mul3A_2, %mul3A_18 : i32
      "tpu.region"() ({
        %run_scoped3A = tpu.sem_alloc : memref<!tpu.dma_semaphore, #tpu.memory_space<semaphore_mem>>
        %dma_start3A_38 = tpu.memref_slice %arg3[%add3A_19] : memref<40960xi32, #tpu.memory_space<hbm>> -> memref<128xi32, #tpu.memory_space<hbm>>
        %dma_start3A_39 = tpu.memref_slice %arg3[%add3A_19] : memref<40960xi32, #tpu.memory_space<hbm>> -> memref<128xi32, #tpu.memory_space<hbm>>
        tpu.enqueue_dma source(%dma_start3A_39 : memref<128xi32, #tpu.memory_space<hbm>>) target(%arg6 : memref<128xi32, #tpu.memory_space<vmem>>) target_semaphore(%run_scoped3A : memref<!tpu.dma_semaphore, #tpu.memory_space<semaphore_mem>>)
        %dma_wait3A_40 = tpu.memref_slice %arg3[%add3A_19] : memref<40960xi32, #tpu.memory_space<hbm>> -> memref<128xi32, #tpu.memory_space<hbm>>
        %dma_wait3A_41 = tpu.memref_slice %arg3[%add3A_19] : memref<40960xi32, #tpu.memory_space<hbm>> -> memref<128xi32, #tpu.memory_space<hbm>>
        tpu.wait_dma2 semaphore(%run_scoped3A : memref<!tpu.dma_semaphore, #tpu.memory_space<semaphore_mem>>) src(%dma_wait3A_41 : memref<128xi32, #tpu.memory_space<hbm>>) dst(%arg6 : memref<128xi32, #tpu.memory_space<vmem>>)
        tpu.yield
      }) : () -> ()
      %dma_start3A_20 = arith.constant 0 : i32
      %dma_start3A_21 = arith.constant 0 : i32
      %dma_start3A_22 = tpu.memref_slice %arg2[%dma_start3A_20, %dma_start3A_21] : memref<2560x256xf32, #tpu.memory_space<hbm>> -> memref<2560x256xf32, #tpu.memory_space<hbm>>
      tpu.enqueue_indirect_dma source(%dma_start3A_22 : memref<2560x256xf32, #tpu.memory_space<hbm>>) target(%arg8 : memref<128x256xf32, #tpu.memory_space<vmem>>) offsets(%arg6 : memref<128xi32, #tpu.memory_space<vmem>>) semaphore(%arg10 : memref<!tpu.dma_semaphore, #tpu.memory_space<semaphore_mem>>)
      %mul3A_23 = arith.constant 2 : i32
      %mul3A_24 = arith.muli %mul3A_23, %scan3A_11 : i32
      %mul3A_25 = arith.constant 128 : i32
      %mul3A_26 = arith.muli %mul3A_24, %mul3A_25 : i32
      %add3A_27 = arith.addi %mul3A_2, %mul3A_26 : i32
      %dma_wait3A = arith.constant 0 : i32
      %dma_wait3A_28 = arith.constant 0 : i32
      %dma_wait3A_29 = tpu.memref_slice %arg2[%dma_wait3A, %dma_wait3A_28] : memref<2560x256xf32, #tpu.memory_space<hbm>> -> memref<2560x256xf32, #tpu.memory_space<hbm>>
      tpu.wait_indirect_dma semaphore(%arg9 : memref<!tpu.dma_semaphore, #tpu.memory_space<semaphore_mem>>) src(%dma_wait3A_29 : memref<2560x256xf32, #tpu.memory_space<hbm>>) dst(%arg7 : memref<128x256xf32, #tpu.memory_space<vmem>>)
      "tpu.region"() ({
        %run_scoped3A = tpu.sem_alloc : memref<!tpu.dma_semaphore, #tpu.memory_space<semaphore_mem>>
        %dma_start3A_38 = arith.constant 0 : i32
        %dma_start3A_39 = tpu.memref_slice %arg4[%add3A_27, %dma_start3A_38] : memref<40960x256xf32, #tpu.memory_space<hbm>> -> memref<128x256xf32, #tpu.memory_space<hbm>>
        %dma_start3A_40 = arith.constant 0 : i32
        %dma_start3A_41 = tpu.memref_slice %arg4[%add3A_27, %dma_start3A_40] : memref<40960x256xf32, #tpu.memory_space<hbm>> -> memref<128x256xf32, #tpu.memory_space<hbm>>
        tpu.enqueue_dma source(%arg7 : memref<128x256xf32, #tpu.memory_space<vmem>>) target(%dma_start3A_41 : memref<128x256xf32, #tpu.memory_space<hbm>>) target_semaphore(%run_scoped3A : memref<!tpu.dma_semaphore, #tpu.memory_space<semaphore_mem>>)
        %dma_wait3A_42 = arith.constant 0 : i32
        %dma_wait3A_43 = tpu.memref_slice %arg4[%add3A_27, %dma_wait3A_42] : memref<40960x256xf32, #tpu.memory_space<hbm>> -> memref<128x256xf32, #tpu.memory_space<hbm>>
        %dma_wait3A_44 = arith.constant 0 : i32
        %dma_wait3A_45 = tpu.memref_slice %arg4[%add3A_27, %dma_wait3A_44] : memref<40960x256xf32, #tpu.memory_space<hbm>> -> memref<128x256xf32, #tpu.memory_space<hbm>>
        tpu.wait_dma2 semaphore(%run_scoped3A : memref<!tpu.dma_semaphore, #tpu.memory_space<semaphore_mem>>) src(%arg7 : memref<128x256xf32, #tpu.memory_space<vmem>>) dst(%dma_wait3A_45 : memref<128x256xf32, #tpu.memory_space<hbm>>)
        tpu.yield
      }) : () -> ()
      %add3A_30 = arith.constant 1 : i32
      %add3A_31 = arith.addi %scan3A_11, %add3A_30 : i32
      %lt3A = arith.constant 5 : i32
      %lt3A_32 = arith.cmpi slt, %add3A_31, %lt3A : i32
      %convert_element_type3A = arith.extui %lt3A_32 : i1 to i32
      %cond3A = arith.constant 0 : i32
      %cond3A_33 = arith.cmpi ne, %convert_element_type3A, %cond3A : i32
      scf.if %cond3A_33 {
        %mul3A_38 = arith.constant 2 : i32
        %mul3A_39 = arith.muli %mul3A_38, %scan3A_11 : i32
        %add3A_40 = arith.constant 2 : i32
        %add3A_41 = arith.addi %mul3A_39, %add3A_40 : i32
        %mul3A_42 = arith.constant 128 : i32
        %mul3A_43 = arith.muli %add3A_41, %mul3A_42 : i32
        %add3A_44 = arith.addi %mul3A_2, %mul3A_43 : i32
        "tpu.region"() ({
          %run_scoped3A = tpu.sem_alloc : memref<!tpu.dma_semaphore, #tpu.memory_space<semaphore_mem>>
          %dma_start3A_48 = tpu.memref_slice %arg3[%add3A_44] : memref<40960xi32, #tpu.memory_space<hbm>> -> memref<128xi32, #tpu.memory_space<hbm>>
          %dma_start3A_49 = tpu.memref_slice %arg3[%add3A_44] : memref<40960xi32, #tpu.memory_space<hbm>> -> memref<128xi32, #tpu.memory_space<hbm>>
          tpu.enqueue_dma source(%dma_start3A_49 : memref<128xi32, #tpu.memory_space<hbm>>) target(%arg5 : memref<128xi32, #tpu.memory_space<vmem>>) target_semaphore(%run_scoped3A : memref<!tpu.dma_semaphore, #tpu.memory_space<semaphore_mem>>)
          %dma_wait3A_50 = tpu.memref_slice %arg3[%add3A_44] : memref<40960xi32, #tpu.memory_space<hbm>> -> memref<128xi32, #tpu.memory_space<hbm>>
          %dma_wait3A_51 = tpu.memref_slice %arg3[%add3A_44] : memref<40960xi32, #tpu.memory_space<hbm>> -> memref<128xi32, #tpu.memory_space<hbm>>
          tpu.wait_dma2 semaphore(%run_scoped3A : memref<!tpu.dma_semaphore, #tpu.memory_space<semaphore_mem>>) src(%dma_wait3A_51 : memref<128xi32, #tpu.memory_space<hbm>>) dst(%arg5 : memref<128xi32, #tpu.memory_space<vmem>>)
          tpu.yield
        }) : () -> ()
        %dma_start3A_45 = arith.constant 0 : i32
        %dma_start3A_46 = arith.constant 0 : i32
        %dma_start3A_47 = tpu.memref_slice %arg2[%dma_start3A_45, %dma_start3A_46] : memref<2560x256xf32, #tpu.memory_space<hbm>> -> memref<2560x256xf32, #tpu.memory_space<hbm>>
        tpu.enqueue_indirect_dma source(%dma_start3A_47 : memref<2560x256xf32, #tpu.memory_space<hbm>>) target(%arg7 : memref<128x256xf32, #tpu.memory_space<vmem>>) offsets(%arg5 : memref<128xi32, #tpu.memory_space<vmem>>) semaphore(%arg9 : memref<!tpu.dma_semaphore, #tpu.memory_space<semaphore_mem>>)
      } else {
      }
      %dma_wait3A_34 = arith.constant 0 : i32
      %dma_wait3A_35 = arith.constant 0 : i32
      %dma_wait3A_36 = tpu.memref_slice %arg2[%dma_wait3A_34, %dma_wait3A_35] : memref<2560x256xf32, #tpu.memory_space<hbm>> -> memref<2560x256xf32, #tpu.memory_space<hbm>>
      tpu.wait_indirect_dma semaphore(%arg10 : memref<!tpu.dma_semaphore, #tpu.memory_space<semaphore_mem>>) src(%dma_wait3A_36 : memref<2560x256xf32, #tpu.memory_space<hbm>>) dst(%arg8 : memref<128x256xf32, #tpu.memory_space<vmem>>)
      "tpu.region"() ({
        %run_scoped3A = tpu.sem_alloc : memref<!tpu.dma_semaphore, #tpu.memory_space<semaphore_mem>>
        %dma_start3A_38 = arith.constant 0 : i32
        %dma_start3A_39 = tpu.memref_slice %arg4[%add3A_19, %dma_start3A_38] : memref<40960x256xf32, #tpu.memory_space<hbm>> -> memref<128x256xf32, #tpu.memory_space<hbm>>
        %dma_start3A_40 = arith.constant 0 : i32
        %dma_start3A_41 = tpu.memref_slice %arg4[%add3A_19, %dma_start3A_40] : memref<40960x256xf32, #tpu.memory_space<hbm>> -> memref<128x256xf32, #tpu.memory_space<hbm>>
        tpu.enqueue_dma source(%arg8 : memref<128x256xf32, #tpu.memory_space<vmem>>) target(%dma_start3A_41 : memref<128x256xf32, #tpu.memory_space<hbm>>) target_semaphore(%run_scoped3A : memref<!tpu.dma_semaphore, #tpu.memory_space<semaphore_mem>>)
        %dma_wait3A_42 = arith.constant 0 : i32
        %dma_wait3A_43 = tpu.memref_slice %arg4[%add3A_19, %dma_wait3A_42] : memref<40960x256xf32, #tpu.memory_space<hbm>> -> memref<128x256xf32, #tpu.memory_space<hbm>>
        %dma_wait3A_44 = arith.constant 0 : i32
        %dma_wait3A_45 = tpu.memref_slice %arg4[%add3A_19, %dma_wait3A_44] : memref<40960x256xf32, #tpu.memory_space<hbm>> -> memref<128x256xf32, #tpu.memory_space<hbm>>
        tpu.wait_dma2 semaphore(%run_scoped3A : memref<!tpu.dma_semaphore, #tpu.memory_space<semaphore_mem>>) src(%arg8 : memref<128x256xf32, #tpu.memory_space<vmem>>) dst(%dma_wait3A_45 : memref<128x256xf32, #tpu.memory_space<hbm>>)
        tpu.yield
      }) : () -> ()
      %scan3A_37 = arith.constant 0 : i32
      scf.yield %scan3A_37 : i32
    }
    %scan3A_10 = arith.constant 5 : i32
    return
  }
}

#map = affine_map<(d0, d1) -> (0, 0)>
#map1 = affine_map<(d0, d1) -> (0)>
module attributes {stable_mosaic.version = 14 : i64} {
  func.func @_sc_gather_body(%arg0: i32, %arg1: i32, %arg2: memref<2560x256xf32, #tpu.memory_space<hbm>>, %arg3: memref<40960xi32, #tpu.memory_space<hbm>>, %arg4: memref<40960x256xf32, #tpu.memory_space<hbm>>, %arg5: memref<128xi32, #tpu.memory_space<vmem>>, %arg6: memref<128xi32, #tpu.memory_space<vmem>>, %arg7: memref<128x256xf32, #tpu.memory_space<vmem>>, %arg8: memref<128x256xf32, #tpu.memory_space<vmem>>, %arg9: memref<!tpu.dma_semaphore, #tpu.memory_space<semaphore_mem>>, %arg10: memref<!tpu.dma_semaphore, #tpu.memory_space<semaphore_mem>>) attributes {dimension_semantics = [#tpu.dimension_semantics<core_parallel>, #tpu.dimension_semantics<subcore_parallel>], iteration_bounds = array<i64: 2, 16>, scalar_prefetch = 0 : i64, scratch_operands = 6 : i64, tpu.core_type = #tpu.core_type<sc_vector_subcore>, window_params = [{transform_indices = #map}, {transform_indices = #map1}, {transform_indices = #map}]} {
    %mul3A = arith.constant 2 : i32
    %mul3A_0 = arith.muli %arg1, %mul3A : i32
    %add3A = arith.addi %mul3A_0, %arg0 : i32
    %mul3A_1 = arith.constant 1280 : i32
    %mul3A_2 = arith.muli %add3A, %mul3A_1 : i32
    "tpu.region"() ({
      %run_scoped3A = tpu.sem_alloc : memref<!tpu.dma_semaphore, #tpu.memory_space<semaphore_mem>>
      %dma_start3A_11 = tpu.memref_slice %arg3[%mul3A_2] : memref<40960xi32, #tpu.memory_space<hbm>> -> memref<128xi32, #tpu.memory_space<hbm>>
      %dma_start3A_12 = tpu.memref_slice %arg3[%mul3A_2] : memref<40960xi32, #tpu.memory_space<hbm>> -> memref<128xi32, #tpu.memory_space<hbm>>
      tpu.enqueue_dma source(%dma_start3A_12 : memref<128xi32, #tpu.memory_space<hbm>>) target(%arg5 : memref<128xi32, #tpu.memory_space<vmem>>) target_semaphore(%run_scoped3A : memref<!tpu.dma_semaphore, #tpu.memory_space<semaphore_mem>>)
      %dma_wait3A = tpu.memref_slice %arg3[%mul3A_2] : memref<40960xi32, #tpu.memory_space<hbm>> -> memref<128xi32, #tpu.memory_space<hbm>>
      %dma_wait3A_13 = tpu.memref_slice %arg3[%mul3A_2] : memref<40960xi32, #tpu.memory_space<hbm>> -> memref<128xi32, #tpu.memory_space<hbm>>
      tpu.wait_dma2 semaphore(%run_scoped3A : memref<!tpu.dma_semaphore, #tpu.memory_space<semaphore_mem>>) src(%dma_wait3A_13 : memref<128xi32, #tpu.memory_space<hbm>>) dst(%arg5 : memref<128xi32, #tpu.memory_space<vmem>>)
      tpu.yield
    }) : () -> ()
    %dma_start3A = arith.constant 0 : i32
    %dma_start3A_3 = arith.constant 0 : i32
    %dma_start3A_4 = tpu.memref_slice %arg2[%dma_start3A, %dma_start3A_3] : memref<2560x256xf32, #tpu.memory_space<hbm>> -> memref<2560x256xf32, #tpu.memory_space<hbm>>
    tpu.enqueue_indirect_dma source(%dma_start3A_4 : memref<2560x256xf32, #tpu.memory_space<hbm>>) target(%arg7 : memref<128x256xf32, #tpu.memory_space<vmem>>) offsets(%arg5 : memref<128xi32, #tpu.memory_space<vmem>>) semaphore(%arg9 : memref<!tpu.dma_semaphore, #tpu.memory_space<semaphore_mem>>)
    %scan3A = arith.constant 0 : i32
    %scan3A_5 = arith.constant 0 : i32
    %scan3A_6 = arith.constant 5 : i32
    %scan3A_7 = arith.addi %scan3A_5, %scan3A_6 : i32
    %scan3A_8 = arith.constant 1 : i32
    %scan3A_9 = scf.for %scan3A_11 = %scan3A_5 to %scan3A_7 step %scan3A_8 iter_args(%scan3A_12 = %scan3A) -> (i32)  : i32 {
      %mul3A_13 = arith.constant 2 : i32
      %mul3A_14 = arith.muli %mul3A_13, %scan3A_11 : i32
      %add3A_15 = arith.constant 1 : i32
      %add3A_16 = arith.addi %mul3A_14, %add3A_15 : i32
      %mul3A_17 = arith.constant 128 : i32
      %mul3A_18 = arith.muli %add3A_16, %mul3A_17 : i32
      %add3A_19 = arith.addi %mul3A_2, %mul3A_18 : i32
      "tpu.region"() ({
        %run_scoped3A = tpu.sem_alloc : memref<!tpu.dma_semaphore, #tpu.memory_space<semaphore_mem>>
        %dma_start3A_38 = tpu.memref_slice %arg3[%add3A_19] : memref<40960xi32, #tpu.memory_space<hbm>> -> memref<128xi32, #tpu.memory_space<hbm>>
        %dma_start3A_39 = tpu.memref_slice %arg3[%add3A_19] : memref<40960xi32, #tpu.memory_space<hbm>> -> memref<128xi32, #tpu.memory_space<hbm>>
        tpu.enqueue_dma source(%dma_start3A_39 : memref<128xi32, #tpu.memory_space<hbm>>) target(%arg6 : memref<128xi32, #tpu.memory_space<vmem>>) target_semaphore(%run_scoped3A : memref<!tpu.dma_semaphore, #tpu.memory_space<semaphore_mem>>)
        %dma_wait3A_40 = tpu.memref_slice %arg3[%add3A_19] : memref<40960xi32, #tpu.memory_space<hbm>> -> memref<128xi32, #tpu.memory_space<hbm>>
        %dma_wait3A_41 = tpu.memref_slice %arg3[%add3A_19] : memref<40960xi32, #tpu.memory_space<hbm>> -> memref<128xi32, #tpu.memory_space<hbm>>
        tpu.wait_dma2 semaphore(%run_scoped3A : memref<!tpu.dma_semaphore, #tpu.memory_space<semaphore_mem>>) src(%dma_wait3A_41 : memref<128xi32, #tpu.memory_space<hbm>>) dst(%arg6 : memref<128xi32, #tpu.memory_space<vmem>>)
        tpu.yield
      }) : () -> ()
      %dma_start3A_20 = arith.constant 0 : i32
      %dma_start3A_21 = arith.constant 0 : i32
      %dma_start3A_22 = tpu.memref_slice %arg2[%dma_start3A_20, %dma_start3A_21] : memref<2560x256xf32, #tpu.memory_space<hbm>> -> memref<2560x256xf32, #tpu.memory_space<hbm>>
      tpu.enqueue_indirect_dma source(%dma_start3A_22 : memref<2560x256xf32, #tpu.memory_space<hbm>>) target(%arg8 : memref<128x256xf32, #tpu.memory_space<vmem>>) offsets(%arg6 : memref<128xi32, #tpu.memory_space<vmem>>) semaphore(%arg10 : memref<!tpu.dma_semaphore, #tpu.memory_space<semaphore_mem>>)
      %mul3A_23 = arith.constant 2 : i32
      %mul3A_24 = arith.muli %mul3A_23, %scan3A_11 : i32
      %mul3A_25 = arith.constant 128 : i32
      %mul3A_26 = arith.muli %mul3A_24, %mul3A_25 : i32
      %add3A_27 = arith.addi %mul3A_2, %mul3A_26 : i32
      %dma_wait3A = arith.constant 0 : i32
      %dma_wait3A_28 = arith.constant 0 : i32
      %dma_wait3A_29 = tpu.memref_slice %arg2[%dma_wait3A, %dma_wait3A_28] : memref<2560x256xf32, #tpu.memory_space<hbm>> -> memref<2560x256xf32, #tpu.memory_space<hbm>>
      tpu.wait_indirect_dma semaphore(%arg9 : memref<!tpu.dma_semaphore, #tpu.memory_space<semaphore_mem>>) src(%dma_wait3A_29 : memref<2560x256xf32, #tpu.memory_space<hbm>>) dst(%arg7 : memref<128x256xf32, #tpu.memory_space<vmem>>)
      "tpu.region"() ({
        %run_scoped3A = tpu.sem_alloc : memref<!tpu.dma_semaphore, #tpu.memory_space<semaphore_mem>>
        %dma_start3A_38 = arith.constant 0 : i32
        %dma_start3A_39 = tpu.memref_slice %arg4[%add3A_27, %dma_start3A_38] : memref<40960x256xf32, #tpu.memory_space<hbm>> -> memref<128x256xf32, #tpu.memory_space<hbm>>
        %dma_start3A_40 = arith.constant 0 : i32
        %dma_start3A_41 = tpu.memref_slice %arg4[%add3A_27, %dma_start3A_40] : memref<40960x256xf32, #tpu.memory_space<hbm>> -> memref<128x256xf32, #tpu.memory_space<hbm>>
        tpu.enqueue_dma source(%arg7 : memref<128x256xf32, #tpu.memory_space<vmem>>) target(%dma_start3A_41 : memref<128x256xf32, #tpu.memory_space<hbm>>) target_semaphore(%run_scoped3A : memref<!tpu.dma_semaphore, #tpu.memory_space<semaphore_mem>>)
        %dma_wait3A_42 = arith.constant 0 : i32
        %dma_wait3A_43 = tpu.memref_slice %arg4[%add3A_27, %dma_wait3A_42] : memref<40960x256xf32, #tpu.memory_space<hbm>> -> memref<128x256xf32, #tpu.memory_space<hbm>>
        %dma_wait3A_44 = arith.constant 0 : i32
        %dma_wait3A_45 = tpu.memref_slice %arg4[%add3A_27, %dma_wait3A_44] : memref<40960x256xf32, #tpu.memory_space<hbm>> -> memref<128x256xf32, #tpu.memory_space<hbm>>
        tpu.wait_dma2 semaphore(%run_scoped3A : memref<!tpu.dma_semaphore, #tpu.memory_space<semaphore_mem>>) src(%arg7 : memref<128x256xf32, #tpu.memory_space<vmem>>) dst(%dma_wait3A_45 : memref<128x256xf32, #tpu.memory_space<hbm>>)
        tpu.yield
      }) : () -> ()
      %add3A_30 = arith.constant 1 : i32
      %add3A_31 = arith.addi %scan3A_11, %add3A_30 : i32
      %lt3A = arith.constant 5 : i32
      %lt3A_32 = arith.cmpi slt, %add3A_31, %lt3A : i32
      %convert_element_type3A = arith.extui %lt3A_32 : i1 to i32
      %cond3A = arith.constant 0 : i32
      %cond3A_33 = arith.cmpi ne, %convert_element_type3A, %cond3A : i32
      scf.if %cond3A_33 {
        %mul3A_38 = arith.constant 2 : i32
        %mul3A_39 = arith.muli %mul3A_38, %scan3A_11 : i32
        %add3A_40 = arith.constant 2 : i32
        %add3A_41 = arith.addi %mul3A_39, %add3A_40 : i32
        %mul3A_42 = arith.constant 128 : i32
        %mul3A_43 = arith.muli %add3A_41, %mul3A_42 : i32
        %add3A_44 = arith.addi %mul3A_2, %mul3A_43 : i32
        "tpu.region"() ({
          %run_scoped3A = tpu.sem_alloc : memref<!tpu.dma_semaphore, #tpu.memory_space<semaphore_mem>>
          %dma_start3A_48 = tpu.memref_slice %arg3[%add3A_44] : memref<40960xi32, #tpu.memory_space<hbm>> -> memref<128xi32, #tpu.memory_space<hbm>>
          %dma_start3A_49 = tpu.memref_slice %arg3[%add3A_44] : memref<40960xi32, #tpu.memory_space<hbm>> -> memref<128xi32, #tpu.memory_space<hbm>>
          tpu.enqueue_dma source(%dma_start3A_49 : memref<128xi32, #tpu.memory_space<hbm>>) target(%arg5 : memref<128xi32, #tpu.memory_space<vmem>>) target_semaphore(%run_scoped3A : memref<!tpu.dma_semaphore, #tpu.memory_space<semaphore_mem>>)
          %dma_wait3A_50 = tpu.memref_slice %arg3[%add3A_44] : memref<40960xi32, #tpu.memory_space<hbm>> -> memref<128xi32, #tpu.memory_space<hbm>>
          %dma_wait3A_51 = tpu.memref_slice %arg3[%add3A_44] : memref<40960xi32, #tpu.memory_space<hbm>> -> memref<128xi32, #tpu.memory_space<hbm>>
          tpu.wait_dma2 semaphore(%run_scoped3A : memref<!tpu.dma_semaphore, #tpu.memory_space<semaphore_mem>>) src(%dma_wait3A_51 : memref<128xi32, #tpu.memory_space<hbm>>) dst(%arg5 : memref<128xi32, #tpu.memory_space<vmem>>)
          tpu.yield
        }) : () -> ()
        %dma_start3A_45 = arith.constant 0 : i32
        %dma_start3A_46 = arith.constant 0 : i32
        %dma_start3A_47 = tpu.memref_slice %arg2[%dma_start3A_45, %dma_start3A_46] : memref<2560x256xf32, #tpu.memory_space<hbm>> -> memref<2560x256xf32, #tpu.memory_space<hbm>>
        tpu.enqueue_indirect_dma source(%dma_start3A_47 : memref<2560x256xf32, #tpu.memory_space<hbm>>) target(%arg7 : memref<128x256xf32, #tpu.memory_space<vmem>>) offsets(%arg5 : memref<128xi32, #tpu.memory_space<vmem>>) semaphore(%arg9 : memref<!tpu.dma_semaphore, #tpu.memory_space<semaphore_mem>>)
      } else {
      }
      %dma_wait3A_34 = arith.constant 0 : i32
      %dma_wait3A_35 = arith.constant 0 : i32
      %dma_wait3A_36 = tpu.memref_slice %arg2[%dma_wait3A_34, %dma_wait3A_35] : memref<2560x256xf32, #tpu.memory_space<hbm>> -> memref<2560x256xf32, #tpu.memory_space<hbm>>
      tpu.wait_indirect_dma semaphore(%arg10 : memref<!tpu.dma_semaphore, #tpu.memory_space<semaphore_mem>>) src(%dma_wait3A_36 : memref<2560x256xf32, #tpu.memory_space<hbm>>) dst(%arg8 : memref<128x256xf32, #tpu.memory_space<vmem>>)
      "tpu.region"() ({
        %run_scoped3A = tpu.sem_alloc : memref<!tpu.dma_semaphore, #tpu.memory_space<semaphore_mem>>
        %dma_start3A_38 = arith.constant 0 : i32
        %dma_start3A_39 = tpu.memref_slice %arg4[%add3A_19, %dma_start3A_38] : memref<40960x256xf32, #tpu.memory_space<hbm>> -> memref<128x256xf32, #tpu.memory_space<hbm>>
        %dma_start3A_40 = arith.constant 0 : i32
        %dma_start3A_41 = tpu.memref_slice %arg4[%add3A_19, %dma_start3A_40] : memref<40960x256xf32, #tpu.memory_space<hbm>> -> memref<128x256xf32, #tpu.memory_space<hbm>>
        tpu.enqueue_dma source(%arg8 : memref<128x256xf32, #tpu.memory_space<vmem>>) target(%dma_start3A_41 : memref<128x256xf32, #tpu.memory_space<hbm>>) target_semaphore(%run_scoped3A : memref<!tpu.dma_semaphore, #tpu.memory_space<semaphore_mem>>)
        %dma_wait3A_42 = arith.constant 0 : i32
        %dma_wait3A_43 = tpu.memref_slice %arg4[%add3A_19, %dma_wait3A_42] : memref<40960x256xf32, #tpu.memory_space<hbm>> -> memref<128x256xf32, #tpu.memory_space<hbm>>
        %dma_wait3A_44 = arith.constant 0 : i32
        %dma_wait3A_45 = tpu.memref_slice %arg4[%add3A_19, %dma_wait3A_44] : memref<40960x256xf32, #tpu.memory_space<hbm>> -> memref<128x256xf32, #tpu.memory_space<hbm>>
        tpu.wait_dma2 semaphore(%run_scoped3A : memref<!tpu.dma_semaphore, #tpu.memory_space<semaphore_mem>>) src(%arg8 : memref<128x256xf32, #tpu.memory_space<vmem>>) dst(%dma_wait3A_45 : memref<128x256xf32, #tpu.memory_space<hbm>>)
        tpu.yield
      }) : () -> ()
      %scan3A_37 = arith.constant 0 : i32
      scf.yield %scan3A_37 : i32
    }
    %scan3A_10 = arith.constant 5 : i32
    return
  }
}

#map = affine_map<(d0, d1) -> (0, 0)>
#map1 = affine_map<(d0, d1) -> (0)>
module attributes {stable_mosaic.version = 14 : i64} {
  func.func @_sc_gather_body(%arg0: i32, %arg1: i32, %arg2: memref<2560x256xf32, #tpu.memory_space<hbm>>, %arg3: memref<40960xi32, #tpu.memory_space<hbm>>, %arg4: memref<40960x256xf32, #tpu.memory_space<hbm>>, %arg5: memref<128xi32, #tpu.memory_space<vmem>>, %arg6: memref<128xi32, #tpu.memory_space<vmem>>, %arg7: memref<128x256xf32, #tpu.memory_space<vmem>>, %arg8: memref<128x256xf32, #tpu.memory_space<vmem>>, %arg9: memref<!tpu.dma_semaphore, #tpu.memory_space<semaphore_mem>>, %arg10: memref<!tpu.dma_semaphore, #tpu.memory_space<semaphore_mem>>) attributes {dimension_semantics = [#tpu.dimension_semantics<core_parallel>, #tpu.dimension_semantics<subcore_parallel>], iteration_bounds = array<i64: 2, 16>, scalar_prefetch = 0 : i64, scratch_operands = 6 : i64, tpu.core_type = #tpu.core_type<sc_vector_subcore>, window_params = [{transform_indices = #map}, {transform_indices = #map1}, {transform_indices = #map}]} {
    %mul3A = arith.constant 2 : i32
    %mul3A_0 = arith.muli %arg1, %mul3A : i32
    %add3A = arith.addi %mul3A_0, %arg0 : i32
    %mul3A_1 = arith.constant 1280 : i32
    %mul3A_2 = arith.muli %add3A, %mul3A_1 : i32
    "tpu.region"() ({
      %run_scoped3A = tpu.sem_alloc : memref<!tpu.dma_semaphore, #tpu.memory_space<semaphore_mem>>
      %dma_start3A_11 = tpu.memref_slice %arg3[%mul3A_2] : memref<40960xi32, #tpu.memory_space<hbm>> -> memref<128xi32, #tpu.memory_space<hbm>>
      %dma_start3A_12 = tpu.memref_slice %arg3[%mul3A_2] : memref<40960xi32, #tpu.memory_space<hbm>> -> memref<128xi32, #tpu.memory_space<hbm>>
      tpu.enqueue_dma source(%dma_start3A_12 : memref<128xi32, #tpu.memory_space<hbm>>) target(%arg5 : memref<128xi32, #tpu.memory_space<vmem>>) target_semaphore(%run_scoped3A : memref<!tpu.dma_semaphore, #tpu.memory_space<semaphore_mem>>)
      %dma_wait3A = tpu.memref_slice %arg3[%mul3A_2] : memref<40960xi32, #tpu.memory_space<hbm>> -> memref<128xi32, #tpu.memory_space<hbm>>
      %dma_wait3A_13 = tpu.memref_slice %arg3[%mul3A_2] : memref<40960xi32, #tpu.memory_space<hbm>> -> memref<128xi32, #tpu.memory_space<hbm>>
      tpu.wait_dma2 semaphore(%run_scoped3A : memref<!tpu.dma_semaphore, #tpu.memory_space<semaphore_mem>>) src(%dma_wait3A_13 : memref<128xi32, #tpu.memory_space<hbm>>) dst(%arg5 : memref<128xi32, #tpu.memory_space<vmem>>)
      tpu.yield
    }) : () -> ()
    %dma_start3A = arith.constant 0 : i32
    %dma_start3A_3 = arith.constant 0 : i32
    %dma_start3A_4 = tpu.memref_slice %arg2[%dma_start3A, %dma_start3A_3] : memref<2560x256xf32, #tpu.memory_space<hbm>> -> memref<2560x256xf32, #tpu.memory_space<hbm>>
    tpu.enqueue_indirect_dma source(%dma_start3A_4 : memref<2560x256xf32, #tpu.memory_space<hbm>>) target(%arg7 : memref<128x256xf32, #tpu.memory_space<vmem>>) offsets(%arg5 : memref<128xi32, #tpu.memory_space<vmem>>) semaphore(%arg9 : memref<!tpu.dma_semaphore, #tpu.memory_space<semaphore_mem>>)
    %scan3A = arith.constant 0 : i32
    %scan3A_5 = arith.constant 0 : i32
    %scan3A_6 = arith.constant 5 : i32
    %scan3A_7 = arith.addi %scan3A_5, %scan3A_6 : i32
    %scan3A_8 = arith.constant 1 : i32
    %scan3A_9 = scf.for %scan3A_11 = %scan3A_5 to %scan3A_7 step %scan3A_8 iter_args(%scan3A_12 = %scan3A) -> (i32)  : i32 {
      %mul3A_13 = arith.constant 2 : i32
      %mul3A_14 = arith.muli %mul3A_13, %scan3A_11 : i32
      %add3A_15 = arith.constant 1 : i32
      %add3A_16 = arith.addi %mul3A_14, %add3A_15 : i32
      %mul3A_17 = arith.constant 128 : i32
      %mul3A_18 = arith.muli %add3A_16, %mul3A_17 : i32
      %add3A_19 = arith.addi %mul3A_2, %mul3A_18 : i32
      "tpu.region"() ({
        %run_scoped3A = tpu.sem_alloc : memref<!tpu.dma_semaphore, #tpu.memory_space<semaphore_mem>>
        %dma_start3A_38 = tpu.memref_slice %arg3[%add3A_19] : memref<40960xi32, #tpu.memory_space<hbm>> -> memref<128xi32, #tpu.memory_space<hbm>>
        %dma_start3A_39 = tpu.memref_slice %arg3[%add3A_19] : memref<40960xi32, #tpu.memory_space<hbm>> -> memref<128xi32, #tpu.memory_space<hbm>>
        tpu.enqueue_dma source(%dma_start3A_39 : memref<128xi32, #tpu.memory_space<hbm>>) target(%arg6 : memref<128xi32, #tpu.memory_space<vmem>>) target_semaphore(%run_scoped3A : memref<!tpu.dma_semaphore, #tpu.memory_space<semaphore_mem>>)
        %dma_wait3A_40 = tpu.memref_slice %arg3[%add3A_19] : memref<40960xi32, #tpu.memory_space<hbm>> -> memref<128xi32, #tpu.memory_space<hbm>>
        %dma_wait3A_41 = tpu.memref_slice %arg3[%add3A_19] : memref<40960xi32, #tpu.memory_space<hbm>> -> memref<128xi32, #tpu.memory_space<hbm>>
        tpu.wait_dma2 semaphore(%run_scoped3A : memref<!tpu.dma_semaphore, #tpu.memory_space<semaphore_mem>>) src(%dma_wait3A_41 : memref<128xi32, #tpu.memory_space<hbm>>) dst(%arg6 : memref<128xi32, #tpu.memory_space<vmem>>)
        tpu.yield
      }) : () -> ()
      %dma_start3A_20 = arith.constant 0 : i32
      %dma_start3A_21 = arith.constant 0 : i32
      %dma_start3A_22 = tpu.memref_slice %arg2[%dma_start3A_20, %dma_start3A_21] : memref<2560x256xf32, #tpu.memory_space<hbm>> -> memref<2560x256xf32, #tpu.memory_space<hbm>>
      tpu.enqueue_indirect_dma source(%dma_start3A_22 : memref<2560x256xf32, #tpu.memory_space<hbm>>) target(%arg8 : memref<128x256xf32, #tpu.memory_space<vmem>>) offsets(%arg6 : memref<128xi32, #tpu.memory_space<vmem>>) semaphore(%arg10 : memref<!tpu.dma_semaphore, #tpu.memory_space<semaphore_mem>>)
      %mul3A_23 = arith.constant 2 : i32
      %mul3A_24 = arith.muli %mul3A_23, %scan3A_11 : i32
      %mul3A_25 = arith.constant 128 : i32
      %mul3A_26 = arith.muli %mul3A_24, %mul3A_25 : i32
      %add3A_27 = arith.addi %mul3A_2, %mul3A_26 : i32
      %dma_wait3A = arith.constant 0 : i32
      %dma_wait3A_28 = arith.constant 0 : i32
      %dma_wait3A_29 = tpu.memref_slice %arg2[%dma_wait3A, %dma_wait3A_28] : memref<2560x256xf32, #tpu.memory_space<hbm>> -> memref<2560x256xf32, #tpu.memory_space<hbm>>
      tpu.wait_indirect_dma semaphore(%arg9 : memref<!tpu.dma_semaphore, #tpu.memory_space<semaphore_mem>>) src(%dma_wait3A_29 : memref<2560x256xf32, #tpu.memory_space<hbm>>) dst(%arg7 : memref<128x256xf32, #tpu.memory_space<vmem>>)
      "tpu.region"() ({
        %run_scoped3A = tpu.sem_alloc : memref<!tpu.dma_semaphore, #tpu.memory_space<semaphore_mem>>
        %dma_start3A_38 = arith.constant 0 : i32
        %dma_start3A_39 = tpu.memref_slice %arg4[%add3A_27, %dma_start3A_38] : memref<40960x256xf32, #tpu.memory_space<hbm>> -> memref<128x256xf32, #tpu.memory_space<hbm>>
        %dma_start3A_40 = arith.constant 0 : i32
        %dma_start3A_41 = tpu.memref_slice %arg4[%add3A_27, %dma_start3A_40] : memref<40960x256xf32, #tpu.memory_space<hbm>> -> memref<128x256xf32, #tpu.memory_space<hbm>>
        tpu.enqueue_dma source(%arg7 : memref<128x256xf32, #tpu.memory_space<vmem>>) target(%dma_start3A_41 : memref<128x256xf32, #tpu.memory_space<hbm>>) target_semaphore(%run_scoped3A : memref<!tpu.dma_semaphore, #tpu.memory_space<semaphore_mem>>)
        %dma_wait3A_42 = arith.constant 0 : i32
        %dma_wait3A_43 = tpu.memref_slice %arg4[%add3A_27, %dma_wait3A_42] : memref<40960x256xf32, #tpu.memory_space<hbm>> -> memref<128x256xf32, #tpu.memory_space<hbm>>
        %dma_wait3A_44 = arith.constant 0 : i32
        %dma_wait3A_45 = tpu.memref_slice %arg4[%add3A_27, %dma_wait3A_44] : memref<40960x256xf32, #tpu.memory_space<hbm>> -> memref<128x256xf32, #tpu.memory_space<hbm>>
        tpu.wait_dma2 semaphore(%run_scoped3A : memref<!tpu.dma_semaphore, #tpu.memory_space<semaphore_mem>>) src(%arg7 : memref<128x256xf32, #tpu.memory_space<vmem>>) dst(%dma_wait3A_45 : memref<128x256xf32, #tpu.memory_space<hbm>>)
        tpu.yield
      }) : () -> ()
      %add3A_30 = arith.constant 1 : i32
      %add3A_31 = arith.addi %scan3A_11, %add3A_30 : i32
      %lt3A = arith.constant 5 : i32
      %lt3A_32 = arith.cmpi slt, %add3A_31, %lt3A : i32
      %convert_element_type3A = arith.extui %lt3A_32 : i1 to i32
      %cond3A = arith.constant 0 : i32
      %cond3A_33 = arith.cmpi ne, %convert_element_type3A, %cond3A : i32
      scf.if %cond3A_33 {
        %mul3A_38 = arith.constant 2 : i32
        %mul3A_39 = arith.muli %mul3A_38, %scan3A_11 : i32
        %add3A_40 = arith.constant 2 : i32
        %add3A_41 = arith.addi %mul3A_39, %add3A_40 : i32
        %mul3A_42 = arith.constant 128 : i32
        %mul3A_43 = arith.muli %add3A_41, %mul3A_42 : i32
        %add3A_44 = arith.addi %mul3A_2, %mul3A_43 : i32
        "tpu.region"() ({
          %run_scoped3A = tpu.sem_alloc : memref<!tpu.dma_semaphore, #tpu.memory_space<semaphore_mem>>
          %dma_start3A_48 = tpu.memref_slice %arg3[%add3A_44] : memref<40960xi32, #tpu.memory_space<hbm>> -> memref<128xi32, #tpu.memory_space<hbm>>
          %dma_start3A_49 = tpu.memref_slice %arg3[%add3A_44] : memref<40960xi32, #tpu.memory_space<hbm>> -> memref<128xi32, #tpu.memory_space<hbm>>
          tpu.enqueue_dma source(%dma_start3A_49 : memref<128xi32, #tpu.memory_space<hbm>>) target(%arg5 : memref<128xi32, #tpu.memory_space<vmem>>) target_semaphore(%run_scoped3A : memref<!tpu.dma_semaphore, #tpu.memory_space<semaphore_mem>>)
          %dma_wait3A_50 = tpu.memref_slice %arg3[%add3A_44] : memref<40960xi32, #tpu.memory_space<hbm>> -> memref<128xi32, #tpu.memory_space<hbm>>
          %dma_wait3A_51 = tpu.memref_slice %arg3[%add3A_44] : memref<40960xi32, #tpu.memory_space<hbm>> -> memref<128xi32, #tpu.memory_space<hbm>>
          tpu.wait_dma2 semaphore(%run_scoped3A : memref<!tpu.dma_semaphore, #tpu.memory_space<semaphore_mem>>) src(%dma_wait3A_51 : memref<128xi32, #tpu.memory_space<hbm>>) dst(%arg5 : memref<128xi32, #tpu.memory_space<vmem>>)
          tpu.yield
        }) : () -> ()
        %dma_start3A_45 = arith.constant 0 : i32
        %dma_start3A_46 = arith.constant 0 : i32
        %dma_start3A_47 = tpu.memref_slice %arg2[%dma_start3A_45, %dma_start3A_46] : memref<2560x256xf32, #tpu.memory_space<hbm>> -> memref<2560x256xf32, #tpu.memory_space<hbm>>
        tpu.enqueue_indirect_dma source(%dma_start3A_47 : memref<2560x256xf32, #tpu.memory_space<hbm>>) target(%arg7 : memref<128x256xf32, #tpu.memory_space<vmem>>) offsets(%arg5 : memref<128xi32, #tpu.memory_space<vmem>>) semaphore(%arg9 : memref<!tpu.dma_semaphore, #tpu.memory_space<semaphore_mem>>)
      } else {
      }
      %dma_wait3A_34 = arith.constant 0 : i32
      %dma_wait3A_35 = arith.constant 0 : i32
      %dma_wait3A_36 = tpu.memref_slice %arg2[%dma_wait3A_34, %dma_wait3A_35] : memref<2560x256xf32, #tpu.memory_space<hbm>> -> memref<2560x256xf32, #tpu.memory_space<hbm>>
      tpu.wait_indirect_dma semaphore(%arg10 : memref<!tpu.dma_semaphore, #tpu.memory_space<semaphore_mem>>) src(%dma_wait3A_36 : memref<2560x256xf32, #tpu.memory_space<hbm>>) dst(%arg8 : memref<128x256xf32, #tpu.memory_space<vmem>>)
      "tpu.region"() ({
        %run_scoped3A = tpu.sem_alloc : memref<!tpu.dma_semaphore, #tpu.memory_space<semaphore_mem>>
        %dma_start3A_38 = arith.constant 0 : i32
        %dma_start3A_39 = tpu.memref_slice %arg4[%add3A_19, %dma_start3A_38] : memref<40960x256xf32, #tpu.memory_space<hbm>> -> memref<128x256xf32, #tpu.memory_space<hbm>>
        %dma_start3A_40 = arith.constant 0 : i32
        %dma_start3A_41 = tpu.memref_slice %arg4[%add3A_19, %dma_start3A_40] : memref<40960x256xf32, #tpu.memory_space<hbm>> -> memref<128x256xf32, #tpu.memory_space<hbm>>
        tpu.enqueue_dma source(%arg8 : memref<128x256xf32, #tpu.memory_space<vmem>>) target(%dma_start3A_41 : memref<128x256xf32, #tpu.memory_space<hbm>>) target_semaphore(%run_scoped3A : memref<!tpu.dma_semaphore, #tpu.memory_space<semaphore_mem>>)
        %dma_wait3A_42 = arith.constant 0 : i32
        %dma_wait3A_43 = tpu.memref_slice %arg4[%add3A_19, %dma_wait3A_42] : memref<40960x256xf32, #tpu.memory_space<hbm>> -> memref<128x256xf32, #tpu.memory_space<hbm>>
        %dma_wait3A_44 = arith.constant 0 : i32
        %dma_wait3A_45 = tpu.memref_slice %arg4[%add3A_19, %dma_wait3A_44] : memref<40960x256xf32, #tpu.memory_space<hbm>> -> memref<128x256xf32, #tpu.memory_space<hbm>>
        tpu.wait_dma2 semaphore(%run_scoped3A : memref<!tpu.dma_semaphore, #tpu.memory_space<semaphore_mem>>) src(%arg8 : memref<128x256xf32, #tpu.memory_space<vmem>>) dst(%dma_wait3A_45 : memref<128x256xf32, #tpu.memory_space<hbm>>)
        tpu.yield
      }) : () -> ()
      %scan3A_37 = arith.constant 0 : i32
      scf.yield %scan3A_37 : i32
    }
    %scan3A_10 = arith.constant 5 : i32
    return
  }
}

#map = affine_map<(d0, d1) -> (0, 0)>
#map1 = affine_map<(d0, d1) -> (0)>
module attributes {stable_mosaic.version = 14 : i64} {
  func.func @_sc_gather_body(%arg0: i32, %arg1: i32, %arg2: memref<2560x256xf32, #tpu.memory_space<hbm>>, %arg3: memref<40960xi32, #tpu.memory_space<hbm>>, %arg4: memref<40960x256xf32, #tpu.memory_space<hbm>>, %arg5: memref<128xi32, #tpu.memory_space<vmem>>, %arg6: memref<128xi32, #tpu.memory_space<vmem>>, %arg7: memref<128x256xf32, #tpu.memory_space<vmem>>, %arg8: memref<128x256xf32, #tpu.memory_space<vmem>>, %arg9: memref<!tpu.dma_semaphore, #tpu.memory_space<semaphore_mem>>, %arg10: memref<!tpu.dma_semaphore, #tpu.memory_space<semaphore_mem>>) attributes {dimension_semantics = [#tpu.dimension_semantics<core_parallel>, #tpu.dimension_semantics<subcore_parallel>], iteration_bounds = array<i64: 2, 16>, scalar_prefetch = 0 : i64, scratch_operands = 6 : i64, tpu.core_type = #tpu.core_type<sc_vector_subcore>, window_params = [{transform_indices = #map}, {transform_indices = #map1}, {transform_indices = #map}]} {
    %mul3A = arith.constant 2 : i32
    %mul3A_0 = arith.muli %arg1, %mul3A : i32
    %add3A = arith.addi %mul3A_0, %arg0 : i32
    %mul3A_1 = arith.constant 1280 : i32
    %mul3A_2 = arith.muli %add3A, %mul3A_1 : i32
    "tpu.region"() ({
      %run_scoped3A = tpu.sem_alloc : memref<!tpu.dma_semaphore, #tpu.memory_space<semaphore_mem>>
      %dma_start3A_11 = tpu.memref_slice %arg3[%mul3A_2] : memref<40960xi32, #tpu.memory_space<hbm>> -> memref<128xi32, #tpu.memory_space<hbm>>
      %dma_start3A_12 = tpu.memref_slice %arg3[%mul3A_2] : memref<40960xi32, #tpu.memory_space<hbm>> -> memref<128xi32, #tpu.memory_space<hbm>>
      tpu.enqueue_dma source(%dma_start3A_12 : memref<128xi32, #tpu.memory_space<hbm>>) target(%arg5 : memref<128xi32, #tpu.memory_space<vmem>>) target_semaphore(%run_scoped3A : memref<!tpu.dma_semaphore, #tpu.memory_space<semaphore_mem>>)
      %dma_wait3A = tpu.memref_slice %arg3[%mul3A_2] : memref<40960xi32, #tpu.memory_space<hbm>> -> memref<128xi32, #tpu.memory_space<hbm>>
      %dma_wait3A_13 = tpu.memref_slice %arg3[%mul3A_2] : memref<40960xi32, #tpu.memory_space<hbm>> -> memref<128xi32, #tpu.memory_space<hbm>>
      tpu.wait_dma2 semaphore(%run_scoped3A : memref<!tpu.dma_semaphore, #tpu.memory_space<semaphore_mem>>) src(%dma_wait3A_13 : memref<128xi32, #tpu.memory_space<hbm>>) dst(%arg5 : memref<128xi32, #tpu.memory_space<vmem>>)
      tpu.yield
    }) : () -> ()
    %dma_start3A = arith.constant 0 : i32
    %dma_start3A_3 = arith.constant 0 : i32
    %dma_start3A_4 = tpu.memref_slice %arg2[%dma_start3A, %dma_start3A_3] : memref<2560x256xf32, #tpu.memory_space<hbm>> -> memref<2560x256xf32, #tpu.memory_space<hbm>>
    tpu.enqueue_indirect_dma source(%dma_start3A_4 : memref<2560x256xf32, #tpu.memory_space<hbm>>) target(%arg7 : memref<128x256xf32, #tpu.memory_space<vmem>>) offsets(%arg5 : memref<128xi32, #tpu.memory_space<vmem>>) semaphore(%arg9 : memref<!tpu.dma_semaphore, #tpu.memory_space<semaphore_mem>>)
    %scan3A = arith.constant 0 : i32
    %scan3A_5 = arith.constant 0 : i32
    %scan3A_6 = arith.constant 5 : i32
    %scan3A_7 = arith.addi %scan3A_5, %scan3A_6 : i32
    %scan3A_8 = arith.constant 1 : i32
    %scan3A_9 = scf.for %scan3A_11 = %scan3A_5 to %scan3A_7 step %scan3A_8 iter_args(%scan3A_12 = %scan3A) -> (i32)  : i32 {
      %mul3A_13 = arith.constant 2 : i32
      %mul3A_14 = arith.muli %mul3A_13, %scan3A_11 : i32
      %add3A_15 = arith.constant 1 : i32
      %add3A_16 = arith.addi %mul3A_14, %add3A_15 : i32
      %mul3A_17 = arith.constant 128 : i32
      %mul3A_18 = arith.muli %add3A_16, %mul3A_17 : i32
      %add3A_19 = arith.addi %mul3A_2, %mul3A_18 : i32
      "tpu.region"() ({
        %run_scoped3A = tpu.sem_alloc : memref<!tpu.dma_semaphore, #tpu.memory_space<semaphore_mem>>
        %dma_start3A_38 = tpu.memref_slice %arg3[%add3A_19] : memref<40960xi32, #tpu.memory_space<hbm>> -> memref<128xi32, #tpu.memory_space<hbm>>
        %dma_start3A_39 = tpu.memref_slice %arg3[%add3A_19] : memref<40960xi32, #tpu.memory_space<hbm>> -> memref<128xi32, #tpu.memory_space<hbm>>
        tpu.enqueue_dma source(%dma_start3A_39 : memref<128xi32, #tpu.memory_space<hbm>>) target(%arg6 : memref<128xi32, #tpu.memory_space<vmem>>) target_semaphore(%run_scoped3A : memref<!tpu.dma_semaphore, #tpu.memory_space<semaphore_mem>>)
        %dma_wait3A_40 = tpu.memref_slice %arg3[%add3A_19] : memref<40960xi32, #tpu.memory_space<hbm>> -> memref<128xi32, #tpu.memory_space<hbm>>
        %dma_wait3A_41 = tpu.memref_slice %arg3[%add3A_19] : memref<40960xi32, #tpu.memory_space<hbm>> -> memref<128xi32, #tpu.memory_space<hbm>>
        tpu.wait_dma2 semaphore(%run_scoped3A : memref<!tpu.dma_semaphore, #tpu.memory_space<semaphore_mem>>) src(%dma_wait3A_41 : memref<128xi32, #tpu.memory_space<hbm>>) dst(%arg6 : memref<128xi32, #tpu.memory_space<vmem>>)
        tpu.yield
      }) : () -> ()
      %dma_start3A_20 = arith.constant 0 : i32
      %dma_start3A_21 = arith.constant 0 : i32
      %dma_start3A_22 = tpu.memref_slice %arg2[%dma_start3A_20, %dma_start3A_21] : memref<2560x256xf32, #tpu.memory_space<hbm>> -> memref<2560x256xf32, #tpu.memory_space<hbm>>
      tpu.enqueue_indirect_dma source(%dma_start3A_22 : memref<2560x256xf32, #tpu.memory_space<hbm>>) target(%arg8 : memref<128x256xf32, #tpu.memory_space<vmem>>) offsets(%arg6 : memref<128xi32, #tpu.memory_space<vmem>>) semaphore(%arg10 : memref<!tpu.dma_semaphore, #tpu.memory_space<semaphore_mem>>)
      %mul3A_23 = arith.constant 2 : i32
      %mul3A_24 = arith.muli %mul3A_23, %scan3A_11 : i32
      %mul3A_25 = arith.constant 128 : i32
      %mul3A_26 = arith.muli %mul3A_24, %mul3A_25 : i32
      %add3A_27 = arith.addi %mul3A_2, %mul3A_26 : i32
      %dma_wait3A = arith.constant 0 : i32
      %dma_wait3A_28 = arith.constant 0 : i32
      %dma_wait3A_29 = tpu.memref_slice %arg2[%dma_wait3A, %dma_wait3A_28] : memref<2560x256xf32, #tpu.memory_space<hbm>> -> memref<2560x256xf32, #tpu.memory_space<hbm>>
      tpu.wait_indirect_dma semaphore(%arg9 : memref<!tpu.dma_semaphore, #tpu.memory_space<semaphore_mem>>) src(%dma_wait3A_29 : memref<2560x256xf32, #tpu.memory_space<hbm>>) dst(%arg7 : memref<128x256xf32, #tpu.memory_space<vmem>>)
      "tpu.region"() ({
        %run_scoped3A = tpu.sem_alloc : memref<!tpu.dma_semaphore, #tpu.memory_space<semaphore_mem>>
        %dma_start3A_38 = arith.constant 0 : i32
        %dma_start3A_39 = tpu.memref_slice %arg4[%add3A_27, %dma_start3A_38] : memref<40960x256xf32, #tpu.memory_space<hbm>> -> memref<128x256xf32, #tpu.memory_space<hbm>>
        %dma_start3A_40 = arith.constant 0 : i32
        %dma_start3A_41 = tpu.memref_slice %arg4[%add3A_27, %dma_start3A_40] : memref<40960x256xf32, #tpu.memory_space<hbm>> -> memref<128x256xf32, #tpu.memory_space<hbm>>
        tpu.enqueue_dma source(%arg7 : memref<128x256xf32, #tpu.memory_space<vmem>>) target(%dma_start3A_41 : memref<128x256xf32, #tpu.memory_space<hbm>>) target_semaphore(%run_scoped3A : memref<!tpu.dma_semaphore, #tpu.memory_space<semaphore_mem>>)
        %dma_wait3A_42 = arith.constant 0 : i32
        %dma_wait3A_43 = tpu.memref_slice %arg4[%add3A_27, %dma_wait3A_42] : memref<40960x256xf32, #tpu.memory_space<hbm>> -> memref<128x256xf32, #tpu.memory_space<hbm>>
        %dma_wait3A_44 = arith.constant 0 : i32
        %dma_wait3A_45 = tpu.memref_slice %arg4[%add3A_27, %dma_wait3A_44] : memref<40960x256xf32, #tpu.memory_space<hbm>> -> memref<128x256xf32, #tpu.memory_space<hbm>>
        tpu.wait_dma2 semaphore(%run_scoped3A : memref<!tpu.dma_semaphore, #tpu.memory_space<semaphore_mem>>) src(%arg7 : memref<128x256xf32, #tpu.memory_space<vmem>>) dst(%dma_wait3A_45 : memref<128x256xf32, #tpu.memory_space<hbm>>)
        tpu.yield
      }) : () -> ()
      %add3A_30 = arith.constant 1 : i32
      %add3A_31 = arith.addi %scan3A_11, %add3A_30 : i32
      %lt3A = arith.constant 5 : i32
      %lt3A_32 = arith.cmpi slt, %add3A_31, %lt3A : i32
      %convert_element_type3A = arith.extui %lt3A_32 : i1 to i32
      %cond3A = arith.constant 0 : i32
      %cond3A_33 = arith.cmpi ne, %convert_element_type3A, %cond3A : i32
      scf.if %cond3A_33 {
        %mul3A_38 = arith.constant 2 : i32
        %mul3A_39 = arith.muli %mul3A_38, %scan3A_11 : i32
        %add3A_40 = arith.constant 2 : i32
        %add3A_41 = arith.addi %mul3A_39, %add3A_40 : i32
        %mul3A_42 = arith.constant 128 : i32
        %mul3A_43 = arith.muli %add3A_41, %mul3A_42 : i32
        %add3A_44 = arith.addi %mul3A_2, %mul3A_43 : i32
        "tpu.region"() ({
          %run_scoped3A = tpu.sem_alloc : memref<!tpu.dma_semaphore, #tpu.memory_space<semaphore_mem>>
          %dma_start3A_48 = tpu.memref_slice %arg3[%add3A_44] : memref<40960xi32, #tpu.memory_space<hbm>> -> memref<128xi32, #tpu.memory_space<hbm>>
          %dma_start3A_49 = tpu.memref_slice %arg3[%add3A_44] : memref<40960xi32, #tpu.memory_space<hbm>> -> memref<128xi32, #tpu.memory_space<hbm>>
          tpu.enqueue_dma source(%dma_start3A_49 : memref<128xi32, #tpu.memory_space<hbm>>) target(%arg5 : memref<128xi32, #tpu.memory_space<vmem>>) target_semaphore(%run_scoped3A : memref<!tpu.dma_semaphore, #tpu.memory_space<semaphore_mem>>)
          %dma_wait3A_50 = tpu.memref_slice %arg3[%add3A_44] : memref<40960xi32, #tpu.memory_space<hbm>> -> memref<128xi32, #tpu.memory_space<hbm>>
          %dma_wait3A_51 = tpu.memref_slice %arg3[%add3A_44] : memref<40960xi32, #tpu.memory_space<hbm>> -> memref<128xi32, #tpu.memory_space<hbm>>
          tpu.wait_dma2 semaphore(%run_scoped3A : memref<!tpu.dma_semaphore, #tpu.memory_space<semaphore_mem>>) src(%dma_wait3A_51 : memref<128xi32, #tpu.memory_space<hbm>>) dst(%arg5 : memref<128xi32, #tpu.memory_space<vmem>>)
          tpu.yield
        }) : () -> ()
        %dma_start3A_45 = arith.constant 0 : i32
        %dma_start3A_46 = arith.constant 0 : i32
        %dma_start3A_47 = tpu.memref_slice %arg2[%dma_start3A_45, %dma_start3A_46] : memref<2560x256xf32, #tpu.memory_space<hbm>> -> memref<2560x256xf32, #tpu.memory_space<hbm>>
        tpu.enqueue_indirect_dma source(%dma_start3A_47 : memref<2560x256xf32, #tpu.memory_space<hbm>>) target(%arg7 : memref<128x256xf32, #tpu.memory_space<vmem>>) offsets(%arg5 : memref<128xi32, #tpu.memory_space<vmem>>) semaphore(%arg9 : memref<!tpu.dma_semaphore, #tpu.memory_space<semaphore_mem>>)
      } else {
      }
      %dma_wait3A_34 = arith.constant 0 : i32
      %dma_wait3A_35 = arith.constant 0 : i32
      %dma_wait3A_36 = tpu.memref_slice %arg2[%dma_wait3A_34, %dma_wait3A_35] : memref<2560x256xf32, #tpu.memory_space<hbm>> -> memref<2560x256xf32, #tpu.memory_space<hbm>>
      tpu.wait_indirect_dma semaphore(%arg10 : memref<!tpu.dma_semaphore, #tpu.memory_space<semaphore_mem>>) src(%dma_wait3A_36 : memref<2560x256xf32, #tpu.memory_space<hbm>>) dst(%arg8 : memref<128x256xf32, #tpu.memory_space<vmem>>)
      "tpu.region"() ({
        %run_scoped3A = tpu.sem_alloc : memref<!tpu.dma_semaphore, #tpu.memory_space<semaphore_mem>>
        %dma_start3A_38 = arith.constant 0 : i32
        %dma_start3A_39 = tpu.memref_slice %arg4[%add3A_19, %dma_start3A_38] : memref<40960x256xf32, #tpu.memory_space<hbm>> -> memref<128x256xf32, #tpu.memory_space<hbm>>
        %dma_start3A_40 = arith.constant 0 : i32
        %dma_start3A_41 = tpu.memref_slice %arg4[%add3A_19, %dma_start3A_40] : memref<40960x256xf32, #tpu.memory_space<hbm>> -> memref<128x256xf32, #tpu.memory_space<hbm>>
        tpu.enqueue_dma source(%arg8 : memref<128x256xf32, #tpu.memory_space<vmem>>) target(%dma_start3A_41 : memref<128x256xf32, #tpu.memory_space<hbm>>) target_semaphore(%run_scoped3A : memref<!tpu.dma_semaphore, #tpu.memory_space<semaphore_mem>>)
        %dma_wait3A_42 = arith.constant 0 : i32
        %dma_wait3A_43 = tpu.memref_slice %arg4[%add3A_19, %dma_wait3A_42] : memref<40960x256xf32, #tpu.memory_space<hbm>> -> memref<128x256xf32, #tpu.memory_space<hbm>>
        %dma_wait3A_44 = arith.constant 0 : i32
        %dma_wait3A_45 = tpu.memref_slice %arg4[%add3A_19, %dma_wait3A_44] : memref<40960x256xf32, #tpu.memory_space<hbm>> -> memref<128x256xf32, #tpu.memory_space<hbm>>
        tpu.wait_dma2 semaphore(%run_scoped3A : memref<!tpu.dma_semaphore, #tpu.memory_space<semaphore_mem>>) src(%arg8 : memref<128x256xf32, #tpu.memory_space<vmem>>) dst(%dma_wait3A_45 : memref<128x256xf32, #tpu.memory_space<hbm>>)
        tpu.yield
      }) : () -> ()
      %scan3A_37 = arith.constant 0 : i32
      scf.yield %scan3A_37 : i32
    }
    %scan3A_10 = arith.constant 5 : i32
    return
  }
}

module attributes {stable_mosaic.version = 14 : i64} {
  func.func @_vq_body(%arg0: i32, %arg1: memref<512x256xf32, #tpu.memory_space<vmem>>, %arg2: memref<256x256xf32, #tpu.memory_space<vmem>>, %arg3: memref<1x256xf32, #tpu.memory_space<vmem>>, %arg4: memref<256x1024xf32, #tpu.memory_space<vmem>>, %arg5: memref<1x1024xf32, #tpu.memory_space<vmem>>, %arg6: memref<1024x256xf32, #tpu.memory_space<vmem>>, %arg7: memref<512x4xi32, #tpu.memory_space<vmem>>, %arg8: memref<1x1xf32, #tpu.memory_space<smem>>) attributes {dimension_semantics = [#tpu.dimension_semantics<arbitrary>], iteration_bounds = array<i64: 8>, scalar_prefetch = 0 : i64, scratch_operands = 0 : i64, tpu.core_type = #tpu.core_type<tc>, window_params = [{transform_indices = @transform_0, window_bounds = array<i64: 512, 256>}, {pipeline_mode = #tpu.pipeline_mode<synchronous>, transform_indices = @transform_1, window_bounds = array<i64: 256, 256>}, {pipeline_mode = #tpu.pipeline_mode<synchronous>, transform_indices = @transform_2, window_bounds = array<i64: 1, 256>}, {pipeline_mode = #tpu.pipeline_mode<synchronous>, transform_indices = @transform_3, window_bounds = array<i64: 256, 1024>}, {pipeline_mode = #tpu.pipeline_mode<synchronous>, transform_indices = @transform_4, window_bounds = array<i64: 1, 1024>}, {pipeline_mode = #tpu.pipeline_mode<synchronous>, transform_indices = @transform_5, window_bounds = array<i64: 1024, 256>}, {transform_indices = @transform_6, window_bounds = array<i64: 512, 4>}, {transform_indices = @transform_7, window_bounds = array<i64: 1, 1>}]} {
    %get3A = arith.constant 0 : index
    %get3A_0 = arith.constant 0 : index
    %get3A_1 = vector.load %arg1[%get3A, %get3A_0] : memref<512x256xf32, #tpu.memory_space<vmem>>, vector<512x256xf32>
    %get3A_2 = arith.constant 0 : index
    %get3A_3 = arith.constant 0 : index
    %get3A_4 = vector.load %arg2[%get3A_2, %get3A_3] : memref<256x256xf32, #tpu.memory_space<vmem>>, vector<256x256xf32>
    %dot_general3A = arith.constant dense<0.000000e+00> : vector<512x256xf32>
    %dot_general3A_5 = tpu.matmul %get3A_1, %get3A_4, %dot_general3A {dimension_numbers = #tpu.dot_dimension_numbers<[1], [0], [0], [1], [0, 0, 1, 1], [], []>, transpose_lhs_hint = false} : vector<512x256xf32>, vector<256x256xf32>, vector<512x256xf32> -> vector<512x256xf32>
    %get3A_6 = arith.constant 0 : index
    %get3A_7 = arith.constant 0 : index
    %get3A_8 = vector.load %arg3[%get3A_6, %get3A_7] : memref<1x256xf32, #tpu.memory_space<vmem>>, vector<1x256xf32>
    %add3A = vector.broadcast %get3A_8 : vector<1x256xf32> to vector<512x256xf32>
    %add3A_9 = arith.addf %dot_general3A_5, %add3A : vector<512x256xf32>
    %max3A = arith.constant 0.000000e+00 : f32
    %max3A_10 = vector.broadcast %max3A : f32 to vector<512x256xf32>
    %max3A_11 = arith.maximumf %add3A_9, %max3A_10 : vector<512x256xf32>
    %get3A_12 = arith.constant 0 : index
    %get3A_13 = arith.constant 0 : index
    %get3A_14 = vector.load %arg4[%get3A_12, %get3A_13] : memref<256x1024xf32, #tpu.memory_space<vmem>>, vector<256x1024xf32>
    %dot_general3A_15 = arith.constant dense<0.000000e+00> : vector<512x1024xf32>
    %dot_general3A_16 = tpu.matmul %max3A_11, %get3A_14, %dot_general3A_15 {dimension_numbers = #tpu.dot_dimension_numbers<[1], [0], [0], [1], [0, 0, 1, 1], [], []>, transpose_lhs_hint = false} : vector<512x256xf32>, vector<256x1024xf32>, vector<512x1024xf32> -> vector<512x1024xf32>
    %get3A_17 = arith.constant 0 : index
    %get3A_18 = arith.constant 0 : index
    %get3A_19 = vector.load %arg5[%get3A_17, %get3A_18] : memref<1x1024xf32, #tpu.memory_space<vmem>>, vector<1x1024xf32>
    %add3A_20 = vector.broadcast %get3A_19 : vector<1x1024xf32> to vector<512x1024xf32>
    %add3A_21 = arith.addf %dot_general3A_16, %add3A_20 : vector<512x1024xf32>
    %get3A_22 = arith.constant 0 : index
    %get3A_23 = arith.constant 0 : index
    %get3A_24 = vector.load %arg6[%get3A_22, %get3A_23] : memref<1024x256xf32, #tpu.memory_space<vmem>>, vector<1024x256xf32>
    %mul3A = arith.mulf %get3A_24, %get3A_24 : vector<1024x256xf32>
    %reduce_sum3A = arith.constant dense<0.000000e+00> : vector<1024xf32>
    %reduce_sum3A_25 = vector.multi_reduction <add>, %mul3A, %reduce_sum3A [1] : vector<1024x256xf32> to vector<1024xf32>
    %slice3A = vector.extract_strided_slice %add3A_21 {offsets = [0, 0], sizes = [512, 256], strides = [1, 1]} : vector<512x1024xf32> to vector<512x256xf32>
    %mul3A_26 = arith.mulf %slice3A, %slice3A : vector<512x256xf32>
    %reduce_sum3A_27 = arith.constant dense<0.000000e+00> : vector<512xf32>
    %reduce_sum3A_28 = vector.multi_reduction <add>, %mul3A_26, %reduce_sum3A_27 [1] : vector<512x256xf32> to vector<512xf32>
    %broadcast_in_dim3A = vector.shape_cast %reduce_sum3A_28 : vector<512xf32> to vector<512x1xf32>
    %dot_general3A_29 = arith.constant dense<0.000000e+00> : vector<512x1024xf32>
    %dot_general3A_30 = tpu.matmul %slice3A, %get3A_24, %dot_general3A_29 {dimension_numbers = #tpu.dot_dimension_numbers<[1], [1], [0], [0], [0, 0, 1, 0], [], []>, transpose_lhs_hint = false} : vector<512x256xf32>, vector<1024x256xf32>, vector<512x1024xf32> -> vector<512x1024xf32>
    %broadcast_in_dim3A_31 = vector.shape_cast %reduce_sum3A_25 : vector<1024xf32> to vector<1x1024xf32>
    %add3A_32 = vector.broadcast %broadcast_in_dim3A : vector<512x1xf32> to vector<512x1024xf32>
    %add3A_33 = vector.broadcast %broadcast_in_dim3A_31 : vector<1x1024xf32> to vector<512x1024xf32>
    %add3A_34 = arith.addf %add3A_32, %add3A_33 : vector<512x1024xf32>
    %mul3A_35 = arith.constant 2.000000e+00 : f32
    %mul3A_36 = vector.broadcast %mul3A_35 : f32 to vector<512x1024xf32>
    %mul3A_37 = arith.mulf %mul3A_36, %dot_general3A_30 : vector<512x1024xf32>
    %sub3A = arith.subf %add3A_34, %mul3A_37 : vector<512x1024xf32>
    %reduce_min3A = arith.constant dense<0x7F800000> : vector<512xf32>
    %reduce_min3A_38 = vector.multi_reduction <minimumf>, %sub3A, %reduce_min3A [1] : vector<512x1024xf32> to vector<512xf32>
    %broadcast_in_dim3A_39 = vector.shape_cast %reduce_min3A_38 : vector<512xf32> to vector<512x1xf32>
    %iota3A = tpu.iota {dimensions = array<i32: 1>} : vector<512x1024xi32>
    %eq3A = vector.broadcast %broadcast_in_dim3A_39 : vector<512x1xf32> to vector<512x1024xf32>
    %eq3A_40 = arith.cmpf oeq, %sub3A, %eq3A : vector<512x1024xf32>
    %jit3A = arith.constant 1024 : i32
    %broadcast_in_dim3A_41 = vector.broadcast %jit3A : i32 to vector<512x1024xi32>
    %select_n3A = arith.select %eq3A_40, %iota3A, %broadcast_in_dim3A_41 : vector<512x1024xi1>, vector<512x1024xi32>
    %reduce_min3A_42 = arith.constant dense<2147483647> : vector<512xi32>
    %reduce_min3A_43 = vector.multi_reduction <minsi>, %select_n3A, %reduce_min3A_42 [1] : vector<512x1024xi32> to vector<512xi32>
    %broadcast_in_dim3A_44 = vector.shape_cast %reduce_min3A_43 : vector<512xi32> to vector<512x1xi32>
    %reduce_sum3A_45 = vector.shape_cast %broadcast_in_dim3A_39 : vector<512x1xf32> to vector<1x512x1xf32>
    %reduce_sum3A_46 = arith.constant dense<0.000000e+00> : vector<1xf32>
    %reduce_sum3A_47 = vector.multi_reduction <add>, %reduce_sum3A_45, %reduce_sum3A_46 [1, 2] : vector<1x512x1xf32> to vector<1xf32>
    %reduce_sum3A_48 = vector.shape_cast %reduce_sum3A_47 : vector<1xf32> to vector<1x1x1xf32>
    %reduce_sum3A_49 = vector.extract %reduce_sum3A_48[0, 0, 0] : f32 from vector<1x1x1xf32>
    %add3A_50 = arith.constant 0.000000e+00 : f32
    %add3A_51 = arith.addf %add3A_50, %reduce_sum3A_49 : f32
    %slice3A_52 = vector.extract_strided_slice %add3A_21 {offsets = [0, 256], sizes = [512, 256], strides = [1, 1]} : vector<512x1024xf32> to vector<512x256xf32>
    %mul3A_53 = arith.mulf %slice3A_52, %slice3A_52 : vector<512x256xf32>
    %reduce_sum3A_54 = arith.constant dense<0.000000e+00> : vector<512xf32>
    %reduce_sum3A_55 = vector.multi_reduction <add>, %mul3A_53, %reduce_sum3A_54 [1] : vector<512x256xf32> to vector<512xf32>
    %broadcast_in_dim3A_56 = vector.shape_cast %reduce_sum3A_55 : vector<512xf32> to vector<512x1xf32>
    %dot_general3A_57 = arith.constant dense<0.000000e+00> : vector<512x1024xf32>
    %dot_general3A_58 = tpu.matmul %slice3A_52, %get3A_24, %dot_general3A_57 {dimension_numbers = #tpu.dot_dimension_numbers<[1], [1], [0], [0], [0, 0, 1, 0], [], []>, transpose_lhs_hint = false} : vector<512x256xf32>, vector<1024x256xf32>, vector<512x1024xf32> -> vector<512x1024xf32>
    %broadcast_in_dim3A_59 = vector.shape_cast %reduce_sum3A_25 : vector<1024xf32> to vector<1x1024xf32>
    %add3A_60 = vector.broadcast %broadcast_in_dim3A_56 : vector<512x1xf32> to vector<512x1024xf32>
    %add3A_61 = vector.broadcast %broadcast_in_dim3A_59 : vector<1x1024xf32> to vector<512x1024xf32>
    %add3A_62 = arith.addf %add3A_60, %add3A_61 : vector<512x1024xf32>
    %mul3A_63 = arith.constant 2.000000e+00 : f32
    %mul3A_64 = vector.broadcast %mul3A_63 : f32 to vector<512x1024xf32>
    %mul3A_65 = arith.mulf %mul3A_64, %dot_general3A_58 : vector<512x1024xf32>
    %sub3A_66 = arith.subf %add3A_62, %mul3A_65 : vector<512x1024xf32>
    %reduce_min3A_67 = arith.constant dense<0x7F800000> : vector<512xf32>
    %reduce_min3A_68 = vector.multi_reduction <minimumf>, %sub3A_66, %reduce_min3A_67 [1] : vector<512x1024xf32> to vector<512xf32>
    %broadcast_in_dim3A_69 = vector.shape_cast %reduce_min3A_68 : vector<512xf32> to vector<512x1xf32>
    %iota3A_70 = tpu.iota {dimensions = array<i32: 1>} : vector<512x1024xi32>
    %eq3A_71 = vector.broadcast %broadcast_in_dim3A_69 : vector<512x1xf32> to vector<512x1024xf32>
    %eq3A_72 = arith.cmpf oeq, %sub3A_66, %eq3A_71 : vector<512x1024xf32>
    %jit3A_73 = arith.constant 1024 : i32
    %broadcast_in_dim3A_74 = vector.broadcast %jit3A_73 : i32 to vector<512x1024xi32>
    %select_n3A_75 = arith.select %eq3A_72, %iota3A_70, %broadcast_in_dim3A_74 : vector<512x1024xi1>, vector<512x1024xi32>
    %reduce_min3A_76 = arith.constant dense<2147483647> : vector<512xi32>
    %reduce_min3A_77 = vector.multi_reduction <minsi>, %select_n3A_75, %reduce_min3A_76 [1] : vector<512x1024xi32> to vector<512xi32>
    %broadcast_in_dim3A_78 = vector.shape_cast %reduce_min3A_77 : vector<512xi32> to vector<512x1xi32>
    %reduce_sum3A_79 = vector.shape_cast %broadcast_in_dim3A_69 : vector<512x1xf32> to vector<1x512x1xf32>
    %reduce_sum3A_80 = arith.constant dense<0.000000e+00> : vector<1xf32>
    %reduce_sum3A_81 = vector.multi_reduction <add>, %reduce_sum3A_79, %reduce_sum3A_80 [1, 2] : vector<1x512x1xf32> to vector<1xf32>
    %reduce_sum3A_82 = vector.shape_cast %reduce_sum3A_81 : vector<1xf32> to vector<1x1x1xf32>
    %reduce_sum3A_83 = vector.extract %reduce_sum3A_82[0, 0, 0] : f32 from vector<1x1x1xf32>
    %add3A_84 = arith.addf %add3A_51, %reduce_sum3A_83 : f32
    %slice3A_85 = vector.extract_strided_slice %add3A_21 {offsets = [0, 512], sizes = [512, 256], strides = [1, 1]} : vector<512x1024xf32> to vector<512x256xf32>
    %mul3A_86 = arith.mulf %slice3A_85, %slice3A_85 : vector<512x256xf32>
    %reduce_sum3A_87 = arith.constant dense<0.000000e+00> : vector<512xf32>
    %reduce_sum3A_88 = vector.multi_reduction <add>, %mul3A_86, %reduce_sum3A_87 [1] : vector<512x256xf32> to vector<512xf32>
    %broadcast_in_dim3A_89 = vector.shape_cast %reduce_sum3A_88 : vector<512xf32> to vector<512x1xf32>
    %dot_general3A_90 = arith.constant dense<0.000000e+00> : vector<512x1024xf32>
    %dot_general3A_91 = tpu.matmul %slice3A_85, %get3A_24, %dot_general3A_90 {dimension_numbers = #tpu.dot_dimension_numbers<[1], [1], [0], [0], [0, 0, 1, 0], [], []>, transpose_lhs_hint = false} : vector<512x256xf32>, vector<1024x256xf32>, vector<512x1024xf32> -> vector<512x1024xf32>
    %broadcast_in_dim3A_92 = vector.shape_cast %reduce_sum3A_25 : vector<1024xf32> to vector<1x1024xf32>
    %add3A_93 = vector.broadcast %broadcast_in_dim3A_89 : vector<512x1xf32> to vector<512x1024xf32>
    %add3A_94 = vector.broadcast %broadcast_in_dim3A_92 : vector<1x1024xf32> to vector<512x1024xf32>
    %add3A_95 = arith.addf %add3A_93, %add3A_94 : vector<512x1024xf32>
    %mul3A_96 = arith.constant 2.000000e+00 : f32
    %mul3A_97 = vector.broadcast %mul3A_96 : f32 to vector<512x1024xf32>
    %mul3A_98 = arith.mulf %mul3A_97, %dot_general3A_91 : vector<512x1024xf32>
    %sub3A_99 = arith.subf %add3A_95, %mul3A_98 : vector<512x1024xf32>
    %reduce_min3A_100 = arith.constant dense<0x7F800000> : vector<512xf32>
    %reduce_min3A_101 = vector.multi_reduction <minimumf>, %sub3A_99, %reduce_min3A_100 [1] : vector<512x1024xf32> to vector<512xf32>
    %broadcast_in_dim3A_102 = vector.shape_cast %reduce_min3A_101 : vector<512xf32> to vector<512x1xf32>
    %iota3A_103 = tpu.iota {dimensions = array<i32: 1>} : vector<512x1024xi32>
    %eq3A_104 = vector.broadcast %broadcast_in_dim3A_102 : vector<512x1xf32> to vector<512x1024xf32>
    %eq3A_105 = arith.cmpf oeq, %sub3A_99, %eq3A_104 : vector<512x1024xf32>
    %jit3A_106 = arith.constant 1024 : i32
    %broadcast_in_dim3A_107 = vector.broadcast %jit3A_106 : i32 to vector<512x1024xi32>
    %select_n3A_108 = arith.select %eq3A_105, %iota3A_103, %broadcast_in_dim3A_107 : vector<512x1024xi1>, vector<512x1024xi32>
    %reduce_min3A_109 = arith.constant dense<2147483647> : vector<512xi32>
    %reduce_min3A_110 = vector.multi_reduction <minsi>, %select_n3A_108, %reduce_min3A_109 [1] : vector<512x1024xi32> to vector<512xi32>
    %broadcast_in_dim3A_111 = vector.shape_cast %reduce_min3A_110 : vector<512xi32> to vector<512x1xi32>
    %reduce_sum3A_112 = vector.shape_cast %broadcast_in_dim3A_102 : vector<512x1xf32> to vector<1x512x1xf32>
    %reduce_sum3A_113 = arith.constant dense<0.000000e+00> : vector<1xf32>
    %reduce_sum3A_114 = vector.multi_reduction <add>, %reduce_sum3A_112, %reduce_sum3A_113 [1, 2] : vector<1x512x1xf32> to vector<1xf32>
    %reduce_sum3A_115 = vector.shape_cast %reduce_sum3A_114 : vector<1xf32> to vector<1x1x1xf32>
    %reduce_sum3A_116 = vector.extract %reduce_sum3A_115[0, 0, 0] : f32 from vector<1x1x1xf32>
    %add3A_117 = arith.addf %add3A_84, %reduce_sum3A_116 : f32
    %slice3A_118 = vector.extract_strided_slice %add3A_21 {offsets = [0, 768], sizes = [512, 256], strides = [1, 1]} : vector<512x1024xf32> to vector<512x256xf32>
    %mul3A_119 = arith.mulf %slice3A_118, %slice3A_118 : vector<512x256xf32>
    %reduce_sum3A_120 = arith.constant dense<0.000000e+00> : vector<512xf32>
    %reduce_sum3A_121 = vector.multi_reduction <add>, %mul3A_119, %reduce_sum3A_120 [1] : vector<512x256xf32> to vector<512xf32>
    %broadcast_in_dim3A_122 = vector.shape_cast %reduce_sum3A_121 : vector<512xf32> to vector<512x1xf32>
    %dot_general3A_123 = arith.constant dense<0.000000e+00> : vector<512x1024xf32>
    %dot_general3A_124 = tpu.matmul %slice3A_118, %get3A_24, %dot_general3A_123 {dimension_numbers = #tpu.dot_dimension_numbers<[1], [1], [0], [0], [0, 0, 1, 0], [], []>, transpose_lhs_hint = false} : vector<512x256xf32>, vector<1024x256xf32>, vector<512x1024xf32> -> vector<512x1024xf32>
    %broadcast_in_dim3A_125 = vector.shape_cast %reduce_sum3A_25 : vector<1024xf32> to vector<1x1024xf32>
    %add3A_126 = vector.broadcast %broadcast_in_dim3A_122 : vector<512x1xf32> to vector<512x1024xf32>
    %add3A_127 = vector.broadcast %broadcast_in_dim3A_125 : vector<1x1024xf32> to vector<512x1024xf32>
    %add3A_128 = arith.addf %add3A_126, %add3A_127 : vector<512x1024xf32>
    %mul3A_129 = arith.constant 2.000000e+00 : f32
    %mul3A_130 = vector.broadcast %mul3A_129 : f32 to vector<512x1024xf32>
    %mul3A_131 = arith.mulf %mul3A_130, %dot_general3A_124 : vector<512x1024xf32>
    %sub3A_132 = arith.subf %add3A_128, %mul3A_131 : vector<512x1024xf32>
    %reduce_min3A_133 = arith.constant dense<0x7F800000> : vector<512xf32>
    %reduce_min3A_134 = vector.multi_reduction <minimumf>, %sub3A_132, %reduce_min3A_133 [1] : vector<512x1024xf32> to vector<512xf32>
    %broadcast_in_dim3A_135 = vector.shape_cast %reduce_min3A_134 : vector<512xf32> to vector<512x1xf32>
    %iota3A_136 = tpu.iota {dimensions = array<i32: 1>} : vector<512x1024xi32>
    %eq3A_137 = vector.broadcast %broadcast_in_dim3A_135 : vector<512x1xf32> to vector<512x1024xf32>
    %eq3A_138 = arith.cmpf oeq, %sub3A_132, %eq3A_137 : vector<512x1024xf32>
    %jit3A_139 = arith.constant 1024 : i32
    %broadcast_in_dim3A_140 = vector.broadcast %jit3A_139 : i32 to vector<512x1024xi32>
    %select_n3A_141 = arith.select %eq3A_138, %iota3A_136, %broadcast_in_dim3A_140 : vector<512x1024xi1>, vector<512x1024xi32>
    %reduce_min3A_142 = arith.constant dense<2147483647> : vector<512xi32>
    %reduce_min3A_143 = vector.multi_reduction <minsi>, %select_n3A_141, %reduce_min3A_142 [1] : vector<512x1024xi32> to vector<512xi32>
    %broadcast_in_dim3A_144 = vector.shape_cast %reduce_min3A_143 : vector<512xi32> to vector<512x1xi32>
    %reduce_sum3A_145 = vector.shape_cast %broadcast_in_dim3A_135 : vector<512x1xf32> to vector<1x512x1xf32>
    %reduce_sum3A_146 = arith.constant dense<0.000000e+00> : vector<1xf32>
    %reduce_sum3A_147 = vector.multi_reduction <add>, %reduce_sum3A_145, %reduce_sum3A_146 [1, 2] : vector<1x512x1xf32> to vector<1xf32>
    %reduce_sum3A_148 = vector.shape_cast %reduce_sum3A_147 : vector<1xf32> to vector<1x1x1xf32>
    %reduce_sum3A_149 = vector.extract %reduce_sum3A_148[0, 0, 0] : f32 from vector<1x1x1xf32>
    %add3A_150 = arith.addf %add3A_117, %reduce_sum3A_149 : f32
    %concatenate3A = tpu.concatenate %broadcast_in_dim3A_44, %broadcast_in_dim3A_78, %broadcast_in_dim3A_111, %broadcast_in_dim3A_144 in 1 : vector<512x1xi32>, vector<512x1xi32>, vector<512x1xi32>, vector<512x1xi32> -> vector<512x4xi32>
    %swap3A = arith.constant 0 : index
    %swap3A_151 = arith.constant 0 : index
    %swap3A_152 = vector.load %arg7[%swap3A, %swap3A_151] : memref<512x4xi32, #tpu.memory_space<vmem>>, vector<512x4xi32>
    tpu.vector_store %arg7[%swap3A, %swap3A_151], %concatenate3A {strides = array<i32>} : memref<512x4xi32, #tpu.memory_space<vmem>>, vector<512x4xi32>,
    %eq3A_153 = arith.constant 0 : i32
    %eq3A_154 = arith.cmpi eq, %arg0, %eq3A_153 : i32
    %convert_element_type3A = arith.extui %eq3A_154 : i1 to i32
    %cond3A = arith.constant 0 : i32
    %cond3A_155 = arith.cmpi ne, %convert_element_type3A, %cond3A : i32
    scf.if %cond3A_155 {
      %swap3A_163 = arith.constant 0.000000e+00 : f32
      %swap3A_164 = arith.constant 0 : index
      %swap3A_165 = arith.constant 0 : index
      %swap3A_166 = memref.load %arg8[%swap3A_164, %swap3A_165] : memref<1x1xf32, #tpu.memory_space<smem>>
      memref.store %swap3A_163, %arg8[%swap3A_164, %swap3A_165] : memref<1x1xf32, #tpu.memory_space<smem>>
    } else {
    }
    %get3A_156 = arith.constant 0 : index
    %get3A_157 = arith.constant 0 : index
    %get3A_158 = memref.load %arg8[%get3A_156, %get3A_157] : memref<1x1xf32, #tpu.memory_space<smem>>
    %add3A_159 = arith.addf %get3A_158, %add3A_150 : f32
    %swap3A_160 = arith.constant 0 : index
    %swap3A_161 = arith.constant 0 : index
    %swap3A_162 = memref.load %arg8[%swap3A_160, %swap3A_161] : memref<1x1xf32, #tpu.memory_space<smem>>
    memref.store %add3A_159, %arg8[%swap3A_160, %swap3A_161] : memref<1x1xf32, #tpu.memory_space<smem>>
    return
  }
  func.func @transform_0(%arg0: i32) -> (i32, i32) {
    %add3A = arith.constant 0 : i32
    %add3A_0 = arith.addi %add3A, %arg0 : i32
    %c0_i32 = arith.constant 0 : i32
    %c0_i32_1 = arith.constant 0 : i32
    return %add3A_0, %c0_i32 : i32, i32
  }
  func.func @transform_1(%arg0: i32) -> (i32, i32) {
    %c0_i32 = arith.constant 0 : i32
    %c0_i32_0 = arith.constant 0 : i32
    %c0_i32_1 = arith.constant 0 : i32
    return %c0_i32, %c0_i32_0 : i32, i32
  }
  func.func @transform_2(%arg0: i32) -> (i32, i32) {
    %c0_i32 = arith.constant 0 : i32
    %c0_i32_0 = arith.constant 0 : i32
    %c0_i32_1 = arith.constant 0 : i32
    return %c0_i32, %c0_i32_0 : i32, i32
  }
  func.func @transform_3(%arg0: i32) -> (i32, i32) {
    %c0_i32 = arith.constant 0 : i32
    %c0_i32_0 = arith.constant 0 : i32
    %c0_i32_1 = arith.constant 0 : i32
    return %c0_i32, %c0_i32_0 : i32, i32
  }
  func.func @transform_4(%arg0: i32) -> (i32, i32) {
    %c0_i32 = arith.constant 0 : i32
    %c0_i32_0 = arith.constant 0 : i32
    %c0_i32_1 = arith.constant 0 : i32
    return %c0_i32, %c0_i32_0 : i32, i32
  }
  func.func @transform_5(%arg0: i32) -> (i32, i32) {
    %c0_i32 = arith.constant 0 : i32
    %c0_i32_0 = arith.constant 0 : i32
    %c0_i32_1 = arith.constant 0 : i32
    return %c0_i32, %c0_i32_0 : i32, i32
  }
  func.func @transform_6(%arg0: i32) -> (i32, i32) {
    %c0_i32 = arith.constant 0 : i32
    %c0_i32_0 = arith.constant 0 : i32
    return %arg0, %c0_i32 : i32, i32
  }
  func.func @transform_7(%arg0: i32) -> (i32, i32) {
    %c0_i32 = arith.constant 0 : i32
    %c0_i32_0 = arith.constant 0 : i32
    %c0_i32_1 = arith.constant 0 : i32
    return %c0_i32, %c0_i32_0 : i32, i32
  }
}

module attributes {stable_mosaic.version = 14 : i64} {
  func.func @_vq_body(%arg0: i32, %arg1: memref<512x256xf32, #tpu.memory_space<vmem>>, %arg2: memref<256x256xf32, #tpu.memory_space<vmem>>, %arg3: memref<1x256xf32, #tpu.memory_space<vmem>>, %arg4: memref<256x768xf32, #tpu.memory_space<vmem>>, %arg5: memref<1x768xf32, #tpu.memory_space<vmem>>, %arg6: memref<1024x256xf32, #tpu.memory_space<vmem>>, %arg7: memref<512x3xi32, #tpu.memory_space<vmem>>, %arg8: memref<1x1xf32, #tpu.memory_space<smem>>) attributes {dimension_semantics = [#tpu.dimension_semantics<arbitrary>], iteration_bounds = array<i64: 8>, scalar_prefetch = 0 : i64, scratch_operands = 0 : i64, tpu.core_type = #tpu.core_type<tc>, window_params = [{transform_indices = @transform_0, window_bounds = array<i64: 512, 256>}, {pipeline_mode = #tpu.pipeline_mode<synchronous>, transform_indices = @transform_1, window_bounds = array<i64: 256, 256>}, {pipeline_mode = #tpu.pipeline_mode<synchronous>, transform_indices = @transform_2, window_bounds = array<i64: 1, 256>}, {pipeline_mode = #tpu.pipeline_mode<synchronous>, transform_indices = @transform_3, window_bounds = array<i64: 256, 768>}, {pipeline_mode = #tpu.pipeline_mode<synchronous>, transform_indices = @transform_4, window_bounds = array<i64: 1, 768>}, {pipeline_mode = #tpu.pipeline_mode<synchronous>, transform_indices = @transform_5, window_bounds = array<i64: 1024, 256>}, {transform_indices = @transform_6, window_bounds = array<i64: 512, 3>}, {transform_indices = @transform_7, window_bounds = array<i64: 1, 1>}]} {
    %get3A = arith.constant 0 : index
    %get3A_0 = arith.constant 0 : index
    %get3A_1 = vector.load %arg1[%get3A, %get3A_0] : memref<512x256xf32, #tpu.memory_space<vmem>>, vector<512x256xf32>
    %get3A_2 = arith.constant 0 : index
    %get3A_3 = arith.constant 0 : index
    %get3A_4 = vector.load %arg2[%get3A_2, %get3A_3] : memref<256x256xf32, #tpu.memory_space<vmem>>, vector<256x256xf32>
    %dot_general3A = arith.constant dense<0.000000e+00> : vector<512x256xf32>
    %dot_general3A_5 = tpu.matmul %get3A_1, %get3A_4, %dot_general3A {dimension_numbers = #tpu.dot_dimension_numbers<[1], [0], [0], [1], [0, 0, 1, 1], [], []>, transpose_lhs_hint = false} : vector<512x256xf32>, vector<256x256xf32>, vector<512x256xf32> -> vector<512x256xf32>
    %get3A_6 = arith.constant 0 : index
    %get3A_7 = arith.constant 0 : index
    %get3A_8 = vector.load %arg3[%get3A_6, %get3A_7] : memref<1x256xf32, #tpu.memory_space<vmem>>, vector<1x256xf32>
    %add3A = vector.broadcast %get3A_8 : vector<1x256xf32> to vector<512x256xf32>
    %add3A_9 = arith.addf %dot_general3A_5, %add3A : vector<512x256xf32>
    %max3A = arith.constant 0.000000e+00 : f32
    %max3A_10 = vector.broadcast %max3A : f32 to vector<512x256xf32>
    %max3A_11 = arith.maximumf %add3A_9, %max3A_10 : vector<512x256xf32>
    %get3A_12 = arith.constant 0 : index
    %get3A_13 = arith.constant 0 : index
    %get3A_14 = vector.load %arg4[%get3A_12, %get3A_13] : memref<256x768xf32, #tpu.memory_space<vmem>>, vector<256x768xf32>
    %dot_general3A_15 = arith.constant dense<0.000000e+00> : vector<512x768xf32>
    %dot_general3A_16 = tpu.matmul %max3A_11, %get3A_14, %dot_general3A_15 {dimension_numbers = #tpu.dot_dimension_numbers<[1], [0], [0], [1], [0, 0, 1, 1], [], []>, transpose_lhs_hint = false} : vector<512x256xf32>, vector<256x768xf32>, vector<512x768xf32> -> vector<512x768xf32>
    %get3A_17 = arith.constant 0 : index
    %get3A_18 = arith.constant 0 : index
    %get3A_19 = vector.load %arg5[%get3A_17, %get3A_18] : memref<1x768xf32, #tpu.memory_space<vmem>>, vector<1x768xf32>
    %add3A_20 = vector.broadcast %get3A_19 : vector<1x768xf32> to vector<512x768xf32>
    %add3A_21 = arith.addf %dot_general3A_16, %add3A_20 : vector<512x768xf32>
    %get3A_22 = arith.constant 0 : index
    %get3A_23 = arith.constant 0 : index
    %get3A_24 = vector.load %arg6[%get3A_22, %get3A_23] : memref<1024x256xf32, #tpu.memory_space<vmem>>, vector<1024x256xf32>
    %mul3A = arith.mulf %get3A_24, %get3A_24 : vector<1024x256xf32>
    %reduce_sum3A = arith.constant dense<0.000000e+00> : vector<1024xf32>
    %reduce_sum3A_25 = vector.multi_reduction <add>, %mul3A, %reduce_sum3A [1] : vector<1024x256xf32> to vector<1024xf32>
    %slice3A = vector.extract_strided_slice %add3A_21 {offsets = [0, 0], sizes = [512, 256], strides = [1, 1]} : vector<512x768xf32> to vector<512x256xf32>
    %mul3A_26 = arith.mulf %slice3A, %slice3A : vector<512x256xf32>
    %reduce_sum3A_27 = arith.constant dense<0.000000e+00> : vector<512xf32>
    %reduce_sum3A_28 = vector.multi_reduction <add>, %mul3A_26, %reduce_sum3A_27 [1] : vector<512x256xf32> to vector<512xf32>
    %broadcast_in_dim3A = vector.shape_cast %reduce_sum3A_28 : vector<512xf32> to vector<512x1xf32>
    %dot_general3A_29 = arith.constant dense<0.000000e+00> : vector<512x1024xf32>
    %dot_general3A_30 = tpu.matmul %slice3A, %get3A_24, %dot_general3A_29 {dimension_numbers = #tpu.dot_dimension_numbers<[1], [1], [0], [0], [0, 0, 1, 0], [], []>, transpose_lhs_hint = false} : vector<512x256xf32>, vector<1024x256xf32>, vector<512x1024xf32> -> vector<512x1024xf32>
    %broadcast_in_dim3A_31 = vector.shape_cast %reduce_sum3A_25 : vector<1024xf32> to vector<1x1024xf32>
    %add3A_32 = vector.broadcast %broadcast_in_dim3A : vector<512x1xf32> to vector<512x1024xf32>
    %add3A_33 = vector.broadcast %broadcast_in_dim3A_31 : vector<1x1024xf32> to vector<512x1024xf32>
    %add3A_34 = arith.addf %add3A_32, %add3A_33 : vector<512x1024xf32>
    %mul3A_35 = arith.constant 2.000000e+00 : f32
    %mul3A_36 = vector.broadcast %mul3A_35 : f32 to vector<512x1024xf32>
    %mul3A_37 = arith.mulf %mul3A_36, %dot_general3A_30 : vector<512x1024xf32>
    %sub3A = arith.subf %add3A_34, %mul3A_37 : vector<512x1024xf32>
    %reduce_min3A = arith.constant dense<0x7F800000> : vector<512xf32>
    %reduce_min3A_38 = vector.multi_reduction <minimumf>, %sub3A, %reduce_min3A [1] : vector<512x1024xf32> to vector<512xf32>
    %broadcast_in_dim3A_39 = vector.shape_cast %reduce_min3A_38 : vector<512xf32> to vector<512x1xf32>
    %iota3A = tpu.iota {dimensions = array<i32: 1>} : vector<512x1024xi32>
    %eq3A = vector.broadcast %broadcast_in_dim3A_39 : vector<512x1xf32> to vector<512x1024xf32>
    %eq3A_40 = arith.cmpf oeq, %sub3A, %eq3A : vector<512x1024xf32>
    %jit3A = arith.constant 1024 : i32
    %broadcast_in_dim3A_41 = vector.broadcast %jit3A : i32 to vector<512x1024xi32>
    %select_n3A = arith.select %eq3A_40, %iota3A, %broadcast_in_dim3A_41 : vector<512x1024xi1>, vector<512x1024xi32>
    %reduce_min3A_42 = arith.constant dense<2147483647> : vector<512xi32>
    %reduce_min3A_43 = vector.multi_reduction <minsi>, %select_n3A, %reduce_min3A_42 [1] : vector<512x1024xi32> to vector<512xi32>
    %broadcast_in_dim3A_44 = vector.shape_cast %reduce_min3A_43 : vector<512xi32> to vector<512x1xi32>
    %reduce_sum3A_45 = vector.shape_cast %broadcast_in_dim3A_39 : vector<512x1xf32> to vector<1x512x1xf32>
    %reduce_sum3A_46 = arith.constant dense<0.000000e+00> : vector<1xf32>
    %reduce_sum3A_47 = vector.multi_reduction <add>, %reduce_sum3A_45, %reduce_sum3A_46 [1, 2] : vector<1x512x1xf32> to vector<1xf32>
    %reduce_sum3A_48 = vector.shape_cast %reduce_sum3A_47 : vector<1xf32> to vector<1x1x1xf32>
    %reduce_sum3A_49 = vector.extract %reduce_sum3A_48[0, 0, 0] : f32 from vector<1x1x1xf32>
    %add3A_50 = arith.constant 0.000000e+00 : f32
    %add3A_51 = arith.addf %add3A_50, %reduce_sum3A_49 : f32
    %slice3A_52 = vector.extract_strided_slice %add3A_21 {offsets = [0, 256], sizes = [512, 256], strides = [1, 1]} : vector<512x768xf32> to vector<512x256xf32>
    %mul3A_53 = arith.mulf %slice3A_52, %slice3A_52 : vector<512x256xf32>
    %reduce_sum3A_54 = arith.constant dense<0.000000e+00> : vector<512xf32>
    %reduce_sum3A_55 = vector.multi_reduction <add>, %mul3A_53, %reduce_sum3A_54 [1] : vector<512x256xf32> to vector<512xf32>
    %broadcast_in_dim3A_56 = vector.shape_cast %reduce_sum3A_55 : vector<512xf32> to vector<512x1xf32>
    %dot_general3A_57 = arith.constant dense<0.000000e+00> : vector<512x1024xf32>
    %dot_general3A_58 = tpu.matmul %slice3A_52, %get3A_24, %dot_general3A_57 {dimension_numbers = #tpu.dot_dimension_numbers<[1], [1], [0], [0], [0, 0, 1, 0], [], []>, transpose_lhs_hint = false} : vector<512x256xf32>, vector<1024x256xf32>, vector<512x1024xf32> -> vector<512x1024xf32>
    %broadcast_in_dim3A_59 = vector.shape_cast %reduce_sum3A_25 : vector<1024xf32> to vector<1x1024xf32>
    %add3A_60 = vector.broadcast %broadcast_in_dim3A_56 : vector<512x1xf32> to vector<512x1024xf32>
    %add3A_61 = vector.broadcast %broadcast_in_dim3A_59 : vector<1x1024xf32> to vector<512x1024xf32>
    %add3A_62 = arith.addf %add3A_60, %add3A_61 : vector<512x1024xf32>
    %mul3A_63 = arith.constant 2.000000e+00 : f32
    %mul3A_64 = vector.broadcast %mul3A_63 : f32 to vector<512x1024xf32>
    %mul3A_65 = arith.mulf %mul3A_64, %dot_general3A_58 : vector<512x1024xf32>
    %sub3A_66 = arith.subf %add3A_62, %mul3A_65 : vector<512x1024xf32>
    %reduce_min3A_67 = arith.constant dense<0x7F800000> : vector<512xf32>
    %reduce_min3A_68 = vector.multi_reduction <minimumf>, %sub3A_66, %reduce_min3A_67 [1] : vector<512x1024xf32> to vector<512xf32>
    %broadcast_in_dim3A_69 = vector.shape_cast %reduce_min3A_68 : vector<512xf32> to vector<512x1xf32>
    %iota3A_70 = tpu.iota {dimensions = array<i32: 1>} : vector<512x1024xi32>
    %eq3A_71 = vector.broadcast %broadcast_in_dim3A_69 : vector<512x1xf32> to vector<512x1024xf32>
    %eq3A_72 = arith.cmpf oeq, %sub3A_66, %eq3A_71 : vector<512x1024xf32>
    %jit3A_73 = arith.constant 1024 : i32
    %broadcast_in_dim3A_74 = vector.broadcast %jit3A_73 : i32 to vector<512x1024xi32>
    %select_n3A_75 = arith.select %eq3A_72, %iota3A_70, %broadcast_in_dim3A_74 : vector<512x1024xi1>, vector<512x1024xi32>
    %reduce_min3A_76 = arith.constant dense<2147483647> : vector<512xi32>
    %reduce_min3A_77 = vector.multi_reduction <minsi>, %select_n3A_75, %reduce_min3A_76 [1] : vector<512x1024xi32> to vector<512xi32>
    %broadcast_in_dim3A_78 = vector.shape_cast %reduce_min3A_77 : vector<512xi32> to vector<512x1xi32>
    %reduce_sum3A_79 = vector.shape_cast %broadcast_in_dim3A_69 : vector<512x1xf32> to vector<1x512x1xf32>
    %reduce_sum3A_80 = arith.constant dense<0.000000e+00> : vector<1xf32>
    %reduce_sum3A_81 = vector.multi_reduction <add>, %reduce_sum3A_79, %reduce_sum3A_80 [1, 2] : vector<1x512x1xf32> to vector<1xf32>
    %reduce_sum3A_82 = vector.shape_cast %reduce_sum3A_81 : vector<1xf32> to vector<1x1x1xf32>
    %reduce_sum3A_83 = vector.extract %reduce_sum3A_82[0, 0, 0] : f32 from vector<1x1x1xf32>
    %add3A_84 = arith.addf %add3A_51, %reduce_sum3A_83 : f32
    %slice3A_85 = vector.extract_strided_slice %add3A_21 {offsets = [0, 512], sizes = [512, 256], strides = [1, 1]} : vector<512x768xf32> to vector<512x256xf32>
    %mul3A_86 = arith.mulf %slice3A_85, %slice3A_85 : vector<512x256xf32>
    %reduce_sum3A_87 = arith.constant dense<0.000000e+00> : vector<512xf32>
    %reduce_sum3A_88 = vector.multi_reduction <add>, %mul3A_86, %reduce_sum3A_87 [1] : vector<512x256xf32> to vector<512xf32>
    %broadcast_in_dim3A_89 = vector.shape_cast %reduce_sum3A_88 : vector<512xf32> to vector<512x1xf32>
    %dot_general3A_90 = arith.constant dense<0.000000e+00> : vector<512x1024xf32>
    %dot_general3A_91 = tpu.matmul %slice3A_85, %get3A_24, %dot_general3A_90 {dimension_numbers = #tpu.dot_dimension_numbers<[1], [1], [0], [0], [0, 0, 1, 0], [], []>, transpose_lhs_hint = false} : vector<512x256xf32>, vector<1024x256xf32>, vector<512x1024xf32> -> vector<512x1024xf32>
    %broadcast_in_dim3A_92 = vector.shape_cast %reduce_sum3A_25 : vector<1024xf32> to vector<1x1024xf32>
    %add3A_93 = vector.broadcast %broadcast_in_dim3A_89 : vector<512x1xf32> to vector<512x1024xf32>
    %add3A_94 = vector.broadcast %broadcast_in_dim3A_92 : vector<1x1024xf32> to vector<512x1024xf32>
    %add3A_95 = arith.addf %add3A_93, %add3A_94 : vector<512x1024xf32>
    %mul3A_96 = arith.constant 2.000000e+00 : f32
    %mul3A_97 = vector.broadcast %mul3A_96 : f32 to vector<512x1024xf32>
    %mul3A_98 = arith.mulf %mul3A_97, %dot_general3A_91 : vector<512x1024xf32>
    %sub3A_99 = arith.subf %add3A_95, %mul3A_98 : vector<512x1024xf32>
    %reduce_min3A_100 = arith.constant dense<0x7F800000> : vector<512xf32>
    %reduce_min3A_101 = vector.multi_reduction <minimumf>, %sub3A_99, %reduce_min3A_100 [1] : vector<512x1024xf32> to vector<512xf32>
    %broadcast_in_dim3A_102 = vector.shape_cast %reduce_min3A_101 : vector<512xf32> to vector<512x1xf32>
    %iota3A_103 = tpu.iota {dimensions = array<i32: 1>} : vector<512x1024xi32>
    %eq3A_104 = vector.broadcast %broadcast_in_dim3A_102 : vector<512x1xf32> to vector<512x1024xf32>
    %eq3A_105 = arith.cmpf oeq, %sub3A_99, %eq3A_104 : vector<512x1024xf32>
    %jit3A_106 = arith.constant 1024 : i32
    %broadcast_in_dim3A_107 = vector.broadcast %jit3A_106 : i32 to vector<512x1024xi32>
    %select_n3A_108 = arith.select %eq3A_105, %iota3A_103, %broadcast_in_dim3A_107 : vector<512x1024xi1>, vector<512x1024xi32>
    %reduce_min3A_109 = arith.constant dense<2147483647> : vector<512xi32>
    %reduce_min3A_110 = vector.multi_reduction <minsi>, %select_n3A_108, %reduce_min3A_109 [1] : vector<512x1024xi32> to vector<512xi32>
    %broadcast_in_dim3A_111 = vector.shape_cast %reduce_min3A_110 : vector<512xi32> to vector<512x1xi32>
    %reduce_sum3A_112 = vector.shape_cast %broadcast_in_dim3A_102 : vector<512x1xf32> to vector<1x512x1xf32>
    %reduce_sum3A_113 = arith.constant dense<0.000000e+00> : vector<1xf32>
    %reduce_sum3A_114 = vector.multi_reduction <add>, %reduce_sum3A_112, %reduce_sum3A_113 [1, 2] : vector<1x512x1xf32> to vector<1xf32>
    %reduce_sum3A_115 = vector.shape_cast %reduce_sum3A_114 : vector<1xf32> to vector<1x1x1xf32>
    %reduce_sum3A_116 = vector.extract %reduce_sum3A_115[0, 0, 0] : f32 from vector<1x1x1xf32>
    %add3A_117 = arith.addf %add3A_84, %reduce_sum3A_116 : f32
    %concatenate3A = tpu.concatenate %broadcast_in_dim3A_44, %broadcast_in_dim3A_78, %broadcast_in_dim3A_111 in 1 : vector<512x1xi32>, vector<512x1xi32>, vector<512x1xi32> -> vector<512x3xi32>
    %swap3A = arith.constant 0 : index
    %swap3A_118 = arith.constant 0 : index
    %swap3A_119 = vector.load %arg7[%swap3A, %swap3A_118] : memref<512x3xi32, #tpu.memory_space<vmem>>, vector<512x3xi32>
    tpu.vector_store %arg7[%swap3A, %swap3A_118], %concatenate3A {strides = array<i32>} : memref<512x3xi32, #tpu.memory_space<vmem>>, vector<512x3xi32>,
    %eq3A_120 = arith.constant 0 : i32
    %eq3A_121 = arith.cmpi eq, %arg0, %eq3A_120 : i32
    %convert_element_type3A = arith.extui %eq3A_121 : i1 to i32
    %cond3A = arith.constant 0 : i32
    %cond3A_122 = arith.cmpi ne, %convert_element_type3A, %cond3A : i32
    scf.if %cond3A_122 {
      %swap3A_130 = arith.constant 0.000000e+00 : f32
      %swap3A_131 = arith.constant 0 : index
      %swap3A_132 = arith.constant 0 : index
      %swap3A_133 = memref.load %arg8[%swap3A_131, %swap3A_132] : memref<1x1xf32, #tpu.memory_space<smem>>
      memref.store %swap3A_130, %arg8[%swap3A_131, %swap3A_132] : memref<1x1xf32, #tpu.memory_space<smem>>
    } else {
    }
    %get3A_123 = arith.constant 0 : index
    %get3A_124 = arith.constant 0 : index
    %get3A_125 = memref.load %arg8[%get3A_123, %get3A_124] : memref<1x1xf32, #tpu.memory_space<smem>>
    %add3A_126 = arith.addf %get3A_125, %add3A_117 : f32
    %swap3A_127 = arith.constant 0 : index
    %swap3A_128 = arith.constant 0 : index
    %swap3A_129 = memref.load %arg8[%swap3A_127, %swap3A_128] : memref<1x1xf32, #tpu.memory_space<smem>>
    memref.store %add3A_126, %arg8[%swap3A_127, %swap3A_128] : memref<1x1xf32, #tpu.memory_space<smem>>
    return
  }
  func.func @transform_0(%arg0: i32) -> (i32, i32) {
    %add3A = arith.constant 0 : i32
    %add3A_0 = arith.addi %add3A, %arg0 : i32
    %c0_i32 = arith.constant 0 : i32
    %c0_i32_1 = arith.constant 0 : i32
    return %add3A_0, %c0_i32 : i32, i32
  }
  func.func @transform_1(%arg0: i32) -> (i32, i32) {
    %c0_i32 = arith.constant 0 : i32
    %c0_i32_0 = arith.constant 0 : i32
    %c0_i32_1 = arith.constant 0 : i32
    return %c0_i32, %c0_i32_0 : i32, i32
  }
  func.func @transform_2(%arg0: i32) -> (i32, i32) {
    %c0_i32 = arith.constant 0 : i32
    %c0_i32_0 = arith.constant 0 : i32
    %c0_i32_1 = arith.constant 0 : i32
    return %c0_i32, %c0_i32_0 : i32, i32
  }
  func.func @transform_3(%arg0: i32) -> (i32, i32) {
    %c0_i32 = arith.constant 0 : i32
    %c0_i32_0 = arith.constant 0 : i32
    %c0_i32_1 = arith.constant 0 : i32
    return %c0_i32, %c0_i32_0 : i32, i32
  }
  func.func @transform_4(%arg0: i32) -> (i32, i32) {
    %c0_i32 = arith.constant 0 : i32
    %c0_i32_0 = arith.constant 0 : i32
    %c0_i32_1 = arith.constant 0 : i32
    return %c0_i32, %c0_i32_0 : i32, i32
  }
  func.func @transform_5(%arg0: i32) -> (i32, i32) {
    %c0_i32 = arith.constant 0 : i32
    %c0_i32_0 = arith.constant 0 : i32
    %c0_i32_1 = arith.constant 0 : i32
    return %c0_i32, %c0_i32_0 : i32, i32
  }
  func.func @transform_6(%arg0: i32) -> (i32, i32) {
    %c0_i32 = arith.constant 0 : i32
    %c0_i32_0 = arith.constant 0 : i32
    return %arg0, %c0_i32 : i32, i32
  }
  func.func @transform_7(%arg0: i32) -> (i32, i32) {
    %c0_i32 = arith.constant 0 : i32
    %c0_i32_0 = arith.constant 0 : i32
    %c0_i32_1 = arith.constant 0 : i32
    return %c0_i32, %c0_i32_0 : i32, i32
  }
}

module attributes {stable_mosaic.version = 14 : i64} {
  func.func @_vq_body(%arg0: i32, %arg1: memref<512x256xf32, #tpu.memory_space<vmem>>, %arg2: memref<256x256xf32, #tpu.memory_space<vmem>>, %arg3: memref<1x256xf32, #tpu.memory_space<vmem>>, %arg4: memref<256x768xf32, #tpu.memory_space<vmem>>, %arg5: memref<1x768xf32, #tpu.memory_space<vmem>>, %arg6: memref<512x256xf32, #tpu.memory_space<vmem>>, %arg7: memref<512x3xi32, #tpu.memory_space<vmem>>, %arg8: memref<1x1xf32, #tpu.memory_space<smem>>) attributes {dimension_semantics = [#tpu.dimension_semantics<arbitrary>], iteration_bounds = array<i64: 8>, scalar_prefetch = 0 : i64, scratch_operands = 0 : i64, tpu.core_type = #tpu.core_type<tc>, window_params = [{transform_indices = @transform_0, window_bounds = array<i64: 512, 256>}, {pipeline_mode = #tpu.pipeline_mode<synchronous>, transform_indices = @transform_1, window_bounds = array<i64: 256, 256>}, {pipeline_mode = #tpu.pipeline_mode<synchronous>, transform_indices = @transform_2, window_bounds = array<i64: 1, 256>}, {pipeline_mode = #tpu.pipeline_mode<synchronous>, transform_indices = @transform_3, window_bounds = array<i64: 256, 768>}, {pipeline_mode = #tpu.pipeline_mode<synchronous>, transform_indices = @transform_4, window_bounds = array<i64: 1, 768>}, {pipeline_mode = #tpu.pipeline_mode<synchronous>, transform_indices = @transform_5, window_bounds = array<i64: 512, 256>}, {transform_indices = @transform_6, window_bounds = array<i64: 512, 3>}, {transform_indices = @transform_7, window_bounds = array<i64: 1, 1>}]} {
    %get3A = arith.constant 0 : index
    %get3A_0 = arith.constant 0 : index
    %get3A_1 = vector.load %arg1[%get3A, %get3A_0] : memref<512x256xf32, #tpu.memory_space<vmem>>, vector<512x256xf32>
    %get3A_2 = arith.constant 0 : index
    %get3A_3 = arith.constant 0 : index
    %get3A_4 = vector.load %arg2[%get3A_2, %get3A_3] : memref<256x256xf32, #tpu.memory_space<vmem>>, vector<256x256xf32>
    %dot_general3A = arith.constant dense<0.000000e+00> : vector<512x256xf32>
    %dot_general3A_5 = tpu.matmul %get3A_1, %get3A_4, %dot_general3A {dimension_numbers = #tpu.dot_dimension_numbers<[1], [0], [0], [1], [0, 0, 1, 1], [], []>, transpose_lhs_hint = false} : vector<512x256xf32>, vector<256x256xf32>, vector<512x256xf32> -> vector<512x256xf32>
    %get3A_6 = arith.constant 0 : index
    %get3A_7 = arith.constant 0 : index
    %get3A_8 = vector.load %arg3[%get3A_6, %get3A_7] : memref<1x256xf32, #tpu.memory_space<vmem>>, vector<1x256xf32>
    %add3A = vector.broadcast %get3A_8 : vector<1x256xf32> to vector<512x256xf32>
    %add3A_9 = arith.addf %dot_general3A_5, %add3A : vector<512x256xf32>
    %max3A = arith.constant 0.000000e+00 : f32
    %max3A_10 = vector.broadcast %max3A : f32 to vector<512x256xf32>
    %max3A_11 = arith.maximumf %add3A_9, %max3A_10 : vector<512x256xf32>
    %get3A_12 = arith.constant 0 : index
    %get3A_13 = arith.constant 0 : index
    %get3A_14 = vector.load %arg4[%get3A_12, %get3A_13] : memref<256x768xf32, #tpu.memory_space<vmem>>, vector<256x768xf32>
    %dot_general3A_15 = arith.constant dense<0.000000e+00> : vector<512x768xf32>
    %dot_general3A_16 = tpu.matmul %max3A_11, %get3A_14, %dot_general3A_15 {dimension_numbers = #tpu.dot_dimension_numbers<[1], [0], [0], [1], [0, 0, 1, 1], [], []>, transpose_lhs_hint = false} : vector<512x256xf32>, vector<256x768xf32>, vector<512x768xf32> -> vector<512x768xf32>
    %get3A_17 = arith.constant 0 : index
    %get3A_18 = arith.constant 0 : index
    %get3A_19 = vector.load %arg5[%get3A_17, %get3A_18] : memref<1x768xf32, #tpu.memory_space<vmem>>, vector<1x768xf32>
    %add3A_20 = vector.broadcast %get3A_19 : vector<1x768xf32> to vector<512x768xf32>
    %add3A_21 = arith.addf %dot_general3A_16, %add3A_20 : vector<512x768xf32>
    %get3A_22 = arith.constant 0 : index
    %get3A_23 = arith.constant 0 : index
    %get3A_24 = vector.load %arg6[%get3A_22, %get3A_23] : memref<512x256xf32, #tpu.memory_space<vmem>>, vector<512x256xf32>
    %mul3A = arith.mulf %get3A_24, %get3A_24 : vector<512x256xf32>
    %reduce_sum3A = arith.constant dense<0.000000e+00> : vector<512xf32>
    %reduce_sum3A_25 = vector.multi_reduction <add>, %mul3A, %reduce_sum3A [1] : vector<512x256xf32> to vector<512xf32>
    %slice3A = vector.extract_strided_slice %add3A_21 {offsets = [0, 0], sizes = [512, 256], strides = [1, 1]} : vector<512x768xf32> to vector<512x256xf32>
    %mul3A_26 = arith.mulf %slice3A, %slice3A : vector<512x256xf32>
    %reduce_sum3A_27 = arith.constant dense<0.000000e+00> : vector<512xf32>
    %reduce_sum3A_28 = vector.multi_reduction <add>, %mul3A_26, %reduce_sum3A_27 [1] : vector<512x256xf32> to vector<512xf32>
    %broadcast_in_dim3A = vector.shape_cast %reduce_sum3A_28 : vector<512xf32> to vector<512x1xf32>
    %dot_general3A_29 = arith.constant dense<0.000000e+00> : vector<512x512xf32>
    %dot_general3A_30 = tpu.matmul %slice3A, %get3A_24, %dot_general3A_29 {dimension_numbers = #tpu.dot_dimension_numbers<[1], [1], [0], [0], [0, 0, 1, 0], [], []>, transpose_lhs_hint = false} : vector<512x256xf32>, vector<512x256xf32>, vector<512x512xf32> -> vector<512x512xf32>
    %broadcast_in_dim3A_31 = vector.shape_cast %reduce_sum3A_25 : vector<512xf32> to vector<1x512xf32>
    %add3A_32 = vector.broadcast %broadcast_in_dim3A : vector<512x1xf32> to vector<512x512xf32>
    %add3A_33 = vector.broadcast %broadcast_in_dim3A_31 : vector<1x512xf32> to vector<512x512xf32>
    %add3A_34 = arith.addf %add3A_32, %add3A_33 : vector<512x512xf32>
    %mul3A_35 = arith.constant 2.000000e+00 : f32
    %mul3A_36 = vector.broadcast %mul3A_35 : f32 to vector<512x512xf32>
    %mul3A_37 = arith.mulf %mul3A_36, %dot_general3A_30 : vector<512x512xf32>
    %sub3A = arith.subf %add3A_34, %mul3A_37 : vector<512x512xf32>
    %reduce_min3A = arith.constant dense<0x7F800000> : vector<512xf32>
    %reduce_min3A_38 = vector.multi_reduction <minimumf>, %sub3A, %reduce_min3A [1] : vector<512x512xf32> to vector<512xf32>
    %broadcast_in_dim3A_39 = vector.shape_cast %reduce_min3A_38 : vector<512xf32> to vector<512x1xf32>
    %iota3A = tpu.iota {dimensions = array<i32: 1>} : vector<512x512xi32>
    %eq3A = vector.broadcast %broadcast_in_dim3A_39 : vector<512x1xf32> to vector<512x512xf32>
    %eq3A_40 = arith.cmpf oeq, %sub3A, %eq3A : vector<512x512xf32>
    %jit3A = arith.constant 512 : i32
    %broadcast_in_dim3A_41 = vector.broadcast %jit3A : i32 to vector<512x512xi32>
    %select_n3A = arith.select %eq3A_40, %iota3A, %broadcast_in_dim3A_41 : vector<512x512xi1>, vector<512x512xi32>
    %reduce_min3A_42 = arith.constant dense<2147483647> : vector<512xi32>
    %reduce_min3A_43 = vector.multi_reduction <minsi>, %select_n3A, %reduce_min3A_42 [1] : vector<512x512xi32> to vector<512xi32>
    %broadcast_in_dim3A_44 = vector.shape_cast %reduce_min3A_43 : vector<512xi32> to vector<512x1xi32>
    %reduce_sum3A_45 = vector.shape_cast %broadcast_in_dim3A_39 : vector<512x1xf32> to vector<1x512x1xf32>
    %reduce_sum3A_46 = arith.constant dense<0.000000e+00> : vector<1xf32>
    %reduce_sum3A_47 = vector.multi_reduction <add>, %reduce_sum3A_45, %reduce_sum3A_46 [1, 2] : vector<1x512x1xf32> to vector<1xf32>
    %reduce_sum3A_48 = vector.shape_cast %reduce_sum3A_47 : vector<1xf32> to vector<1x1x1xf32>
    %reduce_sum3A_49 = vector.extract %reduce_sum3A_48[0, 0, 0] : f32 from vector<1x1x1xf32>
    %add3A_50 = arith.constant 0.000000e+00 : f32
    %add3A_51 = arith.addf %add3A_50, %reduce_sum3A_49 : f32
    %slice3A_52 = vector.extract_strided_slice %add3A_21 {offsets = [0, 256], sizes = [512, 256], strides = [1, 1]} : vector<512x768xf32> to vector<512x256xf32>
    %mul3A_53 = arith.mulf %slice3A_52, %slice3A_52 : vector<512x256xf32>
    %reduce_sum3A_54 = arith.constant dense<0.000000e+00> : vector<512xf32>
    %reduce_sum3A_55 = vector.multi_reduction <add>, %mul3A_53, %reduce_sum3A_54 [1] : vector<512x256xf32> to vector<512xf32>
    %broadcast_in_dim3A_56 = vector.shape_cast %reduce_sum3A_55 : vector<512xf32> to vector<512x1xf32>
    %dot_general3A_57 = arith.constant dense<0.000000e+00> : vector<512x512xf32>
    %dot_general3A_58 = tpu.matmul %slice3A_52, %get3A_24, %dot_general3A_57 {dimension_numbers = #tpu.dot_dimension_numbers<[1], [1], [0], [0], [0, 0, 1, 0], [], []>, transpose_lhs_hint = false} : vector<512x256xf32>, vector<512x256xf32>, vector<512x512xf32> -> vector<512x512xf32>
    %broadcast_in_dim3A_59 = vector.shape_cast %reduce_sum3A_25 : vector<512xf32> to vector<1x512xf32>
    %add3A_60 = vector.broadcast %broadcast_in_dim3A_56 : vector<512x1xf32> to vector<512x512xf32>
    %add3A_61 = vector.broadcast %broadcast_in_dim3A_59 : vector<1x512xf32> to vector<512x512xf32>
    %add3A_62 = arith.addf %add3A_60, %add3A_61 : vector<512x512xf32>
    %mul3A_63 = arith.constant 2.000000e+00 : f32
    %mul3A_64 = vector.broadcast %mul3A_63 : f32 to vector<512x512xf32>
    %mul3A_65 = arith.mulf %mul3A_64, %dot_general3A_58 : vector<512x512xf32>
    %sub3A_66 = arith.subf %add3A_62, %mul3A_65 : vector<512x512xf32>
    %reduce_min3A_67 = arith.constant dense<0x7F800000> : vector<512xf32>
    %reduce_min3A_68 = vector.multi_reduction <minimumf>, %sub3A_66, %reduce_min3A_67 [1] : vector<512x512xf32> to vector<512xf32>
    %broadcast_in_dim3A_69 = vector.shape_cast %reduce_min3A_68 : vector<512xf32> to vector<512x1xf32>
    %iota3A_70 = tpu.iota {dimensions = array<i32: 1>} : vector<512x512xi32>
    %eq3A_71 = vector.broadcast %broadcast_in_dim3A_69 : vector<512x1xf32> to vector<512x512xf32>
    %eq3A_72 = arith.cmpf oeq, %sub3A_66, %eq3A_71 : vector<512x512xf32>
    %jit3A_73 = arith.constant 512 : i32
    %broadcast_in_dim3A_74 = vector.broadcast %jit3A_73 : i32 to vector<512x512xi32>
    %select_n3A_75 = arith.select %eq3A_72, %iota3A_70, %broadcast_in_dim3A_74 : vector<512x512xi1>, vector<512x512xi32>
    %reduce_min3A_76 = arith.constant dense<2147483647> : vector<512xi32>
    %reduce_min3A_77 = vector.multi_reduction <minsi>, %select_n3A_75, %reduce_min3A_76 [1] : vector<512x512xi32> to vector<512xi32>
    %broadcast_in_dim3A_78 = vector.shape_cast %reduce_min3A_77 : vector<512xi32> to vector<512x1xi32>
    %reduce_sum3A_79 = vector.shape_cast %broadcast_in_dim3A_69 : vector<512x1xf32> to vector<1x512x1xf32>
    %reduce_sum3A_80 = arith.constant dense<0.000000e+00> : vector<1xf32>
    %reduce_sum3A_81 = vector.multi_reduction <add>, %reduce_sum3A_79, %reduce_sum3A_80 [1, 2] : vector<1x512x1xf32> to vector<1xf32>
    %reduce_sum3A_82 = vector.shape_cast %reduce_sum3A_81 : vector<1xf32> to vector<1x1x1xf32>
    %reduce_sum3A_83 = vector.extract %reduce_sum3A_82[0, 0, 0] : f32 from vector<1x1x1xf32>
    %add3A_84 = arith.addf %add3A_51, %reduce_sum3A_83 : f32
    %slice3A_85 = vector.extract_strided_slice %add3A_21 {offsets = [0, 512], sizes = [512, 256], strides = [1, 1]} : vector<512x768xf32> to vector<512x256xf32>
    %mul3A_86 = arith.mulf %slice3A_85, %slice3A_85 : vector<512x256xf32>
    %reduce_sum3A_87 = arith.constant dense<0.000000e+00> : vector<512xf32>
    %reduce_sum3A_88 = vector.multi_reduction <add>, %mul3A_86, %reduce_sum3A_87 [1] : vector<512x256xf32> to vector<512xf32>
    %broadcast_in_dim3A_89 = vector.shape_cast %reduce_sum3A_88 : vector<512xf32> to vector<512x1xf32>
    %dot_general3A_90 = arith.constant dense<0.000000e+00> : vector<512x512xf32>
    %dot_general3A_91 = tpu.matmul %slice3A_85, %get3A_24, %dot_general3A_90 {dimension_numbers = #tpu.dot_dimension_numbers<[1], [1], [0], [0], [0, 0, 1, 0], [], []>, transpose_lhs_hint = false} : vector<512x256xf32>, vector<512x256xf32>, vector<512x512xf32> -> vector<512x512xf32>
    %broadcast_in_dim3A_92 = vector.shape_cast %reduce_sum3A_25 : vector<512xf32> to vector<1x512xf32>
    %add3A_93 = vector.broadcast %broadcast_in_dim3A_89 : vector<512x1xf32> to vector<512x512xf32>
    %add3A_94 = vector.broadcast %broadcast_in_dim3A_92 : vector<1x512xf32> to vector<512x512xf32>
    %add3A_95 = arith.addf %add3A_93, %add3A_94 : vector<512x512xf32>
    %mul3A_96 = arith.constant 2.000000e+00 : f32
    %mul3A_97 = vector.broadcast %mul3A_96 : f32 to vector<512x512xf32>
    %mul3A_98 = arith.mulf %mul3A_97, %dot_general3A_91 : vector<512x512xf32>
    %sub3A_99 = arith.subf %add3A_95, %mul3A_98 : vector<512x512xf32>
    %reduce_min3A_100 = arith.constant dense<0x7F800000> : vector<512xf32>
    %reduce_min3A_101 = vector.multi_reduction <minimumf>, %sub3A_99, %reduce_min3A_100 [1] : vector<512x512xf32> to vector<512xf32>
    %broadcast_in_dim3A_102 = vector.shape_cast %reduce_min3A_101 : vector<512xf32> to vector<512x1xf32>
    %iota3A_103 = tpu.iota {dimensions = array<i32: 1>} : vector<512x512xi32>
    %eq3A_104 = vector.broadcast %broadcast_in_dim3A_102 : vector<512x1xf32> to vector<512x512xf32>
    %eq3A_105 = arith.cmpf oeq, %sub3A_99, %eq3A_104 : vector<512x512xf32>
    %jit3A_106 = arith.constant 512 : i32
    %broadcast_in_dim3A_107 = vector.broadcast %jit3A_106 : i32 to vector<512x512xi32>
    %select_n3A_108 = arith.select %eq3A_105, %iota3A_103, %broadcast_in_dim3A_107 : vector<512x512xi1>, vector<512x512xi32>
    %reduce_min3A_109 = arith.constant dense<2147483647> : vector<512xi32>
    %reduce_min3A_110 = vector.multi_reduction <minsi>, %select_n3A_108, %reduce_min3A_109 [1] : vector<512x512xi32> to vector<512xi32>
    %broadcast_in_dim3A_111 = vector.shape_cast %reduce_min3A_110 : vector<512xi32> to vector<512x1xi32>
    %reduce_sum3A_112 = vector.shape_cast %broadcast_in_dim3A_102 : vector<512x1xf32> to vector<1x512x1xf32>
    %reduce_sum3A_113 = arith.constant dense<0.000000e+00> : vector<1xf32>
    %reduce_sum3A_114 = vector.multi_reduction <add>, %reduce_sum3A_112, %reduce_sum3A_113 [1, 2] : vector<1x512x1xf32> to vector<1xf32>
    %reduce_sum3A_115 = vector.shape_cast %reduce_sum3A_114 : vector<1xf32> to vector<1x1x1xf32>
    %reduce_sum3A_116 = vector.extract %reduce_sum3A_115[0, 0, 0] : f32 from vector<1x1x1xf32>
    %add3A_117 = arith.addf %add3A_84, %reduce_sum3A_116 : f32
    %concatenate3A = tpu.concatenate %broadcast_in_dim3A_44, %broadcast_in_dim3A_78, %broadcast_in_dim3A_111 in 1 : vector<512x1xi32>, vector<512x1xi32>, vector<512x1xi32> -> vector<512x3xi32>
    %swap3A = arith.constant 0 : index
    %swap3A_118 = arith.constant 0 : index
    %swap3A_119 = vector.load %arg7[%swap3A, %swap3A_118] : memref<512x3xi32, #tpu.memory_space<vmem>>, vector<512x3xi32>
    tpu.vector_store %arg7[%swap3A, %swap3A_118], %concatenate3A {strides = array<i32>} : memref<512x3xi32, #tpu.memory_space<vmem>>, vector<512x3xi32>,
    %eq3A_120 = arith.constant 0 : i32
    %eq3A_121 = arith.cmpi eq, %arg0, %eq3A_120 : i32
    %convert_element_type3A = arith.extui %eq3A_121 : i1 to i32
    %cond3A = arith.constant 0 : i32
    %cond3A_122 = arith.cmpi ne, %convert_element_type3A, %cond3A : i32
    scf.if %cond3A_122 {
      %swap3A_130 = arith.constant 0.000000e+00 : f32
      %swap3A_131 = arith.constant 0 : index
      %swap3A_132 = arith.constant 0 : index
      %swap3A_133 = memref.load %arg8[%swap3A_131, %swap3A_132] : memref<1x1xf32, #tpu.memory_space<smem>>
      memref.store %swap3A_130, %arg8[%swap3A_131, %swap3A_132] : memref<1x1xf32, #tpu.memory_space<smem>>
    } else {
    }
    %get3A_123 = arith.constant 0 : index
    %get3A_124 = arith.constant 0 : index
    %get3A_125 = memref.load %arg8[%get3A_123, %get3A_124] : memref<1x1xf32, #tpu.memory_space<smem>>
    %add3A_126 = arith.addf %get3A_125, %add3A_117 : f32
    %swap3A_127 = arith.constant 0 : index
    %swap3A_128 = arith.constant 0 : index
    %swap3A_129 = memref.load %arg8[%swap3A_127, %swap3A_128] : memref<1x1xf32, #tpu.memory_space<smem>>
    memref.store %add3A_126, %arg8[%swap3A_127, %swap3A_128] : memref<1x1xf32, #tpu.memory_space<smem>>
    return
  }
  func.func @transform_0(%arg0: i32) -> (i32, i32) {
    %add3A = arith.constant 0 : i32
    %add3A_0 = arith.addi %add3A, %arg0 : i32
    %c0_i32 = arith.constant 0 : i32
    %c0_i32_1 = arith.constant 0 : i32
    return %add3A_0, %c0_i32 : i32, i32
  }
  func.func @transform_1(%arg0: i32) -> (i32, i32) {
    %c0_i32 = arith.constant 0 : i32
    %c0_i32_0 = arith.constant 0 : i32
    %c0_i32_1 = arith.constant 0 : i32
    return %c0_i32, %c0_i32_0 : i32, i32
  }
  func.func @transform_2(%arg0: i32) -> (i32, i32) {
    %c0_i32 = arith.constant 0 : i32
    %c0_i32_0 = arith.constant 0 : i32
    %c0_i32_1 = arith.constant 0 : i32
    return %c0_i32, %c0_i32_0 : i32, i32
  }
  func.func @transform_3(%arg0: i32) -> (i32, i32) {
    %c0_i32 = arith.constant 0 : i32
    %c0_i32_0 = arith.constant 0 : i32
    %c0_i32_1 = arith.constant 0 : i32
    return %c0_i32, %c0_i32_0 : i32, i32
  }
  func.func @transform_4(%arg0: i32) -> (i32, i32) {
    %c0_i32 = arith.constant 0 : i32
    %c0_i32_0 = arith.constant 0 : i32
    %c0_i32_1 = arith.constant 0 : i32
    return %c0_i32, %c0_i32_0 : i32, i32
  }
  func.func @transform_5(%arg0: i32) -> (i32, i32) {
    %c0_i32 = arith.constant 0 : i32
    %c0_i32_0 = arith.constant 0 : i32
    %c0_i32_1 = arith.constant 0 : i32
    return %c0_i32, %c0_i32_0 : i32, i32
  }
  func.func @transform_6(%arg0: i32) -> (i32, i32) {
    %c0_i32 = arith.constant 0 : i32
    %c0_i32_0 = arith.constant 0 : i32
    return %arg0, %c0_i32 : i32, i32
  }
  func.func @transform_7(%arg0: i32) -> (i32, i32) {
    %c0_i32 = arith.constant 0 : i32
    %c0_i32_0 = arith.constant 0 : i32
    %c0_i32_1 = arith.constant 0 : i32
    return %c0_i32, %c0_i32_0 : i32, i32
  }
}

module attributes {stable_mosaic.version = 14 : i64} {
  func.func @_vq_body(%arg0: i32, %arg1: memref<512x256xf32, #tpu.memory_space<vmem>>, %arg2: memref<256x256xf32, #tpu.memory_space<vmem>>, %arg3: memref<1x256xf32, #tpu.memory_space<vmem>>, %arg4: memref<256x768xf32, #tpu.memory_space<vmem>>, %arg5: memref<1x768xf32, #tpu.memory_space<vmem>>, %arg6: memref<1024x256xf32, #tpu.memory_space<vmem>>, %arg7: memref<512x3xi32, #tpu.memory_space<vmem>>, %arg8: memref<1x1xf32, #tpu.memory_space<smem>>) attributes {dimension_semantics = [#tpu.dimension_semantics<arbitrary>], iteration_bounds = array<i64: 8>, scalar_prefetch = 0 : i64, scratch_operands = 0 : i64, tpu.core_type = #tpu.core_type<tc>, window_params = [{transform_indices = @transform_0, window_bounds = array<i64: 512, 256>}, {pipeline_mode = #tpu.pipeline_mode<synchronous>, transform_indices = @transform_1, window_bounds = array<i64: 256, 256>}, {pipeline_mode = #tpu.pipeline_mode<synchronous>, transform_indices = @transform_2, window_bounds = array<i64: 1, 256>}, {pipeline_mode = #tpu.pipeline_mode<synchronous>, transform_indices = @transform_3, window_bounds = array<i64: 256, 768>}, {pipeline_mode = #tpu.pipeline_mode<synchronous>, transform_indices = @transform_4, window_bounds = array<i64: 1, 768>}, {pipeline_mode = #tpu.pipeline_mode<synchronous>, transform_indices = @transform_5, window_bounds = array<i64: 1024, 256>}, {transform_indices = @transform_6, window_bounds = array<i64: 512, 3>}, {transform_indices = @transform_7, window_bounds = array<i64: 1, 1>}]} {
    %get3A = arith.constant 0 : index
    %get3A_0 = arith.constant 0 : index
    %get3A_1 = vector.load %arg1[%get3A, %get3A_0] : memref<512x256xf32, #tpu.memory_space<vmem>>, vector<512x256xf32>
    %get3A_2 = arith.constant 0 : index
    %get3A_3 = arith.constant 0 : index
    %get3A_4 = vector.load %arg2[%get3A_2, %get3A_3] : memref<256x256xf32, #tpu.memory_space<vmem>>, vector<256x256xf32>
    %dot_general3A = arith.constant dense<0.000000e+00> : vector<512x256xf32>
    %dot_general3A_5 = tpu.matmul %get3A_1, %get3A_4, %dot_general3A {dimension_numbers = #tpu.dot_dimension_numbers<[1], [0], [0], [1], [0, 0, 1, 1], [], []>, transpose_lhs_hint = false} : vector<512x256xf32>, vector<256x256xf32>, vector<512x256xf32> -> vector<512x256xf32>
    %get3A_6 = arith.constant 0 : index
    %get3A_7 = arith.constant 0 : index
    %get3A_8 = vector.load %arg3[%get3A_6, %get3A_7] : memref<1x256xf32, #tpu.memory_space<vmem>>, vector<1x256xf32>
    %add3A = vector.broadcast %get3A_8 : vector<1x256xf32> to vector<512x256xf32>
    %add3A_9 = arith.addf %dot_general3A_5, %add3A : vector<512x256xf32>
    %max3A = arith.constant 0.000000e+00 : f32
    %max3A_10 = vector.broadcast %max3A : f32 to vector<512x256xf32>
    %max3A_11 = arith.maximumf %add3A_9, %max3A_10 : vector<512x256xf32>
    %get3A_12 = arith.constant 0 : index
    %get3A_13 = arith.constant 0 : index
    %get3A_14 = vector.load %arg4[%get3A_12, %get3A_13] : memref<256x768xf32, #tpu.memory_space<vmem>>, vector<256x768xf32>
    %dot_general3A_15 = arith.constant dense<0.000000e+00> : vector<512x768xf32>
    %dot_general3A_16 = tpu.matmul %max3A_11, %get3A_14, %dot_general3A_15 {dimension_numbers = #tpu.dot_dimension_numbers<[1], [0], [0], [1], [0, 0, 1, 1], [], []>, transpose_lhs_hint = false} : vector<512x256xf32>, vector<256x768xf32>, vector<512x768xf32> -> vector<512x768xf32>
    %get3A_17 = arith.constant 0 : index
    %get3A_18 = arith.constant 0 : index
    %get3A_19 = vector.load %arg5[%get3A_17, %get3A_18] : memref<1x768xf32, #tpu.memory_space<vmem>>, vector<1x768xf32>
    %add3A_20 = vector.broadcast %get3A_19 : vector<1x768xf32> to vector<512x768xf32>
    %add3A_21 = arith.addf %dot_general3A_16, %add3A_20 : vector<512x768xf32>
    %get3A_22 = arith.constant 0 : index
    %get3A_23 = arith.constant 0 : index
    %get3A_24 = vector.load %arg6[%get3A_22, %get3A_23] : memref<1024x256xf32, #tpu.memory_space<vmem>>, vector<1024x256xf32>
    %mul3A = arith.mulf %get3A_24, %get3A_24 : vector<1024x256xf32>
    %reduce_sum3A = arith.constant dense<0.000000e+00> : vector<1024xf32>
    %reduce_sum3A_25 = vector.multi_reduction <add>, %mul3A, %reduce_sum3A [1] : vector<1024x256xf32> to vector<1024xf32>
    %slice3A = vector.extract_strided_slice %add3A_21 {offsets = [0, 0], sizes = [512, 256], strides = [1, 1]} : vector<512x768xf32> to vector<512x256xf32>
    %mul3A_26 = arith.mulf %slice3A, %slice3A : vector<512x256xf32>
    %reduce_sum3A_27 = arith.constant dense<0.000000e+00> : vector<512xf32>
    %reduce_sum3A_28 = vector.multi_reduction <add>, %mul3A_26, %reduce_sum3A_27 [1] : vector<512x256xf32> to vector<512xf32>
    %broadcast_in_dim3A = vector.shape_cast %reduce_sum3A_28 : vector<512xf32> to vector<512x1xf32>
    %dot_general3A_29 = arith.constant dense<0.000000e+00> : vector<512x1024xf32>
    %dot_general3A_30 = tpu.matmul %slice3A, %get3A_24, %dot_general3A_29 {dimension_numbers = #tpu.dot_dimension_numbers<[1], [1], [0], [0], [0, 0, 1, 0], [], []>, transpose_lhs_hint = false} : vector<512x256xf32>, vector<1024x256xf32>, vector<512x1024xf32> -> vector<512x1024xf32>
    %broadcast_in_dim3A_31 = vector.shape_cast %reduce_sum3A_25 : vector<1024xf32> to vector<1x1024xf32>
    %add3A_32 = vector.broadcast %broadcast_in_dim3A : vector<512x1xf32> to vector<512x1024xf32>
    %add3A_33 = vector.broadcast %broadcast_in_dim3A_31 : vector<1x1024xf32> to vector<512x1024xf32>
    %add3A_34 = arith.addf %add3A_32, %add3A_33 : vector<512x1024xf32>
    %mul3A_35 = arith.constant 2.000000e+00 : f32
    %mul3A_36 = vector.broadcast %mul3A_35 : f32 to vector<512x1024xf32>
    %mul3A_37 = arith.mulf %mul3A_36, %dot_general3A_30 : vector<512x1024xf32>
    %sub3A = arith.subf %add3A_34, %mul3A_37 : vector<512x1024xf32>
    %reduce_min3A = arith.constant dense<0x7F800000> : vector<512xf32>
    %reduce_min3A_38 = vector.multi_reduction <minimumf>, %sub3A, %reduce_min3A [1] : vector<512x1024xf32> to vector<512xf32>
    %broadcast_in_dim3A_39 = vector.shape_cast %reduce_min3A_38 : vector<512xf32> to vector<512x1xf32>
    %iota3A = tpu.iota {dimensions = array<i32: 1>} : vector<512x1024xi32>
    %eq3A = vector.broadcast %broadcast_in_dim3A_39 : vector<512x1xf32> to vector<512x1024xf32>
    %eq3A_40 = arith.cmpf oeq, %sub3A, %eq3A : vector<512x1024xf32>
    %jit3A = arith.constant 1024 : i32
    %broadcast_in_dim3A_41 = vector.broadcast %jit3A : i32 to vector<512x1024xi32>
    %select_n3A = arith.select %eq3A_40, %iota3A, %broadcast_in_dim3A_41 : vector<512x1024xi1>, vector<512x1024xi32>
    %reduce_min3A_42 = arith.constant dense<2147483647> : vector<512xi32>
    %reduce_min3A_43 = vector.multi_reduction <minsi>, %select_n3A, %reduce_min3A_42 [1] : vector<512x1024xi32> to vector<512xi32>
    %broadcast_in_dim3A_44 = vector.shape_cast %reduce_min3A_43 : vector<512xi32> to vector<512x1xi32>
    %reduce_sum3A_45 = vector.shape_cast %broadcast_in_dim3A_39 : vector<512x1xf32> to vector<1x512x1xf32>
    %reduce_sum3A_46 = arith.constant dense<0.000000e+00> : vector<1xf32>
    %reduce_sum3A_47 = vector.multi_reduction <add>, %reduce_sum3A_45, %reduce_sum3A_46 [1, 2] : vector<1x512x1xf32> to vector<1xf32>
    %reduce_sum3A_48 = vector.shape_cast %reduce_sum3A_47 : vector<1xf32> to vector<1x1x1xf32>
    %reduce_sum3A_49 = vector.extract %reduce_sum3A_48[0, 0, 0] : f32 from vector<1x1x1xf32>
    %add3A_50 = arith.constant 0.000000e+00 : f32
    %add3A_51 = arith.addf %add3A_50, %reduce_sum3A_49 : f32
    %slice3A_52 = vector.extract_strided_slice %add3A_21 {offsets = [0, 256], sizes = [512, 256], strides = [1, 1]} : vector<512x768xf32> to vector<512x256xf32>
    %mul3A_53 = arith.mulf %slice3A_52, %slice3A_52 : vector<512x256xf32>
    %reduce_sum3A_54 = arith.constant dense<0.000000e+00> : vector<512xf32>
    %reduce_sum3A_55 = vector.multi_reduction <add>, %mul3A_53, %reduce_sum3A_54 [1] : vector<512x256xf32> to vector<512xf32>
    %broadcast_in_dim3A_56 = vector.shape_cast %reduce_sum3A_55 : vector<512xf32> to vector<512x1xf32>
    %dot_general3A_57 = arith.constant dense<0.000000e+00> : vector<512x1024xf32>
    %dot_general3A_58 = tpu.matmul %slice3A_52, %get3A_24, %dot_general3A_57 {dimension_numbers = #tpu.dot_dimension_numbers<[1], [1], [0], [0], [0, 0, 1, 0], [], []>, transpose_lhs_hint = false} : vector<512x256xf32>, vector<1024x256xf32>, vector<512x1024xf32> -> vector<512x1024xf32>
    %broadcast_in_dim3A_59 = vector.shape_cast %reduce_sum3A_25 : vector<1024xf32> to vector<1x1024xf32>
    %add3A_60 = vector.broadcast %broadcast_in_dim3A_56 : vector<512x1xf32> to vector<512x1024xf32>
    %add3A_61 = vector.broadcast %broadcast_in_dim3A_59 : vector<1x1024xf32> to vector<512x1024xf32>
    %add3A_62 = arith.addf %add3A_60, %add3A_61 : vector<512x1024xf32>
    %mul3A_63 = arith.constant 2.000000e+00 : f32
    %mul3A_64 = vector.broadcast %mul3A_63 : f32 to vector<512x1024xf32>
    %mul3A_65 = arith.mulf %mul3A_64, %dot_general3A_58 : vector<512x1024xf32>
    %sub3A_66 = arith.subf %add3A_62, %mul3A_65 : vector<512x1024xf32>
    %reduce_min3A_67 = arith.constant dense<0x7F800000> : vector<512xf32>
    %reduce_min3A_68 = vector.multi_reduction <minimumf>, %sub3A_66, %reduce_min3A_67 [1] : vector<512x1024xf32> to vector<512xf32>
    %broadcast_in_dim3A_69 = vector.shape_cast %reduce_min3A_68 : vector<512xf32> to vector<512x1xf32>
    %iota3A_70 = tpu.iota {dimensions = array<i32: 1>} : vector<512x1024xi32>
    %eq3A_71 = vector.broadcast %broadcast_in_dim3A_69 : vector<512x1xf32> to vector<512x1024xf32>
    %eq3A_72 = arith.cmpf oeq, %sub3A_66, %eq3A_71 : vector<512x1024xf32>
    %jit3A_73 = arith.constant 1024 : i32
    %broadcast_in_dim3A_74 = vector.broadcast %jit3A_73 : i32 to vector<512x1024xi32>
    %select_n3A_75 = arith.select %eq3A_72, %iota3A_70, %broadcast_in_dim3A_74 : vector<512x1024xi1>, vector<512x1024xi32>
    %reduce_min3A_76 = arith.constant dense<2147483647> : vector<512xi32>
    %reduce_min3A_77 = vector.multi_reduction <minsi>, %select_n3A_75, %reduce_min3A_76 [1] : vector<512x1024xi32> to vector<512xi32>
    %broadcast_in_dim3A_78 = vector.shape_cast %reduce_min3A_77 : vector<512xi32> to vector<512x1xi32>
    %reduce_sum3A_79 = vector.shape_cast %broadcast_in_dim3A_69 : vector<512x1xf32> to vector<1x512x1xf32>
    %reduce_sum3A_80 = arith.constant dense<0.000000e+00> : vector<1xf32>
    %reduce_sum3A_81 = vector.multi_reduction <add>, %reduce_sum3A_79, %reduce_sum3A_80 [1, 2] : vector<1x512x1xf32> to vector<1xf32>
    %reduce_sum3A_82 = vector.shape_cast %reduce_sum3A_81 : vector<1xf32> to vector<1x1x1xf32>
    %reduce_sum3A_83 = vector.extract %reduce_sum3A_82[0, 0, 0] : f32 from vector<1x1x1xf32>
    %add3A_84 = arith.addf %add3A_51, %reduce_sum3A_83 : f32
    %slice3A_85 = vector.extract_strided_slice %add3A_21 {offsets = [0, 512], sizes = [512, 256], strides = [1, 1]} : vector<512x768xf32> to vector<512x256xf32>
    %mul3A_86 = arith.mulf %slice3A_85, %slice3A_85 : vector<512x256xf32>
    %reduce_sum3A_87 = arith.constant dense<0.000000e+00> : vector<512xf32>
    %reduce_sum3A_88 = vector.multi_reduction <add>, %mul3A_86, %reduce_sum3A_87 [1] : vector<512x256xf32> to vector<512xf32>
    %broadcast_in_dim3A_89 = vector.shape_cast %reduce_sum3A_88 : vector<512xf32> to vector<512x1xf32>
    %dot_general3A_90 = arith.constant dense<0.000000e+00> : vector<512x1024xf32>
    %dot_general3A_91 = tpu.matmul %slice3A_85, %get3A_24, %dot_general3A_90 {dimension_numbers = #tpu.dot_dimension_numbers<[1], [1], [0], [0], [0, 0, 1, 0], [], []>, transpose_lhs_hint = false} : vector<512x256xf32>, vector<1024x256xf32>, vector<512x1024xf32> -> vector<512x1024xf32>
    %broadcast_in_dim3A_92 = vector.shape_cast %reduce_sum3A_25 : vector<1024xf32> to vector<1x1024xf32>
    %add3A_93 = vector.broadcast %broadcast_in_dim3A_89 : vector<512x1xf32> to vector<512x1024xf32>
    %add3A_94 = vector.broadcast %broadcast_in_dim3A_92 : vector<1x1024xf32> to vector<512x1024xf32>
    %add3A_95 = arith.addf %add3A_93, %add3A_94 : vector<512x1024xf32>
    %mul3A_96 = arith.constant 2.000000e+00 : f32
    %mul3A_97 = vector.broadcast %mul3A_96 : f32 to vector<512x1024xf32>
    %mul3A_98 = arith.mulf %mul3A_97, %dot_general3A_91 : vector<512x1024xf32>
    %sub3A_99 = arith.subf %add3A_95, %mul3A_98 : vector<512x1024xf32>
    %reduce_min3A_100 = arith.constant dense<0x7F800000> : vector<512xf32>
    %reduce_min3A_101 = vector.multi_reduction <minimumf>, %sub3A_99, %reduce_min3A_100 [1] : vector<512x1024xf32> to vector<512xf32>
    %broadcast_in_dim3A_102 = vector.shape_cast %reduce_min3A_101 : vector<512xf32> to vector<512x1xf32>
    %iota3A_103 = tpu.iota {dimensions = array<i32: 1>} : vector<512x1024xi32>
    %eq3A_104 = vector.broadcast %broadcast_in_dim3A_102 : vector<512x1xf32> to vector<512x1024xf32>
    %eq3A_105 = arith.cmpf oeq, %sub3A_99, %eq3A_104 : vector<512x1024xf32>
    %jit3A_106 = arith.constant 1024 : i32
    %broadcast_in_dim3A_107 = vector.broadcast %jit3A_106 : i32 to vector<512x1024xi32>
    %select_n3A_108 = arith.select %eq3A_105, %iota3A_103, %broadcast_in_dim3A_107 : vector<512x1024xi1>, vector<512x1024xi32>
    %reduce_min3A_109 = arith.constant dense<2147483647> : vector<512xi32>
    %reduce_min3A_110 = vector.multi_reduction <minsi>, %select_n3A_108, %reduce_min3A_109 [1] : vector<512x1024xi32> to vector<512xi32>
    %broadcast_in_dim3A_111 = vector.shape_cast %reduce_min3A_110 : vector<512xi32> to vector<512x1xi32>
    %reduce_sum3A_112 = vector.shape_cast %broadcast_in_dim3A_102 : vector<512x1xf32> to vector<1x512x1xf32>
    %reduce_sum3A_113 = arith.constant dense<0.000000e+00> : vector<1xf32>
    %reduce_sum3A_114 = vector.multi_reduction <add>, %reduce_sum3A_112, %reduce_sum3A_113 [1, 2] : vector<1x512x1xf32> to vector<1xf32>
    %reduce_sum3A_115 = vector.shape_cast %reduce_sum3A_114 : vector<1xf32> to vector<1x1x1xf32>
    %reduce_sum3A_116 = vector.extract %reduce_sum3A_115[0, 0, 0] : f32 from vector<1x1x1xf32>
    %add3A_117 = arith.addf %add3A_84, %reduce_sum3A_116 : f32
    %concatenate3A = tpu.concatenate %broadcast_in_dim3A_44, %broadcast_in_dim3A_78, %broadcast_in_dim3A_111 in 1 : vector<512x1xi32>, vector<512x1xi32>, vector<512x1xi32> -> vector<512x3xi32>
    %swap3A = arith.constant 0 : index
    %swap3A_118 = arith.constant 0 : index
    %swap3A_119 = vector.load %arg7[%swap3A, %swap3A_118] : memref<512x3xi32, #tpu.memory_space<vmem>>, vector<512x3xi32>
    tpu.vector_store %arg7[%swap3A, %swap3A_118], %concatenate3A {strides = array<i32>} : memref<512x3xi32, #tpu.memory_space<vmem>>, vector<512x3xi32>,
    %eq3A_120 = arith.constant 0 : i32
    %eq3A_121 = arith.cmpi eq, %arg0, %eq3A_120 : i32
    %convert_element_type3A = arith.extui %eq3A_121 : i1 to i32
    %cond3A = arith.constant 0 : i32
    %cond3A_122 = arith.cmpi ne, %convert_element_type3A, %cond3A : i32
    scf.if %cond3A_122 {
      %swap3A_130 = arith.constant 0.000000e+00 : f32
      %swap3A_131 = arith.constant 0 : index
      %swap3A_132 = arith.constant 0 : index
      %swap3A_133 = memref.load %arg8[%swap3A_131, %swap3A_132] : memref<1x1xf32, #tpu.memory_space<smem>>
      memref.store %swap3A_130, %arg8[%swap3A_131, %swap3A_132] : memref<1x1xf32, #tpu.memory_space<smem>>
    } else {
    }
    %get3A_123 = arith.constant 0 : index
    %get3A_124 = arith.constant 0 : index
    %get3A_125 = memref.load %arg8[%get3A_123, %get3A_124] : memref<1x1xf32, #tpu.memory_space<smem>>
    %add3A_126 = arith.addf %get3A_125, %add3A_117 : f32
    %swap3A_127 = arith.constant 0 : index
    %swap3A_128 = arith.constant 0 : index
    %swap3A_129 = memref.load %arg8[%swap3A_127, %swap3A_128] : memref<1x1xf32, #tpu.memory_space<smem>>
    memref.store %add3A_126, %arg8[%swap3A_127, %swap3A_128] : memref<1x1xf32, #tpu.memory_space<smem>>
    return
  }
  func.func @transform_0(%arg0: i32) -> (i32, i32) {
    %add3A = arith.constant 8 : i32
    %add3A_0 = arith.addi %add3A, %arg0 : i32
    %c0_i32 = arith.constant 0 : i32
    %c0_i32_1 = arith.constant 0 : i32
    return %add3A_0, %c0_i32 : i32, i32
  }
  func.func @transform_1(%arg0: i32) -> (i32, i32) {
    %c0_i32 = arith.constant 0 : i32
    %c0_i32_0 = arith.constant 0 : i32
    %c0_i32_1 = arith.constant 0 : i32
    return %c0_i32, %c0_i32_0 : i32, i32
  }
  func.func @transform_2(%arg0: i32) -> (i32, i32) {
    %c0_i32 = arith.constant 0 : i32
    %c0_i32_0 = arith.constant 0 : i32
    %c0_i32_1 = arith.constant 0 : i32
    return %c0_i32, %c0_i32_0 : i32, i32
  }
  func.func @transform_3(%arg0: i32) -> (i32, i32) {
    %c0_i32 = arith.constant 0 : i32
    %c0_i32_0 = arith.constant 0 : i32
    %c0_i32_1 = arith.constant 0 : i32
    return %c0_i32, %c0_i32_0 : i32, i32
  }
  func.func @transform_4(%arg0: i32) -> (i32, i32) {
    %c0_i32 = arith.constant 0 : i32
    %c0_i32_0 = arith.constant 0 : i32
    %c0_i32_1 = arith.constant 0 : i32
    return %c0_i32, %c0_i32_0 : i32, i32
  }
  func.func @transform_5(%arg0: i32) -> (i32, i32) {
    %c0_i32 = arith.constant 0 : i32
    %c0_i32_0 = arith.constant 0 : i32
    %c0_i32_1 = arith.constant 0 : i32
    return %c0_i32, %c0_i32_0 : i32, i32
  }
  func.func @transform_6(%arg0: i32) -> (i32, i32) {
    %c0_i32 = arith.constant 0 : i32
    %c0_i32_0 = arith.constant 0 : i32
    return %arg0, %c0_i32 : i32, i32
  }
  func.func @transform_7(%arg0: i32) -> (i32, i32) {
    %c0_i32 = arith.constant 0 : i32
    %c0_i32_0 = arith.constant 0 : i32
    %c0_i32_1 = arith.constant 0 : i32
    return %c0_i32, %c0_i32_0 : i32, i32
  }
}

module attributes {stable_mosaic.version = 14 : i64} {
  func.func @_vq_body(%arg0: i32, %arg1: memref<512x256xf32, #tpu.memory_space<vmem>>, %arg2: memref<256x256xf32, #tpu.memory_space<vmem>>, %arg3: memref<1x256xf32, #tpu.memory_space<vmem>>, %arg4: memref<256x1024xf32, #tpu.memory_space<vmem>>, %arg5: memref<1x1024xf32, #tpu.memory_space<vmem>>, %arg6: memref<1024x256xf32, #tpu.memory_space<vmem>>, %arg7: memref<512x4xi32, #tpu.memory_space<vmem>>, %arg8: memref<1x1xf32, #tpu.memory_space<smem>>) attributes {dimension_semantics = [#tpu.dimension_semantics<arbitrary>], iteration_bounds = array<i64: 8>, scalar_prefetch = 0 : i64, scratch_operands = 0 : i64, tpu.core_type = #tpu.core_type<tc>, window_params = [{transform_indices = @transform_0, window_bounds = array<i64: 512, 256>}, {pipeline_mode = #tpu.pipeline_mode<synchronous>, transform_indices = @transform_1, window_bounds = array<i64: 256, 256>}, {pipeline_mode = #tpu.pipeline_mode<synchronous>, transform_indices = @transform_2, window_bounds = array<i64: 1, 256>}, {pipeline_mode = #tpu.pipeline_mode<synchronous>, transform_indices = @transform_3, window_bounds = array<i64: 256, 1024>}, {pipeline_mode = #tpu.pipeline_mode<synchronous>, transform_indices = @transform_4, window_bounds = array<i64: 1, 1024>}, {pipeline_mode = #tpu.pipeline_mode<synchronous>, transform_indices = @transform_5, window_bounds = array<i64: 1024, 256>}, {transform_indices = @transform_6, window_bounds = array<i64: 512, 4>}, {transform_indices = @transform_7, window_bounds = array<i64: 1, 1>}]} {
    %get3A = arith.constant 0 : index
    %get3A_0 = arith.constant 0 : index
    %get3A_1 = vector.load %arg1[%get3A, %get3A_0] : memref<512x256xf32, #tpu.memory_space<vmem>>, vector<512x256xf32>
    %get3A_2 = arith.constant 0 : index
    %get3A_3 = arith.constant 0 : index
    %get3A_4 = vector.load %arg2[%get3A_2, %get3A_3] : memref<256x256xf32, #tpu.memory_space<vmem>>, vector<256x256xf32>
    %dot_general3A = arith.constant dense<0.000000e+00> : vector<512x256xf32>
    %dot_general3A_5 = tpu.matmul %get3A_1, %get3A_4, %dot_general3A {dimension_numbers = #tpu.dot_dimension_numbers<[1], [0], [0], [1], [0, 0, 1, 1], [], []>, transpose_lhs_hint = false} : vector<512x256xf32>, vector<256x256xf32>, vector<512x256xf32> -> vector<512x256xf32>
    %get3A_6 = arith.constant 0 : index
    %get3A_7 = arith.constant 0 : index
    %get3A_8 = vector.load %arg3[%get3A_6, %get3A_7] : memref<1x256xf32, #tpu.memory_space<vmem>>, vector<1x256xf32>
    %add3A = vector.broadcast %get3A_8 : vector<1x256xf32> to vector<512x256xf32>
    %add3A_9 = arith.addf %dot_general3A_5, %add3A : vector<512x256xf32>
    %max3A = arith.constant 0.000000e+00 : f32
    %max3A_10 = vector.broadcast %max3A : f32 to vector<512x256xf32>
    %max3A_11 = arith.maximumf %add3A_9, %max3A_10 : vector<512x256xf32>
    %get3A_12 = arith.constant 0 : index
    %get3A_13 = arith.constant 0 : index
    %get3A_14 = vector.load %arg4[%get3A_12, %get3A_13] : memref<256x1024xf32, #tpu.memory_space<vmem>>, vector<256x1024xf32>
    %dot_general3A_15 = arith.constant dense<0.000000e+00> : vector<512x1024xf32>
    %dot_general3A_16 = tpu.matmul %max3A_11, %get3A_14, %dot_general3A_15 {dimension_numbers = #tpu.dot_dimension_numbers<[1], [0], [0], [1], [0, 0, 1, 1], [], []>, transpose_lhs_hint = false} : vector<512x256xf32>, vector<256x1024xf32>, vector<512x1024xf32> -> vector<512x1024xf32>
    %get3A_17 = arith.constant 0 : index
    %get3A_18 = arith.constant 0 : index
    %get3A_19 = vector.load %arg5[%get3A_17, %get3A_18] : memref<1x1024xf32, #tpu.memory_space<vmem>>, vector<1x1024xf32>
    %add3A_20 = vector.broadcast %get3A_19 : vector<1x1024xf32> to vector<512x1024xf32>
    %add3A_21 = arith.addf %dot_general3A_16, %add3A_20 : vector<512x1024xf32>
    %get3A_22 = arith.constant 0 : index
    %get3A_23 = arith.constant 0 : index
    %get3A_24 = vector.load %arg6[%get3A_22, %get3A_23] : memref<1024x256xf32, #tpu.memory_space<vmem>>, vector<1024x256xf32>
    %mul3A = arith.mulf %get3A_24, %get3A_24 : vector<1024x256xf32>
    %reduce_sum3A = arith.constant dense<0.000000e+00> : vector<1024xf32>
    %reduce_sum3A_25 = vector.multi_reduction <add>, %mul3A, %reduce_sum3A [1] : vector<1024x256xf32> to vector<1024xf32>
    %slice3A = vector.extract_strided_slice %add3A_21 {offsets = [0, 0], sizes = [512, 256], strides = [1, 1]} : vector<512x1024xf32> to vector<512x256xf32>
    %mul3A_26 = arith.mulf %slice3A, %slice3A : vector<512x256xf32>
    %reduce_sum3A_27 = arith.constant dense<0.000000e+00> : vector<512xf32>
    %reduce_sum3A_28 = vector.multi_reduction <add>, %mul3A_26, %reduce_sum3A_27 [1] : vector<512x256xf32> to vector<512xf32>
    %broadcast_in_dim3A = vector.shape_cast %reduce_sum3A_28 : vector<512xf32> to vector<512x1xf32>
    %dot_general3A_29 = arith.constant dense<0.000000e+00> : vector<512x1024xf32>
    %dot_general3A_30 = tpu.matmul %slice3A, %get3A_24, %dot_general3A_29 {dimension_numbers = #tpu.dot_dimension_numbers<[1], [1], [0], [0], [0, 0, 1, 0], [], []>, transpose_lhs_hint = false} : vector<512x256xf32>, vector<1024x256xf32>, vector<512x1024xf32> -> vector<512x1024xf32>
    %broadcast_in_dim3A_31 = vector.shape_cast %reduce_sum3A_25 : vector<1024xf32> to vector<1x1024xf32>
    %add3A_32 = vector.broadcast %broadcast_in_dim3A : vector<512x1xf32> to vector<512x1024xf32>
    %add3A_33 = vector.broadcast %broadcast_in_dim3A_31 : vector<1x1024xf32> to vector<512x1024xf32>
    %add3A_34 = arith.addf %add3A_32, %add3A_33 : vector<512x1024xf32>
    %mul3A_35 = arith.constant 2.000000e+00 : f32
    %mul3A_36 = vector.broadcast %mul3A_35 : f32 to vector<512x1024xf32>
    %mul3A_37 = arith.mulf %mul3A_36, %dot_general3A_30 : vector<512x1024xf32>
    %sub3A = arith.subf %add3A_34, %mul3A_37 : vector<512x1024xf32>
    %reduce_min3A = arith.constant dense<0x7F800000> : vector<512xf32>
    %reduce_min3A_38 = vector.multi_reduction <minimumf>, %sub3A, %reduce_min3A [1] : vector<512x1024xf32> to vector<512xf32>
    %broadcast_in_dim3A_39 = vector.shape_cast %reduce_min3A_38 : vector<512xf32> to vector<512x1xf32>
    %iota3A = tpu.iota {dimensions = array<i32: 1>} : vector<512x1024xi32>
    %eq3A = vector.broadcast %broadcast_in_dim3A_39 : vector<512x1xf32> to vector<512x1024xf32>
    %eq3A_40 = arith.cmpf oeq, %sub3A, %eq3A : vector<512x1024xf32>
    %jit3A = arith.constant 1024 : i32
    %broadcast_in_dim3A_41 = vector.broadcast %jit3A : i32 to vector<512x1024xi32>
    %select_n3A = arith.select %eq3A_40, %iota3A, %broadcast_in_dim3A_41 : vector<512x1024xi1>, vector<512x1024xi32>
    %reduce_min3A_42 = arith.constant dense<2147483647> : vector<512xi32>
    %reduce_min3A_43 = vector.multi_reduction <minsi>, %select_n3A, %reduce_min3A_42 [1] : vector<512x1024xi32> to vector<512xi32>
    %broadcast_in_dim3A_44 = vector.shape_cast %reduce_min3A_43 : vector<512xi32> to vector<512x1xi32>
    %reduce_sum3A_45 = vector.shape_cast %broadcast_in_dim3A_39 : vector<512x1xf32> to vector<1x512x1xf32>
    %reduce_sum3A_46 = arith.constant dense<0.000000e+00> : vector<1xf32>
    %reduce_sum3A_47 = vector.multi_reduction <add>, %reduce_sum3A_45, %reduce_sum3A_46 [1, 2] : vector<1x512x1xf32> to vector<1xf32>
    %reduce_sum3A_48 = vector.shape_cast %reduce_sum3A_47 : vector<1xf32> to vector<1x1x1xf32>
    %reduce_sum3A_49 = vector.extract %reduce_sum3A_48[0, 0, 0] : f32 from vector<1x1x1xf32>
    %add3A_50 = arith.constant 0.000000e+00 : f32
    %add3A_51 = arith.addf %add3A_50, %reduce_sum3A_49 : f32
    %slice3A_52 = vector.extract_strided_slice %add3A_21 {offsets = [0, 256], sizes = [512, 256], strides = [1, 1]} : vector<512x1024xf32> to vector<512x256xf32>
    %mul3A_53 = arith.mulf %slice3A_52, %slice3A_52 : vector<512x256xf32>
    %reduce_sum3A_54 = arith.constant dense<0.000000e+00> : vector<512xf32>
    %reduce_sum3A_55 = vector.multi_reduction <add>, %mul3A_53, %reduce_sum3A_54 [1] : vector<512x256xf32> to vector<512xf32>
    %broadcast_in_dim3A_56 = vector.shape_cast %reduce_sum3A_55 : vector<512xf32> to vector<512x1xf32>
    %dot_general3A_57 = arith.constant dense<0.000000e+00> : vector<512x1024xf32>
    %dot_general3A_58 = tpu.matmul %slice3A_52, %get3A_24, %dot_general3A_57 {dimension_numbers = #tpu.dot_dimension_numbers<[1], [1], [0], [0], [0, 0, 1, 0], [], []>, transpose_lhs_hint = false} : vector<512x256xf32>, vector<1024x256xf32>, vector<512x1024xf32> -> vector<512x1024xf32>
    %broadcast_in_dim3A_59 = vector.shape_cast %reduce_sum3A_25 : vector<1024xf32> to vector<1x1024xf32>
    %add3A_60 = vector.broadcast %broadcast_in_dim3A_56 : vector<512x1xf32> to vector<512x1024xf32>
    %add3A_61 = vector.broadcast %broadcast_in_dim3A_59 : vector<1x1024xf32> to vector<512x1024xf32>
    %add3A_62 = arith.addf %add3A_60, %add3A_61 : vector<512x1024xf32>
    %mul3A_63 = arith.constant 2.000000e+00 : f32
    %mul3A_64 = vector.broadcast %mul3A_63 : f32 to vector<512x1024xf32>
    %mul3A_65 = arith.mulf %mul3A_64, %dot_general3A_58 : vector<512x1024xf32>
    %sub3A_66 = arith.subf %add3A_62, %mul3A_65 : vector<512x1024xf32>
    %reduce_min3A_67 = arith.constant dense<0x7F800000> : vector<512xf32>
    %reduce_min3A_68 = vector.multi_reduction <minimumf>, %sub3A_66, %reduce_min3A_67 [1] : vector<512x1024xf32> to vector<512xf32>
    %broadcast_in_dim3A_69 = vector.shape_cast %reduce_min3A_68 : vector<512xf32> to vector<512x1xf32>
    %iota3A_70 = tpu.iota {dimensions = array<i32: 1>} : vector<512x1024xi32>
    %eq3A_71 = vector.broadcast %broadcast_in_dim3A_69 : vector<512x1xf32> to vector<512x1024xf32>
    %eq3A_72 = arith.cmpf oeq, %sub3A_66, %eq3A_71 : vector<512x1024xf32>
    %jit3A_73 = arith.constant 1024 : i32
    %broadcast_in_dim3A_74 = vector.broadcast %jit3A_73 : i32 to vector<512x1024xi32>
    %select_n3A_75 = arith.select %eq3A_72, %iota3A_70, %broadcast_in_dim3A_74 : vector<512x1024xi1>, vector<512x1024xi32>
    %reduce_min3A_76 = arith.constant dense<2147483647> : vector<512xi32>
    %reduce_min3A_77 = vector.multi_reduction <minsi>, %select_n3A_75, %reduce_min3A_76 [1] : vector<512x1024xi32> to vector<512xi32>
    %broadcast_in_dim3A_78 = vector.shape_cast %reduce_min3A_77 : vector<512xi32> to vector<512x1xi32>
    %reduce_sum3A_79 = vector.shape_cast %broadcast_in_dim3A_69 : vector<512x1xf32> to vector<1x512x1xf32>
    %reduce_sum3A_80 = arith.constant dense<0.000000e+00> : vector<1xf32>
    %reduce_sum3A_81 = vector.multi_reduction <add>, %reduce_sum3A_79, %reduce_sum3A_80 [1, 2] : vector<1x512x1xf32> to vector<1xf32>
    %reduce_sum3A_82 = vector.shape_cast %reduce_sum3A_81 : vector<1xf32> to vector<1x1x1xf32>
    %reduce_sum3A_83 = vector.extract %reduce_sum3A_82[0, 0, 0] : f32 from vector<1x1x1xf32>
    %add3A_84 = arith.addf %add3A_51, %reduce_sum3A_83 : f32
    %slice3A_85 = vector.extract_strided_slice %add3A_21 {offsets = [0, 512], sizes = [512, 256], strides = [1, 1]} : vector<512x1024xf32> to vector<512x256xf32>
    %mul3A_86 = arith.mulf %slice3A_85, %slice3A_85 : vector<512x256xf32>
    %reduce_sum3A_87 = arith.constant dense<0.000000e+00> : vector<512xf32>
    %reduce_sum3A_88 = vector.multi_reduction <add>, %mul3A_86, %reduce_sum3A_87 [1] : vector<512x256xf32> to vector<512xf32>
    %broadcast_in_dim3A_89 = vector.shape_cast %reduce_sum3A_88 : vector<512xf32> to vector<512x1xf32>
    %dot_general3A_90 = arith.constant dense<0.000000e+00> : vector<512x1024xf32>
    %dot_general3A_91 = tpu.matmul %slice3A_85, %get3A_24, %dot_general3A_90 {dimension_numbers = #tpu.dot_dimension_numbers<[1], [1], [0], [0], [0, 0, 1, 0], [], []>, transpose_lhs_hint = false} : vector<512x256xf32>, vector<1024x256xf32>, vector<512x1024xf32> -> vector<512x1024xf32>
    %broadcast_in_dim3A_92 = vector.shape_cast %reduce_sum3A_25 : vector<1024xf32> to vector<1x1024xf32>
    %add3A_93 = vector.broadcast %broadcast_in_dim3A_89 : vector<512x1xf32> to vector<512x1024xf32>
    %add3A_94 = vector.broadcast %broadcast_in_dim3A_92 : vector<1x1024xf32> to vector<512x1024xf32>
    %add3A_95 = arith.addf %add3A_93, %add3A_94 : vector<512x1024xf32>
    %mul3A_96 = arith.constant 2.000000e+00 : f32
    %mul3A_97 = vector.broadcast %mul3A_96 : f32 to vector<512x1024xf32>
    %mul3A_98 = arith.mulf %mul3A_97, %dot_general3A_91 : vector<512x1024xf32>
    %sub3A_99 = arith.subf %add3A_95, %mul3A_98 : vector<512x1024xf32>
    %reduce_min3A_100 = arith.constant dense<0x7F800000> : vector<512xf32>
    %reduce_min3A_101 = vector.multi_reduction <minimumf>, %sub3A_99, %reduce_min3A_100 [1] : vector<512x1024xf32> to vector<512xf32>
    %broadcast_in_dim3A_102 = vector.shape_cast %reduce_min3A_101 : vector<512xf32> to vector<512x1xf32>
    %iota3A_103 = tpu.iota {dimensions = array<i32: 1>} : vector<512x1024xi32>
    %eq3A_104 = vector.broadcast %broadcast_in_dim3A_102 : vector<512x1xf32> to vector<512x1024xf32>
    %eq3A_105 = arith.cmpf oeq, %sub3A_99, %eq3A_104 : vector<512x1024xf32>
    %jit3A_106 = arith.constant 1024 : i32
    %broadcast_in_dim3A_107 = vector.broadcast %jit3A_106 : i32 to vector<512x1024xi32>
    %select_n3A_108 = arith.select %eq3A_105, %iota3A_103, %broadcast_in_dim3A_107 : vector<512x1024xi1>, vector<512x1024xi32>
    %reduce_min3A_109 = arith.constant dense<2147483647> : vector<512xi32>
    %reduce_min3A_110 = vector.multi_reduction <minsi>, %select_n3A_108, %reduce_min3A_109 [1] : vector<512x1024xi32> to vector<512xi32>
    %broadcast_in_dim3A_111 = vector.shape_cast %reduce_min3A_110 : vector<512xi32> to vector<512x1xi32>
    %reduce_sum3A_112 = vector.shape_cast %broadcast_in_dim3A_102 : vector<512x1xf32> to vector<1x512x1xf32>
    %reduce_sum3A_113 = arith.constant dense<0.000000e+00> : vector<1xf32>
    %reduce_sum3A_114 = vector.multi_reduction <add>, %reduce_sum3A_112, %reduce_sum3A_113 [1, 2] : vector<1x512x1xf32> to vector<1xf32>
    %reduce_sum3A_115 = vector.shape_cast %reduce_sum3A_114 : vector<1xf32> to vector<1x1x1xf32>
    %reduce_sum3A_116 = vector.extract %reduce_sum3A_115[0, 0, 0] : f32 from vector<1x1x1xf32>
    %add3A_117 = arith.addf %add3A_84, %reduce_sum3A_116 : f32
    %slice3A_118 = vector.extract_strided_slice %add3A_21 {offsets = [0, 768], sizes = [512, 256], strides = [1, 1]} : vector<512x1024xf32> to vector<512x256xf32>
    %mul3A_119 = arith.mulf %slice3A_118, %slice3A_118 : vector<512x256xf32>
    %reduce_sum3A_120 = arith.constant dense<0.000000e+00> : vector<512xf32>
    %reduce_sum3A_121 = vector.multi_reduction <add>, %mul3A_119, %reduce_sum3A_120 [1] : vector<512x256xf32> to vector<512xf32>
    %broadcast_in_dim3A_122 = vector.shape_cast %reduce_sum3A_121 : vector<512xf32> to vector<512x1xf32>
    %dot_general3A_123 = arith.constant dense<0.000000e+00> : vector<512x1024xf32>
    %dot_general3A_124 = tpu.matmul %slice3A_118, %get3A_24, %dot_general3A_123 {dimension_numbers = #tpu.dot_dimension_numbers<[1], [1], [0], [0], [0, 0, 1, 0], [], []>, transpose_lhs_hint = false} : vector<512x256xf32>, vector<1024x256xf32>, vector<512x1024xf32> -> vector<512x1024xf32>
    %broadcast_in_dim3A_125 = vector.shape_cast %reduce_sum3A_25 : vector<1024xf32> to vector<1x1024xf32>
    %add3A_126 = vector.broadcast %broadcast_in_dim3A_122 : vector<512x1xf32> to vector<512x1024xf32>
    %add3A_127 = vector.broadcast %broadcast_in_dim3A_125 : vector<1x1024xf32> to vector<512x1024xf32>
    %add3A_128 = arith.addf %add3A_126, %add3A_127 : vector<512x1024xf32>
    %mul3A_129 = arith.constant 2.000000e+00 : f32
    %mul3A_130 = vector.broadcast %mul3A_129 : f32 to vector<512x1024xf32>
    %mul3A_131 = arith.mulf %mul3A_130, %dot_general3A_124 : vector<512x1024xf32>
    %sub3A_132 = arith.subf %add3A_128, %mul3A_131 : vector<512x1024xf32>
    %reduce_min3A_133 = arith.constant dense<0x7F800000> : vector<512xf32>
    %reduce_min3A_134 = vector.multi_reduction <minimumf>, %sub3A_132, %reduce_min3A_133 [1] : vector<512x1024xf32> to vector<512xf32>
    %broadcast_in_dim3A_135 = vector.shape_cast %reduce_min3A_134 : vector<512xf32> to vector<512x1xf32>
    %iota3A_136 = tpu.iota {dimensions = array<i32: 1>} : vector<512x1024xi32>
    %eq3A_137 = vector.broadcast %broadcast_in_dim3A_135 : vector<512x1xf32> to vector<512x1024xf32>
    %eq3A_138 = arith.cmpf oeq, %sub3A_132, %eq3A_137 : vector<512x1024xf32>
    %jit3A_139 = arith.constant 1024 : i32
    %broadcast_in_dim3A_140 = vector.broadcast %jit3A_139 : i32 to vector<512x1024xi32>
    %select_n3A_141 = arith.select %eq3A_138, %iota3A_136, %broadcast_in_dim3A_140 : vector<512x1024xi1>, vector<512x1024xi32>
    %reduce_min3A_142 = arith.constant dense<2147483647> : vector<512xi32>
    %reduce_min3A_143 = vector.multi_reduction <minsi>, %select_n3A_141, %reduce_min3A_142 [1] : vector<512x1024xi32> to vector<512xi32>
    %broadcast_in_dim3A_144 = vector.shape_cast %reduce_min3A_143 : vector<512xi32> to vector<512x1xi32>
    %reduce_sum3A_145 = vector.shape_cast %broadcast_in_dim3A_135 : vector<512x1xf32> to vector<1x512x1xf32>
    %reduce_sum3A_146 = arith.constant dense<0.000000e+00> : vector<1xf32>
    %reduce_sum3A_147 = vector.multi_reduction <add>, %reduce_sum3A_145, %reduce_sum3A_146 [1, 2] : vector<1x512x1xf32> to vector<1xf32>
    %reduce_sum3A_148 = vector.shape_cast %reduce_sum3A_147 : vector<1xf32> to vector<1x1x1xf32>
    %reduce_sum3A_149 = vector.extract %reduce_sum3A_148[0, 0, 0] : f32 from vector<1x1x1xf32>
    %add3A_150 = arith.addf %add3A_117, %reduce_sum3A_149 : f32
    %concatenate3A = tpu.concatenate %broadcast_in_dim3A_44, %broadcast_in_dim3A_78, %broadcast_in_dim3A_111, %broadcast_in_dim3A_144 in 1 : vector<512x1xi32>, vector<512x1xi32>, vector<512x1xi32>, vector<512x1xi32> -> vector<512x4xi32>
    %swap3A = arith.constant 0 : index
    %swap3A_151 = arith.constant 0 : index
    %swap3A_152 = vector.load %arg7[%swap3A, %swap3A_151] : memref<512x4xi32, #tpu.memory_space<vmem>>, vector<512x4xi32>
    tpu.vector_store %arg7[%swap3A, %swap3A_151], %concatenate3A {strides = array<i32>} : memref<512x4xi32, #tpu.memory_space<vmem>>, vector<512x4xi32>,
    %eq3A_153 = arith.constant 0 : i32
    %eq3A_154 = arith.cmpi eq, %arg0, %eq3A_153 : i32
    %convert_element_type3A = arith.extui %eq3A_154 : i1 to i32
    %cond3A = arith.constant 0 : i32
    %cond3A_155 = arith.cmpi ne, %convert_element_type3A, %cond3A : i32
    scf.if %cond3A_155 {
      %swap3A_163 = arith.constant 0.000000e+00 : f32
      %swap3A_164 = arith.constant 0 : index
      %swap3A_165 = arith.constant 0 : index
      %swap3A_166 = memref.load %arg8[%swap3A_164, %swap3A_165] : memref<1x1xf32, #tpu.memory_space<smem>>
      memref.store %swap3A_163, %arg8[%swap3A_164, %swap3A_165] : memref<1x1xf32, #tpu.memory_space<smem>>
    } else {
    }
    %get3A_156 = arith.constant 0 : index
    %get3A_157 = arith.constant 0 : index
    %get3A_158 = memref.load %arg8[%get3A_156, %get3A_157] : memref<1x1xf32, #tpu.memory_space<smem>>
    %add3A_159 = arith.addf %get3A_158, %add3A_150 : f32
    %swap3A_160 = arith.constant 0 : index
    %swap3A_161 = arith.constant 0 : index
    %swap3A_162 = memref.load %arg8[%swap3A_160, %swap3A_161] : memref<1x1xf32, #tpu.memory_space<smem>>
    memref.store %add3A_159, %arg8[%swap3A_160, %swap3A_161] : memref<1x1xf32, #tpu.memory_space<smem>>
    return
  }
  func.func @transform_0(%arg0: i32) -> (i32, i32) {
    %add3A = arith.constant 8 : i32
    %add3A_0 = arith.addi %add3A, %arg0 : i32
    %c0_i32 = arith.constant 0 : i32
    %c0_i32_1 = arith.constant 0 : i32
    return %add3A_0, %c0_i32 : i32, i32
  }
  func.func @transform_1(%arg0: i32) -> (i32, i32) {
    %c0_i32 = arith.constant 0 : i32
    %c0_i32_0 = arith.constant 0 : i32
    %c0_i32_1 = arith.constant 0 : i32
    return %c0_i32, %c0_i32_0 : i32, i32
  }
  func.func @transform_2(%arg0: i32) -> (i32, i32) {
    %c0_i32 = arith.constant 0 : i32
    %c0_i32_0 = arith.constant 0 : i32
    %c0_i32_1 = arith.constant 0 : i32
    return %c0_i32, %c0_i32_0 : i32, i32
  }
  func.func @transform_3(%arg0: i32) -> (i32, i32) {
    %c0_i32 = arith.constant 0 : i32
    %c0_i32_0 = arith.constant 0 : i32
    %c0_i32_1 = arith.constant 0 : i32
    return %c0_i32, %c0_i32_0 : i32, i32
  }
  func.func @transform_4(%arg0: i32) -> (i32, i32) {
    %c0_i32 = arith.constant 0 : i32
    %c0_i32_0 = arith.constant 0 : i32
    %c0_i32_1 = arith.constant 0 : i32
    return %c0_i32, %c0_i32_0 : i32, i32
  }
  func.func @transform_5(%arg0: i32) -> (i32, i32) {
    %c0_i32 = arith.constant 0 : i32
    %c0_i32_0 = arith.constant 0 : i32
    %c0_i32_1 = arith.constant 0 : i32
    return %c0_i32, %c0_i32_0 : i32, i32
  }
  func.func @transform_6(%arg0: i32) -> (i32, i32) {
    %c0_i32 = arith.constant 0 : i32
    %c0_i32_0 = arith.constant 0 : i32
    return %arg0, %c0_i32 : i32, i32
  }
  func.func @transform_7(%arg0: i32) -> (i32, i32) {
    %c0_i32 = arith.constant 0 : i32
    %c0_i32_0 = arith.constant 0 : i32
    %c0_i32_1 = arith.constant 0 : i32
    return %c0_i32, %c0_i32_0 : i32, i32
  }
}

module attributes {stable_mosaic.version = 14 : i64} {
  func.func @_vq_body(%arg0: i32, %arg1: memref<512x256xf32, #tpu.memory_space<vmem>>, %arg2: memref<256x256xf32, #tpu.memory_space<vmem>>, %arg3: memref<1x256xf32, #tpu.memory_space<vmem>>, %arg4: memref<256x768xf32, #tpu.memory_space<vmem>>, %arg5: memref<1x768xf32, #tpu.memory_space<vmem>>, %arg6: memref<512x256xf32, #tpu.memory_space<vmem>>, %arg7: memref<512x3xi32, #tpu.memory_space<vmem>>, %arg8: memref<1x1xf32, #tpu.memory_space<smem>>) attributes {dimension_semantics = [#tpu.dimension_semantics<arbitrary>], iteration_bounds = array<i64: 8>, scalar_prefetch = 0 : i64, scratch_operands = 0 : i64, tpu.core_type = #tpu.core_type<tc>, window_params = [{transform_indices = @transform_0, window_bounds = array<i64: 512, 256>}, {pipeline_mode = #tpu.pipeline_mode<synchronous>, transform_indices = @transform_1, window_bounds = array<i64: 256, 256>}, {pipeline_mode = #tpu.pipeline_mode<synchronous>, transform_indices = @transform_2, window_bounds = array<i64: 1, 256>}, {pipeline_mode = #tpu.pipeline_mode<synchronous>, transform_indices = @transform_3, window_bounds = array<i64: 256, 768>}, {pipeline_mode = #tpu.pipeline_mode<synchronous>, transform_indices = @transform_4, window_bounds = array<i64: 1, 768>}, {pipeline_mode = #tpu.pipeline_mode<synchronous>, transform_indices = @transform_5, window_bounds = array<i64: 512, 256>}, {transform_indices = @transform_6, window_bounds = array<i64: 512, 3>}, {transform_indices = @transform_7, window_bounds = array<i64: 1, 1>}]} {
    %get3A = arith.constant 0 : index
    %get3A_0 = arith.constant 0 : index
    %get3A_1 = vector.load %arg1[%get3A, %get3A_0] : memref<512x256xf32, #tpu.memory_space<vmem>>, vector<512x256xf32>
    %get3A_2 = arith.constant 0 : index
    %get3A_3 = arith.constant 0 : index
    %get3A_4 = vector.load %arg2[%get3A_2, %get3A_3] : memref<256x256xf32, #tpu.memory_space<vmem>>, vector<256x256xf32>
    %dot_general3A = arith.constant dense<0.000000e+00> : vector<512x256xf32>
    %dot_general3A_5 = tpu.matmul %get3A_1, %get3A_4, %dot_general3A {dimension_numbers = #tpu.dot_dimension_numbers<[1], [0], [0], [1], [0, 0, 1, 1], [], []>, transpose_lhs_hint = false} : vector<512x256xf32>, vector<256x256xf32>, vector<512x256xf32> -> vector<512x256xf32>
    %get3A_6 = arith.constant 0 : index
    %get3A_7 = arith.constant 0 : index
    %get3A_8 = vector.load %arg3[%get3A_6, %get3A_7] : memref<1x256xf32, #tpu.memory_space<vmem>>, vector<1x256xf32>
    %add3A = vector.broadcast %get3A_8 : vector<1x256xf32> to vector<512x256xf32>
    %add3A_9 = arith.addf %dot_general3A_5, %add3A : vector<512x256xf32>
    %max3A = arith.constant 0.000000e+00 : f32
    %max3A_10 = vector.broadcast %max3A : f32 to vector<512x256xf32>
    %max3A_11 = arith.maximumf %add3A_9, %max3A_10 : vector<512x256xf32>
    %get3A_12 = arith.constant 0 : index
    %get3A_13 = arith.constant 0 : index
    %get3A_14 = vector.load %arg4[%get3A_12, %get3A_13] : memref<256x768xf32, #tpu.memory_space<vmem>>, vector<256x768xf32>
    %dot_general3A_15 = arith.constant dense<0.000000e+00> : vector<512x768xf32>
    %dot_general3A_16 = tpu.matmul %max3A_11, %get3A_14, %dot_general3A_15 {dimension_numbers = #tpu.dot_dimension_numbers<[1], [0], [0], [1], [0, 0, 1, 1], [], []>, transpose_lhs_hint = false} : vector<512x256xf32>, vector<256x768xf32>, vector<512x768xf32> -> vector<512x768xf32>
    %get3A_17 = arith.constant 0 : index
    %get3A_18 = arith.constant 0 : index
    %get3A_19 = vector.load %arg5[%get3A_17, %get3A_18] : memref<1x768xf32, #tpu.memory_space<vmem>>, vector<1x768xf32>
    %add3A_20 = vector.broadcast %get3A_19 : vector<1x768xf32> to vector<512x768xf32>
    %add3A_21 = arith.addf %dot_general3A_16, %add3A_20 : vector<512x768xf32>
    %get3A_22 = arith.constant 0 : index
    %get3A_23 = arith.constant 0 : index
    %get3A_24 = vector.load %arg6[%get3A_22, %get3A_23] : memref<512x256xf32, #tpu.memory_space<vmem>>, vector<512x256xf32>
    %mul3A = arith.mulf %get3A_24, %get3A_24 : vector<512x256xf32>
    %reduce_sum3A = arith.constant dense<0.000000e+00> : vector<512xf32>
    %reduce_sum3A_25 = vector.multi_reduction <add>, %mul3A, %reduce_sum3A [1] : vector<512x256xf32> to vector<512xf32>
    %slice3A = vector.extract_strided_slice %add3A_21 {offsets = [0, 0], sizes = [512, 256], strides = [1, 1]} : vector<512x768xf32> to vector<512x256xf32>
    %mul3A_26 = arith.mulf %slice3A, %slice3A : vector<512x256xf32>
    %reduce_sum3A_27 = arith.constant dense<0.000000e+00> : vector<512xf32>
    %reduce_sum3A_28 = vector.multi_reduction <add>, %mul3A_26, %reduce_sum3A_27 [1] : vector<512x256xf32> to vector<512xf32>
    %broadcast_in_dim3A = vector.shape_cast %reduce_sum3A_28 : vector<512xf32> to vector<512x1xf32>
    %dot_general3A_29 = arith.constant dense<0.000000e+00> : vector<512x512xf32>
    %dot_general3A_30 = tpu.matmul %slice3A, %get3A_24, %dot_general3A_29 {dimension_numbers = #tpu.dot_dimension_numbers<[1], [1], [0], [0], [0, 0, 1, 0], [], []>, transpose_lhs_hint = false} : vector<512x256xf32>, vector<512x256xf32>, vector<512x512xf32> -> vector<512x512xf32>
    %broadcast_in_dim3A_31 = vector.shape_cast %reduce_sum3A_25 : vector<512xf32> to vector<1x512xf32>
    %add3A_32 = vector.broadcast %broadcast_in_dim3A : vector<512x1xf32> to vector<512x512xf32>
    %add3A_33 = vector.broadcast %broadcast_in_dim3A_31 : vector<1x512xf32> to vector<512x512xf32>
    %add3A_34 = arith.addf %add3A_32, %add3A_33 : vector<512x512xf32>
    %mul3A_35 = arith.constant 2.000000e+00 : f32
    %mul3A_36 = vector.broadcast %mul3A_35 : f32 to vector<512x512xf32>
    %mul3A_37 = arith.mulf %mul3A_36, %dot_general3A_30 : vector<512x512xf32>
    %sub3A = arith.subf %add3A_34, %mul3A_37 : vector<512x512xf32>
    %reduce_min3A = arith.constant dense<0x7F800000> : vector<512xf32>
    %reduce_min3A_38 = vector.multi_reduction <minimumf>, %sub3A, %reduce_min3A [1] : vector<512x512xf32> to vector<512xf32>
    %broadcast_in_dim3A_39 = vector.shape_cast %reduce_min3A_38 : vector<512xf32> to vector<512x1xf32>
    %iota3A = tpu.iota {dimensions = array<i32: 1>} : vector<512x512xi32>
    %eq3A = vector.broadcast %broadcast_in_dim3A_39 : vector<512x1xf32> to vector<512x512xf32>
    %eq3A_40 = arith.cmpf oeq, %sub3A, %eq3A : vector<512x512xf32>
    %jit3A = arith.constant 512 : i32
    %broadcast_in_dim3A_41 = vector.broadcast %jit3A : i32 to vector<512x512xi32>
    %select_n3A = arith.select %eq3A_40, %iota3A, %broadcast_in_dim3A_41 : vector<512x512xi1>, vector<512x512xi32>
    %reduce_min3A_42 = arith.constant dense<2147483647> : vector<512xi32>
    %reduce_min3A_43 = vector.multi_reduction <minsi>, %select_n3A, %reduce_min3A_42 [1] : vector<512x512xi32> to vector<512xi32>
    %broadcast_in_dim3A_44 = vector.shape_cast %reduce_min3A_43 : vector<512xi32> to vector<512x1xi32>
    %reduce_sum3A_45 = vector.shape_cast %broadcast_in_dim3A_39 : vector<512x1xf32> to vector<1x512x1xf32>
    %reduce_sum3A_46 = arith.constant dense<0.000000e+00> : vector<1xf32>
    %reduce_sum3A_47 = vector.multi_reduction <add>, %reduce_sum3A_45, %reduce_sum3A_46 [1, 2] : vector<1x512x1xf32> to vector<1xf32>
    %reduce_sum3A_48 = vector.shape_cast %reduce_sum3A_47 : vector<1xf32> to vector<1x1x1xf32>
    %reduce_sum3A_49 = vector.extract %reduce_sum3A_48[0, 0, 0] : f32 from vector<1x1x1xf32>
    %add3A_50 = arith.constant 0.000000e+00 : f32
    %add3A_51 = arith.addf %add3A_50, %reduce_sum3A_49 : f32
    %slice3A_52 = vector.extract_strided_slice %add3A_21 {offsets = [0, 256], sizes = [512, 256], strides = [1, 1]} : vector<512x768xf32> to vector<512x256xf32>
    %mul3A_53 = arith.mulf %slice3A_52, %slice3A_52 : vector<512x256xf32>
    %reduce_sum3A_54 = arith.constant dense<0.000000e+00> : vector<512xf32>
    %reduce_sum3A_55 = vector.multi_reduction <add>, %mul3A_53, %reduce_sum3A_54 [1] : vector<512x256xf32> to vector<512xf32>
    %broadcast_in_dim3A_56 = vector.shape_cast %reduce_sum3A_55 : vector<512xf32> to vector<512x1xf32>
    %dot_general3A_57 = arith.constant dense<0.000000e+00> : vector<512x512xf32>
    %dot_general3A_58 = tpu.matmul %slice3A_52, %get3A_24, %dot_general3A_57 {dimension_numbers = #tpu.dot_dimension_numbers<[1], [1], [0], [0], [0, 0, 1, 0], [], []>, transpose_lhs_hint = false} : vector<512x256xf32>, vector<512x256xf32>, vector<512x512xf32> -> vector<512x512xf32>
    %broadcast_in_dim3A_59 = vector.shape_cast %reduce_sum3A_25 : vector<512xf32> to vector<1x512xf32>
    %add3A_60 = vector.broadcast %broadcast_in_dim3A_56 : vector<512x1xf32> to vector<512x512xf32>
    %add3A_61 = vector.broadcast %broadcast_in_dim3A_59 : vector<1x512xf32> to vector<512x512xf32>
    %add3A_62 = arith.addf %add3A_60, %add3A_61 : vector<512x512xf32>
    %mul3A_63 = arith.constant 2.000000e+00 : f32
    %mul3A_64 = vector.broadcast %mul3A_63 : f32 to vector<512x512xf32>
    %mul3A_65 = arith.mulf %mul3A_64, %dot_general3A_58 : vector<512x512xf32>
    %sub3A_66 = arith.subf %add3A_62, %mul3A_65 : vector<512x512xf32>
    %reduce_min3A_67 = arith.constant dense<0x7F800000> : vector<512xf32>
    %reduce_min3A_68 = vector.multi_reduction <minimumf>, %sub3A_66, %reduce_min3A_67 [1] : vector<512x512xf32> to vector<512xf32>
    %broadcast_in_dim3A_69 = vector.shape_cast %reduce_min3A_68 : vector<512xf32> to vector<512x1xf32>
    %iota3A_70 = tpu.iota {dimensions = array<i32: 1>} : vector<512x512xi32>
    %eq3A_71 = vector.broadcast %broadcast_in_dim3A_69 : vector<512x1xf32> to vector<512x512xf32>
    %eq3A_72 = arith.cmpf oeq, %sub3A_66, %eq3A_71 : vector<512x512xf32>
    %jit3A_73 = arith.constant 512 : i32
    %broadcast_in_dim3A_74 = vector.broadcast %jit3A_73 : i32 to vector<512x512xi32>
    %select_n3A_75 = arith.select %eq3A_72, %iota3A_70, %broadcast_in_dim3A_74 : vector<512x512xi1>, vector<512x512xi32>
    %reduce_min3A_76 = arith.constant dense<2147483647> : vector<512xi32>
    %reduce_min3A_77 = vector.multi_reduction <minsi>, %select_n3A_75, %reduce_min3A_76 [1] : vector<512x512xi32> to vector<512xi32>
    %broadcast_in_dim3A_78 = vector.shape_cast %reduce_min3A_77 : vector<512xi32> to vector<512x1xi32>
    %reduce_sum3A_79 = vector.shape_cast %broadcast_in_dim3A_69 : vector<512x1xf32> to vector<1x512x1xf32>
    %reduce_sum3A_80 = arith.constant dense<0.000000e+00> : vector<1xf32>
    %reduce_sum3A_81 = vector.multi_reduction <add>, %reduce_sum3A_79, %reduce_sum3A_80 [1, 2] : vector<1x512x1xf32> to vector<1xf32>
    %reduce_sum3A_82 = vector.shape_cast %reduce_sum3A_81 : vector<1xf32> to vector<1x1x1xf32>
    %reduce_sum3A_83 = vector.extract %reduce_sum3A_82[0, 0, 0] : f32 from vector<1x1x1xf32>
    %add3A_84 = arith.addf %add3A_51, %reduce_sum3A_83 : f32
    %slice3A_85 = vector.extract_strided_slice %add3A_21 {offsets = [0, 512], sizes = [512, 256], strides = [1, 1]} : vector<512x768xf32> to vector<512x256xf32>
    %mul3A_86 = arith.mulf %slice3A_85, %slice3A_85 : vector<512x256xf32>
    %reduce_sum3A_87 = arith.constant dense<0.000000e+00> : vector<512xf32>
    %reduce_sum3A_88 = vector.multi_reduction <add>, %mul3A_86, %reduce_sum3A_87 [1] : vector<512x256xf32> to vector<512xf32>
    %broadcast_in_dim3A_89 = vector.shape_cast %reduce_sum3A_88 : vector<512xf32> to vector<512x1xf32>
    %dot_general3A_90 = arith.constant dense<0.000000e+00> : vector<512x512xf32>
    %dot_general3A_91 = tpu.matmul %slice3A_85, %get3A_24, %dot_general3A_90 {dimension_numbers = #tpu.dot_dimension_numbers<[1], [1], [0], [0], [0, 0, 1, 0], [], []>, transpose_lhs_hint = false} : vector<512x256xf32>, vector<512x256xf32>, vector<512x512xf32> -> vector<512x512xf32>
    %broadcast_in_dim3A_92 = vector.shape_cast %reduce_sum3A_25 : vector<512xf32> to vector<1x512xf32>
    %add3A_93 = vector.broadcast %broadcast_in_dim3A_89 : vector<512x1xf32> to vector<512x512xf32>
    %add3A_94 = vector.broadcast %broadcast_in_dim3A_92 : vector<1x512xf32> to vector<512x512xf32>
    %add3A_95 = arith.addf %add3A_93, %add3A_94 : vector<512x512xf32>
    %mul3A_96 = arith.constant 2.000000e+00 : f32
    %mul3A_97 = vector.broadcast %mul3A_96 : f32 to vector<512x512xf32>
    %mul3A_98 = arith.mulf %mul3A_97, %dot_general3A_91 : vector<512x512xf32>
    %sub3A_99 = arith.subf %add3A_95, %mul3A_98 : vector<512x512xf32>
    %reduce_min3A_100 = arith.constant dense<0x7F800000> : vector<512xf32>
    %reduce_min3A_101 = vector.multi_reduction <minimumf>, %sub3A_99, %reduce_min3A_100 [1] : vector<512x512xf32> to vector<512xf32>
    %broadcast_in_dim3A_102 = vector.shape_cast %reduce_min3A_101 : vector<512xf32> to vector<512x1xf32>
    %iota3A_103 = tpu.iota {dimensions = array<i32: 1>} : vector<512x512xi32>
    %eq3A_104 = vector.broadcast %broadcast_in_dim3A_102 : vector<512x1xf32> to vector<512x512xf32>
    %eq3A_105 = arith.cmpf oeq, %sub3A_99, %eq3A_104 : vector<512x512xf32>
    %jit3A_106 = arith.constant 512 : i32
    %broadcast_in_dim3A_107 = vector.broadcast %jit3A_106 : i32 to vector<512x512xi32>
    %select_n3A_108 = arith.select %eq3A_105, %iota3A_103, %broadcast_in_dim3A_107 : vector<512x512xi1>, vector<512x512xi32>
    %reduce_min3A_109 = arith.constant dense<2147483647> : vector<512xi32>
    %reduce_min3A_110 = vector.multi_reduction <minsi>, %select_n3A_108, %reduce_min3A_109 [1] : vector<512x512xi32> to vector<512xi32>
    %broadcast_in_dim3A_111 = vector.shape_cast %reduce_min3A_110 : vector<512xi32> to vector<512x1xi32>
    %reduce_sum3A_112 = vector.shape_cast %broadcast_in_dim3A_102 : vector<512x1xf32> to vector<1x512x1xf32>
    %reduce_sum3A_113 = arith.constant dense<0.000000e+00> : vector<1xf32>
    %reduce_sum3A_114 = vector.multi_reduction <add>, %reduce_sum3A_112, %reduce_sum3A_113 [1, 2] : vector<1x512x1xf32> to vector<1xf32>
    %reduce_sum3A_115 = vector.shape_cast %reduce_sum3A_114 : vector<1xf32> to vector<1x1x1xf32>
    %reduce_sum3A_116 = vector.extract %reduce_sum3A_115[0, 0, 0] : f32 from vector<1x1x1xf32>
    %add3A_117 = arith.addf %add3A_84, %reduce_sum3A_116 : f32
    %concatenate3A = tpu.concatenate %broadcast_in_dim3A_44, %broadcast_in_dim3A_78, %broadcast_in_dim3A_111 in 1 : vector<512x1xi32>, vector<512x1xi32>, vector<512x1xi32> -> vector<512x3xi32>
    %swap3A = arith.constant 0 : index
    %swap3A_118 = arith.constant 0 : index
    %swap3A_119 = vector.load %arg7[%swap3A, %swap3A_118] : memref<512x3xi32, #tpu.memory_space<vmem>>, vector<512x3xi32>
    tpu.vector_store %arg7[%swap3A, %swap3A_118], %concatenate3A {strides = array<i32>} : memref<512x3xi32, #tpu.memory_space<vmem>>, vector<512x3xi32>,
    %eq3A_120 = arith.constant 0 : i32
    %eq3A_121 = arith.cmpi eq, %arg0, %eq3A_120 : i32
    %convert_element_type3A = arith.extui %eq3A_121 : i1 to i32
    %cond3A = arith.constant 0 : i32
    %cond3A_122 = arith.cmpi ne, %convert_element_type3A, %cond3A : i32
    scf.if %cond3A_122 {
      %swap3A_130 = arith.constant 0.000000e+00 : f32
      %swap3A_131 = arith.constant 0 : index
      %swap3A_132 = arith.constant 0 : index
      %swap3A_133 = memref.load %arg8[%swap3A_131, %swap3A_132] : memref<1x1xf32, #tpu.memory_space<smem>>
      memref.store %swap3A_130, %arg8[%swap3A_131, %swap3A_132] : memref<1x1xf32, #tpu.memory_space<smem>>
    } else {
    }
    %get3A_123 = arith.constant 0 : index
    %get3A_124 = arith.constant 0 : index
    %get3A_125 = memref.load %arg8[%get3A_123, %get3A_124] : memref<1x1xf32, #tpu.memory_space<smem>>
    %add3A_126 = arith.addf %get3A_125, %add3A_117 : f32
    %swap3A_127 = arith.constant 0 : index
    %swap3A_128 = arith.constant 0 : index
    %swap3A_129 = memref.load %arg8[%swap3A_127, %swap3A_128] : memref<1x1xf32, #tpu.memory_space<smem>>
    memref.store %add3A_126, %arg8[%swap3A_127, %swap3A_128] : memref<1x1xf32, #tpu.memory_space<smem>>
    return
  }
  func.func @transform_0(%arg0: i32) -> (i32, i32) {
    %add3A = arith.constant 8 : i32
    %add3A_0 = arith.addi %add3A, %arg0 : i32
    %c0_i32 = arith.constant 0 : i32
    %c0_i32_1 = arith.constant 0 : i32
    return %add3A_0, %c0_i32 : i32, i32
  }
  func.func @transform_1(%arg0: i32) -> (i32, i32) {
    %c0_i32 = arith.constant 0 : i32
    %c0_i32_0 = arith.constant 0 : i32
    %c0_i32_1 = arith.constant 0 : i32
    return %c0_i32, %c0_i32_0 : i32, i32
  }
  func.func @transform_2(%arg0: i32) -> (i32, i32) {
    %c0_i32 = arith.constant 0 : i32
    %c0_i32_0 = arith.constant 0 : i32
    %c0_i32_1 = arith.constant 0 : i32
    return %c0_i32, %c0_i32_0 : i32, i32
  }
  func.func @transform_3(%arg0: i32) -> (i32, i32) {
    %c0_i32 = arith.constant 0 : i32
    %c0_i32_0 = arith.constant 0 : i32
    %c0_i32_1 = arith.constant 0 : i32
    return %c0_i32, %c0_i32_0 : i32, i32
  }
  func.func @transform_4(%arg0: i32) -> (i32, i32) {
    %c0_i32 = arith.constant 0 : i32
    %c0_i32_0 = arith.constant 0 : i32
    %c0_i32_1 = arith.constant 0 : i32
    return %c0_i32, %c0_i32_0 : i32, i32
  }
  func.func @transform_5(%arg0: i32) -> (i32, i32) {
    %c0_i32 = arith.constant 0 : i32
    %c0_i32_0 = arith.constant 0 : i32
    %c0_i32_1 = arith.constant 0 : i32
    return %c0_i32, %c0_i32_0 : i32, i32
  }
  func.func @transform_6(%arg0: i32) -> (i32, i32) {
    %c0_i32 = arith.constant 0 : i32
    %c0_i32_0 = arith.constant 0 : i32
    return %arg0, %c0_i32 : i32, i32
  }
  func.func @transform_7(%arg0: i32) -> (i32, i32) {
    %c0_i32 = arith.constant 0 : i32
    %c0_i32_0 = arith.constant 0 : i32
    %c0_i32_1 = arith.constant 0 : i32
    return %c0_i32, %c0_i32_0 : i32, i32
  }
}

module attributes {stable_mosaic.version = 14 : i64} {
  func.func @_vq_body(%arg0: i32, %arg1: memref<512x256xf32, #tpu.memory_space<vmem>>, %arg2: memref<256x256xf32, #tpu.memory_space<vmem>>, %arg3: memref<1x256xf32, #tpu.memory_space<vmem>>, %arg4: memref<256x768xf32, #tpu.memory_space<vmem>>, %arg5: memref<1x768xf32, #tpu.memory_space<vmem>>, %arg6: memref<1024x256xf32, #tpu.memory_space<vmem>>, %arg7: memref<512x3xi32, #tpu.memory_space<vmem>>, %arg8: memref<1x1xf32, #tpu.memory_space<smem>>) attributes {dimension_semantics = [#tpu.dimension_semantics<arbitrary>], iteration_bounds = array<i64: 8>, scalar_prefetch = 0 : i64, scratch_operands = 0 : i64, tpu.core_type = #tpu.core_type<tc>, window_params = [{transform_indices = @transform_0, window_bounds = array<i64: 512, 256>}, {pipeline_mode = #tpu.pipeline_mode<synchronous>, transform_indices = @transform_1, window_bounds = array<i64: 256, 256>}, {pipeline_mode = #tpu.pipeline_mode<synchronous>, transform_indices = @transform_2, window_bounds = array<i64: 1, 256>}, {pipeline_mode = #tpu.pipeline_mode<synchronous>, transform_indices = @transform_3, window_bounds = array<i64: 256, 768>}, {pipeline_mode = #tpu.pipeline_mode<synchronous>, transform_indices = @transform_4, window_bounds = array<i64: 1, 768>}, {pipeline_mode = #tpu.pipeline_mode<synchronous>, transform_indices = @transform_5, window_bounds = array<i64: 1024, 256>}, {transform_indices = @transform_6, window_bounds = array<i64: 512, 3>}, {transform_indices = @transform_7, window_bounds = array<i64: 1, 1>}]} {
    %get3A = arith.constant 0 : index
    %get3A_0 = arith.constant 0 : index
    %get3A_1 = vector.load %arg1[%get3A, %get3A_0] : memref<512x256xf32, #tpu.memory_space<vmem>>, vector<512x256xf32>
    %get3A_2 = arith.constant 0 : index
    %get3A_3 = arith.constant 0 : index
    %get3A_4 = vector.load %arg2[%get3A_2, %get3A_3] : memref<256x256xf32, #tpu.memory_space<vmem>>, vector<256x256xf32>
    %dot_general3A = arith.constant dense<0.000000e+00> : vector<512x256xf32>
    %dot_general3A_5 = tpu.matmul %get3A_1, %get3A_4, %dot_general3A {dimension_numbers = #tpu.dot_dimension_numbers<[1], [0], [0], [1], [0, 0, 1, 1], [], []>, transpose_lhs_hint = false} : vector<512x256xf32>, vector<256x256xf32>, vector<512x256xf32> -> vector<512x256xf32>
    %get3A_6 = arith.constant 0 : index
    %get3A_7 = arith.constant 0 : index
    %get3A_8 = vector.load %arg3[%get3A_6, %get3A_7] : memref<1x256xf32, #tpu.memory_space<vmem>>, vector<1x256xf32>
    %add3A = vector.broadcast %get3A_8 : vector<1x256xf32> to vector<512x256xf32>
    %add3A_9 = arith.addf %dot_general3A_5, %add3A : vector<512x256xf32>
    %max3A = arith.constant 0.000000e+00 : f32
    %max3A_10 = vector.broadcast %max3A : f32 to vector<512x256xf32>
    %max3A_11 = arith.maximumf %add3A_9, %max3A_10 : vector<512x256xf32>
    %get3A_12 = arith.constant 0 : index
    %get3A_13 = arith.constant 0 : index
    %get3A_14 = vector.load %arg4[%get3A_12, %get3A_13] : memref<256x768xf32, #tpu.memory_space<vmem>>, vector<256x768xf32>
    %dot_general3A_15 = arith.constant dense<0.000000e+00> : vector<512x768xf32>
    %dot_general3A_16 = tpu.matmul %max3A_11, %get3A_14, %dot_general3A_15 {dimension_numbers = #tpu.dot_dimension_numbers<[1], [0], [0], [1], [0, 0, 1, 1], [], []>, transpose_lhs_hint = false} : vector<512x256xf32>, vector<256x768xf32>, vector<512x768xf32> -> vector<512x768xf32>
    %get3A_17 = arith.constant 0 : index
    %get3A_18 = arith.constant 0 : index
    %get3A_19 = vector.load %arg5[%get3A_17, %get3A_18] : memref<1x768xf32, #tpu.memory_space<vmem>>, vector<1x768xf32>
    %add3A_20 = vector.broadcast %get3A_19 : vector<1x768xf32> to vector<512x768xf32>
    %add3A_21 = arith.addf %dot_general3A_16, %add3A_20 : vector<512x768xf32>
    %get3A_22 = arith.constant 0 : index
    %get3A_23 = arith.constant 0 : index
    %get3A_24 = vector.load %arg6[%get3A_22, %get3A_23] : memref<1024x256xf32, #tpu.memory_space<vmem>>, vector<1024x256xf32>
    %mul3A = arith.mulf %get3A_24, %get3A_24 : vector<1024x256xf32>
    %reduce_sum3A = arith.constant dense<0.000000e+00> : vector<1024xf32>
    %reduce_sum3A_25 = vector.multi_reduction <add>, %mul3A, %reduce_sum3A [1] : vector<1024x256xf32> to vector<1024xf32>
    %slice3A = vector.extract_strided_slice %add3A_21 {offsets = [0, 0], sizes = [512, 256], strides = [1, 1]} : vector<512x768xf32> to vector<512x256xf32>
    %mul3A_26 = arith.mulf %slice3A, %slice3A : vector<512x256xf32>
    %reduce_sum3A_27 = arith.constant dense<0.000000e+00> : vector<512xf32>
    %reduce_sum3A_28 = vector.multi_reduction <add>, %mul3A_26, %reduce_sum3A_27 [1] : vector<512x256xf32> to vector<512xf32>
    %broadcast_in_dim3A = vector.shape_cast %reduce_sum3A_28 : vector<512xf32> to vector<512x1xf32>
    %dot_general3A_29 = arith.constant dense<0.000000e+00> : vector<512x1024xf32>
    %dot_general3A_30 = tpu.matmul %slice3A, %get3A_24, %dot_general3A_29 {dimension_numbers = #tpu.dot_dimension_numbers<[1], [1], [0], [0], [0, 0, 1, 0], [], []>, transpose_lhs_hint = false} : vector<512x256xf32>, vector<1024x256xf32>, vector<512x1024xf32> -> vector<512x1024xf32>
    %broadcast_in_dim3A_31 = vector.shape_cast %reduce_sum3A_25 : vector<1024xf32> to vector<1x1024xf32>
    %add3A_32 = vector.broadcast %broadcast_in_dim3A : vector<512x1xf32> to vector<512x1024xf32>
    %add3A_33 = vector.broadcast %broadcast_in_dim3A_31 : vector<1x1024xf32> to vector<512x1024xf32>
    %add3A_34 = arith.addf %add3A_32, %add3A_33 : vector<512x1024xf32>
    %mul3A_35 = arith.constant 2.000000e+00 : f32
    %mul3A_36 = vector.broadcast %mul3A_35 : f32 to vector<512x1024xf32>
    %mul3A_37 = arith.mulf %mul3A_36, %dot_general3A_30 : vector<512x1024xf32>
    %sub3A = arith.subf %add3A_34, %mul3A_37 : vector<512x1024xf32>
    %reduce_min3A = arith.constant dense<0x7F800000> : vector<512xf32>
    %reduce_min3A_38 = vector.multi_reduction <minimumf>, %sub3A, %reduce_min3A [1] : vector<512x1024xf32> to vector<512xf32>
    %broadcast_in_dim3A_39 = vector.shape_cast %reduce_min3A_38 : vector<512xf32> to vector<512x1xf32>
    %iota3A = tpu.iota {dimensions = array<i32: 1>} : vector<512x1024xi32>
    %eq3A = vector.broadcast %broadcast_in_dim3A_39 : vector<512x1xf32> to vector<512x1024xf32>
    %eq3A_40 = arith.cmpf oeq, %sub3A, %eq3A : vector<512x1024xf32>
    %jit3A = arith.constant 1024 : i32
    %broadcast_in_dim3A_41 = vector.broadcast %jit3A : i32 to vector<512x1024xi32>
    %select_n3A = arith.select %eq3A_40, %iota3A, %broadcast_in_dim3A_41 : vector<512x1024xi1>, vector<512x1024xi32>
    %reduce_min3A_42 = arith.constant dense<2147483647> : vector<512xi32>
    %reduce_min3A_43 = vector.multi_reduction <minsi>, %select_n3A, %reduce_min3A_42 [1] : vector<512x1024xi32> to vector<512xi32>
    %broadcast_in_dim3A_44 = vector.shape_cast %reduce_min3A_43 : vector<512xi32> to vector<512x1xi32>
    %reduce_sum3A_45 = vector.shape_cast %broadcast_in_dim3A_39 : vector<512x1xf32> to vector<1x512x1xf32>
    %reduce_sum3A_46 = arith.constant dense<0.000000e+00> : vector<1xf32>
    %reduce_sum3A_47 = vector.multi_reduction <add>, %reduce_sum3A_45, %reduce_sum3A_46 [1, 2] : vector<1x512x1xf32> to vector<1xf32>
    %reduce_sum3A_48 = vector.shape_cast %reduce_sum3A_47 : vector<1xf32> to vector<1x1x1xf32>
    %reduce_sum3A_49 = vector.extract %reduce_sum3A_48[0, 0, 0] : f32 from vector<1x1x1xf32>
    %add3A_50 = arith.constant 0.000000e+00 : f32
    %add3A_51 = arith.addf %add3A_50, %reduce_sum3A_49 : f32
    %slice3A_52 = vector.extract_strided_slice %add3A_21 {offsets = [0, 256], sizes = [512, 256], strides = [1, 1]} : vector<512x768xf32> to vector<512x256xf32>
    %mul3A_53 = arith.mulf %slice3A_52, %slice3A_52 : vector<512x256xf32>
    %reduce_sum3A_54 = arith.constant dense<0.000000e+00> : vector<512xf32>
    %reduce_sum3A_55 = vector.multi_reduction <add>, %mul3A_53, %reduce_sum3A_54 [1] : vector<512x256xf32> to vector<512xf32>
    %broadcast_in_dim3A_56 = vector.shape_cast %reduce_sum3A_55 : vector<512xf32> to vector<512x1xf32>
    %dot_general3A_57 = arith.constant dense<0.000000e+00> : vector<512x1024xf32>
    %dot_general3A_58 = tpu.matmul %slice3A_52, %get3A_24, %dot_general3A_57 {dimension_numbers = #tpu.dot_dimension_numbers<[1], [1], [0], [0], [0, 0, 1, 0], [], []>, transpose_lhs_hint = false} : vector<512x256xf32>, vector<1024x256xf32>, vector<512x1024xf32> -> vector<512x1024xf32>
    %broadcast_in_dim3A_59 = vector.shape_cast %reduce_sum3A_25 : vector<1024xf32> to vector<1x1024xf32>
    %add3A_60 = vector.broadcast %broadcast_in_dim3A_56 : vector<512x1xf32> to vector<512x1024xf32>
    %add3A_61 = vector.broadcast %broadcast_in_dim3A_59 : vector<1x1024xf32> to vector<512x1024xf32>
    %add3A_62 = arith.addf %add3A_60, %add3A_61 : vector<512x1024xf32>
    %mul3A_63 = arith.constant 2.000000e+00 : f32
    %mul3A_64 = vector.broadcast %mul3A_63 : f32 to vector<512x1024xf32>
    %mul3A_65 = arith.mulf %mul3A_64, %dot_general3A_58 : vector<512x1024xf32>
    %sub3A_66 = arith.subf %add3A_62, %mul3A_65 : vector<512x1024xf32>
    %reduce_min3A_67 = arith.constant dense<0x7F800000> : vector<512xf32>
    %reduce_min3A_68 = vector.multi_reduction <minimumf>, %sub3A_66, %reduce_min3A_67 [1] : vector<512x1024xf32> to vector<512xf32>
    %broadcast_in_dim3A_69 = vector.shape_cast %reduce_min3A_68 : vector<512xf32> to vector<512x1xf32>
    %iota3A_70 = tpu.iota {dimensions = array<i32: 1>} : vector<512x1024xi32>
    %eq3A_71 = vector.broadcast %broadcast_in_dim3A_69 : vector<512x1xf32> to vector<512x1024xf32>
    %eq3A_72 = arith.cmpf oeq, %sub3A_66, %eq3A_71 : vector<512x1024xf32>
    %jit3A_73 = arith.constant 1024 : i32
    %broadcast_in_dim3A_74 = vector.broadcast %jit3A_73 : i32 to vector<512x1024xi32>
    %select_n3A_75 = arith.select %eq3A_72, %iota3A_70, %broadcast_in_dim3A_74 : vector<512x1024xi1>, vector<512x1024xi32>
    %reduce_min3A_76 = arith.constant dense<2147483647> : vector<512xi32>
    %reduce_min3A_77 = vector.multi_reduction <minsi>, %select_n3A_75, %reduce_min3A_76 [1] : vector<512x1024xi32> to vector<512xi32>
    %broadcast_in_dim3A_78 = vector.shape_cast %reduce_min3A_77 : vector<512xi32> to vector<512x1xi32>
    %reduce_sum3A_79 = vector.shape_cast %broadcast_in_dim3A_69 : vector<512x1xf32> to vector<1x512x1xf32>
    %reduce_sum3A_80 = arith.constant dense<0.000000e+00> : vector<1xf32>
    %reduce_sum3A_81 = vector.multi_reduction <add>, %reduce_sum3A_79, %reduce_sum3A_80 [1, 2] : vector<1x512x1xf32> to vector<1xf32>
    %reduce_sum3A_82 = vector.shape_cast %reduce_sum3A_81 : vector<1xf32> to vector<1x1x1xf32>
    %reduce_sum3A_83 = vector.extract %reduce_sum3A_82[0, 0, 0] : f32 from vector<1x1x1xf32>
    %add3A_84 = arith.addf %add3A_51, %reduce_sum3A_83 : f32
    %slice3A_85 = vector.extract_strided_slice %add3A_21 {offsets = [0, 512], sizes = [512, 256], strides = [1, 1]} : vector<512x768xf32> to vector<512x256xf32>
    %mul3A_86 = arith.mulf %slice3A_85, %slice3A_85 : vector<512x256xf32>
    %reduce_sum3A_87 = arith.constant dense<0.000000e+00> : vector<512xf32>
    %reduce_sum3A_88 = vector.multi_reduction <add>, %mul3A_86, %reduce_sum3A_87 [1] : vector<512x256xf32> to vector<512xf32>
    %broadcast_in_dim3A_89 = vector.shape_cast %reduce_sum3A_88 : vector<512xf32> to vector<512x1xf32>
    %dot_general3A_90 = arith.constant dense<0.000000e+00> : vector<512x1024xf32>
    %dot_general3A_91 = tpu.matmul %slice3A_85, %get3A_24, %dot_general3A_90 {dimension_numbers = #tpu.dot_dimension_numbers<[1], [1], [0], [0], [0, 0, 1, 0], [], []>, transpose_lhs_hint = false} : vector<512x256xf32>, vector<1024x256xf32>, vector<512x1024xf32> -> vector<512x1024xf32>
    %broadcast_in_dim3A_92 = vector.shape_cast %reduce_sum3A_25 : vector<1024xf32> to vector<1x1024xf32>
    %add3A_93 = vector.broadcast %broadcast_in_dim3A_89 : vector<512x1xf32> to vector<512x1024xf32>
    %add3A_94 = vector.broadcast %broadcast_in_dim3A_92 : vector<1x1024xf32> to vector<512x1024xf32>
    %add3A_95 = arith.addf %add3A_93, %add3A_94 : vector<512x1024xf32>
    %mul3A_96 = arith.constant 2.000000e+00 : f32
    %mul3A_97 = vector.broadcast %mul3A_96 : f32 to vector<512x1024xf32>
    %mul3A_98 = arith.mulf %mul3A_97, %dot_general3A_91 : vector<512x1024xf32>
    %sub3A_99 = arith.subf %add3A_95, %mul3A_98 : vector<512x1024xf32>
    %reduce_min3A_100 = arith.constant dense<0x7F800000> : vector<512xf32>
    %reduce_min3A_101 = vector.multi_reduction <minimumf>, %sub3A_99, %reduce_min3A_100 [1] : vector<512x1024xf32> to vector<512xf32>
    %broadcast_in_dim3A_102 = vector.shape_cast %reduce_min3A_101 : vector<512xf32> to vector<512x1xf32>
    %iota3A_103 = tpu.iota {dimensions = array<i32: 1>} : vector<512x1024xi32>
    %eq3A_104 = vector.broadcast %broadcast_in_dim3A_102 : vector<512x1xf32> to vector<512x1024xf32>
    %eq3A_105 = arith.cmpf oeq, %sub3A_99, %eq3A_104 : vector<512x1024xf32>
    %jit3A_106 = arith.constant 1024 : i32
    %broadcast_in_dim3A_107 = vector.broadcast %jit3A_106 : i32 to vector<512x1024xi32>
    %select_n3A_108 = arith.select %eq3A_105, %iota3A_103, %broadcast_in_dim3A_107 : vector<512x1024xi1>, vector<512x1024xi32>
    %reduce_min3A_109 = arith.constant dense<2147483647> : vector<512xi32>
    %reduce_min3A_110 = vector.multi_reduction <minsi>, %select_n3A_108, %reduce_min3A_109 [1] : vector<512x1024xi32> to vector<512xi32>
    %broadcast_in_dim3A_111 = vector.shape_cast %reduce_min3A_110 : vector<512xi32> to vector<512x1xi32>
    %reduce_sum3A_112 = vector.shape_cast %broadcast_in_dim3A_102 : vector<512x1xf32> to vector<1x512x1xf32>
    %reduce_sum3A_113 = arith.constant dense<0.000000e+00> : vector<1xf32>
    %reduce_sum3A_114 = vector.multi_reduction <add>, %reduce_sum3A_112, %reduce_sum3A_113 [1, 2] : vector<1x512x1xf32> to vector<1xf32>
    %reduce_sum3A_115 = vector.shape_cast %reduce_sum3A_114 : vector<1xf32> to vector<1x1x1xf32>
    %reduce_sum3A_116 = vector.extract %reduce_sum3A_115[0, 0, 0] : f32 from vector<1x1x1xf32>
    %add3A_117 = arith.addf %add3A_84, %reduce_sum3A_116 : f32
    %concatenate3A = tpu.concatenate %broadcast_in_dim3A_44, %broadcast_in_dim3A_78, %broadcast_in_dim3A_111 in 1 : vector<512x1xi32>, vector<512x1xi32>, vector<512x1xi32> -> vector<512x3xi32>
    %swap3A = arith.constant 0 : index
    %swap3A_118 = arith.constant 0 : index
    %swap3A_119 = vector.load %arg7[%swap3A, %swap3A_118] : memref<512x3xi32, #tpu.memory_space<vmem>>, vector<512x3xi32>
    tpu.vector_store %arg7[%swap3A, %swap3A_118], %concatenate3A {strides = array<i32>} : memref<512x3xi32, #tpu.memory_space<vmem>>, vector<512x3xi32>,
    %eq3A_120 = arith.constant 0 : i32
    %eq3A_121 = arith.cmpi eq, %arg0, %eq3A_120 : i32
    %convert_element_type3A = arith.extui %eq3A_121 : i1 to i32
    %cond3A = arith.constant 0 : i32
    %cond3A_122 = arith.cmpi ne, %convert_element_type3A, %cond3A : i32
    scf.if %cond3A_122 {
      %swap3A_130 = arith.constant 0.000000e+00 : f32
      %swap3A_131 = arith.constant 0 : index
      %swap3A_132 = arith.constant 0 : index
      %swap3A_133 = memref.load %arg8[%swap3A_131, %swap3A_132] : memref<1x1xf32, #tpu.memory_space<smem>>
      memref.store %swap3A_130, %arg8[%swap3A_131, %swap3A_132] : memref<1x1xf32, #tpu.memory_space<smem>>
    } else {
    }
    %get3A_123 = arith.constant 0 : index
    %get3A_124 = arith.constant 0 : index
    %get3A_125 = memref.load %arg8[%get3A_123, %get3A_124] : memref<1x1xf32, #tpu.memory_space<smem>>
    %add3A_126 = arith.addf %get3A_125, %add3A_117 : f32
    %swap3A_127 = arith.constant 0 : index
    %swap3A_128 = arith.constant 0 : index
    %swap3A_129 = memref.load %arg8[%swap3A_127, %swap3A_128] : memref<1x1xf32, #tpu.memory_space<smem>>
    memref.store %add3A_126, %arg8[%swap3A_127, %swap3A_128] : memref<1x1xf32, #tpu.memory_space<smem>>
    return
  }
  func.func @transform_0(%arg0: i32) -> (i32, i32) {
    %add3A = arith.constant 16 : i32
    %add3A_0 = arith.addi %add3A, %arg0 : i32
    %c0_i32 = arith.constant 0 : i32
    %c0_i32_1 = arith.constant 0 : i32
    return %add3A_0, %c0_i32 : i32, i32
  }
  func.func @transform_1(%arg0: i32) -> (i32, i32) {
    %c0_i32 = arith.constant 0 : i32
    %c0_i32_0 = arith.constant 0 : i32
    %c0_i32_1 = arith.constant 0 : i32
    return %c0_i32, %c0_i32_0 : i32, i32
  }
  func.func @transform_2(%arg0: i32) -> (i32, i32) {
    %c0_i32 = arith.constant 0 : i32
    %c0_i32_0 = arith.constant 0 : i32
    %c0_i32_1 = arith.constant 0 : i32
    return %c0_i32, %c0_i32_0 : i32, i32
  }
  func.func @transform_3(%arg0: i32) -> (i32, i32) {
    %c0_i32 = arith.constant 0 : i32
    %c0_i32_0 = arith.constant 0 : i32
    %c0_i32_1 = arith.constant 0 : i32
    return %c0_i32, %c0_i32_0 : i32, i32
  }
  func.func @transform_4(%arg0: i32) -> (i32, i32) {
    %c0_i32 = arith.constant 0 : i32
    %c0_i32_0 = arith.constant 0 : i32
    %c0_i32_1 = arith.constant 0 : i32
    return %c0_i32, %c0_i32_0 : i32, i32
  }
  func.func @transform_5(%arg0: i32) -> (i32, i32) {
    %c0_i32 = arith.constant 0 : i32
    %c0_i32_0 = arith.constant 0 : i32
    %c0_i32_1 = arith.constant 0 : i32
    return %c0_i32, %c0_i32_0 : i32, i32
  }
  func.func @transform_6(%arg0: i32) -> (i32, i32) {
    %c0_i32 = arith.constant 0 : i32
    %c0_i32_0 = arith.constant 0 : i32
    return %arg0, %c0_i32 : i32, i32
  }
  func.func @transform_7(%arg0: i32) -> (i32, i32) {
    %c0_i32 = arith.constant 0 : i32
    %c0_i32_0 = arith.constant 0 : i32
    %c0_i32_1 = arith.constant 0 : i32
    return %c0_i32, %c0_i32_0 : i32, i32
  }
}

module attributes {stable_mosaic.version = 14 : i64} {
  func.func @_vq_body(%arg0: i32, %arg1: memref<512x256xf32, #tpu.memory_space<vmem>>, %arg2: memref<256x256xf32, #tpu.memory_space<vmem>>, %arg3: memref<1x256xf32, #tpu.memory_space<vmem>>, %arg4: memref<256x1024xf32, #tpu.memory_space<vmem>>, %arg5: memref<1x1024xf32, #tpu.memory_space<vmem>>, %arg6: memref<1024x256xf32, #tpu.memory_space<vmem>>, %arg7: memref<512x4xi32, #tpu.memory_space<vmem>>, %arg8: memref<1x1xf32, #tpu.memory_space<smem>>) attributes {dimension_semantics = [#tpu.dimension_semantics<arbitrary>], iteration_bounds = array<i64: 8>, scalar_prefetch = 0 : i64, scratch_operands = 0 : i64, tpu.core_type = #tpu.core_type<tc>, window_params = [{transform_indices = @transform_0, window_bounds = array<i64: 512, 256>}, {pipeline_mode = #tpu.pipeline_mode<synchronous>, transform_indices = @transform_1, window_bounds = array<i64: 256, 256>}, {pipeline_mode = #tpu.pipeline_mode<synchronous>, transform_indices = @transform_2, window_bounds = array<i64: 1, 256>}, {pipeline_mode = #tpu.pipeline_mode<synchronous>, transform_indices = @transform_3, window_bounds = array<i64: 256, 1024>}, {pipeline_mode = #tpu.pipeline_mode<synchronous>, transform_indices = @transform_4, window_bounds = array<i64: 1, 1024>}, {pipeline_mode = #tpu.pipeline_mode<synchronous>, transform_indices = @transform_5, window_bounds = array<i64: 1024, 256>}, {transform_indices = @transform_6, window_bounds = array<i64: 512, 4>}, {transform_indices = @transform_7, window_bounds = array<i64: 1, 1>}]} {
    %get3A = arith.constant 0 : index
    %get3A_0 = arith.constant 0 : index
    %get3A_1 = vector.load %arg1[%get3A, %get3A_0] : memref<512x256xf32, #tpu.memory_space<vmem>>, vector<512x256xf32>
    %get3A_2 = arith.constant 0 : index
    %get3A_3 = arith.constant 0 : index
    %get3A_4 = vector.load %arg2[%get3A_2, %get3A_3] : memref<256x256xf32, #tpu.memory_space<vmem>>, vector<256x256xf32>
    %dot_general3A = arith.constant dense<0.000000e+00> : vector<512x256xf32>
    %dot_general3A_5 = tpu.matmul %get3A_1, %get3A_4, %dot_general3A {dimension_numbers = #tpu.dot_dimension_numbers<[1], [0], [0], [1], [0, 0, 1, 1], [], []>, transpose_lhs_hint = false} : vector<512x256xf32>, vector<256x256xf32>, vector<512x256xf32> -> vector<512x256xf32>
    %get3A_6 = arith.constant 0 : index
    %get3A_7 = arith.constant 0 : index
    %get3A_8 = vector.load %arg3[%get3A_6, %get3A_7] : memref<1x256xf32, #tpu.memory_space<vmem>>, vector<1x256xf32>
    %add3A = vector.broadcast %get3A_8 : vector<1x256xf32> to vector<512x256xf32>
    %add3A_9 = arith.addf %dot_general3A_5, %add3A : vector<512x256xf32>
    %max3A = arith.constant 0.000000e+00 : f32
    %max3A_10 = vector.broadcast %max3A : f32 to vector<512x256xf32>
    %max3A_11 = arith.maximumf %add3A_9, %max3A_10 : vector<512x256xf32>
    %get3A_12 = arith.constant 0 : index
    %get3A_13 = arith.constant 0 : index
    %get3A_14 = vector.load %arg4[%get3A_12, %get3A_13] : memref<256x1024xf32, #tpu.memory_space<vmem>>, vector<256x1024xf32>
    %dot_general3A_15 = arith.constant dense<0.000000e+00> : vector<512x1024xf32>
    %dot_general3A_16 = tpu.matmul %max3A_11, %get3A_14, %dot_general3A_15 {dimension_numbers = #tpu.dot_dimension_numbers<[1], [0], [0], [1], [0, 0, 1, 1], [], []>, transpose_lhs_hint = false} : vector<512x256xf32>, vector<256x1024xf32>, vector<512x1024xf32> -> vector<512x1024xf32>
    %get3A_17 = arith.constant 0 : index
    %get3A_18 = arith.constant 0 : index
    %get3A_19 = vector.load %arg5[%get3A_17, %get3A_18] : memref<1x1024xf32, #tpu.memory_space<vmem>>, vector<1x1024xf32>
    %add3A_20 = vector.broadcast %get3A_19 : vector<1x1024xf32> to vector<512x1024xf32>
    %add3A_21 = arith.addf %dot_general3A_16, %add3A_20 : vector<512x1024xf32>
    %get3A_22 = arith.constant 0 : index
    %get3A_23 = arith.constant 0 : index
    %get3A_24 = vector.load %arg6[%get3A_22, %get3A_23] : memref<1024x256xf32, #tpu.memory_space<vmem>>, vector<1024x256xf32>
    %mul3A = arith.mulf %get3A_24, %get3A_24 : vector<1024x256xf32>
    %reduce_sum3A = arith.constant dense<0.000000e+00> : vector<1024xf32>
    %reduce_sum3A_25 = vector.multi_reduction <add>, %mul3A, %reduce_sum3A [1] : vector<1024x256xf32> to vector<1024xf32>
    %slice3A = vector.extract_strided_slice %add3A_21 {offsets = [0, 0], sizes = [512, 256], strides = [1, 1]} : vector<512x1024xf32> to vector<512x256xf32>
    %mul3A_26 = arith.mulf %slice3A, %slice3A : vector<512x256xf32>
    %reduce_sum3A_27 = arith.constant dense<0.000000e+00> : vector<512xf32>
    %reduce_sum3A_28 = vector.multi_reduction <add>, %mul3A_26, %reduce_sum3A_27 [1] : vector<512x256xf32> to vector<512xf32>
    %broadcast_in_dim3A = vector.shape_cast %reduce_sum3A_28 : vector<512xf32> to vector<512x1xf32>
    %dot_general3A_29 = arith.constant dense<0.000000e+00> : vector<512x1024xf32>
    %dot_general3A_30 = tpu.matmul %slice3A, %get3A_24, %dot_general3A_29 {dimension_numbers = #tpu.dot_dimension_numbers<[1], [1], [0], [0], [0, 0, 1, 0], [], []>, transpose_lhs_hint = false} : vector<512x256xf32>, vector<1024x256xf32>, vector<512x1024xf32> -> vector<512x1024xf32>
    %broadcast_in_dim3A_31 = vector.shape_cast %reduce_sum3A_25 : vector<1024xf32> to vector<1x1024xf32>
    %add3A_32 = vector.broadcast %broadcast_in_dim3A : vector<512x1xf32> to vector<512x1024xf32>
    %add3A_33 = vector.broadcast %broadcast_in_dim3A_31 : vector<1x1024xf32> to vector<512x1024xf32>
    %add3A_34 = arith.addf %add3A_32, %add3A_33 : vector<512x1024xf32>
    %mul3A_35 = arith.constant 2.000000e+00 : f32
    %mul3A_36 = vector.broadcast %mul3A_35 : f32 to vector<512x1024xf32>
    %mul3A_37 = arith.mulf %mul3A_36, %dot_general3A_30 : vector<512x1024xf32>
    %sub3A = arith.subf %add3A_34, %mul3A_37 : vector<512x1024xf32>
    %reduce_min3A = arith.constant dense<0x7F800000> : vector<512xf32>
    %reduce_min3A_38 = vector.multi_reduction <minimumf>, %sub3A, %reduce_min3A [1] : vector<512x1024xf32> to vector<512xf32>
    %broadcast_in_dim3A_39 = vector.shape_cast %reduce_min3A_38 : vector<512xf32> to vector<512x1xf32>
    %iota3A = tpu.iota {dimensions = array<i32: 1>} : vector<512x1024xi32>
    %eq3A = vector.broadcast %broadcast_in_dim3A_39 : vector<512x1xf32> to vector<512x1024xf32>
    %eq3A_40 = arith.cmpf oeq, %sub3A, %eq3A : vector<512x1024xf32>
    %jit3A = arith.constant 1024 : i32
    %broadcast_in_dim3A_41 = vector.broadcast %jit3A : i32 to vector<512x1024xi32>
    %select_n3A = arith.select %eq3A_40, %iota3A, %broadcast_in_dim3A_41 : vector<512x1024xi1>, vector<512x1024xi32>
    %reduce_min3A_42 = arith.constant dense<2147483647> : vector<512xi32>
    %reduce_min3A_43 = vector.multi_reduction <minsi>, %select_n3A, %reduce_min3A_42 [1] : vector<512x1024xi32> to vector<512xi32>
    %broadcast_in_dim3A_44 = vector.shape_cast %reduce_min3A_43 : vector<512xi32> to vector<512x1xi32>
    %reduce_sum3A_45 = vector.shape_cast %broadcast_in_dim3A_39 : vector<512x1xf32> to vector<1x512x1xf32>
    %reduce_sum3A_46 = arith.constant dense<0.000000e+00> : vector<1xf32>
    %reduce_sum3A_47 = vector.multi_reduction <add>, %reduce_sum3A_45, %reduce_sum3A_46 [1, 2] : vector<1x512x1xf32> to vector<1xf32>
    %reduce_sum3A_48 = vector.shape_cast %reduce_sum3A_47 : vector<1xf32> to vector<1x1x1xf32>
    %reduce_sum3A_49 = vector.extract %reduce_sum3A_48[0, 0, 0] : f32 from vector<1x1x1xf32>
    %add3A_50 = arith.constant 0.000000e+00 : f32
    %add3A_51 = arith.addf %add3A_50, %reduce_sum3A_49 : f32
    %slice3A_52 = vector.extract_strided_slice %add3A_21 {offsets = [0, 256], sizes = [512, 256], strides = [1, 1]} : vector<512x1024xf32> to vector<512x256xf32>
    %mul3A_53 = arith.mulf %slice3A_52, %slice3A_52 : vector<512x256xf32>
    %reduce_sum3A_54 = arith.constant dense<0.000000e+00> : vector<512xf32>
    %reduce_sum3A_55 = vector.multi_reduction <add>, %mul3A_53, %reduce_sum3A_54 [1] : vector<512x256xf32> to vector<512xf32>
    %broadcast_in_dim3A_56 = vector.shape_cast %reduce_sum3A_55 : vector<512xf32> to vector<512x1xf32>
    %dot_general3A_57 = arith.constant dense<0.000000e+00> : vector<512x1024xf32>
    %dot_general3A_58 = tpu.matmul %slice3A_52, %get3A_24, %dot_general3A_57 {dimension_numbers = #tpu.dot_dimension_numbers<[1], [1], [0], [0], [0, 0, 1, 0], [], []>, transpose_lhs_hint = false} : vector<512x256xf32>, vector<1024x256xf32>, vector<512x1024xf32> -> vector<512x1024xf32>
    %broadcast_in_dim3A_59 = vector.shape_cast %reduce_sum3A_25 : vector<1024xf32> to vector<1x1024xf32>
    %add3A_60 = vector.broadcast %broadcast_in_dim3A_56 : vector<512x1xf32> to vector<512x1024xf32>
    %add3A_61 = vector.broadcast %broadcast_in_dim3A_59 : vector<1x1024xf32> to vector<512x1024xf32>
    %add3A_62 = arith.addf %add3A_60, %add3A_61 : vector<512x1024xf32>
    %mul3A_63 = arith.constant 2.000000e+00 : f32
    %mul3A_64 = vector.broadcast %mul3A_63 : f32 to vector<512x1024xf32>
    %mul3A_65 = arith.mulf %mul3A_64, %dot_general3A_58 : vector<512x1024xf32>
    %sub3A_66 = arith.subf %add3A_62, %mul3A_65 : vector<512x1024xf32>
    %reduce_min3A_67 = arith.constant dense<0x7F800000> : vector<512xf32>
    %reduce_min3A_68 = vector.multi_reduction <minimumf>, %sub3A_66, %reduce_min3A_67 [1] : vector<512x1024xf32> to vector<512xf32>
    %broadcast_in_dim3A_69 = vector.shape_cast %reduce_min3A_68 : vector<512xf32> to vector<512x1xf32>
    %iota3A_70 = tpu.iota {dimensions = array<i32: 1>} : vector<512x1024xi32>
    %eq3A_71 = vector.broadcast %broadcast_in_dim3A_69 : vector<512x1xf32> to vector<512x1024xf32>
    %eq3A_72 = arith.cmpf oeq, %sub3A_66, %eq3A_71 : vector<512x1024xf32>
    %jit3A_73 = arith.constant 1024 : i32
    %broadcast_in_dim3A_74 = vector.broadcast %jit3A_73 : i32 to vector<512x1024xi32>
    %select_n3A_75 = arith.select %eq3A_72, %iota3A_70, %broadcast_in_dim3A_74 : vector<512x1024xi1>, vector<512x1024xi32>
    %reduce_min3A_76 = arith.constant dense<2147483647> : vector<512xi32>
    %reduce_min3A_77 = vector.multi_reduction <minsi>, %select_n3A_75, %reduce_min3A_76 [1] : vector<512x1024xi32> to vector<512xi32>
    %broadcast_in_dim3A_78 = vector.shape_cast %reduce_min3A_77 : vector<512xi32> to vector<512x1xi32>
    %reduce_sum3A_79 = vector.shape_cast %broadcast_in_dim3A_69 : vector<512x1xf32> to vector<1x512x1xf32>
    %reduce_sum3A_80 = arith.constant dense<0.000000e+00> : vector<1xf32>
    %reduce_sum3A_81 = vector.multi_reduction <add>, %reduce_sum3A_79, %reduce_sum3A_80 [1, 2] : vector<1x512x1xf32> to vector<1xf32>
    %reduce_sum3A_82 = vector.shape_cast %reduce_sum3A_81 : vector<1xf32> to vector<1x1x1xf32>
    %reduce_sum3A_83 = vector.extract %reduce_sum3A_82[0, 0, 0] : f32 from vector<1x1x1xf32>
    %add3A_84 = arith.addf %add3A_51, %reduce_sum3A_83 : f32
    %slice3A_85 = vector.extract_strided_slice %add3A_21 {offsets = [0, 512], sizes = [512, 256], strides = [1, 1]} : vector<512x1024xf32> to vector<512x256xf32>
    %mul3A_86 = arith.mulf %slice3A_85, %slice3A_85 : vector<512x256xf32>
    %reduce_sum3A_87 = arith.constant dense<0.000000e+00> : vector<512xf32>
    %reduce_sum3A_88 = vector.multi_reduction <add>, %mul3A_86, %reduce_sum3A_87 [1] : vector<512x256xf32> to vector<512xf32>
    %broadcast_in_dim3A_89 = vector.shape_cast %reduce_sum3A_88 : vector<512xf32> to vector<512x1xf32>
    %dot_general3A_90 = arith.constant dense<0.000000e+00> : vector<512x1024xf32>
    %dot_general3A_91 = tpu.matmul %slice3A_85, %get3A_24, %dot_general3A_90 {dimension_numbers = #tpu.dot_dimension_numbers<[1], [1], [0], [0], [0, 0, 1, 0], [], []>, transpose_lhs_hint = false} : vector<512x256xf32>, vector<1024x256xf32>, vector<512x1024xf32> -> vector<512x1024xf32>
    %broadcast_in_dim3A_92 = vector.shape_cast %reduce_sum3A_25 : vector<1024xf32> to vector<1x1024xf32>
    %add3A_93 = vector.broadcast %broadcast_in_dim3A_89 : vector<512x1xf32> to vector<512x1024xf32>
    %add3A_94 = vector.broadcast %broadcast_in_dim3A_92 : vector<1x1024xf32> to vector<512x1024xf32>
    %add3A_95 = arith.addf %add3A_93, %add3A_94 : vector<512x1024xf32>
    %mul3A_96 = arith.constant 2.000000e+00 : f32
    %mul3A_97 = vector.broadcast %mul3A_96 : f32 to vector<512x1024xf32>
    %mul3A_98 = arith.mulf %mul3A_97, %dot_general3A_91 : vector<512x1024xf32>
    %sub3A_99 = arith.subf %add3A_95, %mul3A_98 : vector<512x1024xf32>
    %reduce_min3A_100 = arith.constant dense<0x7F800000> : vector<512xf32>
    %reduce_min3A_101 = vector.multi_reduction <minimumf>, %sub3A_99, %reduce_min3A_100 [1] : vector<512x1024xf32> to vector<512xf32>
    %broadcast_in_dim3A_102 = vector.shape_cast %reduce_min3A_101 : vector<512xf32> to vector<512x1xf32>
    %iota3A_103 = tpu.iota {dimensions = array<i32: 1>} : vector<512x1024xi32>
    %eq3A_104 = vector.broadcast %broadcast_in_dim3A_102 : vector<512x1xf32> to vector<512x1024xf32>
    %eq3A_105 = arith.cmpf oeq, %sub3A_99, %eq3A_104 : vector<512x1024xf32>
    %jit3A_106 = arith.constant 1024 : i32
    %broadcast_in_dim3A_107 = vector.broadcast %jit3A_106 : i32 to vector<512x1024xi32>
    %select_n3A_108 = arith.select %eq3A_105, %iota3A_103, %broadcast_in_dim3A_107 : vector<512x1024xi1>, vector<512x1024xi32>
    %reduce_min3A_109 = arith.constant dense<2147483647> : vector<512xi32>
    %reduce_min3A_110 = vector.multi_reduction <minsi>, %select_n3A_108, %reduce_min3A_109 [1] : vector<512x1024xi32> to vector<512xi32>
    %broadcast_in_dim3A_111 = vector.shape_cast %reduce_min3A_110 : vector<512xi32> to vector<512x1xi32>
    %reduce_sum3A_112 = vector.shape_cast %broadcast_in_dim3A_102 : vector<512x1xf32> to vector<1x512x1xf32>
    %reduce_sum3A_113 = arith.constant dense<0.000000e+00> : vector<1xf32>
    %reduce_sum3A_114 = vector.multi_reduction <add>, %reduce_sum3A_112, %reduce_sum3A_113 [1, 2] : vector<1x512x1xf32> to vector<1xf32>
    %reduce_sum3A_115 = vector.shape_cast %reduce_sum3A_114 : vector<1xf32> to vector<1x1x1xf32>
    %reduce_sum3A_116 = vector.extract %reduce_sum3A_115[0, 0, 0] : f32 from vector<1x1x1xf32>
    %add3A_117 = arith.addf %add3A_84, %reduce_sum3A_116 : f32
    %slice3A_118 = vector.extract_strided_slice %add3A_21 {offsets = [0, 768], sizes = [512, 256], strides = [1, 1]} : vector<512x1024xf32> to vector<512x256xf32>
    %mul3A_119 = arith.mulf %slice3A_118, %slice3A_118 : vector<512x256xf32>
    %reduce_sum3A_120 = arith.constant dense<0.000000e+00> : vector<512xf32>
    %reduce_sum3A_121 = vector.multi_reduction <add>, %mul3A_119, %reduce_sum3A_120 [1] : vector<512x256xf32> to vector<512xf32>
    %broadcast_in_dim3A_122 = vector.shape_cast %reduce_sum3A_121 : vector<512xf32> to vector<512x1xf32>
    %dot_general3A_123 = arith.constant dense<0.000000e+00> : vector<512x1024xf32>
    %dot_general3A_124 = tpu.matmul %slice3A_118, %get3A_24, %dot_general3A_123 {dimension_numbers = #tpu.dot_dimension_numbers<[1], [1], [0], [0], [0, 0, 1, 0], [], []>, transpose_lhs_hint = false} : vector<512x256xf32>, vector<1024x256xf32>, vector<512x1024xf32> -> vector<512x1024xf32>
    %broadcast_in_dim3A_125 = vector.shape_cast %reduce_sum3A_25 : vector<1024xf32> to vector<1x1024xf32>
    %add3A_126 = vector.broadcast %broadcast_in_dim3A_122 : vector<512x1xf32> to vector<512x1024xf32>
    %add3A_127 = vector.broadcast %broadcast_in_dim3A_125 : vector<1x1024xf32> to vector<512x1024xf32>
    %add3A_128 = arith.addf %add3A_126, %add3A_127 : vector<512x1024xf32>
    %mul3A_129 = arith.constant 2.000000e+00 : f32
    %mul3A_130 = vector.broadcast %mul3A_129 : f32 to vector<512x1024xf32>
    %mul3A_131 = arith.mulf %mul3A_130, %dot_general3A_124 : vector<512x1024xf32>
    %sub3A_132 = arith.subf %add3A_128, %mul3A_131 : vector<512x1024xf32>
    %reduce_min3A_133 = arith.constant dense<0x7F800000> : vector<512xf32>
    %reduce_min3A_134 = vector.multi_reduction <minimumf>, %sub3A_132, %reduce_min3A_133 [1] : vector<512x1024xf32> to vector<512xf32>
    %broadcast_in_dim3A_135 = vector.shape_cast %reduce_min3A_134 : vector<512xf32> to vector<512x1xf32>
    %iota3A_136 = tpu.iota {dimensions = array<i32: 1>} : vector<512x1024xi32>
    %eq3A_137 = vector.broadcast %broadcast_in_dim3A_135 : vector<512x1xf32> to vector<512x1024xf32>
    %eq3A_138 = arith.cmpf oeq, %sub3A_132, %eq3A_137 : vector<512x1024xf32>
    %jit3A_139 = arith.constant 1024 : i32
    %broadcast_in_dim3A_140 = vector.broadcast %jit3A_139 : i32 to vector<512x1024xi32>
    %select_n3A_141 = arith.select %eq3A_138, %iota3A_136, %broadcast_in_dim3A_140 : vector<512x1024xi1>, vector<512x1024xi32>
    %reduce_min3A_142 = arith.constant dense<2147483647> : vector<512xi32>
    %reduce_min3A_143 = vector.multi_reduction <minsi>, %select_n3A_141, %reduce_min3A_142 [1] : vector<512x1024xi32> to vector<512xi32>
    %broadcast_in_dim3A_144 = vector.shape_cast %reduce_min3A_143 : vector<512xi32> to vector<512x1xi32>
    %reduce_sum3A_145 = vector.shape_cast %broadcast_in_dim3A_135 : vector<512x1xf32> to vector<1x512x1xf32>
    %reduce_sum3A_146 = arith.constant dense<0.000000e+00> : vector<1xf32>
    %reduce_sum3A_147 = vector.multi_reduction <add>, %reduce_sum3A_145, %reduce_sum3A_146 [1, 2] : vector<1x512x1xf32> to vector<1xf32>
    %reduce_sum3A_148 = vector.shape_cast %reduce_sum3A_147 : vector<1xf32> to vector<1x1x1xf32>
    %reduce_sum3A_149 = vector.extract %reduce_sum3A_148[0, 0, 0] : f32 from vector<1x1x1xf32>
    %add3A_150 = arith.addf %add3A_117, %reduce_sum3A_149 : f32
    %concatenate3A = tpu.concatenate %broadcast_in_dim3A_44, %broadcast_in_dim3A_78, %broadcast_in_dim3A_111, %broadcast_in_dim3A_144 in 1 : vector<512x1xi32>, vector<512x1xi32>, vector<512x1xi32>, vector<512x1xi32> -> vector<512x4xi32>
    %swap3A = arith.constant 0 : index
    %swap3A_151 = arith.constant 0 : index
    %swap3A_152 = vector.load %arg7[%swap3A, %swap3A_151] : memref<512x4xi32, #tpu.memory_space<vmem>>, vector<512x4xi32>
    tpu.vector_store %arg7[%swap3A, %swap3A_151], %concatenate3A {strides = array<i32>} : memref<512x4xi32, #tpu.memory_space<vmem>>, vector<512x4xi32>,
    %eq3A_153 = arith.constant 0 : i32
    %eq3A_154 = arith.cmpi eq, %arg0, %eq3A_153 : i32
    %convert_element_type3A = arith.extui %eq3A_154 : i1 to i32
    %cond3A = arith.constant 0 : i32
    %cond3A_155 = arith.cmpi ne, %convert_element_type3A, %cond3A : i32
    scf.if %cond3A_155 {
      %swap3A_163 = arith.constant 0.000000e+00 : f32
      %swap3A_164 = arith.constant 0 : index
      %swap3A_165 = arith.constant 0 : index
      %swap3A_166 = memref.load %arg8[%swap3A_164, %swap3A_165] : memref<1x1xf32, #tpu.memory_space<smem>>
      memref.store %swap3A_163, %arg8[%swap3A_164, %swap3A_165] : memref<1x1xf32, #tpu.memory_space<smem>>
    } else {
    }
    %get3A_156 = arith.constant 0 : index
    %get3A_157 = arith.constant 0 : index
    %get3A_158 = memref.load %arg8[%get3A_156, %get3A_157] : memref<1x1xf32, #tpu.memory_space<smem>>
    %add3A_159 = arith.addf %get3A_158, %add3A_150 : f32
    %swap3A_160 = arith.constant 0 : index
    %swap3A_161 = arith.constant 0 : index
    %swap3A_162 = memref.load %arg8[%swap3A_160, %swap3A_161] : memref<1x1xf32, #tpu.memory_space<smem>>
    memref.store %add3A_159, %arg8[%swap3A_160, %swap3A_161] : memref<1x1xf32, #tpu.memory_space<smem>>
    return
  }
  func.func @transform_0(%arg0: i32) -> (i32, i32) {
    %add3A = arith.constant 16 : i32
    %add3A_0 = arith.addi %add3A, %arg0 : i32
    %c0_i32 = arith.constant 0 : i32
    %c0_i32_1 = arith.constant 0 : i32
    return %add3A_0, %c0_i32 : i32, i32
  }
  func.func @transform_1(%arg0: i32) -> (i32, i32) {
    %c0_i32 = arith.constant 0 : i32
    %c0_i32_0 = arith.constant 0 : i32
    %c0_i32_1 = arith.constant 0 : i32
    return %c0_i32, %c0_i32_0 : i32, i32
  }
  func.func @transform_2(%arg0: i32) -> (i32, i32) {
    %c0_i32 = arith.constant 0 : i32
    %c0_i32_0 = arith.constant 0 : i32
    %c0_i32_1 = arith.constant 0 : i32
    return %c0_i32, %c0_i32_0 : i32, i32
  }
  func.func @transform_3(%arg0: i32) -> (i32, i32) {
    %c0_i32 = arith.constant 0 : i32
    %c0_i32_0 = arith.constant 0 : i32
    %c0_i32_1 = arith.constant 0 : i32
    return %c0_i32, %c0_i32_0 : i32, i32
  }
  func.func @transform_4(%arg0: i32) -> (i32, i32) {
    %c0_i32 = arith.constant 0 : i32
    %c0_i32_0 = arith.constant 0 : i32
    %c0_i32_1 = arith.constant 0 : i32
    return %c0_i32, %c0_i32_0 : i32, i32
  }
  func.func @transform_5(%arg0: i32) -> (i32, i32) {
    %c0_i32 = arith.constant 0 : i32
    %c0_i32_0 = arith.constant 0 : i32
    %c0_i32_1 = arith.constant 0 : i32
    return %c0_i32, %c0_i32_0 : i32, i32
  }
  func.func @transform_6(%arg0: i32) -> (i32, i32) {
    %c0_i32 = arith.constant 0 : i32
    %c0_i32_0 = arith.constant 0 : i32
    return %arg0, %c0_i32 : i32, i32
  }
  func.func @transform_7(%arg0: i32) -> (i32, i32) {
    %c0_i32 = arith.constant 0 : i32
    %c0_i32_0 = arith.constant 0 : i32
    %c0_i32_1 = arith.constant 0 : i32
    return %c0_i32, %c0_i32_0 : i32, i32
  }
}

module attributes {stable_mosaic.version = 14 : i64} {
  func.func @_vq_body(%arg0: i32, %arg1: memref<512x256xf32, #tpu.memory_space<vmem>>, %arg2: memref<256x256xf32, #tpu.memory_space<vmem>>, %arg3: memref<1x256xf32, #tpu.memory_space<vmem>>, %arg4: memref<256x768xf32, #tpu.memory_space<vmem>>, %arg5: memref<1x768xf32, #tpu.memory_space<vmem>>, %arg6: memref<512x256xf32, #tpu.memory_space<vmem>>, %arg7: memref<512x3xi32, #tpu.memory_space<vmem>>, %arg8: memref<1x1xf32, #tpu.memory_space<smem>>) attributes {dimension_semantics = [#tpu.dimension_semantics<arbitrary>], iteration_bounds = array<i64: 8>, scalar_prefetch = 0 : i64, scratch_operands = 0 : i64, tpu.core_type = #tpu.core_type<tc>, window_params = [{transform_indices = @transform_0, window_bounds = array<i64: 512, 256>}, {pipeline_mode = #tpu.pipeline_mode<synchronous>, transform_indices = @transform_1, window_bounds = array<i64: 256, 256>}, {pipeline_mode = #tpu.pipeline_mode<synchronous>, transform_indices = @transform_2, window_bounds = array<i64: 1, 256>}, {pipeline_mode = #tpu.pipeline_mode<synchronous>, transform_indices = @transform_3, window_bounds = array<i64: 256, 768>}, {pipeline_mode = #tpu.pipeline_mode<synchronous>, transform_indices = @transform_4, window_bounds = array<i64: 1, 768>}, {pipeline_mode = #tpu.pipeline_mode<synchronous>, transform_indices = @transform_5, window_bounds = array<i64: 512, 256>}, {transform_indices = @transform_6, window_bounds = array<i64: 512, 3>}, {transform_indices = @transform_7, window_bounds = array<i64: 1, 1>}]} {
    %get3A = arith.constant 0 : index
    %get3A_0 = arith.constant 0 : index
    %get3A_1 = vector.load %arg1[%get3A, %get3A_0] : memref<512x256xf32, #tpu.memory_space<vmem>>, vector<512x256xf32>
    %get3A_2 = arith.constant 0 : index
    %get3A_3 = arith.constant 0 : index
    %get3A_4 = vector.load %arg2[%get3A_2, %get3A_3] : memref<256x256xf32, #tpu.memory_space<vmem>>, vector<256x256xf32>
    %dot_general3A = arith.constant dense<0.000000e+00> : vector<512x256xf32>
    %dot_general3A_5 = tpu.matmul %get3A_1, %get3A_4, %dot_general3A {dimension_numbers = #tpu.dot_dimension_numbers<[1], [0], [0], [1], [0, 0, 1, 1], [], []>, transpose_lhs_hint = false} : vector<512x256xf32>, vector<256x256xf32>, vector<512x256xf32> -> vector<512x256xf32>
    %get3A_6 = arith.constant 0 : index
    %get3A_7 = arith.constant 0 : index
    %get3A_8 = vector.load %arg3[%get3A_6, %get3A_7] : memref<1x256xf32, #tpu.memory_space<vmem>>, vector<1x256xf32>
    %add3A = vector.broadcast %get3A_8 : vector<1x256xf32> to vector<512x256xf32>
    %add3A_9 = arith.addf %dot_general3A_5, %add3A : vector<512x256xf32>
    %max3A = arith.constant 0.000000e+00 : f32
    %max3A_10 = vector.broadcast %max3A : f32 to vector<512x256xf32>
    %max3A_11 = arith.maximumf %add3A_9, %max3A_10 : vector<512x256xf32>
    %get3A_12 = arith.constant 0 : index
    %get3A_13 = arith.constant 0 : index
    %get3A_14 = vector.load %arg4[%get3A_12, %get3A_13] : memref<256x768xf32, #tpu.memory_space<vmem>>, vector<256x768xf32>
    %dot_general3A_15 = arith.constant dense<0.000000e+00> : vector<512x768xf32>
    %dot_general3A_16 = tpu.matmul %max3A_11, %get3A_14, %dot_general3A_15 {dimension_numbers = #tpu.dot_dimension_numbers<[1], [0], [0], [1], [0, 0, 1, 1], [], []>, transpose_lhs_hint = false} : vector<512x256xf32>, vector<256x768xf32>, vector<512x768xf32> -> vector<512x768xf32>
    %get3A_17 = arith.constant 0 : index
    %get3A_18 = arith.constant 0 : index
    %get3A_19 = vector.load %arg5[%get3A_17, %get3A_18] : memref<1x768xf32, #tpu.memory_space<vmem>>, vector<1x768xf32>
    %add3A_20 = vector.broadcast %get3A_19 : vector<1x768xf32> to vector<512x768xf32>
    %add3A_21 = arith.addf %dot_general3A_16, %add3A_20 : vector<512x768xf32>
    %get3A_22 = arith.constant 0 : index
    %get3A_23 = arith.constant 0 : index
    %get3A_24 = vector.load %arg6[%get3A_22, %get3A_23] : memref<512x256xf32, #tpu.memory_space<vmem>>, vector<512x256xf32>
    %mul3A = arith.mulf %get3A_24, %get3A_24 : vector<512x256xf32>
    %reduce_sum3A = arith.constant dense<0.000000e+00> : vector<512xf32>
    %reduce_sum3A_25 = vector.multi_reduction <add>, %mul3A, %reduce_sum3A [1] : vector<512x256xf32> to vector<512xf32>
    %slice3A = vector.extract_strided_slice %add3A_21 {offsets = [0, 0], sizes = [512, 256], strides = [1, 1]} : vector<512x768xf32> to vector<512x256xf32>
    %mul3A_26 = arith.mulf %slice3A, %slice3A : vector<512x256xf32>
    %reduce_sum3A_27 = arith.constant dense<0.000000e+00> : vector<512xf32>
    %reduce_sum3A_28 = vector.multi_reduction <add>, %mul3A_26, %reduce_sum3A_27 [1] : vector<512x256xf32> to vector<512xf32>
    %broadcast_in_dim3A = vector.shape_cast %reduce_sum3A_28 : vector<512xf32> to vector<512x1xf32>
    %dot_general3A_29 = arith.constant dense<0.000000e+00> : vector<512x512xf32>
    %dot_general3A_30 = tpu.matmul %slice3A, %get3A_24, %dot_general3A_29 {dimension_numbers = #tpu.dot_dimension_numbers<[1], [1], [0], [0], [0, 0, 1, 0], [], []>, transpose_lhs_hint = false} : vector<512x256xf32>, vector<512x256xf32>, vector<512x512xf32> -> vector<512x512xf32>
    %broadcast_in_dim3A_31 = vector.shape_cast %reduce_sum3A_25 : vector<512xf32> to vector<1x512xf32>
    %add3A_32 = vector.broadcast %broadcast_in_dim3A : vector<512x1xf32> to vector<512x512xf32>
    %add3A_33 = vector.broadcast %broadcast_in_dim3A_31 : vector<1x512xf32> to vector<512x512xf32>
    %add3A_34 = arith.addf %add3A_32, %add3A_33 : vector<512x512xf32>
    %mul3A_35 = arith.constant 2.000000e+00 : f32
    %mul3A_36 = vector.broadcast %mul3A_35 : f32 to vector<512x512xf32>
    %mul3A_37 = arith.mulf %mul3A_36, %dot_general3A_30 : vector<512x512xf32>
    %sub3A = arith.subf %add3A_34, %mul3A_37 : vector<512x512xf32>
    %reduce_min3A = arith.constant dense<0x7F800000> : vector<512xf32>
    %reduce_min3A_38 = vector.multi_reduction <minimumf>, %sub3A, %reduce_min3A [1] : vector<512x512xf32> to vector<512xf32>
    %broadcast_in_dim3A_39 = vector.shape_cast %reduce_min3A_38 : vector<512xf32> to vector<512x1xf32>
    %iota3A = tpu.iota {dimensions = array<i32: 1>} : vector<512x512xi32>
    %eq3A = vector.broadcast %broadcast_in_dim3A_39 : vector<512x1xf32> to vector<512x512xf32>
    %eq3A_40 = arith.cmpf oeq, %sub3A, %eq3A : vector<512x512xf32>
    %jit3A = arith.constant 512 : i32
    %broadcast_in_dim3A_41 = vector.broadcast %jit3A : i32 to vector<512x512xi32>
    %select_n3A = arith.select %eq3A_40, %iota3A, %broadcast_in_dim3A_41 : vector<512x512xi1>, vector<512x512xi32>
    %reduce_min3A_42 = arith.constant dense<2147483647> : vector<512xi32>
    %reduce_min3A_43 = vector.multi_reduction <minsi>, %select_n3A, %reduce_min3A_42 [1] : vector<512x512xi32> to vector<512xi32>
    %broadcast_in_dim3A_44 = vector.shape_cast %reduce_min3A_43 : vector<512xi32> to vector<512x1xi32>
    %reduce_sum3A_45 = vector.shape_cast %broadcast_in_dim3A_39 : vector<512x1xf32> to vector<1x512x1xf32>
    %reduce_sum3A_46 = arith.constant dense<0.000000e+00> : vector<1xf32>
    %reduce_sum3A_47 = vector.multi_reduction <add>, %reduce_sum3A_45, %reduce_sum3A_46 [1, 2] : vector<1x512x1xf32> to vector<1xf32>
    %reduce_sum3A_48 = vector.shape_cast %reduce_sum3A_47 : vector<1xf32> to vector<1x1x1xf32>
    %reduce_sum3A_49 = vector.extract %reduce_sum3A_48[0, 0, 0] : f32 from vector<1x1x1xf32>
    %add3A_50 = arith.constant 0.000000e+00 : f32
    %add3A_51 = arith.addf %add3A_50, %reduce_sum3A_49 : f32
    %slice3A_52 = vector.extract_strided_slice %add3A_21 {offsets = [0, 256], sizes = [512, 256], strides = [1, 1]} : vector<512x768xf32> to vector<512x256xf32>
    %mul3A_53 = arith.mulf %slice3A_52, %slice3A_52 : vector<512x256xf32>
    %reduce_sum3A_54 = arith.constant dense<0.000000e+00> : vector<512xf32>
    %reduce_sum3A_55 = vector.multi_reduction <add>, %mul3A_53, %reduce_sum3A_54 [1] : vector<512x256xf32> to vector<512xf32>
    %broadcast_in_dim3A_56 = vector.shape_cast %reduce_sum3A_55 : vector<512xf32> to vector<512x1xf32>
    %dot_general3A_57 = arith.constant dense<0.000000e+00> : vector<512x512xf32>
    %dot_general3A_58 = tpu.matmul %slice3A_52, %get3A_24, %dot_general3A_57 {dimension_numbers = #tpu.dot_dimension_numbers<[1], [1], [0], [0], [0, 0, 1, 0], [], []>, transpose_lhs_hint = false} : vector<512x256xf32>, vector<512x256xf32>, vector<512x512xf32> -> vector<512x512xf32>
    %broadcast_in_dim3A_59 = vector.shape_cast %reduce_sum3A_25 : vector<512xf32> to vector<1x512xf32>
    %add3A_60 = vector.broadcast %broadcast_in_dim3A_56 : vector<512x1xf32> to vector<512x512xf32>
    %add3A_61 = vector.broadcast %broadcast_in_dim3A_59 : vector<1x512xf32> to vector<512x512xf32>
    %add3A_62 = arith.addf %add3A_60, %add3A_61 : vector<512x512xf32>
    %mul3A_63 = arith.constant 2.000000e+00 : f32
    %mul3A_64 = vector.broadcast %mul3A_63 : f32 to vector<512x512xf32>
    %mul3A_65 = arith.mulf %mul3A_64, %dot_general3A_58 : vector<512x512xf32>
    %sub3A_66 = arith.subf %add3A_62, %mul3A_65 : vector<512x512xf32>
    %reduce_min3A_67 = arith.constant dense<0x7F800000> : vector<512xf32>
    %reduce_min3A_68 = vector.multi_reduction <minimumf>, %sub3A_66, %reduce_min3A_67 [1] : vector<512x512xf32> to vector<512xf32>
    %broadcast_in_dim3A_69 = vector.shape_cast %reduce_min3A_68 : vector<512xf32> to vector<512x1xf32>
    %iota3A_70 = tpu.iota {dimensions = array<i32: 1>} : vector<512x512xi32>
    %eq3A_71 = vector.broadcast %broadcast_in_dim3A_69 : vector<512x1xf32> to vector<512x512xf32>
    %eq3A_72 = arith.cmpf oeq, %sub3A_66, %eq3A_71 : vector<512x512xf32>
    %jit3A_73 = arith.constant 512 : i32
    %broadcast_in_dim3A_74 = vector.broadcast %jit3A_73 : i32 to vector<512x512xi32>
    %select_n3A_75 = arith.select %eq3A_72, %iota3A_70, %broadcast_in_dim3A_74 : vector<512x512xi1>, vector<512x512xi32>
    %reduce_min3A_76 = arith.constant dense<2147483647> : vector<512xi32>
    %reduce_min3A_77 = vector.multi_reduction <minsi>, %select_n3A_75, %reduce_min3A_76 [1] : vector<512x512xi32> to vector<512xi32>
    %broadcast_in_dim3A_78 = vector.shape_cast %reduce_min3A_77 : vector<512xi32> to vector<512x1xi32>
    %reduce_sum3A_79 = vector.shape_cast %broadcast_in_dim3A_69 : vector<512x1xf32> to vector<1x512x1xf32>
    %reduce_sum3A_80 = arith.constant dense<0.000000e+00> : vector<1xf32>
    %reduce_sum3A_81 = vector.multi_reduction <add>, %reduce_sum3A_79, %reduce_sum3A_80 [1, 2] : vector<1x512x1xf32> to vector<1xf32>
    %reduce_sum3A_82 = vector.shape_cast %reduce_sum3A_81 : vector<1xf32> to vector<1x1x1xf32>
    %reduce_sum3A_83 = vector.extract %reduce_sum3A_82[0, 0, 0] : f32 from vector<1x1x1xf32>
    %add3A_84 = arith.addf %add3A_51, %reduce_sum3A_83 : f32
    %slice3A_85 = vector.extract_strided_slice %add3A_21 {offsets = [0, 512], sizes = [512, 256], strides = [1, 1]} : vector<512x768xf32> to vector<512x256xf32>
    %mul3A_86 = arith.mulf %slice3A_85, %slice3A_85 : vector<512x256xf32>
    %reduce_sum3A_87 = arith.constant dense<0.000000e+00> : vector<512xf32>
    %reduce_sum3A_88 = vector.multi_reduction <add>, %mul3A_86, %reduce_sum3A_87 [1] : vector<512x256xf32> to vector<512xf32>
    %broadcast_in_dim3A_89 = vector.shape_cast %reduce_sum3A_88 : vector<512xf32> to vector<512x1xf32>
    %dot_general3A_90 = arith.constant dense<0.000000e+00> : vector<512x512xf32>
    %dot_general3A_91 = tpu.matmul %slice3A_85, %get3A_24, %dot_general3A_90 {dimension_numbers = #tpu.dot_dimension_numbers<[1], [1], [0], [0], [0, 0, 1, 0], [], []>, transpose_lhs_hint = false} : vector<512x256xf32>, vector<512x256xf32>, vector<512x512xf32> -> vector<512x512xf32>
    %broadcast_in_dim3A_92 = vector.shape_cast %reduce_sum3A_25 : vector<512xf32> to vector<1x512xf32>
    %add3A_93 = vector.broadcast %broadcast_in_dim3A_89 : vector<512x1xf32> to vector<512x512xf32>
    %add3A_94 = vector.broadcast %broadcast_in_dim3A_92 : vector<1x512xf32> to vector<512x512xf32>
    %add3A_95 = arith.addf %add3A_93, %add3A_94 : vector<512x512xf32>
    %mul3A_96 = arith.constant 2.000000e+00 : f32
    %mul3A_97 = vector.broadcast %mul3A_96 : f32 to vector<512x512xf32>
    %mul3A_98 = arith.mulf %mul3A_97, %dot_general3A_91 : vector<512x512xf32>
    %sub3A_99 = arith.subf %add3A_95, %mul3A_98 : vector<512x512xf32>
    %reduce_min3A_100 = arith.constant dense<0x7F800000> : vector<512xf32>
    %reduce_min3A_101 = vector.multi_reduction <minimumf>, %sub3A_99, %reduce_min3A_100 [1] : vector<512x512xf32> to vector<512xf32>
    %broadcast_in_dim3A_102 = vector.shape_cast %reduce_min3A_101 : vector<512xf32> to vector<512x1xf32>
    %iota3A_103 = tpu.iota {dimensions = array<i32: 1>} : vector<512x512xi32>
    %eq3A_104 = vector.broadcast %broadcast_in_dim3A_102 : vector<512x1xf32> to vector<512x512xf32>
    %eq3A_105 = arith.cmpf oeq, %sub3A_99, %eq3A_104 : vector<512x512xf32>
    %jit3A_106 = arith.constant 512 : i32
    %broadcast_in_dim3A_107 = vector.broadcast %jit3A_106 : i32 to vector<512x512xi32>
    %select_n3A_108 = arith.select %eq3A_105, %iota3A_103, %broadcast_in_dim3A_107 : vector<512x512xi1>, vector<512x512xi32>
    %reduce_min3A_109 = arith.constant dense<2147483647> : vector<512xi32>
    %reduce_min3A_110 = vector.multi_reduction <minsi>, %select_n3A_108, %reduce_min3A_109 [1] : vector<512x512xi32> to vector<512xi32>
    %broadcast_in_dim3A_111 = vector.shape_cast %reduce_min3A_110 : vector<512xi32> to vector<512x1xi32>
    %reduce_sum3A_112 = vector.shape_cast %broadcast_in_dim3A_102 : vector<512x1xf32> to vector<1x512x1xf32>
    %reduce_sum3A_113 = arith.constant dense<0.000000e+00> : vector<1xf32>
    %reduce_sum3A_114 = vector.multi_reduction <add>, %reduce_sum3A_112, %reduce_sum3A_113 [1, 2] : vector<1x512x1xf32> to vector<1xf32>
    %reduce_sum3A_115 = vector.shape_cast %reduce_sum3A_114 : vector<1xf32> to vector<1x1x1xf32>
    %reduce_sum3A_116 = vector.extract %reduce_sum3A_115[0, 0, 0] : f32 from vector<1x1x1xf32>
    %add3A_117 = arith.addf %add3A_84, %reduce_sum3A_116 : f32
    %concatenate3A = tpu.concatenate %broadcast_in_dim3A_44, %broadcast_in_dim3A_78, %broadcast_in_dim3A_111 in 1 : vector<512x1xi32>, vector<512x1xi32>, vector<512x1xi32> -> vector<512x3xi32>
    %swap3A = arith.constant 0 : index
    %swap3A_118 = arith.constant 0 : index
    %swap3A_119 = vector.load %arg7[%swap3A, %swap3A_118] : memref<512x3xi32, #tpu.memory_space<vmem>>, vector<512x3xi32>
    tpu.vector_store %arg7[%swap3A, %swap3A_118], %concatenate3A {strides = array<i32>} : memref<512x3xi32, #tpu.memory_space<vmem>>, vector<512x3xi32>,
    %eq3A_120 = arith.constant 0 : i32
    %eq3A_121 = arith.cmpi eq, %arg0, %eq3A_120 : i32
    %convert_element_type3A = arith.extui %eq3A_121 : i1 to i32
    %cond3A = arith.constant 0 : i32
    %cond3A_122 = arith.cmpi ne, %convert_element_type3A, %cond3A : i32
    scf.if %cond3A_122 {
      %swap3A_130 = arith.constant 0.000000e+00 : f32
      %swap3A_131 = arith.constant 0 : index
      %swap3A_132 = arith.constant 0 : index
      %swap3A_133 = memref.load %arg8[%swap3A_131, %swap3A_132] : memref<1x1xf32, #tpu.memory_space<smem>>
      memref.store %swap3A_130, %arg8[%swap3A_131, %swap3A_132] : memref<1x1xf32, #tpu.memory_space<smem>>
    } else {
    }
    %get3A_123 = arith.constant 0 : index
    %get3A_124 = arith.constant 0 : index
    %get3A_125 = memref.load %arg8[%get3A_123, %get3A_124] : memref<1x1xf32, #tpu.memory_space<smem>>
    %add3A_126 = arith.addf %get3A_125, %add3A_117 : f32
    %swap3A_127 = arith.constant 0 : index
    %swap3A_128 = arith.constant 0 : index
    %swap3A_129 = memref.load %arg8[%swap3A_127, %swap3A_128] : memref<1x1xf32, #tpu.memory_space<smem>>
    memref.store %add3A_126, %arg8[%swap3A_127, %swap3A_128] : memref<1x1xf32, #tpu.memory_space<smem>>
    return
  }
  func.func @transform_0(%arg0: i32) -> (i32, i32) {
    %add3A = arith.constant 16 : i32
    %add3A_0 = arith.addi %add3A, %arg0 : i32
    %c0_i32 = arith.constant 0 : i32
    %c0_i32_1 = arith.constant 0 : i32
    return %add3A_0, %c0_i32 : i32, i32
  }
  func.func @transform_1(%arg0: i32) -> (i32, i32) {
    %c0_i32 = arith.constant 0 : i32
    %c0_i32_0 = arith.constant 0 : i32
    %c0_i32_1 = arith.constant 0 : i32
    return %c0_i32, %c0_i32_0 : i32, i32
  }
  func.func @transform_2(%arg0: i32) -> (i32, i32) {
    %c0_i32 = arith.constant 0 : i32
    %c0_i32_0 = arith.constant 0 : i32
    %c0_i32_1 = arith.constant 0 : i32
    return %c0_i32, %c0_i32_0 : i32, i32
  }
  func.func @transform_3(%arg0: i32) -> (i32, i32) {
    %c0_i32 = arith.constant 0 : i32
    %c0_i32_0 = arith.constant 0 : i32
    %c0_i32_1 = arith.constant 0 : i32
    return %c0_i32, %c0_i32_0 : i32, i32
  }
  func.func @transform_4(%arg0: i32) -> (i32, i32) {
    %c0_i32 = arith.constant 0 : i32
    %c0_i32_0 = arith.constant 0 : i32
    %c0_i32_1 = arith.constant 0 : i32
    return %c0_i32, %c0_i32_0 : i32, i32
  }
  func.func @transform_5(%arg0: i32) -> (i32, i32) {
    %c0_i32 = arith.constant 0 : i32
    %c0_i32_0 = arith.constant 0 : i32
    %c0_i32_1 = arith.constant 0 : i32
    return %c0_i32, %c0_i32_0 : i32, i32
  }
  func.func @transform_6(%arg0: i32) -> (i32, i32) {
    %c0_i32 = arith.constant 0 : i32
    %c0_i32_0 = arith.constant 0 : i32
    return %arg0, %c0_i32 : i32, i32
  }
  func.func @transform_7(%arg0: i32) -> (i32, i32) {
    %c0_i32 = arith.constant 0 : i32
    %c0_i32_0 = arith.constant 0 : i32
    %c0_i32_1 = arith.constant 0 : i32
    return %c0_i32, %c0_i32_0 : i32, i32
  }
}

module attributes {stable_mosaic.version = 14 : i64} {
  func.func @_vq_body(%arg0: i32, %arg1: memref<512x256xf32, #tpu.memory_space<vmem>>, %arg2: memref<256x256xf32, #tpu.memory_space<vmem>>, %arg3: memref<1x256xf32, #tpu.memory_space<vmem>>, %arg4: memref<256x768xf32, #tpu.memory_space<vmem>>, %arg5: memref<1x768xf32, #tpu.memory_space<vmem>>, %arg6: memref<1024x256xf32, #tpu.memory_space<vmem>>, %arg7: memref<512x3xi32, #tpu.memory_space<vmem>>, %arg8: memref<1x1xf32, #tpu.memory_space<smem>>) attributes {dimension_semantics = [#tpu.dimension_semantics<arbitrary>], iteration_bounds = array<i64: 8>, scalar_prefetch = 0 : i64, scratch_operands = 0 : i64, tpu.core_type = #tpu.core_type<tc>, window_params = [{transform_indices = @transform_0, window_bounds = array<i64: 512, 256>}, {pipeline_mode = #tpu.pipeline_mode<synchronous>, transform_indices = @transform_1, window_bounds = array<i64: 256, 256>}, {pipeline_mode = #tpu.pipeline_mode<synchronous>, transform_indices = @transform_2, window_bounds = array<i64: 1, 256>}, {pipeline_mode = #tpu.pipeline_mode<synchronous>, transform_indices = @transform_3, window_bounds = array<i64: 256, 768>}, {pipeline_mode = #tpu.pipeline_mode<synchronous>, transform_indices = @transform_4, window_bounds = array<i64: 1, 768>}, {pipeline_mode = #tpu.pipeline_mode<synchronous>, transform_indices = @transform_5, window_bounds = array<i64: 1024, 256>}, {transform_indices = @transform_6, window_bounds = array<i64: 512, 3>}, {transform_indices = @transform_7, window_bounds = array<i64: 1, 1>}]} {
    %get3A = arith.constant 0 : index
    %get3A_0 = arith.constant 0 : index
    %get3A_1 = vector.load %arg1[%get3A, %get3A_0] : memref<512x256xf32, #tpu.memory_space<vmem>>, vector<512x256xf32>
    %get3A_2 = arith.constant 0 : index
    %get3A_3 = arith.constant 0 : index
    %get3A_4 = vector.load %arg2[%get3A_2, %get3A_3] : memref<256x256xf32, #tpu.memory_space<vmem>>, vector<256x256xf32>
    %dot_general3A = arith.constant dense<0.000000e+00> : vector<512x256xf32>
    %dot_general3A_5 = tpu.matmul %get3A_1, %get3A_4, %dot_general3A {dimension_numbers = #tpu.dot_dimension_numbers<[1], [0], [0], [1], [0, 0, 1, 1], [], []>, transpose_lhs_hint = false} : vector<512x256xf32>, vector<256x256xf32>, vector<512x256xf32> -> vector<512x256xf32>
    %get3A_6 = arith.constant 0 : index
    %get3A_7 = arith.constant 0 : index
    %get3A_8 = vector.load %arg3[%get3A_6, %get3A_7] : memref<1x256xf32, #tpu.memory_space<vmem>>, vector<1x256xf32>
    %add3A = vector.broadcast %get3A_8 : vector<1x256xf32> to vector<512x256xf32>
    %add3A_9 = arith.addf %dot_general3A_5, %add3A : vector<512x256xf32>
    %max3A = arith.constant 0.000000e+00 : f32
    %max3A_10 = vector.broadcast %max3A : f32 to vector<512x256xf32>
    %max3A_11 = arith.maximumf %add3A_9, %max3A_10 : vector<512x256xf32>
    %get3A_12 = arith.constant 0 : index
    %get3A_13 = arith.constant 0 : index
    %get3A_14 = vector.load %arg4[%get3A_12, %get3A_13] : memref<256x768xf32, #tpu.memory_space<vmem>>, vector<256x768xf32>
    %dot_general3A_15 = arith.constant dense<0.000000e+00> : vector<512x768xf32>
    %dot_general3A_16 = tpu.matmul %max3A_11, %get3A_14, %dot_general3A_15 {dimension_numbers = #tpu.dot_dimension_numbers<[1], [0], [0], [1], [0, 0, 1, 1], [], []>, transpose_lhs_hint = false} : vector<512x256xf32>, vector<256x768xf32>, vector<512x768xf32> -> vector<512x768xf32>
    %get3A_17 = arith.constant 0 : index
    %get3A_18 = arith.constant 0 : index
    %get3A_19 = vector.load %arg5[%get3A_17, %get3A_18] : memref<1x768xf32, #tpu.memory_space<vmem>>, vector<1x768xf32>
    %add3A_20 = vector.broadcast %get3A_19 : vector<1x768xf32> to vector<512x768xf32>
    %add3A_21 = arith.addf %dot_general3A_16, %add3A_20 : vector<512x768xf32>
    %get3A_22 = arith.constant 0 : index
    %get3A_23 = arith.constant 0 : index
    %get3A_24 = vector.load %arg6[%get3A_22, %get3A_23] : memref<1024x256xf32, #tpu.memory_space<vmem>>, vector<1024x256xf32>
    %mul3A = arith.mulf %get3A_24, %get3A_24 : vector<1024x256xf32>
    %reduce_sum3A = arith.constant dense<0.000000e+00> : vector<1024xf32>
    %reduce_sum3A_25 = vector.multi_reduction <add>, %mul3A, %reduce_sum3A [1] : vector<1024x256xf32> to vector<1024xf32>
    %slice3A = vector.extract_strided_slice %add3A_21 {offsets = [0, 0], sizes = [512, 256], strides = [1, 1]} : vector<512x768xf32> to vector<512x256xf32>
    %mul3A_26 = arith.mulf %slice3A, %slice3A : vector<512x256xf32>
    %reduce_sum3A_27 = arith.constant dense<0.000000e+00> : vector<512xf32>
    %reduce_sum3A_28 = vector.multi_reduction <add>, %mul3A_26, %reduce_sum3A_27 [1] : vector<512x256xf32> to vector<512xf32>
    %broadcast_in_dim3A = vector.shape_cast %reduce_sum3A_28 : vector<512xf32> to vector<512x1xf32>
    %dot_general3A_29 = arith.constant dense<0.000000e+00> : vector<512x1024xf32>
    %dot_general3A_30 = tpu.matmul %slice3A, %get3A_24, %dot_general3A_29 {dimension_numbers = #tpu.dot_dimension_numbers<[1], [1], [0], [0], [0, 0, 1, 0], [], []>, transpose_lhs_hint = false} : vector<512x256xf32>, vector<1024x256xf32>, vector<512x1024xf32> -> vector<512x1024xf32>
    %broadcast_in_dim3A_31 = vector.shape_cast %reduce_sum3A_25 : vector<1024xf32> to vector<1x1024xf32>
    %add3A_32 = vector.broadcast %broadcast_in_dim3A : vector<512x1xf32> to vector<512x1024xf32>
    %add3A_33 = vector.broadcast %broadcast_in_dim3A_31 : vector<1x1024xf32> to vector<512x1024xf32>
    %add3A_34 = arith.addf %add3A_32, %add3A_33 : vector<512x1024xf32>
    %mul3A_35 = arith.constant 2.000000e+00 : f32
    %mul3A_36 = vector.broadcast %mul3A_35 : f32 to vector<512x1024xf32>
    %mul3A_37 = arith.mulf %mul3A_36, %dot_general3A_30 : vector<512x1024xf32>
    %sub3A = arith.subf %add3A_34, %mul3A_37 : vector<512x1024xf32>
    %reduce_min3A = arith.constant dense<0x7F800000> : vector<512xf32>
    %reduce_min3A_38 = vector.multi_reduction <minimumf>, %sub3A, %reduce_min3A [1] : vector<512x1024xf32> to vector<512xf32>
    %broadcast_in_dim3A_39 = vector.shape_cast %reduce_min3A_38 : vector<512xf32> to vector<512x1xf32>
    %iota3A = tpu.iota {dimensions = array<i32: 1>} : vector<512x1024xi32>
    %eq3A = vector.broadcast %broadcast_in_dim3A_39 : vector<512x1xf32> to vector<512x1024xf32>
    %eq3A_40 = arith.cmpf oeq, %sub3A, %eq3A : vector<512x1024xf32>
    %jit3A = arith.constant 1024 : i32
    %broadcast_in_dim3A_41 = vector.broadcast %jit3A : i32 to vector<512x1024xi32>
    %select_n3A = arith.select %eq3A_40, %iota3A, %broadcast_in_dim3A_41 : vector<512x1024xi1>, vector<512x1024xi32>
    %reduce_min3A_42 = arith.constant dense<2147483647> : vector<512xi32>
    %reduce_min3A_43 = vector.multi_reduction <minsi>, %select_n3A, %reduce_min3A_42 [1] : vector<512x1024xi32> to vector<512xi32>
    %broadcast_in_dim3A_44 = vector.shape_cast %reduce_min3A_43 : vector<512xi32> to vector<512x1xi32>
    %reduce_sum3A_45 = vector.shape_cast %broadcast_in_dim3A_39 : vector<512x1xf32> to vector<1x512x1xf32>
    %reduce_sum3A_46 = arith.constant dense<0.000000e+00> : vector<1xf32>
    %reduce_sum3A_47 = vector.multi_reduction <add>, %reduce_sum3A_45, %reduce_sum3A_46 [1, 2] : vector<1x512x1xf32> to vector<1xf32>
    %reduce_sum3A_48 = vector.shape_cast %reduce_sum3A_47 : vector<1xf32> to vector<1x1x1xf32>
    %reduce_sum3A_49 = vector.extract %reduce_sum3A_48[0, 0, 0] : f32 from vector<1x1x1xf32>
    %add3A_50 = arith.constant 0.000000e+00 : f32
    %add3A_51 = arith.addf %add3A_50, %reduce_sum3A_49 : f32
    %slice3A_52 = vector.extract_strided_slice %add3A_21 {offsets = [0, 256], sizes = [512, 256], strides = [1, 1]} : vector<512x768xf32> to vector<512x256xf32>
    %mul3A_53 = arith.mulf %slice3A_52, %slice3A_52 : vector<512x256xf32>
    %reduce_sum3A_54 = arith.constant dense<0.000000e+00> : vector<512xf32>
    %reduce_sum3A_55 = vector.multi_reduction <add>, %mul3A_53, %reduce_sum3A_54 [1] : vector<512x256xf32> to vector<512xf32>
    %broadcast_in_dim3A_56 = vector.shape_cast %reduce_sum3A_55 : vector<512xf32> to vector<512x1xf32>
    %dot_general3A_57 = arith.constant dense<0.000000e+00> : vector<512x1024xf32>
    %dot_general3A_58 = tpu.matmul %slice3A_52, %get3A_24, %dot_general3A_57 {dimension_numbers = #tpu.dot_dimension_numbers<[1], [1], [0], [0], [0, 0, 1, 0], [], []>, transpose_lhs_hint = false} : vector<512x256xf32>, vector<1024x256xf32>, vector<512x1024xf32> -> vector<512x1024xf32>
    %broadcast_in_dim3A_59 = vector.shape_cast %reduce_sum3A_25 : vector<1024xf32> to vector<1x1024xf32>
    %add3A_60 = vector.broadcast %broadcast_in_dim3A_56 : vector<512x1xf32> to vector<512x1024xf32>
    %add3A_61 = vector.broadcast %broadcast_in_dim3A_59 : vector<1x1024xf32> to vector<512x1024xf32>
    %add3A_62 = arith.addf %add3A_60, %add3A_61 : vector<512x1024xf32>
    %mul3A_63 = arith.constant 2.000000e+00 : f32
    %mul3A_64 = vector.broadcast %mul3A_63 : f32 to vector<512x1024xf32>
    %mul3A_65 = arith.mulf %mul3A_64, %dot_general3A_58 : vector<512x1024xf32>
    %sub3A_66 = arith.subf %add3A_62, %mul3A_65 : vector<512x1024xf32>
    %reduce_min3A_67 = arith.constant dense<0x7F800000> : vector<512xf32>
    %reduce_min3A_68 = vector.multi_reduction <minimumf>, %sub3A_66, %reduce_min3A_67 [1] : vector<512x1024xf32> to vector<512xf32>
    %broadcast_in_dim3A_69 = vector.shape_cast %reduce_min3A_68 : vector<512xf32> to vector<512x1xf32>
    %iota3A_70 = tpu.iota {dimensions = array<i32: 1>} : vector<512x1024xi32>
    %eq3A_71 = vector.broadcast %broadcast_in_dim3A_69 : vector<512x1xf32> to vector<512x1024xf32>
    %eq3A_72 = arith.cmpf oeq, %sub3A_66, %eq3A_71 : vector<512x1024xf32>
    %jit3A_73 = arith.constant 1024 : i32
    %broadcast_in_dim3A_74 = vector.broadcast %jit3A_73 : i32 to vector<512x1024xi32>
    %select_n3A_75 = arith.select %eq3A_72, %iota3A_70, %broadcast_in_dim3A_74 : vector<512x1024xi1>, vector<512x1024xi32>
    %reduce_min3A_76 = arith.constant dense<2147483647> : vector<512xi32>
    %reduce_min3A_77 = vector.multi_reduction <minsi>, %select_n3A_75, %reduce_min3A_76 [1] : vector<512x1024xi32> to vector<512xi32>
    %broadcast_in_dim3A_78 = vector.shape_cast %reduce_min3A_77 : vector<512xi32> to vector<512x1xi32>
    %reduce_sum3A_79 = vector.shape_cast %broadcast_in_dim3A_69 : vector<512x1xf32> to vector<1x512x1xf32>
    %reduce_sum3A_80 = arith.constant dense<0.000000e+00> : vector<1xf32>
    %reduce_sum3A_81 = vector.multi_reduction <add>, %reduce_sum3A_79, %reduce_sum3A_80 [1, 2] : vector<1x512x1xf32> to vector<1xf32>
    %reduce_sum3A_82 = vector.shape_cast %reduce_sum3A_81 : vector<1xf32> to vector<1x1x1xf32>
    %reduce_sum3A_83 = vector.extract %reduce_sum3A_82[0, 0, 0] : f32 from vector<1x1x1xf32>
    %add3A_84 = arith.addf %add3A_51, %reduce_sum3A_83 : f32
    %slice3A_85 = vector.extract_strided_slice %add3A_21 {offsets = [0, 512], sizes = [512, 256], strides = [1, 1]} : vector<512x768xf32> to vector<512x256xf32>
    %mul3A_86 = arith.mulf %slice3A_85, %slice3A_85 : vector<512x256xf32>
    %reduce_sum3A_87 = arith.constant dense<0.000000e+00> : vector<512xf32>
    %reduce_sum3A_88 = vector.multi_reduction <add>, %mul3A_86, %reduce_sum3A_87 [1] : vector<512x256xf32> to vector<512xf32>
    %broadcast_in_dim3A_89 = vector.shape_cast %reduce_sum3A_88 : vector<512xf32> to vector<512x1xf32>
    %dot_general3A_90 = arith.constant dense<0.000000e+00> : vector<512x1024xf32>
    %dot_general3A_91 = tpu.matmul %slice3A_85, %get3A_24, %dot_general3A_90 {dimension_numbers = #tpu.dot_dimension_numbers<[1], [1], [0], [0], [0, 0, 1, 0], [], []>, transpose_lhs_hint = false} : vector<512x256xf32>, vector<1024x256xf32>, vector<512x1024xf32> -> vector<512x1024xf32>
    %broadcast_in_dim3A_92 = vector.shape_cast %reduce_sum3A_25 : vector<1024xf32> to vector<1x1024xf32>
    %add3A_93 = vector.broadcast %broadcast_in_dim3A_89 : vector<512x1xf32> to vector<512x1024xf32>
    %add3A_94 = vector.broadcast %broadcast_in_dim3A_92 : vector<1x1024xf32> to vector<512x1024xf32>
    %add3A_95 = arith.addf %add3A_93, %add3A_94 : vector<512x1024xf32>
    %mul3A_96 = arith.constant 2.000000e+00 : f32
    %mul3A_97 = vector.broadcast %mul3A_96 : f32 to vector<512x1024xf32>
    %mul3A_98 = arith.mulf %mul3A_97, %dot_general3A_91 : vector<512x1024xf32>
    %sub3A_99 = arith.subf %add3A_95, %mul3A_98 : vector<512x1024xf32>
    %reduce_min3A_100 = arith.constant dense<0x7F800000> : vector<512xf32>
    %reduce_min3A_101 = vector.multi_reduction <minimumf>, %sub3A_99, %reduce_min3A_100 [1] : vector<512x1024xf32> to vector<512xf32>
    %broadcast_in_dim3A_102 = vector.shape_cast %reduce_min3A_101 : vector<512xf32> to vector<512x1xf32>
    %iota3A_103 = tpu.iota {dimensions = array<i32: 1>} : vector<512x1024xi32>
    %eq3A_104 = vector.broadcast %broadcast_in_dim3A_102 : vector<512x1xf32> to vector<512x1024xf32>
    %eq3A_105 = arith.cmpf oeq, %sub3A_99, %eq3A_104 : vector<512x1024xf32>
    %jit3A_106 = arith.constant 1024 : i32
    %broadcast_in_dim3A_107 = vector.broadcast %jit3A_106 : i32 to vector<512x1024xi32>
    %select_n3A_108 = arith.select %eq3A_105, %iota3A_103, %broadcast_in_dim3A_107 : vector<512x1024xi1>, vector<512x1024xi32>
    %reduce_min3A_109 = arith.constant dense<2147483647> : vector<512xi32>
    %reduce_min3A_110 = vector.multi_reduction <minsi>, %select_n3A_108, %reduce_min3A_109 [1] : vector<512x1024xi32> to vector<512xi32>
    %broadcast_in_dim3A_111 = vector.shape_cast %reduce_min3A_110 : vector<512xi32> to vector<512x1xi32>
    %reduce_sum3A_112 = vector.shape_cast %broadcast_in_dim3A_102 : vector<512x1xf32> to vector<1x512x1xf32>
    %reduce_sum3A_113 = arith.constant dense<0.000000e+00> : vector<1xf32>
    %reduce_sum3A_114 = vector.multi_reduction <add>, %reduce_sum3A_112, %reduce_sum3A_113 [1, 2] : vector<1x512x1xf32> to vector<1xf32>
    %reduce_sum3A_115 = vector.shape_cast %reduce_sum3A_114 : vector<1xf32> to vector<1x1x1xf32>
    %reduce_sum3A_116 = vector.extract %reduce_sum3A_115[0, 0, 0] : f32 from vector<1x1x1xf32>
    %add3A_117 = arith.addf %add3A_84, %reduce_sum3A_116 : f32
    %concatenate3A = tpu.concatenate %broadcast_in_dim3A_44, %broadcast_in_dim3A_78, %broadcast_in_dim3A_111 in 1 : vector<512x1xi32>, vector<512x1xi32>, vector<512x1xi32> -> vector<512x3xi32>
    %swap3A = arith.constant 0 : index
    %swap3A_118 = arith.constant 0 : index
    %swap3A_119 = vector.load %arg7[%swap3A, %swap3A_118] : memref<512x3xi32, #tpu.memory_space<vmem>>, vector<512x3xi32>
    tpu.vector_store %arg7[%swap3A, %swap3A_118], %concatenate3A {strides = array<i32>} : memref<512x3xi32, #tpu.memory_space<vmem>>, vector<512x3xi32>,
    %eq3A_120 = arith.constant 0 : i32
    %eq3A_121 = arith.cmpi eq, %arg0, %eq3A_120 : i32
    %convert_element_type3A = arith.extui %eq3A_121 : i1 to i32
    %cond3A = arith.constant 0 : i32
    %cond3A_122 = arith.cmpi ne, %convert_element_type3A, %cond3A : i32
    scf.if %cond3A_122 {
      %swap3A_130 = arith.constant 0.000000e+00 : f32
      %swap3A_131 = arith.constant 0 : index
      %swap3A_132 = arith.constant 0 : index
      %swap3A_133 = memref.load %arg8[%swap3A_131, %swap3A_132] : memref<1x1xf32, #tpu.memory_space<smem>>
      memref.store %swap3A_130, %arg8[%swap3A_131, %swap3A_132] : memref<1x1xf32, #tpu.memory_space<smem>>
    } else {
    }
    %get3A_123 = arith.constant 0 : index
    %get3A_124 = arith.constant 0 : index
    %get3A_125 = memref.load %arg8[%get3A_123, %get3A_124] : memref<1x1xf32, #tpu.memory_space<smem>>
    %add3A_126 = arith.addf %get3A_125, %add3A_117 : f32
    %swap3A_127 = arith.constant 0 : index
    %swap3A_128 = arith.constant 0 : index
    %swap3A_129 = memref.load %arg8[%swap3A_127, %swap3A_128] : memref<1x1xf32, #tpu.memory_space<smem>>
    memref.store %add3A_126, %arg8[%swap3A_127, %swap3A_128] : memref<1x1xf32, #tpu.memory_space<smem>>
    return
  }
  func.func @transform_0(%arg0: i32) -> (i32, i32) {
    %add3A = arith.constant 24 : i32
    %add3A_0 = arith.addi %add3A, %arg0 : i32
    %c0_i32 = arith.constant 0 : i32
    %c0_i32_1 = arith.constant 0 : i32
    return %add3A_0, %c0_i32 : i32, i32
  }
  func.func @transform_1(%arg0: i32) -> (i32, i32) {
    %c0_i32 = arith.constant 0 : i32
    %c0_i32_0 = arith.constant 0 : i32
    %c0_i32_1 = arith.constant 0 : i32
    return %c0_i32, %c0_i32_0 : i32, i32
  }
  func.func @transform_2(%arg0: i32) -> (i32, i32) {
    %c0_i32 = arith.constant 0 : i32
    %c0_i32_0 = arith.constant 0 : i32
    %c0_i32_1 = arith.constant 0 : i32
    return %c0_i32, %c0_i32_0 : i32, i32
  }
  func.func @transform_3(%arg0: i32) -> (i32, i32) {
    %c0_i32 = arith.constant 0 : i32
    %c0_i32_0 = arith.constant 0 : i32
    %c0_i32_1 = arith.constant 0 : i32
    return %c0_i32, %c0_i32_0 : i32, i32
  }
  func.func @transform_4(%arg0: i32) -> (i32, i32) {
    %c0_i32 = arith.constant 0 : i32
    %c0_i32_0 = arith.constant 0 : i32
    %c0_i32_1 = arith.constant 0 : i32
    return %c0_i32, %c0_i32_0 : i32, i32
  }
  func.func @transform_5(%arg0: i32) -> (i32, i32) {
    %c0_i32 = arith.constant 0 : i32
    %c0_i32_0 = arith.constant 0 : i32
    %c0_i32_1 = arith.constant 0 : i32
    return %c0_i32, %c0_i32_0 : i32, i32
  }
  func.func @transform_6(%arg0: i32) -> (i32, i32) {
    %c0_i32 = arith.constant 0 : i32
    %c0_i32_0 = arith.constant 0 : i32
    return %arg0, %c0_i32 : i32, i32
  }
  func.func @transform_7(%arg0: i32) -> (i32, i32) {
    %c0_i32 = arith.constant 0 : i32
    %c0_i32_0 = arith.constant 0 : i32
    %c0_i32_1 = arith.constant 0 : i32
    return %c0_i32, %c0_i32_0 : i32, i32
  }
}

module attributes {stable_mosaic.version = 14 : i64} {
  func.func @_vq_body(%arg0: i32, %arg1: memref<512x256xf32, #tpu.memory_space<vmem>>, %arg2: memref<256x256xf32, #tpu.memory_space<vmem>>, %arg3: memref<1x256xf32, #tpu.memory_space<vmem>>, %arg4: memref<256x1024xf32, #tpu.memory_space<vmem>>, %arg5: memref<1x1024xf32, #tpu.memory_space<vmem>>, %arg6: memref<1024x256xf32, #tpu.memory_space<vmem>>, %arg7: memref<512x4xi32, #tpu.memory_space<vmem>>, %arg8: memref<1x1xf32, #tpu.memory_space<smem>>) attributes {dimension_semantics = [#tpu.dimension_semantics<arbitrary>], iteration_bounds = array<i64: 8>, scalar_prefetch = 0 : i64, scratch_operands = 0 : i64, tpu.core_type = #tpu.core_type<tc>, window_params = [{transform_indices = @transform_0, window_bounds = array<i64: 512, 256>}, {pipeline_mode = #tpu.pipeline_mode<synchronous>, transform_indices = @transform_1, window_bounds = array<i64: 256, 256>}, {pipeline_mode = #tpu.pipeline_mode<synchronous>, transform_indices = @transform_2, window_bounds = array<i64: 1, 256>}, {pipeline_mode = #tpu.pipeline_mode<synchronous>, transform_indices = @transform_3, window_bounds = array<i64: 256, 1024>}, {pipeline_mode = #tpu.pipeline_mode<synchronous>, transform_indices = @transform_4, window_bounds = array<i64: 1, 1024>}, {pipeline_mode = #tpu.pipeline_mode<synchronous>, transform_indices = @transform_5, window_bounds = array<i64: 1024, 256>}, {transform_indices = @transform_6, window_bounds = array<i64: 512, 4>}, {transform_indices = @transform_7, window_bounds = array<i64: 1, 1>}]} {
    %get3A = arith.constant 0 : index
    %get3A_0 = arith.constant 0 : index
    %get3A_1 = vector.load %arg1[%get3A, %get3A_0] : memref<512x256xf32, #tpu.memory_space<vmem>>, vector<512x256xf32>
    %get3A_2 = arith.constant 0 : index
    %get3A_3 = arith.constant 0 : index
    %get3A_4 = vector.load %arg2[%get3A_2, %get3A_3] : memref<256x256xf32, #tpu.memory_space<vmem>>, vector<256x256xf32>
    %dot_general3A = arith.constant dense<0.000000e+00> : vector<512x256xf32>
    %dot_general3A_5 = tpu.matmul %get3A_1, %get3A_4, %dot_general3A {dimension_numbers = #tpu.dot_dimension_numbers<[1], [0], [0], [1], [0, 0, 1, 1], [], []>, transpose_lhs_hint = false} : vector<512x256xf32>, vector<256x256xf32>, vector<512x256xf32> -> vector<512x256xf32>
    %get3A_6 = arith.constant 0 : index
    %get3A_7 = arith.constant 0 : index
    %get3A_8 = vector.load %arg3[%get3A_6, %get3A_7] : memref<1x256xf32, #tpu.memory_space<vmem>>, vector<1x256xf32>
    %add3A = vector.broadcast %get3A_8 : vector<1x256xf32> to vector<512x256xf32>
    %add3A_9 = arith.addf %dot_general3A_5, %add3A : vector<512x256xf32>
    %max3A = arith.constant 0.000000e+00 : f32
    %max3A_10 = vector.broadcast %max3A : f32 to vector<512x256xf32>
    %max3A_11 = arith.maximumf %add3A_9, %max3A_10 : vector<512x256xf32>
    %get3A_12 = arith.constant 0 : index
    %get3A_13 = arith.constant 0 : index
    %get3A_14 = vector.load %arg4[%get3A_12, %get3A_13] : memref<256x1024xf32, #tpu.memory_space<vmem>>, vector<256x1024xf32>
    %dot_general3A_15 = arith.constant dense<0.000000e+00> : vector<512x1024xf32>
    %dot_general3A_16 = tpu.matmul %max3A_11, %get3A_14, %dot_general3A_15 {dimension_numbers = #tpu.dot_dimension_numbers<[1], [0], [0], [1], [0, 0, 1, 1], [], []>, transpose_lhs_hint = false} : vector<512x256xf32>, vector<256x1024xf32>, vector<512x1024xf32> -> vector<512x1024xf32>
    %get3A_17 = arith.constant 0 : index
    %get3A_18 = arith.constant 0 : index
    %get3A_19 = vector.load %arg5[%get3A_17, %get3A_18] : memref<1x1024xf32, #tpu.memory_space<vmem>>, vector<1x1024xf32>
    %add3A_20 = vector.broadcast %get3A_19 : vector<1x1024xf32> to vector<512x1024xf32>
    %add3A_21 = arith.addf %dot_general3A_16, %add3A_20 : vector<512x1024xf32>
    %get3A_22 = arith.constant 0 : index
    %get3A_23 = arith.constant 0 : index
    %get3A_24 = vector.load %arg6[%get3A_22, %get3A_23] : memref<1024x256xf32, #tpu.memory_space<vmem>>, vector<1024x256xf32>
    %mul3A = arith.mulf %get3A_24, %get3A_24 : vector<1024x256xf32>
    %reduce_sum3A = arith.constant dense<0.000000e+00> : vector<1024xf32>
    %reduce_sum3A_25 = vector.multi_reduction <add>, %mul3A, %reduce_sum3A [1] : vector<1024x256xf32> to vector<1024xf32>
    %slice3A = vector.extract_strided_slice %add3A_21 {offsets = [0, 0], sizes = [512, 256], strides = [1, 1]} : vector<512x1024xf32> to vector<512x256xf32>
    %mul3A_26 = arith.mulf %slice3A, %slice3A : vector<512x256xf32>
    %reduce_sum3A_27 = arith.constant dense<0.000000e+00> : vector<512xf32>
    %reduce_sum3A_28 = vector.multi_reduction <add>, %mul3A_26, %reduce_sum3A_27 [1] : vector<512x256xf32> to vector<512xf32>
    %broadcast_in_dim3A = vector.shape_cast %reduce_sum3A_28 : vector<512xf32> to vector<512x1xf32>
    %dot_general3A_29 = arith.constant dense<0.000000e+00> : vector<512x1024xf32>
    %dot_general3A_30 = tpu.matmul %slice3A, %get3A_24, %dot_general3A_29 {dimension_numbers = #tpu.dot_dimension_numbers<[1], [1], [0], [0], [0, 0, 1, 0], [], []>, transpose_lhs_hint = false} : vector<512x256xf32>, vector<1024x256xf32>, vector<512x1024xf32> -> vector<512x1024xf32>
    %broadcast_in_dim3A_31 = vector.shape_cast %reduce_sum3A_25 : vector<1024xf32> to vector<1x1024xf32>
    %add3A_32 = vector.broadcast %broadcast_in_dim3A : vector<512x1xf32> to vector<512x1024xf32>
    %add3A_33 = vector.broadcast %broadcast_in_dim3A_31 : vector<1x1024xf32> to vector<512x1024xf32>
    %add3A_34 = arith.addf %add3A_32, %add3A_33 : vector<512x1024xf32>
    %mul3A_35 = arith.constant 2.000000e+00 : f32
    %mul3A_36 = vector.broadcast %mul3A_35 : f32 to vector<512x1024xf32>
    %mul3A_37 = arith.mulf %mul3A_36, %dot_general3A_30 : vector<512x1024xf32>
    %sub3A = arith.subf %add3A_34, %mul3A_37 : vector<512x1024xf32>
    %reduce_min3A = arith.constant dense<0x7F800000> : vector<512xf32>
    %reduce_min3A_38 = vector.multi_reduction <minimumf>, %sub3A, %reduce_min3A [1] : vector<512x1024xf32> to vector<512xf32>
    %broadcast_in_dim3A_39 = vector.shape_cast %reduce_min3A_38 : vector<512xf32> to vector<512x1xf32>
    %iota3A = tpu.iota {dimensions = array<i32: 1>} : vector<512x1024xi32>
    %eq3A = vector.broadcast %broadcast_in_dim3A_39 : vector<512x1xf32> to vector<512x1024xf32>
    %eq3A_40 = arith.cmpf oeq, %sub3A, %eq3A : vector<512x1024xf32>
    %jit3A = arith.constant 1024 : i32
    %broadcast_in_dim3A_41 = vector.broadcast %jit3A : i32 to vector<512x1024xi32>
    %select_n3A = arith.select %eq3A_40, %iota3A, %broadcast_in_dim3A_41 : vector<512x1024xi1>, vector<512x1024xi32>
    %reduce_min3A_42 = arith.constant dense<2147483647> : vector<512xi32>
    %reduce_min3A_43 = vector.multi_reduction <minsi>, %select_n3A, %reduce_min3A_42 [1] : vector<512x1024xi32> to vector<512xi32>
    %broadcast_in_dim3A_44 = vector.shape_cast %reduce_min3A_43 : vector<512xi32> to vector<512x1xi32>
    %reduce_sum3A_45 = vector.shape_cast %broadcast_in_dim3A_39 : vector<512x1xf32> to vector<1x512x1xf32>
    %reduce_sum3A_46 = arith.constant dense<0.000000e+00> : vector<1xf32>
    %reduce_sum3A_47 = vector.multi_reduction <add>, %reduce_sum3A_45, %reduce_sum3A_46 [1, 2] : vector<1x512x1xf32> to vector<1xf32>
    %reduce_sum3A_48 = vector.shape_cast %reduce_sum3A_47 : vector<1xf32> to vector<1x1x1xf32>
    %reduce_sum3A_49 = vector.extract %reduce_sum3A_48[0, 0, 0] : f32 from vector<1x1x1xf32>
    %add3A_50 = arith.constant 0.000000e+00 : f32
    %add3A_51 = arith.addf %add3A_50, %reduce_sum3A_49 : f32
    %slice3A_52 = vector.extract_strided_slice %add3A_21 {offsets = [0, 256], sizes = [512, 256], strides = [1, 1]} : vector<512x1024xf32> to vector<512x256xf32>
    %mul3A_53 = arith.mulf %slice3A_52, %slice3A_52 : vector<512x256xf32>
    %reduce_sum3A_54 = arith.constant dense<0.000000e+00> : vector<512xf32>
    %reduce_sum3A_55 = vector.multi_reduction <add>, %mul3A_53, %reduce_sum3A_54 [1] : vector<512x256xf32> to vector<512xf32>
    %broadcast_in_dim3A_56 = vector.shape_cast %reduce_sum3A_55 : vector<512xf32> to vector<512x1xf32>
    %dot_general3A_57 = arith.constant dense<0.000000e+00> : vector<512x1024xf32>
    %dot_general3A_58 = tpu.matmul %slice3A_52, %get3A_24, %dot_general3A_57 {dimension_numbers = #tpu.dot_dimension_numbers<[1], [1], [0], [0], [0, 0, 1, 0], [], []>, transpose_lhs_hint = false} : vector<512x256xf32>, vector<1024x256xf32>, vector<512x1024xf32> -> vector<512x1024xf32>
    %broadcast_in_dim3A_59 = vector.shape_cast %reduce_sum3A_25 : vector<1024xf32> to vector<1x1024xf32>
    %add3A_60 = vector.broadcast %broadcast_in_dim3A_56 : vector<512x1xf32> to vector<512x1024xf32>
    %add3A_61 = vector.broadcast %broadcast_in_dim3A_59 : vector<1x1024xf32> to vector<512x1024xf32>
    %add3A_62 = arith.addf %add3A_60, %add3A_61 : vector<512x1024xf32>
    %mul3A_63 = arith.constant 2.000000e+00 : f32
    %mul3A_64 = vector.broadcast %mul3A_63 : f32 to vector<512x1024xf32>
    %mul3A_65 = arith.mulf %mul3A_64, %dot_general3A_58 : vector<512x1024xf32>
    %sub3A_66 = arith.subf %add3A_62, %mul3A_65 : vector<512x1024xf32>
    %reduce_min3A_67 = arith.constant dense<0x7F800000> : vector<512xf32>
    %reduce_min3A_68 = vector.multi_reduction <minimumf>, %sub3A_66, %reduce_min3A_67 [1] : vector<512x1024xf32> to vector<512xf32>
    %broadcast_in_dim3A_69 = vector.shape_cast %reduce_min3A_68 : vector<512xf32> to vector<512x1xf32>
    %iota3A_70 = tpu.iota {dimensions = array<i32: 1>} : vector<512x1024xi32>
    %eq3A_71 = vector.broadcast %broadcast_in_dim3A_69 : vector<512x1xf32> to vector<512x1024xf32>
    %eq3A_72 = arith.cmpf oeq, %sub3A_66, %eq3A_71 : vector<512x1024xf32>
    %jit3A_73 = arith.constant 1024 : i32
    %broadcast_in_dim3A_74 = vector.broadcast %jit3A_73 : i32 to vector<512x1024xi32>
    %select_n3A_75 = arith.select %eq3A_72, %iota3A_70, %broadcast_in_dim3A_74 : vector<512x1024xi1>, vector<512x1024xi32>
    %reduce_min3A_76 = arith.constant dense<2147483647> : vector<512xi32>
    %reduce_min3A_77 = vector.multi_reduction <minsi>, %select_n3A_75, %reduce_min3A_76 [1] : vector<512x1024xi32> to vector<512xi32>
    %broadcast_in_dim3A_78 = vector.shape_cast %reduce_min3A_77 : vector<512xi32> to vector<512x1xi32>
    %reduce_sum3A_79 = vector.shape_cast %broadcast_in_dim3A_69 : vector<512x1xf32> to vector<1x512x1xf32>
    %reduce_sum3A_80 = arith.constant dense<0.000000e+00> : vector<1xf32>
    %reduce_sum3A_81 = vector.multi_reduction <add>, %reduce_sum3A_79, %reduce_sum3A_80 [1, 2] : vector<1x512x1xf32> to vector<1xf32>
    %reduce_sum3A_82 = vector.shape_cast %reduce_sum3A_81 : vector<1xf32> to vector<1x1x1xf32>
    %reduce_sum3A_83 = vector.extract %reduce_sum3A_82[0, 0, 0] : f32 from vector<1x1x1xf32>
    %add3A_84 = arith.addf %add3A_51, %reduce_sum3A_83 : f32
    %slice3A_85 = vector.extract_strided_slice %add3A_21 {offsets = [0, 512], sizes = [512, 256], strides = [1, 1]} : vector<512x1024xf32> to vector<512x256xf32>
    %mul3A_86 = arith.mulf %slice3A_85, %slice3A_85 : vector<512x256xf32>
    %reduce_sum3A_87 = arith.constant dense<0.000000e+00> : vector<512xf32>
    %reduce_sum3A_88 = vector.multi_reduction <add>, %mul3A_86, %reduce_sum3A_87 [1] : vector<512x256xf32> to vector<512xf32>
    %broadcast_in_dim3A_89 = vector.shape_cast %reduce_sum3A_88 : vector<512xf32> to vector<512x1xf32>
    %dot_general3A_90 = arith.constant dense<0.000000e+00> : vector<512x1024xf32>
    %dot_general3A_91 = tpu.matmul %slice3A_85, %get3A_24, %dot_general3A_90 {dimension_numbers = #tpu.dot_dimension_numbers<[1], [1], [0], [0], [0, 0, 1, 0], [], []>, transpose_lhs_hint = false} : vector<512x256xf32>, vector<1024x256xf32>, vector<512x1024xf32> -> vector<512x1024xf32>
    %broadcast_in_dim3A_92 = vector.shape_cast %reduce_sum3A_25 : vector<1024xf32> to vector<1x1024xf32>
    %add3A_93 = vector.broadcast %broadcast_in_dim3A_89 : vector<512x1xf32> to vector<512x1024xf32>
    %add3A_94 = vector.broadcast %broadcast_in_dim3A_92 : vector<1x1024xf32> to vector<512x1024xf32>
    %add3A_95 = arith.addf %add3A_93, %add3A_94 : vector<512x1024xf32>
    %mul3A_96 = arith.constant 2.000000e+00 : f32
    %mul3A_97 = vector.broadcast %mul3A_96 : f32 to vector<512x1024xf32>
    %mul3A_98 = arith.mulf %mul3A_97, %dot_general3A_91 : vector<512x1024xf32>
    %sub3A_99 = arith.subf %add3A_95, %mul3A_98 : vector<512x1024xf32>
    %reduce_min3A_100 = arith.constant dense<0x7F800000> : vector<512xf32>
    %reduce_min3A_101 = vector.multi_reduction <minimumf>, %sub3A_99, %reduce_min3A_100 [1] : vector<512x1024xf32> to vector<512xf32>
    %broadcast_in_dim3A_102 = vector.shape_cast %reduce_min3A_101 : vector<512xf32> to vector<512x1xf32>
    %iota3A_103 = tpu.iota {dimensions = array<i32: 1>} : vector<512x1024xi32>
    %eq3A_104 = vector.broadcast %broadcast_in_dim3A_102 : vector<512x1xf32> to vector<512x1024xf32>
    %eq3A_105 = arith.cmpf oeq, %sub3A_99, %eq3A_104 : vector<512x1024xf32>
    %jit3A_106 = arith.constant 1024 : i32
    %broadcast_in_dim3A_107 = vector.broadcast %jit3A_106 : i32 to vector<512x1024xi32>
    %select_n3A_108 = arith.select %eq3A_105, %iota3A_103, %broadcast_in_dim3A_107 : vector<512x1024xi1>, vector<512x1024xi32>
    %reduce_min3A_109 = arith.constant dense<2147483647> : vector<512xi32>
    %reduce_min3A_110 = vector.multi_reduction <minsi>, %select_n3A_108, %reduce_min3A_109 [1] : vector<512x1024xi32> to vector<512xi32>
    %broadcast_in_dim3A_111 = vector.shape_cast %reduce_min3A_110 : vector<512xi32> to vector<512x1xi32>
    %reduce_sum3A_112 = vector.shape_cast %broadcast_in_dim3A_102 : vector<512x1xf32> to vector<1x512x1xf32>
    %reduce_sum3A_113 = arith.constant dense<0.000000e+00> : vector<1xf32>
    %reduce_sum3A_114 = vector.multi_reduction <add>, %reduce_sum3A_112, %reduce_sum3A_113 [1, 2] : vector<1x512x1xf32> to vector<1xf32>
    %reduce_sum3A_115 = vector.shape_cast %reduce_sum3A_114 : vector<1xf32> to vector<1x1x1xf32>
    %reduce_sum3A_116 = vector.extract %reduce_sum3A_115[0, 0, 0] : f32 from vector<1x1x1xf32>
    %add3A_117 = arith.addf %add3A_84, %reduce_sum3A_116 : f32
    %slice3A_118 = vector.extract_strided_slice %add3A_21 {offsets = [0, 768], sizes = [512, 256], strides = [1, 1]} : vector<512x1024xf32> to vector<512x256xf32>
    %mul3A_119 = arith.mulf %slice3A_118, %slice3A_118 : vector<512x256xf32>
    %reduce_sum3A_120 = arith.constant dense<0.000000e+00> : vector<512xf32>
    %reduce_sum3A_121 = vector.multi_reduction <add>, %mul3A_119, %reduce_sum3A_120 [1] : vector<512x256xf32> to vector<512xf32>
    %broadcast_in_dim3A_122 = vector.shape_cast %reduce_sum3A_121 : vector<512xf32> to vector<512x1xf32>
    %dot_general3A_123 = arith.constant dense<0.000000e+00> : vector<512x1024xf32>
    %dot_general3A_124 = tpu.matmul %slice3A_118, %get3A_24, %dot_general3A_123 {dimension_numbers = #tpu.dot_dimension_numbers<[1], [1], [0], [0], [0, 0, 1, 0], [], []>, transpose_lhs_hint = false} : vector<512x256xf32>, vector<1024x256xf32>, vector<512x1024xf32> -> vector<512x1024xf32>
    %broadcast_in_dim3A_125 = vector.shape_cast %reduce_sum3A_25 : vector<1024xf32> to vector<1x1024xf32>
    %add3A_126 = vector.broadcast %broadcast_in_dim3A_122 : vector<512x1xf32> to vector<512x1024xf32>
    %add3A_127 = vector.broadcast %broadcast_in_dim3A_125 : vector<1x1024xf32> to vector<512x1024xf32>
    %add3A_128 = arith.addf %add3A_126, %add3A_127 : vector<512x1024xf32>
    %mul3A_129 = arith.constant 2.000000e+00 : f32
    %mul3A_130 = vector.broadcast %mul3A_129 : f32 to vector<512x1024xf32>
    %mul3A_131 = arith.mulf %mul3A_130, %dot_general3A_124 : vector<512x1024xf32>
    %sub3A_132 = arith.subf %add3A_128, %mul3A_131 : vector<512x1024xf32>
    %reduce_min3A_133 = arith.constant dense<0x7F800000> : vector<512xf32>
    %reduce_min3A_134 = vector.multi_reduction <minimumf>, %sub3A_132, %reduce_min3A_133 [1] : vector<512x1024xf32> to vector<512xf32>
    %broadcast_in_dim3A_135 = vector.shape_cast %reduce_min3A_134 : vector<512xf32> to vector<512x1xf32>
    %iota3A_136 = tpu.iota {dimensions = array<i32: 1>} : vector<512x1024xi32>
    %eq3A_137 = vector.broadcast %broadcast_in_dim3A_135 : vector<512x1xf32> to vector<512x1024xf32>
    %eq3A_138 = arith.cmpf oeq, %sub3A_132, %eq3A_137 : vector<512x1024xf32>
    %jit3A_139 = arith.constant 1024 : i32
    %broadcast_in_dim3A_140 = vector.broadcast %jit3A_139 : i32 to vector<512x1024xi32>
    %select_n3A_141 = arith.select %eq3A_138, %iota3A_136, %broadcast_in_dim3A_140 : vector<512x1024xi1>, vector<512x1024xi32>
    %reduce_min3A_142 = arith.constant dense<2147483647> : vector<512xi32>
    %reduce_min3A_143 = vector.multi_reduction <minsi>, %select_n3A_141, %reduce_min3A_142 [1] : vector<512x1024xi32> to vector<512xi32>
    %broadcast_in_dim3A_144 = vector.shape_cast %reduce_min3A_143 : vector<512xi32> to vector<512x1xi32>
    %reduce_sum3A_145 = vector.shape_cast %broadcast_in_dim3A_135 : vector<512x1xf32> to vector<1x512x1xf32>
    %reduce_sum3A_146 = arith.constant dense<0.000000e+00> : vector<1xf32>
    %reduce_sum3A_147 = vector.multi_reduction <add>, %reduce_sum3A_145, %reduce_sum3A_146 [1, 2] : vector<1x512x1xf32> to vector<1xf32>
    %reduce_sum3A_148 = vector.shape_cast %reduce_sum3A_147 : vector<1xf32> to vector<1x1x1xf32>
    %reduce_sum3A_149 = vector.extract %reduce_sum3A_148[0, 0, 0] : f32 from vector<1x1x1xf32>
    %add3A_150 = arith.addf %add3A_117, %reduce_sum3A_149 : f32
    %concatenate3A = tpu.concatenate %broadcast_in_dim3A_44, %broadcast_in_dim3A_78, %broadcast_in_dim3A_111, %broadcast_in_dim3A_144 in 1 : vector<512x1xi32>, vector<512x1xi32>, vector<512x1xi32>, vector<512x1xi32> -> vector<512x4xi32>
    %swap3A = arith.constant 0 : index
    %swap3A_151 = arith.constant 0 : index
    %swap3A_152 = vector.load %arg7[%swap3A, %swap3A_151] : memref<512x4xi32, #tpu.memory_space<vmem>>, vector<512x4xi32>
    tpu.vector_store %arg7[%swap3A, %swap3A_151], %concatenate3A {strides = array<i32>} : memref<512x4xi32, #tpu.memory_space<vmem>>, vector<512x4xi32>,
    %eq3A_153 = arith.constant 0 : i32
    %eq3A_154 = arith.cmpi eq, %arg0, %eq3A_153 : i32
    %convert_element_type3A = arith.extui %eq3A_154 : i1 to i32
    %cond3A = arith.constant 0 : i32
    %cond3A_155 = arith.cmpi ne, %convert_element_type3A, %cond3A : i32
    scf.if %cond3A_155 {
      %swap3A_163 = arith.constant 0.000000e+00 : f32
      %swap3A_164 = arith.constant 0 : index
      %swap3A_165 = arith.constant 0 : index
      %swap3A_166 = memref.load %arg8[%swap3A_164, %swap3A_165] : memref<1x1xf32, #tpu.memory_space<smem>>
      memref.store %swap3A_163, %arg8[%swap3A_164, %swap3A_165] : memref<1x1xf32, #tpu.memory_space<smem>>
    } else {
    }
    %get3A_156 = arith.constant 0 : index
    %get3A_157 = arith.constant 0 : index
    %get3A_158 = memref.load %arg8[%get3A_156, %get3A_157] : memref<1x1xf32, #tpu.memory_space<smem>>
    %add3A_159 = arith.addf %get3A_158, %add3A_150 : f32
    %swap3A_160 = arith.constant 0 : index
    %swap3A_161 = arith.constant 0 : index
    %swap3A_162 = memref.load %arg8[%swap3A_160, %swap3A_161] : memref<1x1xf32, #tpu.memory_space<smem>>
    memref.store %add3A_159, %arg8[%swap3A_160, %swap3A_161] : memref<1x1xf32, #tpu.memory_space<smem>>
    return
  }
  func.func @transform_0(%arg0: i32) -> (i32, i32) {
    %add3A = arith.constant 24 : i32
    %add3A_0 = arith.addi %add3A, %arg0 : i32
    %c0_i32 = arith.constant 0 : i32
    %c0_i32_1 = arith.constant 0 : i32
    return %add3A_0, %c0_i32 : i32, i32
  }
  func.func @transform_1(%arg0: i32) -> (i32, i32) {
    %c0_i32 = arith.constant 0 : i32
    %c0_i32_0 = arith.constant 0 : i32
    %c0_i32_1 = arith.constant 0 : i32
    return %c0_i32, %c0_i32_0 : i32, i32
  }
  func.func @transform_2(%arg0: i32) -> (i32, i32) {
    %c0_i32 = arith.constant 0 : i32
    %c0_i32_0 = arith.constant 0 : i32
    %c0_i32_1 = arith.constant 0 : i32
    return %c0_i32, %c0_i32_0 : i32, i32
  }
  func.func @transform_3(%arg0: i32) -> (i32, i32) {
    %c0_i32 = arith.constant 0 : i32
    %c0_i32_0 = arith.constant 0 : i32
    %c0_i32_1 = arith.constant 0 : i32
    return %c0_i32, %c0_i32_0 : i32, i32
  }
  func.func @transform_4(%arg0: i32) -> (i32, i32) {
    %c0_i32 = arith.constant 0 : i32
    %c0_i32_0 = arith.constant 0 : i32
    %c0_i32_1 = arith.constant 0 : i32
    return %c0_i32, %c0_i32_0 : i32, i32
  }
  func.func @transform_5(%arg0: i32) -> (i32, i32) {
    %c0_i32 = arith.constant 0 : i32
    %c0_i32_0 = arith.constant 0 : i32
    %c0_i32_1 = arith.constant 0 : i32
    return %c0_i32, %c0_i32_0 : i32, i32
  }
  func.func @transform_6(%arg0: i32) -> (i32, i32) {
    %c0_i32 = arith.constant 0 : i32
    %c0_i32_0 = arith.constant 0 : i32
    return %arg0, %c0_i32 : i32, i32
  }
  func.func @transform_7(%arg0: i32) -> (i32, i32) {
    %c0_i32 = arith.constant 0 : i32
    %c0_i32_0 = arith.constant 0 : i32
    %c0_i32_1 = arith.constant 0 : i32
    return %c0_i32, %c0_i32_0 : i32, i32
  }
}

module attributes {stable_mosaic.version = 14 : i64} {
  func.func @_vq_body(%arg0: i32, %arg1: memref<512x256xf32, #tpu.memory_space<vmem>>, %arg2: memref<256x256xf32, #tpu.memory_space<vmem>>, %arg3: memref<1x256xf32, #tpu.memory_space<vmem>>, %arg4: memref<256x768xf32, #tpu.memory_space<vmem>>, %arg5: memref<1x768xf32, #tpu.memory_space<vmem>>, %arg6: memref<512x256xf32, #tpu.memory_space<vmem>>, %arg7: memref<512x3xi32, #tpu.memory_space<vmem>>, %arg8: memref<1x1xf32, #tpu.memory_space<smem>>) attributes {dimension_semantics = [#tpu.dimension_semantics<arbitrary>], iteration_bounds = array<i64: 8>, scalar_prefetch = 0 : i64, scratch_operands = 0 : i64, tpu.core_type = #tpu.core_type<tc>, window_params = [{transform_indices = @transform_0, window_bounds = array<i64: 512, 256>}, {pipeline_mode = #tpu.pipeline_mode<synchronous>, transform_indices = @transform_1, window_bounds = array<i64: 256, 256>}, {pipeline_mode = #tpu.pipeline_mode<synchronous>, transform_indices = @transform_2, window_bounds = array<i64: 1, 256>}, {pipeline_mode = #tpu.pipeline_mode<synchronous>, transform_indices = @transform_3, window_bounds = array<i64: 256, 768>}, {pipeline_mode = #tpu.pipeline_mode<synchronous>, transform_indices = @transform_4, window_bounds = array<i64: 1, 768>}, {pipeline_mode = #tpu.pipeline_mode<synchronous>, transform_indices = @transform_5, window_bounds = array<i64: 512, 256>}, {transform_indices = @transform_6, window_bounds = array<i64: 512, 3>}, {transform_indices = @transform_7, window_bounds = array<i64: 1, 1>}]} {
    %get3A = arith.constant 0 : index
    %get3A_0 = arith.constant 0 : index
    %get3A_1 = vector.load %arg1[%get3A, %get3A_0] : memref<512x256xf32, #tpu.memory_space<vmem>>, vector<512x256xf32>
    %get3A_2 = arith.constant 0 : index
    %get3A_3 = arith.constant 0 : index
    %get3A_4 = vector.load %arg2[%get3A_2, %get3A_3] : memref<256x256xf32, #tpu.memory_space<vmem>>, vector<256x256xf32>
    %dot_general3A = arith.constant dense<0.000000e+00> : vector<512x256xf32>
    %dot_general3A_5 = tpu.matmul %get3A_1, %get3A_4, %dot_general3A {dimension_numbers = #tpu.dot_dimension_numbers<[1], [0], [0], [1], [0, 0, 1, 1], [], []>, transpose_lhs_hint = false} : vector<512x256xf32>, vector<256x256xf32>, vector<512x256xf32> -> vector<512x256xf32>
    %get3A_6 = arith.constant 0 : index
    %get3A_7 = arith.constant 0 : index
    %get3A_8 = vector.load %arg3[%get3A_6, %get3A_7] : memref<1x256xf32, #tpu.memory_space<vmem>>, vector<1x256xf32>
    %add3A = vector.broadcast %get3A_8 : vector<1x256xf32> to vector<512x256xf32>
    %add3A_9 = arith.addf %dot_general3A_5, %add3A : vector<512x256xf32>
    %max3A = arith.constant 0.000000e+00 : f32
    %max3A_10 = vector.broadcast %max3A : f32 to vector<512x256xf32>
    %max3A_11 = arith.maximumf %add3A_9, %max3A_10 : vector<512x256xf32>
    %get3A_12 = arith.constant 0 : index
    %get3A_13 = arith.constant 0 : index
    %get3A_14 = vector.load %arg4[%get3A_12, %get3A_13] : memref<256x768xf32, #tpu.memory_space<vmem>>, vector<256x768xf32>
    %dot_general3A_15 = arith.constant dense<0.000000e+00> : vector<512x768xf32>
    %dot_general3A_16 = tpu.matmul %max3A_11, %get3A_14, %dot_general3A_15 {dimension_numbers = #tpu.dot_dimension_numbers<[1], [0], [0], [1], [0, 0, 1, 1], [], []>, transpose_lhs_hint = false} : vector<512x256xf32>, vector<256x768xf32>, vector<512x768xf32> -> vector<512x768xf32>
    %get3A_17 = arith.constant 0 : index
    %get3A_18 = arith.constant 0 : index
    %get3A_19 = vector.load %arg5[%get3A_17, %get3A_18] : memref<1x768xf32, #tpu.memory_space<vmem>>, vector<1x768xf32>
    %add3A_20 = vector.broadcast %get3A_19 : vector<1x768xf32> to vector<512x768xf32>
    %add3A_21 = arith.addf %dot_general3A_16, %add3A_20 : vector<512x768xf32>
    %get3A_22 = arith.constant 0 : index
    %get3A_23 = arith.constant 0 : index
    %get3A_24 = vector.load %arg6[%get3A_22, %get3A_23] : memref<512x256xf32, #tpu.memory_space<vmem>>, vector<512x256xf32>
    %mul3A = arith.mulf %get3A_24, %get3A_24 : vector<512x256xf32>
    %reduce_sum3A = arith.constant dense<0.000000e+00> : vector<512xf32>
    %reduce_sum3A_25 = vector.multi_reduction <add>, %mul3A, %reduce_sum3A [1] : vector<512x256xf32> to vector<512xf32>
    %slice3A = vector.extract_strided_slice %add3A_21 {offsets = [0, 0], sizes = [512, 256], strides = [1, 1]} : vector<512x768xf32> to vector<512x256xf32>
    %mul3A_26 = arith.mulf %slice3A, %slice3A : vector<512x256xf32>
    %reduce_sum3A_27 = arith.constant dense<0.000000e+00> : vector<512xf32>
    %reduce_sum3A_28 = vector.multi_reduction <add>, %mul3A_26, %reduce_sum3A_27 [1] : vector<512x256xf32> to vector<512xf32>
    %broadcast_in_dim3A = vector.shape_cast %reduce_sum3A_28 : vector<512xf32> to vector<512x1xf32>
    %dot_general3A_29 = arith.constant dense<0.000000e+00> : vector<512x512xf32>
    %dot_general3A_30 = tpu.matmul %slice3A, %get3A_24, %dot_general3A_29 {dimension_numbers = #tpu.dot_dimension_numbers<[1], [1], [0], [0], [0, 0, 1, 0], [], []>, transpose_lhs_hint = false} : vector<512x256xf32>, vector<512x256xf32>, vector<512x512xf32> -> vector<512x512xf32>
    %broadcast_in_dim3A_31 = vector.shape_cast %reduce_sum3A_25 : vector<512xf32> to vector<1x512xf32>
    %add3A_32 = vector.broadcast %broadcast_in_dim3A : vector<512x1xf32> to vector<512x512xf32>
    %add3A_33 = vector.broadcast %broadcast_in_dim3A_31 : vector<1x512xf32> to vector<512x512xf32>
    %add3A_34 = arith.addf %add3A_32, %add3A_33 : vector<512x512xf32>
    %mul3A_35 = arith.constant 2.000000e+00 : f32
    %mul3A_36 = vector.broadcast %mul3A_35 : f32 to vector<512x512xf32>
    %mul3A_37 = arith.mulf %mul3A_36, %dot_general3A_30 : vector<512x512xf32>
    %sub3A = arith.subf %add3A_34, %mul3A_37 : vector<512x512xf32>
    %reduce_min3A = arith.constant dense<0x7F800000> : vector<512xf32>
    %reduce_min3A_38 = vector.multi_reduction <minimumf>, %sub3A, %reduce_min3A [1] : vector<512x512xf32> to vector<512xf32>
    %broadcast_in_dim3A_39 = vector.shape_cast %reduce_min3A_38 : vector<512xf32> to vector<512x1xf32>
    %iota3A = tpu.iota {dimensions = array<i32: 1>} : vector<512x512xi32>
    %eq3A = vector.broadcast %broadcast_in_dim3A_39 : vector<512x1xf32> to vector<512x512xf32>
    %eq3A_40 = arith.cmpf oeq, %sub3A, %eq3A : vector<512x512xf32>
    %jit3A = arith.constant 512 : i32
    %broadcast_in_dim3A_41 = vector.broadcast %jit3A : i32 to vector<512x512xi32>
    %select_n3A = arith.select %eq3A_40, %iota3A, %broadcast_in_dim3A_41 : vector<512x512xi1>, vector<512x512xi32>
    %reduce_min3A_42 = arith.constant dense<2147483647> : vector<512xi32>
    %reduce_min3A_43 = vector.multi_reduction <minsi>, %select_n3A, %reduce_min3A_42 [1] : vector<512x512xi32> to vector<512xi32>
    %broadcast_in_dim3A_44 = vector.shape_cast %reduce_min3A_43 : vector<512xi32> to vector<512x1xi32>
    %reduce_sum3A_45 = vector.shape_cast %broadcast_in_dim3A_39 : vector<512x1xf32> to vector<1x512x1xf32>
    %reduce_sum3A_46 = arith.constant dense<0.000000e+00> : vector<1xf32>
    %reduce_sum3A_47 = vector.multi_reduction <add>, %reduce_sum3A_45, %reduce_sum3A_46 [1, 2] : vector<1x512x1xf32> to vector<1xf32>
    %reduce_sum3A_48 = vector.shape_cast %reduce_sum3A_47 : vector<1xf32> to vector<1x1x1xf32>
    %reduce_sum3A_49 = vector.extract %reduce_sum3A_48[0, 0, 0] : f32 from vector<1x1x1xf32>
    %add3A_50 = arith.constant 0.000000e+00 : f32
    %add3A_51 = arith.addf %add3A_50, %reduce_sum3A_49 : f32
    %slice3A_52 = vector.extract_strided_slice %add3A_21 {offsets = [0, 256], sizes = [512, 256], strides = [1, 1]} : vector<512x768xf32> to vector<512x256xf32>
    %mul3A_53 = arith.mulf %slice3A_52, %slice3A_52 : vector<512x256xf32>
    %reduce_sum3A_54 = arith.constant dense<0.000000e+00> : vector<512xf32>
    %reduce_sum3A_55 = vector.multi_reduction <add>, %mul3A_53, %reduce_sum3A_54 [1] : vector<512x256xf32> to vector<512xf32>
    %broadcast_in_dim3A_56 = vector.shape_cast %reduce_sum3A_55 : vector<512xf32> to vector<512x1xf32>
    %dot_general3A_57 = arith.constant dense<0.000000e+00> : vector<512x512xf32>
    %dot_general3A_58 = tpu.matmul %slice3A_52, %get3A_24, %dot_general3A_57 {dimension_numbers = #tpu.dot_dimension_numbers<[1], [1], [0], [0], [0, 0, 1, 0], [], []>, transpose_lhs_hint = false} : vector<512x256xf32>, vector<512x256xf32>, vector<512x512xf32> -> vector<512x512xf32>
    %broadcast_in_dim3A_59 = vector.shape_cast %reduce_sum3A_25 : vector<512xf32> to vector<1x512xf32>
    %add3A_60 = vector.broadcast %broadcast_in_dim3A_56 : vector<512x1xf32> to vector<512x512xf32>
    %add3A_61 = vector.broadcast %broadcast_in_dim3A_59 : vector<1x512xf32> to vector<512x512xf32>
    %add3A_62 = arith.addf %add3A_60, %add3A_61 : vector<512x512xf32>
    %mul3A_63 = arith.constant 2.000000e+00 : f32
    %mul3A_64 = vector.broadcast %mul3A_63 : f32 to vector<512x512xf32>
    %mul3A_65 = arith.mulf %mul3A_64, %dot_general3A_58 : vector<512x512xf32>
    %sub3A_66 = arith.subf %add3A_62, %mul3A_65 : vector<512x512xf32>
    %reduce_min3A_67 = arith.constant dense<0x7F800000> : vector<512xf32>
    %reduce_min3A_68 = vector.multi_reduction <minimumf>, %sub3A_66, %reduce_min3A_67 [1] : vector<512x512xf32> to vector<512xf32>
    %broadcast_in_dim3A_69 = vector.shape_cast %reduce_min3A_68 : vector<512xf32> to vector<512x1xf32>
    %iota3A_70 = tpu.iota {dimensions = array<i32: 1>} : vector<512x512xi32>
    %eq3A_71 = vector.broadcast %broadcast_in_dim3A_69 : vector<512x1xf32> to vector<512x512xf32>
    %eq3A_72 = arith.cmpf oeq, %sub3A_66, %eq3A_71 : vector<512x512xf32>
    %jit3A_73 = arith.constant 512 : i32
    %broadcast_in_dim3A_74 = vector.broadcast %jit3A_73 : i32 to vector<512x512xi32>
    %select_n3A_75 = arith.select %eq3A_72, %iota3A_70, %broadcast_in_dim3A_74 : vector<512x512xi1>, vector<512x512xi32>
    %reduce_min3A_76 = arith.constant dense<2147483647> : vector<512xi32>
    %reduce_min3A_77 = vector.multi_reduction <minsi>, %select_n3A_75, %reduce_min3A_76 [1] : vector<512x512xi32> to vector<512xi32>
    %broadcast_in_dim3A_78 = vector.shape_cast %reduce_min3A_77 : vector<512xi32> to vector<512x1xi32>
    %reduce_sum3A_79 = vector.shape_cast %broadcast_in_dim3A_69 : vector<512x1xf32> to vector<1x512x1xf32>
    %reduce_sum3A_80 = arith.constant dense<0.000000e+00> : vector<1xf32>
    %reduce_sum3A_81 = vector.multi_reduction <add>, %reduce_sum3A_79, %reduce_sum3A_80 [1, 2] : vector<1x512x1xf32> to vector<1xf32>
    %reduce_sum3A_82 = vector.shape_cast %reduce_sum3A_81 : vector<1xf32> to vector<1x1x1xf32>
    %reduce_sum3A_83 = vector.extract %reduce_sum3A_82[0, 0, 0] : f32 from vector<1x1x1xf32>
    %add3A_84 = arith.addf %add3A_51, %reduce_sum3A_83 : f32
    %slice3A_85 = vector.extract_strided_slice %add3A_21 {offsets = [0, 512], sizes = [512, 256], strides = [1, 1]} : vector<512x768xf32> to vector<512x256xf32>
    %mul3A_86 = arith.mulf %slice3A_85, %slice3A_85 : vector<512x256xf32>
    %reduce_sum3A_87 = arith.constant dense<0.000000e+00> : vector<512xf32>
    %reduce_sum3A_88 = vector.multi_reduction <add>, %mul3A_86, %reduce_sum3A_87 [1] : vector<512x256xf32> to vector<512xf32>
    %broadcast_in_dim3A_89 = vector.shape_cast %reduce_sum3A_88 : vector<512xf32> to vector<512x1xf32>
    %dot_general3A_90 = arith.constant dense<0.000000e+00> : vector<512x512xf32>
    %dot_general3A_91 = tpu.matmul %slice3A_85, %get3A_24, %dot_general3A_90 {dimension_numbers = #tpu.dot_dimension_numbers<[1], [1], [0], [0], [0, 0, 1, 0], [], []>, transpose_lhs_hint = false} : vector<512x256xf32>, vector<512x256xf32>, vector<512x512xf32> -> vector<512x512xf32>
    %broadcast_in_dim3A_92 = vector.shape_cast %reduce_sum3A_25 : vector<512xf32> to vector<1x512xf32>
    %add3A_93 = vector.broadcast %broadcast_in_dim3A_89 : vector<512x1xf32> to vector<512x512xf32>
    %add3A_94 = vector.broadcast %broadcast_in_dim3A_92 : vector<1x512xf32> to vector<512x512xf32>
    %add3A_95 = arith.addf %add3A_93, %add3A_94 : vector<512x512xf32>
    %mul3A_96 = arith.constant 2.000000e+00 : f32
    %mul3A_97 = vector.broadcast %mul3A_96 : f32 to vector<512x512xf32>
    %mul3A_98 = arith.mulf %mul3A_97, %dot_general3A_91 : vector<512x512xf32>
    %sub3A_99 = arith.subf %add3A_95, %mul3A_98 : vector<512x512xf32>
    %reduce_min3A_100 = arith.constant dense<0x7F800000> : vector<512xf32>
    %reduce_min3A_101 = vector.multi_reduction <minimumf>, %sub3A_99, %reduce_min3A_100 [1] : vector<512x512xf32> to vector<512xf32>
    %broadcast_in_dim3A_102 = vector.shape_cast %reduce_min3A_101 : vector<512xf32> to vector<512x1xf32>
    %iota3A_103 = tpu.iota {dimensions = array<i32: 1>} : vector<512x512xi32>
    %eq3A_104 = vector.broadcast %broadcast_in_dim3A_102 : vector<512x1xf32> to vector<512x512xf32>
    %eq3A_105 = arith.cmpf oeq, %sub3A_99, %eq3A_104 : vector<512x512xf32>
    %jit3A_106 = arith.constant 512 : i32
    %broadcast_in_dim3A_107 = vector.broadcast %jit3A_106 : i32 to vector<512x512xi32>
    %select_n3A_108 = arith.select %eq3A_105, %iota3A_103, %broadcast_in_dim3A_107 : vector<512x512xi1>, vector<512x512xi32>
    %reduce_min3A_109 = arith.constant dense<2147483647> : vector<512xi32>
    %reduce_min3A_110 = vector.multi_reduction <minsi>, %select_n3A_108, %reduce_min3A_109 [1] : vector<512x512xi32> to vector<512xi32>
    %broadcast_in_dim3A_111 = vector.shape_cast %reduce_min3A_110 : vector<512xi32> to vector<512x1xi32>
    %reduce_sum3A_112 = vector.shape_cast %broadcast_in_dim3A_102 : vector<512x1xf32> to vector<1x512x1xf32>
    %reduce_sum3A_113 = arith.constant dense<0.000000e+00> : vector<1xf32>
    %reduce_sum3A_114 = vector.multi_reduction <add>, %reduce_sum3A_112, %reduce_sum3A_113 [1, 2] : vector<1x512x1xf32> to vector<1xf32>
    %reduce_sum3A_115 = vector.shape_cast %reduce_sum3A_114 : vector<1xf32> to vector<1x1x1xf32>
    %reduce_sum3A_116 = vector.extract %reduce_sum3A_115[0, 0, 0] : f32 from vector<1x1x1xf32>
    %add3A_117 = arith.addf %add3A_84, %reduce_sum3A_116 : f32
    %concatenate3A = tpu.concatenate %broadcast_in_dim3A_44, %broadcast_in_dim3A_78, %broadcast_in_dim3A_111 in 1 : vector<512x1xi32>, vector<512x1xi32>, vector<512x1xi32> -> vector<512x3xi32>
    %swap3A = arith.constant 0 : index
    %swap3A_118 = arith.constant 0 : index
    %swap3A_119 = vector.load %arg7[%swap3A, %swap3A_118] : memref<512x3xi32, #tpu.memory_space<vmem>>, vector<512x3xi32>
    tpu.vector_store %arg7[%swap3A, %swap3A_118], %concatenate3A {strides = array<i32>} : memref<512x3xi32, #tpu.memory_space<vmem>>, vector<512x3xi32>,
    %eq3A_120 = arith.constant 0 : i32
    %eq3A_121 = arith.cmpi eq, %arg0, %eq3A_120 : i32
    %convert_element_type3A = arith.extui %eq3A_121 : i1 to i32
    %cond3A = arith.constant 0 : i32
    %cond3A_122 = arith.cmpi ne, %convert_element_type3A, %cond3A : i32
    scf.if %cond3A_122 {
      %swap3A_130 = arith.constant 0.000000e+00 : f32
      %swap3A_131 = arith.constant 0 : index
      %swap3A_132 = arith.constant 0 : index
      %swap3A_133 = memref.load %arg8[%swap3A_131, %swap3A_132] : memref<1x1xf32, #tpu.memory_space<smem>>
      memref.store %swap3A_130, %arg8[%swap3A_131, %swap3A_132] : memref<1x1xf32, #tpu.memory_space<smem>>
    } else {
    }
    %get3A_123 = arith.constant 0 : index
    %get3A_124 = arith.constant 0 : index
    %get3A_125 = memref.load %arg8[%get3A_123, %get3A_124] : memref<1x1xf32, #tpu.memory_space<smem>>
    %add3A_126 = arith.addf %get3A_125, %add3A_117 : f32
    %swap3A_127 = arith.constant 0 : index
    %swap3A_128 = arith.constant 0 : index
    %swap3A_129 = memref.load %arg8[%swap3A_127, %swap3A_128] : memref<1x1xf32, #tpu.memory_space<smem>>
    memref.store %add3A_126, %arg8[%swap3A_127, %swap3A_128] : memref<1x1xf32, #tpu.memory_space<smem>>
    return
  }
  func.func @transform_0(%arg0: i32) -> (i32, i32) {
    %add3A = arith.constant 24 : i32
    %add3A_0 = arith.addi %add3A, %arg0 : i32
    %c0_i32 = arith.constant 0 : i32
    %c0_i32_1 = arith.constant 0 : i32
    return %add3A_0, %c0_i32 : i32, i32
  }
  func.func @transform_1(%arg0: i32) -> (i32, i32) {
    %c0_i32 = arith.constant 0 : i32
    %c0_i32_0 = arith.constant 0 : i32
    %c0_i32_1 = arith.constant 0 : i32
    return %c0_i32, %c0_i32_0 : i32, i32
  }
  func.func @transform_2(%arg0: i32) -> (i32, i32) {
    %c0_i32 = arith.constant 0 : i32
    %c0_i32_0 = arith.constant 0 : i32
    %c0_i32_1 = arith.constant 0 : i32
    return %c0_i32, %c0_i32_0 : i32, i32
  }
  func.func @transform_3(%arg0: i32) -> (i32, i32) {
    %c0_i32 = arith.constant 0 : i32
    %c0_i32_0 = arith.constant 0 : i32
    %c0_i32_1 = arith.constant 0 : i32
    return %c0_i32, %c0_i32_0 : i32, i32
  }
  func.func @transform_4(%arg0: i32) -> (i32, i32) {
    %c0_i32 = arith.constant 0 : i32
    %c0_i32_0 = arith.constant 0 : i32
    %c0_i32_1 = arith.constant 0 : i32
    return %c0_i32, %c0_i32_0 : i32, i32
  }
  func.func @transform_5(%arg0: i32) -> (i32, i32) {
    %c0_i32 = arith.constant 0 : i32
    %c0_i32_0 = arith.constant 0 : i32
    %c0_i32_1 = arith.constant 0 : i32
    return %c0_i32, %c0_i32_0 : i32, i32
  }
  func.func @transform_6(%arg0: i32) -> (i32, i32) {
    %c0_i32 = arith.constant 0 : i32
    %c0_i32_0 = arith.constant 0 : i32
    return %arg0, %c0_i32 : i32, i32
  }
  func.func @transform_7(%arg0: i32) -> (i32, i32) {
    %c0_i32 = arith.constant 0 : i32
    %c0_i32_0 = arith.constant 0 : i32
    %c0_i32_1 = arith.constant 0 : i32
    return %c0_i32, %c0_i32_0 : i32, i32
  }
}

module attributes {stable_mosaic.version = 14 : i64} {
  func.func @_repack_first_body(%arg0: i32, %arg1: memref<2560x256xf32, #tpu.memory_space<vmem>>, %arg2: memref<256x10x256xf32, #tpu.memory_space<vmem>>) attributes {dimension_semantics = [#tpu.dimension_semantics<arbitrary>], iteration_bounds = array<i64: 16>, scalar_prefetch = 0 : i64, scratch_operands = 0 : i64, tpu.core_type = #tpu.core_type<tc>, window_params = [{transform_indices = @transform_0, window_bounds = array<i64: 2560, 256>}, {transform_indices = @transform_1, window_bounds = array<i64: 256, 10, 256>}]} {
    %get3A = arith.constant 0 : index
    %get3A_0 = arith.constant 0 : index
    %get3A_1 = vector.load %arg1[%get3A, %get3A_0] : memref<2560x256xf32, #tpu.memory_space<vmem>>, vector<2560x256xf32>
    %reshape3A = vector.shape_cast %get3A_1 : vector<2560x256xf32> to vector<256x10x256xf32>
    %swap3A = arith.constant 0 : index
    %swap3A_2 = arith.constant 0 : index
    %swap3A_3 = arith.constant 0 : index
    %swap3A_4 = vector.load %arg2[%swap3A, %swap3A_2, %swap3A_3] : memref<256x10x256xf32, #tpu.memory_space<vmem>>, vector<256x10x256xf32>
    tpu.vector_store %arg2[%swap3A, %swap3A_2, %swap3A_3], %reshape3A {strides = array<i32>} : memref<256x10x256xf32, #tpu.memory_space<vmem>>, vector<256x10x256xf32>,
    return
  }
  func.func @transform_0(%arg0: i32) -> (i32, i32) {
    %c0_i32 = arith.constant 0 : i32
    %c0_i32_0 = arith.constant 0 : i32
    return %arg0, %c0_i32 : i32, i32
  }
  func.func @transform_1(%arg0: i32) -> (i32, i32, i32) {
    %c0_i32 = arith.constant 0 : i32
    %c0_i32_0 = arith.constant 0 : i32
    %c0_i32_1 = arith.constant 0 : i32
    return %arg0, %c0_i32, %c0_i32_0 : i32, i32, i32
  }
}

module attributes {stable_mosaic.version = 14 : i64} {
  func.func @_repack_rest_body(%arg0: i32, %arg1: memref<2560x256xf32, #tpu.memory_space<vmem>>, %arg2: memref<16384x10x256xf32, #tpu.memory_space<any>>, %arg3: memref<256x10x256xf32, #tpu.memory_space<vmem>>) attributes {dimension_semantics = [#tpu.dimension_semantics<arbitrary>], iteration_bounds = array<i64: 16>, scalar_prefetch = 0 : i64, scratch_operands = 0 : i64, tpu.core_type = #tpu.core_type<tc>, window_params = [{transform_indices = @transform_0, window_bounds = array<i64: 2560, 256>}, {}, {transform_indices = @transform_2, window_bounds = array<i64: 256, 10, 256>}]} {
    %get3A = arith.constant 0 : index
    %get3A_0 = arith.constant 0 : index
    %get3A_1 = vector.load %arg1[%get3A, %get3A_0] : memref<2560x256xf32, #tpu.memory_space<vmem>>, vector<2560x256xf32>
    %reshape3A = vector.shape_cast %get3A_1 : vector<2560x256xf32> to vector<256x10x256xf32>
    %swap3A = arith.constant 0 : index
    %swap3A_2 = arith.constant 0 : index
    %swap3A_3 = arith.constant 0 : index
    %swap3A_4 = vector.load %arg3[%swap3A, %swap3A_2, %swap3A_3] : memref<256x10x256xf32, #tpu.memory_space<vmem>>, vector<256x10x256xf32>
    tpu.vector_store %arg3[%swap3A, %swap3A_2, %swap3A_3], %reshape3A {strides = array<i32>} : memref<256x10x256xf32, #tpu.memory_space<vmem>>, vector<256x10x256xf32>,
    return
  }
  func.func @transform_0(%arg0: i32) -> (i32, i32) {
    %c0_i32 = arith.constant 0 : i32
    %c0_i32_0 = arith.constant 0 : i32
    return %arg0, %c0_i32 : i32, i32
  }
  func.func @transform_2(%arg0: i32) -> (i32, i32, i32) {
    %add3A = arith.constant 16 : i32
    %add3A_0 = arith.addi %add3A, %arg0 : i32
    %c0_i32 = arith.constant 0 : i32
    %c0_i32_1 = arith.constant 0 : i32
    %c0_i32_2 = arith.constant 0 : i32
    return %add3A_0, %c0_i32, %c0_i32_1 : i32, i32, i32
  }
}

module attributes {stable_mosaic.version = 14 : i64} {
  func.func @_repack_rest_body(%arg0: i32, %arg1: memref<2560x256xf32, #tpu.memory_space<vmem>>, %arg2: memref<16384x10x256xf32, #tpu.memory_space<any>>, %arg3: memref<256x10x256xf32, #tpu.memory_space<vmem>>) attributes {dimension_semantics = [#tpu.dimension_semantics<arbitrary>], iteration_bounds = array<i64: 16>, scalar_prefetch = 0 : i64, scratch_operands = 0 : i64, tpu.core_type = #tpu.core_type<tc>, window_params = [{transform_indices = @transform_0, window_bounds = array<i64: 2560, 256>}, {}, {transform_indices = @transform_2, window_bounds = array<i64: 256, 10, 256>}]} {
    %get3A = arith.constant 0 : index
    %get3A_0 = arith.constant 0 : index
    %get3A_1 = vector.load %arg1[%get3A, %get3A_0] : memref<2560x256xf32, #tpu.memory_space<vmem>>, vector<2560x256xf32>
    %reshape3A = vector.shape_cast %get3A_1 : vector<2560x256xf32> to vector<256x10x256xf32>
    %swap3A = arith.constant 0 : index
    %swap3A_2 = arith.constant 0 : index
    %swap3A_3 = arith.constant 0 : index
    %swap3A_4 = vector.load %arg3[%swap3A, %swap3A_2, %swap3A_3] : memref<256x10x256xf32, #tpu.memory_space<vmem>>, vector<256x10x256xf32>
    tpu.vector_store %arg3[%swap3A, %swap3A_2, %swap3A_3], %reshape3A {strides = array<i32>} : memref<256x10x256xf32, #tpu.memory_space<vmem>>, vector<256x10x256xf32>,
    return
  }
  func.func @transform_0(%arg0: i32) -> (i32, i32) {
    %c0_i32 = arith.constant 0 : i32
    %c0_i32_0 = arith.constant 0 : i32
    return %arg0, %c0_i32 : i32, i32
  }
  func.func @transform_2(%arg0: i32) -> (i32, i32, i32) {
    %add3A = arith.constant 32 : i32
    %add3A_0 = arith.addi %add3A, %arg0 : i32
    %c0_i32 = arith.constant 0 : i32
    %c0_i32_1 = arith.constant 0 : i32
    %c0_i32_2 = arith.constant 0 : i32
    return %add3A_0, %c0_i32, %c0_i32_1 : i32, i32, i32
  }
}

module attributes {stable_mosaic.version = 14 : i64} {
  func.func @_repack_rest_body(%arg0: i32, %arg1: memref<2560x256xf32, #tpu.memory_space<vmem>>, %arg2: memref<16384x10x256xf32, #tpu.memory_space<any>>, %arg3: memref<256x10x256xf32, #tpu.memory_space<vmem>>) attributes {dimension_semantics = [#tpu.dimension_semantics<arbitrary>], iteration_bounds = array<i64: 16>, scalar_prefetch = 0 : i64, scratch_operands = 0 : i64, tpu.core_type = #tpu.core_type<tc>, window_params = [{transform_indices = @transform_0, window_bounds = array<i64: 2560, 256>}, {}, {transform_indices = @transform_2, window_bounds = array<i64: 256, 10, 256>}]} {
    %get3A = arith.constant 0 : index
    %get3A_0 = arith.constant 0 : index
    %get3A_1 = vector.load %arg1[%get3A, %get3A_0] : memref<2560x256xf32, #tpu.memory_space<vmem>>, vector<2560x256xf32>
    %reshape3A = vector.shape_cast %get3A_1 : vector<2560x256xf32> to vector<256x10x256xf32>
    %swap3A = arith.constant 0 : index
    %swap3A_2 = arith.constant 0 : index
    %swap3A_3 = arith.constant 0 : index
    %swap3A_4 = vector.load %arg3[%swap3A, %swap3A_2, %swap3A_3] : memref<256x10x256xf32, #tpu.memory_space<vmem>>, vector<256x10x256xf32>
    tpu.vector_store %arg3[%swap3A, %swap3A_2, %swap3A_3], %reshape3A {strides = array<i32>} : memref<256x10x256xf32, #tpu.memory_space<vmem>>, vector<256x10x256xf32>,
    return
  }
  func.func @transform_0(%arg0: i32) -> (i32, i32) {
    %c0_i32 = arith.constant 0 : i32
    %c0_i32_0 = arith.constant 0 : i32
    return %arg0, %c0_i32 : i32, i32
  }
  func.func @transform_2(%arg0: i32) -> (i32, i32, i32) {
    %add3A = arith.constant 48 : i32
    %add3A_0 = arith.addi %add3A, %arg0 : i32
    %c0_i32 = arith.constant 0 : i32
    %c0_i32_1 = arith.constant 0 : i32
    %c0_i32_2 = arith.constant 0 : i32
    return %add3A_0, %c0_i32, %c0_i32_1 : i32, i32, i32
  }
}

</mosaic_0001>

<sc_bundles>
// kernel: kernel.22.cloned.1.call-start
scs
__scs_entry_jumppad:
0x0: {  	(pc) =	sbr.rel $0x88, $3  }
0x1: {  	(tag) =	ssettag $0x0;
	lr =	simm.s32 $0x1  }
0x2: {  	[smem:$0x3F8F] =	sst lr;
	_ =	strace $0xD0000000  }
0x3: {  	_ = 	snop  }
0x4: {  	_ = 	snop  }
0x5: {  	_ = 	snop  }
0x6: {  	_ = 	snop  }
0x7: {  	_ = 	snop  }
__scs_overlays_trampoline_lowered:
0x8: {  	[smem:$0x3F9E] =	sst s0  }
0x9: {  	[smem:$0x3F9F] =	sst s1  }
0xa: {  	[smem:$0x3FA0] =	sst s2  }
0xb: {  	[smem:$0x3FA1] =	sst s3  }
0xc: {  	[smem:$0x3FA2] =	sst s4  }
0xd: {  	[smem:$0x3FA3] =	sst s5  }
0xe: {  	[smem:$0x3FA4] =	sst s6  }
0xf: {  	[smem:$0x3FA5] =	sst s7  }
0x10: {  	[smem:$0x3FA6] =	sst s8  }
0x11: {  	[smem:$0x3FA7] =	sst s9;
	s0 =	simm.s32 @!p0 $0x0  }
0x12: {  	s1 =	sld [smem:$0x3F8D];
	s0 =	simm.s32 @p0 $0x1  }
0x13: {  	[smem:$0x3FA8] =	sst s0;
	s0 =	simm.s32 @!p1 $0x0  }
0x14: {  	s2 =	sld [smem:$0x3F8C];
	s0 =	simm.s32 @p1 $0x1  }
0x15: {  	[smem:$0x3FA9] =	sst s0;
	s0 =	simm.s32 @!p2 $0x0  }
0x16: {  	s3 =	sld [smem:$0x3FDB];
	s0 =	simm.s32 @p2 $0x1  }
0x17: {  	s4 =	simm.s32 $0x1BF5;
	[smem:$0x3FAB] =	sst s0  }
0x18: {  	s0 =	sld [smem:$0x3F8E];
	_ =	swait.ge [sflag:s4], $0x0  }
0x19: {  	s7 =	sld [smem:$0x3F8F]  }
0x1a: {  	s8 =	sadd.s32 $0xFFFFE003, lr  }
0x1b: {  	s9 =	sadd.s32 $0xFFFFFEF7, lr;
	s5 =	simm.s32 $0xFFFFFFFF;
	p2 =	slt.u32 s8, $0xFFFFF086  }
0x1c: {  	p1 =	slt.u32 s9, $0xF7A;
	s5 =	simm.s32 @!p2 $0x0  }
0x1d: {  	s5 =	simm.s32 @p1 $0x1;
	p0 =	seq.s32 s7, s2  }
0x1e: {  	s7 =	smul.u32 @!p0 $0xF7A, s2;
	p2 =	seq.s32 @!p0 s5, $0x0  }
0x1f: {  	s9 =	smul.u32 $0xF7A, s1;
	s8 =	simm.s32 @!p0 $0x1BF5;
	p2 =	por !p2, p0  }
0x20: {  	[sflag:s8] =	ssyncset.s32 @!p0 $0xFFFFF086;
	s6 =	sadd.s32 @!p0 s3, s7;
	s7 =	simm.s32 @!p0 $0x108  }
0x21: {  	s3 =	sadd.s32 s3, s9;
	s6 =	sadd.s32 @!p0 $0x88, s6;
	s7 =	simm.s32 @p2 $0x1082  }
0x22: {  	[simem:s7], [sflag:s8] =	dma.local @!p0 [hbm:s6], $0xF7A  }
0x23: {  	s9 =	sor.u32 $0xD0000000, s2;
	s6 =	simm.s32 $0x108;
	_ =	swait.ge @!p0 [sflag:s8], $0x0  }
0x24: {  	s3 =	sadd.s32 $0x88, s3;
	s6 =	simm.s32 @!p1 $0x1082;
	[sflag:s4] =	ssyncset.s32 $0xFFFFF086  }
0x25: {  	[simem:s6], [sflag:s4] =	dma.local [hbm:s3], $0xF7A  }
0x26: {  	[smem:$0x3F8F] =	sst s1;
	(tag) =	ssettag s2;
	_ =	strace s9  }
0x27: {  	s1 =	sld [smem:$0x3F9F]  }
0x28: {  	s2 =	sld [smem:$0x3FA0]  }
0x29: {  	s4 =	sld [smem:$0x3FA2]  }
0x2a: {  	p0 =	seq.s32 s5, $0x0;
	s5 =	sld [smem:$0x3FA3]  }
0x2b: {  	s6 =	sld [smem:$0x3FA4]  }
0x2c: {  	s7 =	sld [smem:$0x3FA5]  }
0x2d: {  	s3 =	simm.s32 $0x108;
	s8 =	sld [smem:$0x3FA6]  }
0x2e: {  	s3 =	simm.s32 @!p0 $0x1082;
	s9 =	sld [smem:$0x3FA7]  }
0x2f: {  	lr =	sadd.s32 s0, s3;
	s0 =	sld [smem:$0x3F9E]  }
0x30: {  	s3 =	sld [smem:$0x3FA1]  }
0x31: {  	[smem:$0x3FAA] =	sst s10  }
0x32: {  	s10 =	sld [smem:$0x3FA8];
	_ =	sdelay $0x3  }
0x33: {  	p0 =	seq.s32 s10, $0x1;
	s10 =	sld [smem:$0x3FAA];
	_ =	sdelay $0x3  }
0x34: {  	[smem:$0x3FAA] =	sst s10  }
0x35: {  	s10 =	sld [smem:$0x3FA9];
	_ =	sdelay $0x3  }
0x36: {  	p1 =	seq.s32 s10, $0x1;
	s10 =	sld [smem:$0x3FAA];
	_ =	sdelay $0x3  }
0x37: {  	[smem:$0x3FAA] =	sst s10  }
0x38: {  	s10 =	sld [smem:$0x3FAB]  }
0x39: {  	_ = 	snop;
	(pc) =	sbr.ind lr, $3  }
0x3a: {  	_ = 	snop  }
0x3b: {  	_ = 	snop  }
0x3c: {  	p2 =	seq.s32 s10, $0x1;
	s10 =	sld [smem:$0x3FAA]  }
0x3d: {  	_ =	shalt  }
0x3e: {  	_ =	shalt  }
0x3f: {  	_ =	shalt  }
0x40: {  	_ =	shalt  }
0x41: {  	_ =	shalt  }
0x42: {  	_ =	shalt  }
0x43: {  	_ =	shalt  }
0x44: {  	_ =	shalt  }
0x45: {  	_ =	shalt  }
0x46: {  	_ =	shalt  }
0x47: {  	_ =	shalt  }
0x48: {  	_ =	shalt  }
0x49: {  	_ =	shalt  }
0x4a: {  	_ =	shalt  }
0x4b: {  	_ =	shalt  }
0x4c: {  	_ =	shalt  }
0x4d: {  	_ =	shalt  }
0x4e: {  	_ =	shalt  }
0x4f: {  	_ =	shalt  }
0x50: {  	_ =	shalt  }
0x51: {  	_ =	shalt  }
0x52: {  	_ =	shalt  }
0x53: {  	_ =	shalt  }
0x54: {  	_ =	shalt  }
0x55: {  	_ =	shalt  }
0x56: {  	_ =	shalt  }
0x57: {  	_ =	shalt  }
0x58: {  	_ =	shalt  }
0x59: {  	_ =	shalt  }
0x5a: {  	_ =	shalt  }
0x5b: {  	_ =	shalt  }
0x5c: {  	_ =	shalt  }
0x5d: {  	_ =	shalt  }
0x5e: {  	_ =	shalt  }
0x5f: {  	_ =	shalt  }
0x60: {  	_ =	shalt  }
0x61: {  	_ =	shalt  }
0x62: {  	_ =	shalt  }
0x63: {  	_ =	shalt  }
0x64: {  	_ =	shalt  }
0x65: {  	_ =	shalt  }
0x66: {  	_ =	shalt  }
0x67: {  	_ =	shalt  }
0x68: {  	_ =	shalt  }
0x69: {  	_ =	shalt  }
0x6a: {  	_ =	shalt  }
0x6b: {  	_ =	shalt  }
0x6c: {  	_ =	shalt  }
0x6d: {  	_ =	shalt  }
0x6e: {  	_ =	shalt  }
0x6f: {  	_ =	shalt  }
0x70: {  	_ =	shalt  }
0x71: {  	_ =	shalt  }
0x72: {  	_ =	shalt  }
0x73: {  	_ =	shalt  }
0x74: {  	_ =	shalt  }
0x75: {  	_ =	shalt  }
0x76: {  	_ =	shalt  }
0x77: {  	_ =	shalt  }
0x78: {  	_ =	shalt  }
0x79: {  	_ =	shalt  }
0x7a: {  	_ =	shalt  }
0x7b: {  	_ =	shalt  }
0x7c: {  	_ =	shalt  }
0x7d: {  	_ =	shalt  }
0x7e: {  	_ =	shalt  }
0x7f: {  	_ =	shalt  }
0x80: {  	_ =	shalt  }
0x81: {  	_ =	shalt  }
0x82: {  	_ =	shalt  }
0x83: {  	_ =	shalt  }
0x84: {  	_ =	shalt  }
0x85: {  	_ =	shalt  }
0x86: {  	_ =	shalt  }
0x87: {  	_ =	shalt  }
.Lfunc_end0:
.L_simem_size_0:
called_computation_lowered:
.L_overlay_start_0:
0x88: {  	s2 =	sld [smem:$0x3FD9]  }
0x89: {  	s3 =	sld [smem:$0x3FFE];
	_ =	sdelay $0x1  }
0x8a: {  	s1 =	srdreg.scid  }
0x8b: {  	s0 =	sand.u32 $0x1, s1  }
0x8c: {  	s16 =	sshll.u32 s0, $0xA;
	s2 =	sadd.s32 s3, s2  }
0x8d: {  	s2 =	sadd.s32 s2, s16  }
0x8e: {  	[smem:$0x3FB6] =	sst s2  }
0x8f: {  	_ = 	snop  }
0x90: {  	(tm) =	ssettm $0x1  }
0x91: {  	s17 =	sld [smem:$0x3FFB];
	_ =	sdelay $0x3  }
0x92: {  	_ =	strace s17  }
0x93: {  	s2 =	sld [smem:$0x3FFC];
	_ =	sdelay $0x3  }
0x94: {  	_ =	strace s2  }
0x95: {  	s2 =	sld [smem:$0x3FFD];
	_ =	sdelay $0x3  }
0x96: {  	_ =	strace s2  }
0x97: {  	_ =	strace $0x8FFFFFFF  }
0x98: {  	s18 =	sld [smem:$0x3FDB];
	_ =	sdelay $0x1  }
0x99: {  	s19 =	simm.s32 $_scs_section_size  }
0x9a: {  	s4 =	simm.s32 $_size__tile_overlayer_lowered;
	s5 =	simm.s32 $_tile_overlayer_lowered  }
0x9b: {  	s22 =	simm.s32 $0x1BFF;
	s21 =	sshll.u32 s5, $0x1;
	s2 =	sadd.s32 s19, s18  }
0x9c: {  	s6 =	simm.s32 $0x0;
	s20 =	sshll.u32 s4, $0x1;
	s4 =	sadd.s32 s21, s2  }
0x9d: {  	[timem:s6], [sflag:s22] =	dma.local [hbm:s4], s20  }
0x9e: {  	_ =	swait.ge [sflag:s22], s20  }
0x9f: {  	s3 =	ssub.s32 $0x0, s20;
	[sflag:s22] =	ssyncset.done $0x0  }
0xa0: {  	[sflag:s22] =	ssyncadd.s32 s3;
	_ =	sdelay $0x1  }
0xa1: {  	s23 =	simm.s32 $0x1B8B  }
0xa2: {  	_ =	swait.ge [sflag:s23], $0x1  }
0xa3: {  	[sflag:s23] =	ssyncset.done $0x0  }
0xa4: {  	s25 =	simm.s32 $0x1B8E;
	s24 =	sld [smem:$0x3FFE];
	[sflag:s23] =	ssyncadd.s32 $0xFFFFFFFF  }
0xa5: {  	s26 =	simm.s32 $execute0_lowered;
	[smem:$0x3FD2] =	sst s25  }
0xa6: {  	s4 =	sshll.u32 s26, $0x1;
	_ =	strace $0x80000046;
	[dreg:$0x1] =	wrdreg $0xFFFFFFFF  }
0xa7: {  	s28 =	simm.s32 $_size_execute0_lowered;
	s2 =	sadd.s32 s2, s4;
	[dreg:$0x0] =	wrdreg $0x0  }
0xa8: {  	s4 =	sshll.u32 s28, $0x1;
	[dreg:$0x2] =	wrdreg s2  }
0xa9: {  	[dreg:$0x3] =	wrdreg s4  }
0xaa: {  	[dreg:$0x4] =	wrdreg $0xC0  }
0xab: {  	_ =	task [dreg:s6], $0x5FFFF  }
0xac: {  	[dreg:$0x1] =	wrdreg $0xFFFFFFFF  }
0xad: {  	[dreg:$0x0] =	wrdreg $0x60  }
0xae: {  	[dreg:$0x2] =	wrdreg s24  }
0xaf: {  	[dreg:$0x3] =	wrdreg $0x9  }
0xb0: {  	_ =	task.clear_ibuf [dreg:s6], $0x4FFFF;
	_ =	strace $0x90000046  }
0xb1: {  	s29 =	simm.s32 $0x9;
	_ =	strace $0x80000048  }
0xb2: {  	_ =	swait.ge [sflag:s29], $0x1  }
0xb3: {  	[sflag:s29] =	ssyncadd.s32 $0xFFFFFFFF  }
0xb4: {  	_ =	strace $0x90000048  }
0xb5: {  	_ =	sfence  }
0xb6: {  	s30 =	sld [smem:$0x0];
	_ =	sdelay $0x2  }
0xb7: {  	s31 =	sshll.u32 s1, $0xD;
	s1 =	sshrl.u32 s1, $0x2  }
0xb8: {  	s3 =	sand.u32 $0x4000, s31;
	s1 =	sadd.s32 s1, s30  }
0xb9: {  	s0 =	sor.u32 s3, s0;
	s1 =	sshll.u32 s1, $0x11  }
0xba: {  	s0 =	sor.u32 s1, s0  }
0xbb: {  	s0 =	sadd.s32 $0x8F2B, s0  }
0xbc: {  	[sflag:s0] =	ssyncadd.remote.s32 $0x1  }
0xbd: {  	_ =	sfence.sel $0xFFFF  }
0xbe: {  	[dreg:$0x0] =	wrdreg $0xFFFFFFFF;
	(pc) =	sbr.abs _section_cstart, $3  }
0xbf: {  	[dreg:$0x1] =	wrdreg $0xFFFFFFFF  }
0xc0: {  	_ =	task.clear_ibuf [dreg:s6], $0x2FFFF;
	_ =	strace $0x9FFFFFFF  }
0xc1: {  	(tm) =	ssettm $0x7FFFFFFF  }
tec
execute0_lowered:
.L_overlay_start_1:
0x0: {  	(tag) =	ssettag $0x1  }
0x1: {  	s0 =	rddreg [dreg:$0x0]  }
0x2: {  	s1 =	srdreg.scid;
	s11 =	stileid.u32;
	s2 =	simm.s32 $0x0  }
0x3: {  	s12 =	simm.s32 $0x100;
	s28 =	simm.s32 $0x7900;
	s29 =	simm.s32 $0x80  }
0x4: {  	s30 =	simm.s32 $0x8100;
	s31 =	simm.s32 $0x8900;
	s13 =	simm.s32 $0xC100  }
0x5: {  	s14 =	simm.s32 $0xC900;
	s15 =	simm.s32 $0xD100;
	s16 =	simm.s32 $0xD900  }
0x6: {  	s17 =	simm.s32 $0xE100;
	s18 =	simm.s32 $0xE900;
	s6 =	smul.u32 $0xA0000, s11  }
0x7: {  	s19 =	simm.s32 $0xF100;
	s20 =	simm.s32 $0xF900;
	s10 =	smul.u32 $0xA00, s11  }
0x8: {  	s21 =	simm.s32 $0x1;
	s1 =	sand.u32 $0x1, s1;
	s23 =	smul.u32 $0x14000, s11  }
0x9: {  	s3 =	sshll.u32 s11, $0x1;
	[smem:$0x7FF] =	sst s2;
	s8 =	smul.u32 $0x50000, s1  }
0xa: {  	s4 =	sadd.s32 $0x3B600, s0;
	s11 =	simm.s32 $0x3;
	s22 =	smul.u32 $0x500, s1  }
0xb: {  	s3 =	sor.u32 s1, s3;
	s7 =	ssub.s32 $0x2, s1;
	s1 =	smul.u32 $0xA000, s1  }
0xc: {  	_ =	strace $0x80000047;
	s5 =	smul.u32 $0x500, s3;
	s9 =	sshrl.u32 s7, $0x1  }
0xd: {  	s3 =	sadd.s32 $0x3CA00, s0;
	s0 =	sadd.s32 $0x50A00, s0;
	s7 =	ssub.s32 s7, s9  }
0xe: {  	s6 =	sadd.s32 s8, s6;
	s8 =	simm.s32 $0xB100;
	s5 =	sshrl.u32 s5, $0x3  }
0xf: {  	s7 =	smax.u32 s7, $0x1;
	s6 =	sshrl.u32 s6, $0x3;
	s5 =	sadd.s32 s4, s5  }
0x10: {  	[dreg:$0x3] =	wrdreg s7;
	s7 =	sadd.s32 s6, s0;
	s0 =	sadd.s32 s23, s0  }
0x11: {  	s6 =	simm.s32 $0xA900;
	[dreg:$0x2] =	wrdreg s5;
	s5 =	sadd.s32 s22, s10  }
.Ltmp0:
0x12: {  	s0 =	sadd.s32 s1, s0;
	s1 =	simm.s32 $0x9900;
	(pc) =	sbr.rel .LBB2_1-.Ltmp0, $4  }
0x13: {  	s10 =	simm.s32 $0xB900;
	s22 =	simm.s32 $0x2;
	s24 =	sor.u32 $0x80, s5  }
0x14: {  	v2 =	vlaneseq.u32;
	s5 =	sadd.s32 $0x100, s5;
	s9 =	sadd.s32 $0x1000, s0;
	s25 =	sshrl.u32 s24, $0x3  }
0x15: {  	vm0 =	vmmov $0xffff;
	v1 =	vshrl.u32 v2, $0x3;
	s0 =	simm.s32 $0x9100;
	[dreg:$0x4] =	wrdreg s5;
	s26 =	sadd.s32 s25, s4  }
0x16: {  	v0 =	vand.u32 $0x7, v2;
	v2 =	vor.u32 $0x8, v2;
	v1 =	vmul.u32 $0x8, v1;
	s5 =	simm.s32 $0xA100;
	s24 =	simm.s32 $0x0;
	[dreg:$0x5] =	wrdreg s26  }
.LBB2_5:
0x17: {  	s24 =	rddreg [dreg:$0x6]  }
0x18: {  	s23 =	rddreg [dreg:$0x3];
	s24 =	sadd.s32 $0x1, s24  }
0x19: {  	p0 =	sne.s32 s24, s23  }
.Ltmp1:
0x1a: {  	_ = 	snop;
	(pc) =	sbr.rel @!p0 .LBB2_6-.Ltmp1, $1  }
0x1b: {  	_ =	sdelay $0x3  }
.LBB2_1:
0x1c: {  	[dreg:$0x6] =	wrdreg s24  }
0x1d: {  	s23 =	rddreg [dreg:$0x2]  }
0x1e: {  	[tilespmem:s2], [sflag:$0x3] =	stream.linear.gather [hbm4b:s23+s2], $0x80, $0x38;
	[tilespmem:$0x10100] =	vst v63  }
0x1f: {  	_ =	swait.ge [sflag:s11], $0x80  }
0x20: {  	[sflag:s11] =	ssyncset.done $0x0  }
0x21: {  	[sflag:s11] =	ssyncadd.s32 $0xFFFFFF80  }
0x22: {  	v3 =	vld [tilespmem:$0x0];
	_ =	sdelay $0x4  }
0x23: {  	v4 =	vshll.u32 v3, $0x1  }
0x24: {  	v3 =	vand.u32 $0x7, v3;
	v4 =	vand.u32 $0xFFFFFFF0, v4  }
0x25: {  	v3 =	vor.u32 v3, v4  }
0x26: {  	v4 =	vperm.xlane v3, v0;
	_ =	sdelay $0x1  }
0x27: {  	v3 =	vperm.xlane v3, v2;
	v4 =	vadd.s32 v1, v4;
	_ =	sdelay $0x1  }
0x28: {  	v3 =	vadd.s32 v1, v3;
	_ =	sdelay $0x2  }
0x29: {  	[tilespmem:s12], [sflag:$0x1] =	stream.indirect_vreg.gather [hbm4b:s3+s2], $0x80, v4, vm0, $0xb8;
	[tilespmem:$0x10100] =	vst v63  }
0x2a: {  	s25 =	simm.s32 $0x900  }
0x2b: {  	[tilespmem:s25], [sflag:$0x1] =	stream.indirect_vreg.gather [hbm4b:s3+s2], $0x80, v3, vm0, $0xb8;
	[tilespmem:$0x10100] =	vst v63  }
0x2c: {  	v3 =	vld [tilespmem:$0x10];
	_ =	sdelay $0x4  }
0x2d: {  	v57 =	vshll.u32 v3, $0x1  }
0x2e: {  	v3 =	vand.u32 $0x7, v3;
	v4 =	vand.u32 $0xFFFFFFF0, v57  }
0x2f: {  	v3 =	vor.u32 v3, v4  }
0x30: {  	v4 =	vperm.xlane v3, v0;
	_ =	sdelay $0x1  }
0x31: {  	v3 =	vperm.xlane v3, v2;
	v4 =	vadd.s32 v1, v4;
	_ =	sdelay $0x1  }
0x32: {  	v3 =	vadd.s32 v1, v3;
	_ =	sdelay $0x1  }
0x33: {  	s26 =	simm.s32 $0x1100  }
0x34: {  	[tilespmem:s26], [sflag:$0x1] =	stream.indirect_vreg.gather [hbm4b:s3+s2], $0x80, v4, vm0, $0xb8;
	[tilespmem:$0x10100] =	vst v63  }
0x35: {  	s24 =	simm.s32 $0x1900  }
0x36: {  	[tilespmem:s24], [sflag:$0x1] =	stream.indirect_vreg.gather [hbm4b:s3+s2], $0x80, v3, vm0, $0xb8;
	[tilespmem:$0x10100] =	vst v63  }
0x37: {  	v3 =	vld [tilespmem:$0x20];
	_ =	sdelay $0x4  }
0x38: {  	v58 =	vshll.u32 v3, $0x1  }
0x39: {  	v3 =	vand.u32 $0x7, v3;
	v4 =	vand.u32 $0xFFFFFFF0, v58  }
0x3a: {  	v3 =	vor.u32 v3, v4  }
0x3b: {  	v4 =	vperm.xlane v3, v0;
	_ =	sdelay $0x1  }
0x3c: {  	v3 =	vperm.xlane v3, v2;
	v4 =	vadd.s32 v1, v4;
	_ =	sdelay $0x1  }
0x3d: {  	v3 =	vadd.s32 v1, v3;
	_ =	sdelay $0x1  }
0x3e: {  	s25 =	simm.s32 $0x2100  }
0x3f: {  	[tilespmem:s25], [sflag:$0x1] =	stream.indirect_vreg.gather [hbm4b:s3+s2], $0x80, v4, vm0, $0xb8;
	[tilespmem:$0x10100] =	vst v63  }
0x40: {  	s26 =	simm.s32 $0x2900  }
0x41: {  	[tilespmem:s26], [sflag:$0x1] =	stream.indirect_vreg.gather [hbm4b:s3+s2], $0x80, v3, vm0, $0xb8;
	[tilespmem:$0x10100] =	vst v63  }
0x42: {  	v3 =	vld [tilespmem:$0x30];
	_ =	sdelay $0x4  }
0x43: {  	v59 =	vshll.u32 v3, $0x1  }
0x44: {  	v3 =	vand.u32 $0x7, v3;
	v4 =	vand.u32 $0xFFFFFFF0, v59  }
0x45: {  	v3 =	vor.u32 v3, v4  }
0x46: {  	v4 =	vperm.xlane v3, v0;
	_ =	sdelay $0x1  }
0x47: {  	v3 =	vperm.xlane v3, v2;
	v4 =	vadd.s32 v1, v4;
	_ =	sdelay $0x1  }
0x48: {  	v3 =	vadd.s32 v1, v3;
	_ =	sdelay $0x1  }
0x49: {  	s24 =	simm.s32 $0x3100  }
0x4a: {  	[tilespmem:s24], [sflag:$0x1] =	stream.indirect_vreg.gather [hbm4b:s3+s2], $0x80, v4, vm0, $0xb8;
	[tilespmem:$0x10100] =	vst v63  }
0x4b: {  	s25 =	simm.s32 $0x3900  }
0x4c: {  	[tilespmem:s25], [sflag:$0x1] =	stream.indirect_vreg.gather [hbm4b:s3+s2], $0x80, v3, vm0, $0xb8;
	[tilespmem:$0x10100] =	vst v63  }
0x4d: {  	v3 =	vld [tilespmem:$0x40];
	_ =	sdelay $0x4  }
0x4e: {  	v60 =	vshll.u32 v3, $0x1  }
0x4f: {  	v3 =	vand.u32 $0x7, v3;
	v4 =	vand.u32 $0xFFFFFFF0, v60  }
0x50: {  	v3 =	vor.u32 v3, v4  }
0x51: {  	v4 =	vperm.xlane v3, v0;
	_ =	sdelay $0x1  }
0x52: {  	v3 =	vperm.xlane v3, v2;
	v4 =	vadd.s32 v1, v4;
	_ =	sdelay $0x1  }
0x53: {  	v3 =	vadd.s32 v1, v3;
	_ =	sdelay $0x1  }
0x54: {  	s26 =	simm.s32 $0x4100  }
0x55: {  	[tilespmem:s26], [sflag:$0x1] =	stream.indirect_vreg.gather [hbm4b:s3+s2], $0x80, v4, vm0, $0xb8;
	[tilespmem:$0x10100] =	vst v63  }
0x56: {  	s24 =	simm.s32 $0x4900  }
0x57: {  	[tilespmem:s24], [sflag:$0x1] =	stream.indirect_vreg.gather [hbm4b:s3+s2], $0x80, v3, vm0, $0xb8;
	[tilespmem:$0x10100] =	vst v63  }
0x58: {  	v3 =	vld [tilespmem:$0x50];
	_ =	sdelay $0x4  }
0x59: {  	v61 =	vshll.u32 v3, $0x1  }
0x5a: {  	v3 =	vand.u32 $0x7, v3;
	v4 =	vand.u32 $0xFFFFFFF0, v61  }
0x5b: {  	v3 =	vor.u32 v3, v4  }
0x5c: {  	v4 =	vperm.xlane v3, v0;
	_ =	sdelay $0x1  }
0x5d: {  	v3 =	vperm.xlane v3, v2;
	v4 =	vadd.s32 v1, v4;
	_ =	sdelay $0x1  }
0x5e: {  	v3 =	vadd.s32 v1, v3;
	_ =	sdelay $0x1  }
0x5f: {  	s25 =	simm.s32 $0x5100  }
0x60: {  	[tilespmem:s25], [sflag:$0x1] =	stream.indirect_vreg.gather [hbm4b:s3+s2], $0x80, v4, vm0, $0xb8;
	[tilespmem:$0x10100] =	vst v63  }
0x61: {  	s26 =	simm.s32 $0x5900  }
0x62: {  	[tilespmem:s26], [sflag:$0x1] =	stream.indirect_vreg.gather [hbm4b:s3+s2], $0x80, v3, vm0, $0xb8;
	[tilespmem:$0x10100] =	vst v63  }
0x63: {  	v3 =	vld [tilespmem:$0x60];
	_ =	sdelay $0x4  }
0x64: {  	v62 =	vshll.u32 v3, $0x1  }
0x65: {  	v3 =	vand.u32 $0x7, v3;
	v4 =	vand.u32 $0xFFFFFFF0, v62  }
0x66: {  	v3 =	vor.u32 v3, v4  }
0x67: {  	v4 =	vperm.xlane v3, v0;
	_ =	sdelay $0x1  }
0x68: {  	v3 =	vperm.xlane v3, v2;
	v4 =	vadd.s32 v1, v4;
	_ =	sdelay $0x1  }
0x69: {  	v3 =	vadd.s32 v1, v3;
	_ =	sdelay $0x1  }
0x6a: {  	s24 =	simm.s32 $0x6100  }
0x6b: {  	[tilespmem:s24], [sflag:$0x1] =	stream.indirect_vreg.gather [hbm4b:s3+s2], $0x80, v4, vm0, $0xb8;
	[tilespmem:$0x10100] =	vst v63  }
0x6c: {  	s25 =	simm.s32 $0x6900  }
0x6d: {  	[tilespmem:s25], [sflag:$0x1] =	stream.indirect_vreg.gather [hbm4b:s3+s2], $0x80, v3, vm0, $0xb8;
	[tilespmem:$0x10100] =	vst v63  }
0x6e: {  	v3 =	vld [tilespmem:$0x70];
	_ =	sdelay $0x4  }
0x6f: {  	v63 =	vshll.u32 v3, $0x1  }
0x70: {  	v3 =	vand.u32 $0x7, v3;
	v4 =	vand.u32 $0xFFFFFFF0, v63  }
0x71: {  	v3 =	vor.u32 v3, v4  }
0x72: {  	v4 =	vperm.xlane v3, v0;
	_ =	sdelay $0x1  }
0x73: {  	v3 =	vperm.xlane v3, v2;
	v4 =	vadd.s32 v1, v4;
	_ =	sdelay $0x1  }
0x74: {  	v3 =	vadd.s32 v1, v3  }
.Ltmp2:
0x75: {  	_ = 	snop;
	(pc) =	sbr.rel .LBB2_2-.Ltmp2, $4  }
0x76: {  	s23 =	rddreg [dreg:$0x5];
	s26 =	simm.s32 $0x7100  }
0x77: {  	[tilespmem:s26], [sflag:$0x1] =	stream.indirect_vreg.gather [hbm4b:s3+s2], $0x80, v4, vm0, $0xb8;
	[tilespmem:$0x10100] =	vst v63  }
0x78: {  	s24 =	rddreg [dreg:$0x4];
	s25 =	simm.s32 $0x0  }
0x79: {  	[tilespmem:s28], [sflag:$0x1] =	stream.indirect_vreg.gather [hbm4b:s3+s2], $0x80, v3, vm0, $0xb8;
	[tilespmem:$0x10100] =	vst v63  }
.LBB2_4:
0x7a: {  	_ =	swait.ge [sflag:s22], $0x8000;
	s26 =	sadd.s32 s25, s9;
	s25 =	sadd.s32 $0x2000, s25  }
0x7b: {  	[sflag:s22] =	ssyncset.done $0x0;
	p0 =	sne.s32 s25, $0xA000  }
.Ltmp3:
0x7c: {  	[sflag:s22] =	ssyncadd.s32 $0xFFFF8000;
	(pc) =	sbr.rel @!p0 .LBB2_5-.Ltmp3, $4  }
0x7d: {  	[hbm4b:s26+s2] =	stream.linear.scatter [tilespmem:s30], [sflag:$0x3], $0x8000, $0x38;
	[tilespmem:$0x10100] =	vst v63  }
0x7e: {  	_ =	swait.ge [sflag:s11], $0x8000  }
0x7f: {  	[sflag:s11] =	ssyncset.done $0x0  }
0x80: {  	s24 =	sadd.s32 $0x100, s24;
	s23 =	sadd.s32 $0x20, s23;
	[sflag:s11] =	ssyncadd.s32 $0xFFFF8000  }
.LBB2_2:
0x81: {  	[tilespmem:s29], [sflag:$0x3] =	stream.linear.gather [hbm4b:s23+s2], $0x80, $0x38;
	[tilespmem:$0x10100] =	vst v63  }
0x82: {  	_ =	swait.ge [sflag:s11], $0x80  }
0x83: {  	[sflag:s11] =	ssyncset.done $0x0  }
0x84: {  	[sflag:s11] =	ssyncadd.s32 $0xFFFFFF80  }
0x85: {  	v3 =	vld [tilespmem:$0x80];
	_ =	sdelay $0x4  }
0x86: {  	v4 =	vshll.u32 v3, $0x1  }
0x87: {  	v3 =	vand.u32 $0x7, v3;
	v4 =	vand.u32 $0xFFFFFFF0, v4  }
0x88: {  	v3 =	vor.u32 v3, v4  }
0x89: {  	v4 =	vperm.xlane v3, v0;
	_ =	sdelay $0x1  }
0x8a: {  	v3 =	vperm.xlane v3, v2;
	v4 =	vadd.s32 v1, v4;
	_ =	sdelay $0x1  }
0x8b: {  	v3 =	vadd.s32 v1, v3;
	_ =	sdelay $0x2  }
0x8c: {  	[tilespmem:s30], [sflag:$0x2] =	stream.indirect_vreg.gather [hbm4b:s3+s2], $0x80, v4, vm0, $0xb8;
	[tilespmem:$0x10100] =	vst v63  }
0x8d: {  	_ = 	snop  }
0x8e: {  	[tilespmem:s31], [sflag:$0x2] =	stream.indirect_vreg.gather [hbm4b:s3+s2], $0x80, v3, vm0, $0xb8;
	[tilespmem:$0x10100] =	vst v63  }
0x8f: {  	v3 =	vld [tilespmem:$0x90];
	_ =	sdelay $0x4  }
0x90: {  	v57 =	vshll.u32 v3, $0x1  }
0x91: {  	v3 =	vand.u32 $0x7, v3;
	v4 =	vand.u32 $0xFFFFFFF0, v57  }
0x92: {  	v3 =	vor.u32 v3, v4  }
0x93: {  	v4 =	vperm.xlane v3, v0;
	_ =	sdelay $0x1  }
0x94: {  	v3 =	vperm.xlane v3, v2;
	v4 =	vadd.s32 v1, v4;
	_ =	sdelay $0x1  }
0x95: {  	v3 =	vadd.s32 v1, v3;
	_ =	sdelay $0x2  }
0x96: {  	[tilespmem:s0], [sflag:$0x2] =	stream.indirect_vreg.gather [hbm4b:s3+s2], $0x80, v4, vm0, $0xb8;
	[tilespmem:$0x10100] =	vst v63  }
0x97: {  	_ = 	snop  }
0x98: {  	[tilespmem:s1], [sflag:$0x2] =	stream.indirect_vreg.gather [hbm4b:s3+s2], $0x80, v3, vm0, $0xb8;
	[tilespmem:$0x10100] =	vst v63  }
0x99: {  	v3 =	vld [tilespmem:$0xA0];
	_ =	sdelay $0x4  }
0x9a: {  	v58 =	vshll.u32 v3, $0x1  }
0x9b: {  	v3 =	vand.u32 $0x7, v3;
	v4 =	vand.u32 $0xFFFFFFF0, v58  }
0x9c: {  	v3 =	vor.u32 v3, v4  }
0x9d: {  	v4 =	vperm.xlane v3, v0;
	_ =	sdelay $0x1  }
0x9e: {  	v3 =	vperm.xlane v3, v2;
	v4 =	vadd.s32 v1, v4;
	_ =	sdelay $0x1  }
0x9f: {  	v3 =	vadd.s32 v1, v3;
	_ =	sdelay $0x2  }
0xa0: {  	[tilespmem:s5], [sflag:$0x2] =	stream.indirect_vreg.gather [hbm4b:s3+s2], $0x80, v4, vm0, $0xb8;
	[tilespmem:$0x10100] =	vst v63  }
0xa1: {  	_ = 	snop  }
0xa2: {  	[tilespmem:s6], [sflag:$0x2] =	stream.indirect_vreg.gather [hbm4b:s3+s2], $0x80, v3, vm0, $0xb8;
	[tilespmem:$0x10100] =	vst v63  }
0xa3: {  	v3 =	vld [tilespmem:$0xB0];
	_ =	sdelay $0x4  }
0xa4: {  	v59 =	vshll.u32 v3, $0x1  }
0xa5: {  	v3 =	vand.u32 $0x7, v3;
	v4 =	vand.u32 $0xFFFFFFF0, v59  }
0xa6: {  	v3 =	vor.u32 v3, v4  }
0xa7: {  	v4 =	vperm.xlane v3, v0;
	_ =	sdelay $0x1  }
0xa8: {  	v3 =	vperm.xlane v3, v2;
	v4 =	vadd.s32 v1, v4;
	_ =	sdelay $0x1  }
0xa9: {  	v3 =	vadd.s32 v1, v3;
	_ =	sdelay $0x2  }
0xaa: {  	[tilespmem:s8], [sflag:$0x2] =	stream.indirect_vreg.gather [hbm4b:s3+s2], $0x80, v4, vm0, $0xb8;
	[tilespmem:$0x10100] =	vst v63  }
0xab: {  	_ = 	snop  }
0xac: {  	[tilespmem:s10], [sflag:$0x2] =	stream.indirect_vreg.gather [hbm4b:s3+s2], $0x80, v3, vm0, $0xb8;
	[tilespmem:$0x10100] =	vst v63  }
0xad: {  	v3 =	vld [tilespmem:$0xC0];
	_ =	sdelay $0x4  }
0xae: {  	v60 =	vshll.u32 v3, $0x1  }
0xaf: {  	v3 =	vand.u32 $0x7, v3;
	v4 =	vand.u32 $0xFFFFFFF0, v60  }
0xb0: {  	v3 =	vor.u32 v3, v4  }
0xb1: {  	v4 =	vperm.xlane v3, v0;
	_ =	sdelay $0x1  }
0xb2: {  	v3 =	vperm.xlane v3, v2;
	v4 =	vadd.s32 v1, v4;
	_ =	sdelay $0x1  }
0xb3: {  	v3 =	vadd.s32 v1, v3;
	_ =	sdelay $0x2  }
0xb4: {  	[tilespmem:s13], [sflag:$0x2] =	stream.indirect_vreg.gather [hbm4b:s3+s2], $0x80, v4, vm0, $0xb8;
	[tilespmem:$0x10100] =	vst v63  }
0xb5: {  	_ = 	snop  }
0xb6: {  	[tilespmem:s14], [sflag:$0x2] =	stream.indirect_vreg.gather [hbm4b:s3+s2], $0x80, v3, vm0, $0xb8;
	[tilespmem:$0x10100] =	vst v63  }
0xb7: {  	v3 =	vld [tilespmem:$0xD0];
	_ =	sdelay $0x4  }
0xb8: {  	v61 =	vshll.u32 v3, $0x1  }
0xb9: {  	v3 =	vand.u32 $0x7, v3;
	v4 =	vand.u32 $0xFFFFFFF0, v61  }
0xba: {  	v3 =	vor.u32 v3, v4  }
0xbb: {  	v4 =	vperm.xlane v3, v0;
	_ =	sdelay $0x1  }
0xbc: {  	v3 =	vperm.xlane v3, v2;
	v4 =	vadd.s32 v1, v4;
	_ =	sdelay $0x1  }
0xbd: {  	v3 =	vadd.s32 v1, v3;
	_ =	sdelay $0x2  }
0xbe: {  	[tilespmem:s15], [sflag:$0x2] =	stream.indirect_vreg.gather [hbm4b:s3+s2], $0x80, v4, vm0, $0xb8;
	[tilespmem:$0x10100] =	vst v63  }
0xbf: {  	_ = 	snop  }
0xc0: {  	[tilespmem:s16], [sflag:$0x2] =	stream.indirect_vreg.gather [hbm4b:s3+s2], $0x80, v3, vm0, $0xb8;
	[tilespmem:$0x10100] =	vst v63  }
0xc1: {  	v3 =	vld [tilespmem:$0xE0];
	_ =	sdelay $0x4  }
0xc2: {  	v62 =	vshll.u32 v3, $0x1  }
0xc3: {  	v3 =	vand.u32 $0x7, v3;
	v4 =	vand.u32 $0xFFFFFFF0, v62  }
0xc4: {  	v3 =	vor.u32 v3, v4  }
0xc5: {  	v4 =	vperm.xlane v3, v0;
	_ =	sdelay $0x1  }
0xc6: {  	v3 =	vperm.xlane v3, v2;
	v4 =	vadd.s32 v1, v4;
	_ =	sdelay $0x1  }
0xc7: {  	v3 =	vadd.s32 v1, v3;
	_ =	sdelay $0x2  }
0xc8: {  	[tilespmem:s17], [sflag:$0x2] =	stream.indirect_vreg.gather [hbm4b:s3+s2], $0x80, v4, vm0, $0xb8;
	[tilespmem:$0x10100] =	vst v63  }
0xc9: {  	_ = 	snop  }
0xca: {  	[tilespmem:s18], [sflag:$0x2] =	stream.indirect_vreg.gather [hbm4b:s3+s2], $0x80, v3, vm0, $0xb8;
	[tilespmem:$0x10100] =	vst v63  }
0xcb: {  	v3 =	vld [tilespmem:$0xF0];
	_ =	sdelay $0x4  }
0xcc: {  	v63 =	vshll.u32 v3, $0x1  }
0xcd: {  	v3 =	vand.u32 $0x7, v3;
	v4 =	vand.u32 $0xFFFFFFF0, v63  }
0xce: {  	v3 =	vor.u32 v3, v4  }
0xcf: {  	v4 =	vperm.xlane v3, v0;
	_ =	sdelay $0x1  }
0xd0: {  	v3 =	vperm.xlane v3, v2;
	v4 =	vadd.s32 v1, v4;
	_ =	sdelay $0x1  }
0xd1: {  	v3 =	vadd.s32 v1, v3;
	_ =	sdelay $0x2  }
0xd2: {  	[tilespmem:s19], [sflag:$0x2] =	stream.indirect_vreg.gather [hbm4b:s3+s2], $0x80, v4, vm0, $0xb8;
	[tilespmem:$0x10100] =	vst v63  }
0xd3: {  	_ = 	snop  }
0xd4: {  	[tilespmem:s20], [sflag:$0x2] =	stream.indirect_vreg.gather [hbm4b:s3+s2], $0x80, v3, vm0, $0xb8;
	[tilespmem:$0x10100] =	vst v63  }
0xd5: {  	_ =	swait.ge [sflag:s21], $0x8000  }
0xd6: {  	p0 =	seq.s32 s25, $0x8000;
	[sflag:s21] =	ssyncset.done $0x0  }
.Ltmp4:
0xd7: {  	s26 =	sadd.s32 s25, s7;
	[sflag:s21] =	ssyncadd.s32 $0xFFFF8000;
	(pc) =	sbr.rel @p0 .LBB2_4-.Ltmp4, $4  }
0xd8: {  	[hbm4b:s26+s2] =	stream.linear.scatter [tilespmem:s12], [sflag:$0x3], $0x8000, $0x38;
	[tilespmem:$0x10100] =	vst v63  }
0xd9: {  	_ =	swait.ge [sflag:s11], $0x8000  }
0xda: {  	[sflag:s11] =	ssyncset.done $0x0  }
0xdb: {  	[sflag:s11] =	ssyncadd.s32 $0xFFFF8000  }
0xdc: {  	s26 =	sshrl.u32 s24, $0x3  }
0xdd: {  	s26 =	sadd.s32 s4, s26  }
0xde: {  	[tilespmem:s2], [sflag:$0x3] =	stream.linear.gather [hbm4b:s26+s2], $0x80, $0x38;
	[tilespmem:$0x10100] =	vst v63  }
0xdf: {  	_ =	swait.ge [sflag:s11], $0x80  }
0xe0: {  	[sflag:s11] =	ssyncset.done $0x0  }
0xe1: {  	[sflag:s11] =	ssyncadd.s32 $0xFFFFFF80  }
0xe2: {  	v3 =	vld [tilespmem:$0x0];
	_ =	sdelay $0x4  }
0xe3: {  	v4 =	vshll.u32 v3, $0x1  }
0xe4: {  	v3 =	vand.u32 $0x7, v3;
	v4 =	vand.u32 $0xFFFFFFF0, v4  }
0xe5: {  	v3 =	vor.u32 v3, v4  }
0xe6: {  	v4 =	vperm.xlane v3, v0;
	_ =	sdelay $0x1  }
0xe7: {  	v3 =	vperm.xlane v3, v2;
	v4 =	vadd.s32 v1, v4;
	_ =	sdelay $0x1  }
0xe8: {  	v3 =	vadd.s32 v1, v3;
	_ =	sdelay $0x2  }
0xe9: {  	[tilespmem:s12], [sflag:$0x1] =	stream.indirect_vreg.gather [hbm4b:s3+s2], $0x80, v4, vm0, $0xb8;
	[tilespmem:$0x10100] =	vst v63  }
0xea: {  	s26 =	simm.s32 $0x900  }
0xeb: {  	[tilespmem:s26], [sflag:$0x1] =	stream.indirect_vreg.gather [hbm4b:s3+s2], $0x80, v3, vm0, $0xb8;
	[tilespmem:$0x10100] =	vst v63  }
0xec: {  	v3 =	vld [tilespmem:$0x10];
	_ =	sdelay $0x4  }
0xed: {  	v57 =	vshll.u32 v3, $0x1  }
0xee: {  	v3 =	vand.u32 $0x7, v3;
	v4 =	vand.u32 $0xFFFFFFF0, v57  }
0xef: {  	v3 =	vor.u32 v3, v4  }
0xf0: {  	v4 =	vperm.xlane v3, v0;
	_ =	sdelay $0x1  }
0xf1: {  	v3 =	vperm.xlane v3, v2;
	v4 =	vadd.s32 v1, v4;
	_ =	sdelay $0x1  }
0xf2: {  	v3 =	vadd.s32 v1, v3;
	_ =	sdelay $0x1  }
0xf3: {  	s26 =	simm.s32 $0x1100  }
0xf4: {  	[tilespmem:s26], [sflag:$0x1] =	stream.indirect_vreg.gather [hbm4b:s3+s2], $0x80, v4, vm0, $0xb8;
	[tilespmem:$0x10100] =	vst v63  }
0xf5: {  	s26 =	simm.s32 $0x1900  }
0xf6: {  	[tilespmem:s26], [sflag:$0x1] =	stream.indirect_vreg.gather [hbm4b:s3+s2], $0x80, v3, vm0, $0xb8;
	[tilespmem:$0x10100] =	vst v63  }
0xf7: {  	v3 =	vld [tilespmem:$0x20];
	_ =	sdelay $0x4  }
0xf8: {  	v58 =	vshll.u32 v3, $0x1  }
0xf9: {  	v3 =	vand.u32 $0x7, v3;
	v4 =	vand.u32 $0xFFFFFFF0, v58  }
0xfa: {  	v3 =	vor.u32 v3, v4  }
0xfb: {  	v4 =	vperm.xlane v3, v0;
	_ =	sdelay $0x1  }
0xfc: {  	v3 =	vperm.xlane v3, v2;
	v4 =	vadd.s32 v1, v4;
	_ =	sdelay $0x1  }
0xfd: {  	v3 =	vadd.s32 v1, v3;
	_ =	sdelay $0x1  }
0xfe: {  	s26 =	simm.s32 $0x2100  }
0xff: {  	[tilespmem:s26], [sflag:$0x1] =	stream.indirect_vreg.gather [hbm4b:s3+s2], $0x80, v4, vm0, $0xb8;
	[tilespmem:$0x10100] =	vst v63  }
0x100: {  	s26 =	simm.s32 $0x2900  }
0x101: {  	[tilespmem:s26], [sflag:$0x1] =	stream.indirect_vreg.gather [hbm4b:s3+s2], $0x80, v3, vm0, $0xb8;
	[tilespmem:$0x10100] =	vst v63  }
0x102: {  	v3 =	vld [tilespmem:$0x30];
	_ =	sdelay $0x4  }
0x103: {  	v59 =	vshll.u32 v3, $0x1  }
0x104: {  	v3 =	vand.u32 $0x7, v3;
	v4 =	vand.u32 $0xFFFFFFF0, v59  }
0x105: {  	v3 =	vor.u32 v3, v4  }
0x106: {  	v4 =	vperm.xlane v3, v0;
	_ =	sdelay $0x1  }
0x107: {  	v3 =	vperm.xlane v3, v2;
	v4 =	vadd.s32 v1, v4;
	_ =	sdelay $0x1  }
0x108: {  	v3 =	vadd.s32 v1, v3;
	_ =	sdelay $0x1  }
0x109: {  	s26 =	simm.s32 $0x3100  }
0x10a: {  	[tilespmem:s26], [sflag:$0x1] =	stream.indirect_vreg.gather [hbm4b:s3+s2], $0x80, v4, vm0, $0xb8;
	[tilespmem:$0x10100] =	vst v63  }
0x10b: {  	s26 =	simm.s32 $0x3900  }
0x10c: {  	[tilespmem:s26], [sflag:$0x1] =	stream.indirect_vreg.gather [hbm4b:s3+s2], $0x80, v3, vm0, $0xb8;
	[tilespmem:$0x10100] =	vst v63  }
0x10d: {  	v3 =	vld [tilespmem:$0x40];
	_ =	sdelay $0x4  }
0x10e: {  	v60 =	vshll.u32 v3, $0x1  }
0x10f: {  	v3 =	vand.u32 $0x7, v3;
	v4 =	vand.u32 $0xFFFFFFF0, v60  }
0x110: {  	v3 =	vor.u32 v3, v4  }
0x111: {  	v4 =	vperm.xlane v3, v0;
	_ =	sdelay $0x1  }
0x112: {  	v3 =	vperm.xlane v3, v2;
	v4 =	vadd.s32 v1, v4;
	_ =	sdelay $0x1  }
0x113: {  	v3 =	vadd.s32 v1, v3;
	_ =	sdelay $0x1  }
0x114: {  	s26 =	simm.s32 $0x4100  }
0x115: {  	[tilespmem:s26], [sflag:$0x1] =	stream.indirect_vreg.gather [hbm4b:s3+s2], $0x80, v4, vm0, $0xb8;
	[tilespmem:$0x10100] =	vst v63  }
0x116: {  	s26 =	simm.s32 $0x4900  }
0x117: {  	[tilespmem:s26], [sflag:$0x1] =	stream.indirect_vreg.gather [hbm4b:s3+s2], $0x80, v3, vm0, $0xb8;
	[tilespmem:$0x10100] =	vst v63  }
0x118: {  	v3 =	vld [tilespmem:$0x50];
	_ =	sdelay $0x4  }
0x119: {  	v61 =	vshll.u32 v3, $0x1  }
0x11a: {  	v3 =	vand.u32 $0x7, v3;
	v4 =	vand.u32 $0xFFFFFFF0, v61  }
0x11b: {  	v3 =	vor.u32 v3, v4  }
0x11c: {  	v4 =	vperm.xlane v3, v0;
	_ =	sdelay $0x1  }
0x11d: {  	v3 =	vperm.xlane v3, v2;
	v4 =	vadd.s32 v1, v4;
	_ =	sdelay $0x1  }
0x11e: {  	v3 =	vadd.s32 v1, v3;
	_ =	sdelay $0x1  }
0x11f: {  	s26 =	simm.s32 $0x5100  }
0x120: {  	[tilespmem:s26], [sflag:$0x1] =	stream.indirect_vreg.gather [hbm4b:s3+s2], $0x80, v4, vm0, $0xb8;
	[tilespmem:$0x10100] =	vst v63  }
0x121: {  	s26 =	simm.s32 $0x5900  }
0x122: {  	[tilespmem:s26], [sflag:$0x1] =	stream.indirect_vreg.gather [hbm4b:s3+s2], $0x80, v3, vm0, $0xb8;
	[tilespmem:$0x10100] =	vst v63  }
0x123: {  	v3 =	vld [tilespmem:$0x60];
	_ =	sdelay $0x4  }
0x124: {  	v62 =	vshll.u32 v3, $0x1  }
0x125: {  	v3 =	vand.u32 $0x7, v3;
	v4 =	vand.u32 $0xFFFFFFF0, v62  }
0x126: {  	v3 =	vor.u32 v3, v4  }
0x127: {  	v4 =	vperm.xlane v3, v0;
	_ =	sdelay $0x1  }
0x128: {  	v3 =	vperm.xlane v3, v2;
	v4 =	vadd.s32 v1, v4;
	_ =	sdelay $0x1  }
0x129: {  	v3 =	vadd.s32 v1, v3;
	_ =	sdelay $0x1  }
0x12a: {  	s26 =	simm.s32 $0x6100  }
0x12b: {  	[tilespmem:s26], [sflag:$0x1] =	stream.indirect_vreg.gather [hbm4b:s3+s2], $0x80, v4, vm0, $0xb8;
	[tilespmem:$0x10100] =	vst v63  }
0x12c: {  	s26 =	simm.s32 $0x6900  }
0x12d: {  	[tilespmem:s26], [sflag:$0x1] =	stream.indirect_vreg.gather [hbm4b:s3+s2], $0x80, v3, vm0, $0xb8;
	[tilespmem:$0x10100] =	vst v63  }
0x12e: {  	v3 =	vld [tilespmem:$0x70];
	_ =	sdelay $0x4  }
0x12f: {  	v63 =	vshll.u32 v3, $0x1  }
0x130: {  	v3 =	vand.u32 $0x7, v3;
	v4 =	vand.u32 $0xFFFFFFF0, v63  }
0x131: {  	v3 =	vor.u32 v3, v4  }
0x132: {  	v4 =	vperm.xlane v3, v0;
	_ =	sdelay $0x1  }
0x133: {  	v3 =	vperm.xlane v3, v2;
	v4 =	vadd.s32 v1, v4;
	_ =	sdelay $0x1  }
0x134: {  	v3 =	vadd.s32 v1, v3  }
.Ltmp5:
0x135: {  	_ = 	snop;
	(pc) =	sbr.rel .LBB2_4-.Ltmp5, $4  }
0x136: {  	s26 =	simm.s32 $0x7100  }
0x137: {  	[tilespmem:s26], [sflag:$0x1] =	stream.indirect_vreg.gather [hbm4b:s3+s2], $0x80, v4, vm0, $0xb8;
	[tilespmem:$0x10100] =	vst v63  }
0x138: {  	_ = 	snop  }
0x139: {  	[tilespmem:s28], [sflag:$0x1] =	stream.indirect_vreg.gather [hbm4b:s3+s2], $0x80, v3, vm0, $0xb8;
	[tilespmem:$0x10100] =	vst v63  }
.LBB2_6:
0x13a: {  	_ =	sfence.sel $0x180000  }
0x13b: {  	[bflag:$0x0] =	sbarrier.arrive $0xFFFF  }
0x13c: {  	_ =	strace $0x90000047  }
0x13d: {  	s0 =	stileid.u32;
	[bflag:$0x2] =	sbarrier.arrive $0xFFFF  }
0x13e: {  	p0 =	sne.s32 s0, $0x0;
	s0 =	rddreg [dreg:$0x1]  }
0x13f: {  	s0 =	sadd.s32 @!p0 $0x100000, s0  }
0x140: {  	[sflag:s0] =	ssyncadd.tile.s32 @!p0 $0x1;
	_ =	shalt  }
.Lfunc_end2:
_tile_overlayer_lowered:
.L_overlay_start_2:
0x141: {  	(tag) =	ssettag $0x2  }
0x142: {  	s0 =	rddreg [dreg:$0x0];
	s2 =	stileid.u32  }
0x143: {  	s1 =	rddreg [dreg:$0x1];
	p0 =	sne.s32 s2, $0x0  }
0x144: {  	s3 =	rddreg [dreg:$0x2];
	[bflag:$0x3] =	sbarrier.arrive $0xFFFF;
	s2 =	simm.s32 @!p0 $0x1C03  }
0x145: {  	[timem:s3], [sflag:s2] =	dma.local @!p0 [hbm:s0], s1  }
0x146: {  	s0 =	simm.s32 @!p0 $0x3  }
0x147: {  	_ =	swait.ge @!p0 [sflag:s0], s1  }
0x148: {  	s1 =	ssub.s32 @!p0 $0x0, s1;
	[sflag:s0] =	ssyncset.done @!p0 $0x0  }
0x149: {  	[sflag:s0] =	ssyncadd.s32 @!p0 s1  }
0x14a: {  	[bflag:$0x3] =	sbarrier.arrive $0xFFFF  }
0x14b: {  	_ =	shalt  }

// kernel: kernel.25.cloned.1.call-start
scs
__scs_entry_jumppad:
0x0: {  	(pc) =	sbr.rel $0x88, $3  }
0x1: {  	(tag) =	ssettag $0x0;
	lr =	simm.s32 $0x1  }
0x2: {  	[smem:$0x3F8F] =	sst lr;
	_ =	strace $0xD0000000  }
0x3: {  	_ = 	snop  }
0x4: {  	_ = 	snop  }
0x5: {  	_ = 	snop  }
0x6: {  	_ = 	snop  }
0x7: {  	_ = 	snop  }
__scs_overlays_trampoline_lowered:
0x8: {  	[smem:$0x3F9E] =	sst s0  }
0x9: {  	[smem:$0x3F9F] =	sst s1  }
0xa: {  	[smem:$0x3FA0] =	sst s2  }
0xb: {  	[smem:$0x3FA1] =	sst s3  }
0xc: {  	[smem:$0x3FA2] =	sst s4  }
0xd: {  	[smem:$0x3FA3] =	sst s5  }
0xe: {  	[smem:$0x3FA4] =	sst s6  }
0xf: {  	[smem:$0x3FA5] =	sst s7  }
0x10: {  	[smem:$0x3FA6] =	sst s8  }
0x11: {  	[smem:$0x3FA7] =	sst s9;
	s0 =	simm.s32 @!p0 $0x0  }
0x12: {  	s1 =	sld [smem:$0x3F8D];
	s0 =	simm.s32 @p0 $0x1  }
0x13: {  	[smem:$0x3FA8] =	sst s0;
	s0 =	simm.s32 @!p1 $0x0  }
0x14: {  	s2 =	sld [smem:$0x3F8C];
	s0 =	simm.s32 @p1 $0x1  }
0x15: {  	[smem:$0x3FA9] =	sst s0;
	s0 =	simm.s32 @!p2 $0x0  }
0x16: {  	s3 =	sld [smem:$0x3FDB];
	s0 =	simm.s32 @p2 $0x1  }
0x17: {  	s4 =	simm.s32 $0x1BF5;
	[smem:$0x3FAB] =	sst s0  }
0x18: {  	s0 =	sld [smem:$0x3F8E];
	_ =	swait.ge [sflag:s4], $0x0  }
0x19: {  	s7 =	sld [smem:$0x3F8F]  }
0x1a: {  	s8 =	sadd.s32 $0xFFFFE003, lr  }
0x1b: {  	s9 =	sadd.s32 $0xFFFFFEF7, lr;
	s5 =	simm.s32 $0xFFFFFFFF;
	p2 =	slt.u32 s8, $0xFFFFF086  }
0x1c: {  	p1 =	slt.u32 s9, $0xF7A;
	s5 =	simm.s32 @!p2 $0x0  }
0x1d: {  	s5 =	simm.s32 @p1 $0x1;
	p0 =	seq.s32 s7, s2  }
0x1e: {  	s7 =	smul.u32 @!p0 $0xF7A, s2;
	p2 =	seq.s32 @!p0 s5, $0x0  }
0x1f: {  	s9 =	smul.u32 $0xF7A, s1;
	s8 =	simm.s32 @!p0 $0x1BF5;
	p2 =	por !p2, p0  }
0x20: {  	[sflag:s8] =	ssyncset.s32 @!p0 $0xFFFFF086;
	s6 =	sadd.s32 @!p0 s3, s7;
	s7 =	simm.s32 @!p0 $0x108  }
0x21: {  	s3 =	sadd.s32 s3, s9;
	s6 =	sadd.s32 @!p0 $0x88, s6;
	s7 =	simm.s32 @p2 $0x1082  }
0x22: {  	[simem:s7], [sflag:s8] =	dma.local @!p0 [hbm:s6], $0xF7A  }
0x23: {  	s9 =	sor.u32 $0xD0000000, s2;
	s6 =	simm.s32 $0x108;
	_ =	swait.ge @!p0 [sflag:s8], $0x0  }
0x24: {  	s3 =	sadd.s32 $0x88, s3;
	s6 =	simm.s32 @!p1 $0x1082;
	[sflag:s4] =	ssyncset.s32 $0xFFFFF086  }
0x25: {  	[simem:s6], [sflag:s4] =	dma.local [hbm:s3], $0xF7A  }
0x26: {  	[smem:$0x3F8F] =	sst s1;
	(tag) =	ssettag s2;
	_ =	strace s9  }
0x27: {  	s1 =	sld [smem:$0x3F9F]  }
0x28: {  	s2 =	sld [smem:$0x3FA0]  }
0x29: {  	s4 =	sld [smem:$0x3FA2]  }
0x2a: {  	p0 =	seq.s32 s5, $0x0;
	s5 =	sld [smem:$0x3FA3]  }
0x2b: {  	s6 =	sld [smem:$0x3FA4]  }
0x2c: {  	s7 =	sld [smem:$0x3FA5]  }
0x2d: {  	s3 =	simm.s32 $0x108;
	s8 =	sld [smem:$0x3FA6]  }
0x2e: {  	s3 =	simm.s32 @!p0 $0x1082;
	s9 =	sld [smem:$0x3FA7]  }
0x2f: {  	lr =	sadd.s32 s0, s3;
	s0 =	sld [smem:$0x3F9E]  }
0x30: {  	s3 =	sld [smem:$0x3FA1]  }
0x31: {  	[smem:$0x3FAA] =	sst s10  }
0x32: {  	s10 =	sld [smem:$0x3FA8];
	_ =	sdelay $0x3  }
0x33: {  	p0 =	seq.s32 s10, $0x1;
	s10 =	sld [smem:$0x3FAA];
	_ =	sdelay $0x3  }
0x34: {  	[smem:$0x3FAA] =	sst s10  }
0x35: {  	s10 =	sld [smem:$0x3FA9];
	_ =	sdelay $0x3  }
0x36: {  	p1 =	seq.s32 s10, $0x1;
	s10 =	sld [smem:$0x3FAA];
	_ =	sdelay $0x3  }
0x37: {  	[smem:$0x3FAA] =	sst s10  }
0x38: {  	s10 =	sld [smem:$0x3FAB]  }
0x39: {  	_ = 	snop;
	(pc) =	sbr.ind lr, $3  }
0x3a: {  	_ = 	snop  }
0x3b: {  	_ = 	snop  }
0x3c: {  	p2 =	seq.s32 s10, $0x1;
	s10 =	sld [smem:$0x3FAA]  }
0x3d: {  	_ =	shalt  }
0x3e: {  	_ =	shalt  }
0x3f: {  	_ =	shalt  }
0x40: {  	_ =	shalt  }
0x41: {  	_ =	shalt  }
0x42: {  	_ =	shalt  }
0x43: {  	_ =	shalt  }
0x44: {  	_ =	shalt  }
0x45: {  	_ =	shalt  }
0x46: {  	_ =	shalt  }
0x47: {  	_ =	shalt  }
0x48: {  	_ =	shalt  }
0x49: {  	_ =	shalt  }
0x4a: {  	_ =	shalt  }
0x4b: {  	_ =	shalt  }
0x4c: {  	_ =	shalt  }
0x4d: {  	_ =	shalt  }
0x4e: {  	_ =	shalt  }
0x4f: {  	_ =	shalt  }
0x50: {  	_ =	shalt  }
0x51: {  	_ =	shalt  }
0x52: {  	_ =	shalt  }
0x53: {  	_ =	shalt  }
0x54: {  	_ =	shalt  }
0x55: {  	_ =	shalt  }
0x56: {  	_ =	shalt  }
0x57: {  	_ =	shalt  }
0x58: {  	_ =	shalt  }
0x59: {  	_ =	shalt  }
0x5a: {  	_ =	shalt  }
0x5b: {  	_ =	shalt  }
0x5c: {  	_ =	shalt  }
0x5d: {  	_ =	shalt  }
0x5e: {  	_ =	shalt  }
0x5f: {  	_ =	shalt  }
0x60: {  	_ =	shalt  }
0x61: {  	_ =	shalt  }
0x62: {  	_ =	shalt  }
0x63: {  	_ =	shalt  }
0x64: {  	_ =	shalt  }
0x65: {  	_ =	shalt  }
0x66: {  	_ =	shalt  }
0x67: {  	_ =	shalt  }
0x68: {  	_ =	shalt  }
0x69: {  	_ =	shalt  }
0x6a: {  	_ =	shalt  }
0x6b: {  	_ =	shalt  }
0x6c: {  	_ =	shalt  }
0x6d: {  	_ =	shalt  }
0x6e: {  	_ =	shalt  }
0x6f: {  	_ =	shalt  }
0x70: {  	_ =	shalt  }
0x71: {  	_ =	shalt  }
0x72: {  	_ =	shalt  }
0x73: {  	_ =	shalt  }
0x74: {  	_ =	shalt  }
0x75: {  	_ =	shalt  }
0x76: {  	_ =	shalt  }
0x77: {  	_ =	shalt  }
0x78: {  	_ =	shalt  }
0x79: {  	_ =	shalt  }
0x7a: {  	_ =	shalt  }
0x7b: {  	_ =	shalt  }
0x7c: {  	_ =	shalt  }
0x7d: {  	_ =	shalt  }
0x7e: {  	_ =	shalt  }
0x7f: {  	_ =	shalt  }
0x80: {  	_ =	shalt  }
0x81: {  	_ =	shalt  }
0x82: {  	_ =	shalt  }
0x83: {  	_ =	shalt  }
0x84: {  	_ =	shalt  }
0x85: {  	_ =	shalt  }
0x86: {  	_ =	shalt  }
0x87: {  	_ =	shalt  }
.Lfunc_end0:
.L_simem_size_0:
called_computation.1_lowered:
.L_overlay_start_0:
0x88: {  	s2 =	sld [smem:$0x3FD9]  }
0x89: {  	s3 =	sld [smem:$0x3FFE];
	_ =	sdelay $0x1  }
0x8a: {  	s1 =	srdreg.scid  }
0x8b: {  	s0 =	sand.u32 $0x1, s1  }
0x8c: {  	s17 =	sshll.u32 s0, $0xA;
	s2 =	sadd.s32 s3, s2  }
0x8d: {  	s2 =	sadd.s32 s2, s17  }
0x8e: {  	[smem:$0x3FB6] =	sst s2  }
0x8f: {  	_ = 	snop  }
0x90: {  	(tm) =	ssettm $0x1  }
0x91: {  	s18 =	sld [smem:$0x3FFB];
	_ =	sdelay $0x3  }
0x92: {  	_ =	strace s18  }
0x93: {  	s2 =	sld [smem:$0x3FFC];
	_ =	sdelay $0x3  }
0x94: {  	_ =	strace s2  }
0x95: {  	s2 =	sld [smem:$0x3FFD];
	_ =	sdelay $0x3  }
0x96: {  	_ =	strace s2  }
0x97: {  	_ =	strace $0x8FFFFFFF  }
0x98: {  	s19 =	sld [smem:$0x3FDB];
	_ =	sdelay $0x1  }
0x99: {  	s20 =	simm.s32 $_scs_section_size  }
0x9a: {  	s4 =	simm.s32 $_size__tile_overlayer_lowered;
	s5 =	simm.s32 $_tile_overlayer_lowered  }
0x9b: {  	s6 =	simm.s32 $0x1BFF;
	s21 =	sshll.u32 s5, $0x1;
	s3 =	sadd.s32 s20, s19  }
0x9c: {  	s22 =	simm.s32 $0x0;
	s4 =	sshll.u32 s4, $0x1;
	s5 =	sadd.s32 s21, s3  }
0x9d: {  	[timem:s22], [sflag:s6] =	dma.local [hbm:s5], s4  }
0x9e: {  	_ =	swait.ge [sflag:s6], s4  }
0x9f: {  	s4 =	ssub.s32 $0x0, s4;
	[sflag:s6] =	ssyncset.done $0x0  }
0xa0: {  	[sflag:s6] =	ssyncadd.s32 s4;
	_ =	sdelay $0x1  }
0xa1: {  	s23 =	simm.s32 $0x1B8B  }
0xa2: {  	_ =	swait.ge [sflag:s23], $0x1  }
0xa3: {  	[sflag:s23] =	ssyncset.done $0x0  }
0xa4: {  	[sflag:s23] =	ssyncadd.s32 $0xFFFFFFFF  }
0xa5: {  	s4 =	sld [smem:$0x0]  }
0xa6: {  	s5 =	sand.u32 $0xFFFFFFFE, s1  }
0xa7: {  	p0 =	sne.s32 s1, s5  }
0xa8: {  	s5 =	sshll.u32 @p0 s5, $0xE  }
0xa9: {  	s5 =	sadd.s32 @p0 $0x11B8D, s5;
	s6 =	sshll.u32 @p0 s4, $0x11  }
0xaa: {  	s5 =	sor.u32 @p0 s6, s5  }
0xab: {  	[sflag:s5] =	ssyncadd.remote.s32 @p0 $0x1;
	_ =	sdelay $0x1  }
0xac: {  	s5 =	simm.s32 @p0 $0x1B8D  }
0xad: {  	_ =	swait.eq @p0 [sflag:s5], $0x1  }
0xae: {  	[sflag:s5] =	ssyncadd.s32 @p0 $0xFFFFFFFF  }
0xaf: {  	s6 =	sshll.u32 @!p0 s1, $0xE  }
0xb0: {  	s6 =	sor.u32 @!p0 $0x4000, s6;
	s5 =	simm.s32 @!p0 $0x1B8D  }
0xb1: {  	s4 =	sshll.u32 @!p0 s4, $0x11;
	s6 =	sadd.s32 @!p0 $0x11B8D, s6;
	_ =	swait.eq @!p0 [sflag:s5], $0x1  }
0xb2: {  	s4 =	sor.u32 @!p0 s4, s6;
	[sflag:s5] =	ssyncadd.s32 @!p0 $0xFFFFFFFF  }
0xb3: {  	s25 =	simm.s32 $0x1B8E;
	s24 =	sld [smem:$0x3FFE];
	[sflag:s4] =	ssyncadd.remote.s32 @!p0 $0x1  }
0xb4: {  	s26 =	simm.s32 $execute0_lowered;
	[smem:$0x3FD2] =	sst s25  }
0xb5: {  	s5 =	sshll.u32 s26, $0x1;
	_ =	strace $0x80000049;
	[dreg:$0x1] =	wrdreg $0xFFFFFFFF  }
0xb6: {  	s28 =	simm.s32 $_size_execute0_lowered;
	s3 =	sadd.s32 s3, s5;
	[dreg:$0x0] =	wrdreg $0x0  }
0xb7: {  	s5 =	sshll.u32 s28, $0x1;
	[dreg:$0x2] =	wrdreg s3  }
0xb8: {  	[dreg:$0x3] =	wrdreg s5  }
0xb9: {  	[dreg:$0x4] =	wrdreg $0xC0  }
0xba: {  	_ =	task [dreg:s22], $0x5FFFF  }
0xbb: {  	[dreg:$0x1] =	wrdreg $0xFFFFFFFF  }
0xbc: {  	[dreg:$0x0] =	wrdreg $0x60  }
0xbd: {  	[dreg:$0x2] =	wrdreg s24  }
0xbe: {  	[dreg:$0x3] =	wrdreg $0xA  }
0xbf: {  	_ =	task.clear_ibuf [dreg:s22], $0x4FFFF;
	_ =	strace $0x90000049  }
0xc0: {  	s29 =	simm.s32 $0xA;
	_ =	strace $0x8000004B  }
0xc1: {  	_ =	swait.ge [sflag:s29], $0x1  }
0xc2: {  	[sflag:s29] =	ssyncadd.s32 $0xFFFFFFFF  }
0xc3: {  	_ =	strace $0x9000004B  }
0xc4: {  	_ =	sfence  }
0xc5: {  	s30 =	sld [smem:$0x0];
	_ =	sdelay $0x2  }
0xc6: {  	s31 =	sshll.u32 s1, $0xD;
	s1 =	sshrl.u32 s1, $0x2  }
0xc7: {  	s4 =	sand.u32 $0x4000, s31;
	s1 =	sadd.s32 s1, s30  }
0xc8: {  	s0 =	sor.u32 s4, s0;
	s1 =	sshll.u32 s1, $0x11  }
0xc9: {  	s0 =	sor.u32 s1, s0  }
0xca: {  	s0 =	sadd.s32 $0x8F2B, s0  }
0xcb: {  	[sflag:s0] =	ssyncadd.remote.s32 $0x1  }
0xcc: {  	_ =	sfence.sel $0xFFFF  }
0xcd: {  	[dreg:$0x0] =	wrdreg $0xFFFFFFFF;
	(pc) =	sbr.abs _section_cstart, $3  }
0xce: {  	[dreg:$0x1] =	wrdreg $0xFFFFFFFF  }
0xcf: {  	_ =	task.clear_ibuf [dreg:s22], $0x2FFFF;
	_ =	strace $0x9FFFFFFF  }
0xd0: {  	(tm) =	ssettm $0x7FFFFFFF  }
0xd1: {  	_ =	shalt  }
tec
execute0_lowered:
.L_overlay_start_1:
0x0: {  	(tag) =	ssettag $0x1  }
0x1: {  	s0 =	rddreg [dreg:$0x0]  }
0x2: {  	s1 =	srdreg.scid;
	s11 =	stileid.u32;
	s2 =	simm.s32 $0x0  }
0x3: {  	s12 =	simm.s32 $0x100;
	s28 =	simm.s32 $0x7900;
	s29 =	simm.s32 $0x80  }
0x4: {  	s30 =	simm.s32 $0x8100;
	s31 =	simm.s32 $0x8900;
	s13 =	simm.s32 $0xC100  }
0x5: {  	s14 =	simm.s32 $0xC900;
	s15 =	simm.s32 $0xD100;
	s16 =	simm.s32 $0xD900  }
0x6: {  	s17 =	simm.s32 $0xE100;
	s18 =	simm.s32 $0xE900;
	s6 =	smul.u32 $0xA0000, s11  }
0x7: {  	s19 =	simm.s32 $0xF100;
	s20 =	simm.s32 $0xF900;
	s10 =	smul.u32 $0xA00, s11  }
0x8: {  	s21 =	simm.s32 $0x1;
	s1 =	sand.u32 $0x1, s1;
	s23 =	smul.u32 $0x14000, s11  }
0x9: {  	s3 =	sshll.u32 s11, $0x1;
	[smem:$0x7FF] =	sst s2;
	s8 =	smul.u32 $0x50000, s1  }
0xa: {  	s4 =	sadd.s32 $0x1C1000, s0;
	s11 =	simm.s32 $0x3;
	s22 =	smul.u32 $0x500, s1  }
0xb: {  	s3 =	sor.u32 s1, s3;
	s7 =	ssub.s32 $0x2, s1;
	s1 =	smul.u32 $0xA000, s1  }
0xc: {  	_ =	strace $0x8000004A;
	s5 =	smul.u32 $0x500, s3;
	s9 =	sshrl.u32 s7, $0x1  }
0xd: {  	s3 =	sadd.s32 $0x3CA00, s0;
	s0 =	sadd.s32 $0x1C2400, s0;
	s7 =	ssub.s32 s7, s9  }
0xe: {  	s6 =	sadd.s32 s8, s6;
	s8 =	simm.s32 $0xB100;
	s5 =	sshrl.u32 s5, $0x3  }
0xf: {  	s7 =	smax.u32 s7, $0x1;
	s6 =	sshrl.u32 s6, $0x3;
	s5 =	sadd.s32 s4, s5  }
0x10: {  	[dreg:$0x3] =	wrdreg s7;
	s7 =	sadd.s32 s6, s0;
	s0 =	sadd.s32 s23, s0  }
0x11: {  	s6 =	simm.s32 $0xA900;
	[dreg:$0x2] =	wrdreg s5;
	s5 =	sadd.s32 s22, s10  }
.Ltmp0:
0x12: {  	s0 =	sadd.s32 s1, s0;
	s1 =	simm.s32 $0x9900;
	(pc) =	sbr.rel .LBB2_1-.Ltmp0, $4  }
0x13: {  	s10 =	simm.s32 $0xB900;
	s22 =	simm.s32 $0x2;
	s24 =	sor.u32 $0x80, s5  }
0x14: {  	v2 =	vlaneseq.u32;
	s5 =	sadd.s32 $0x100, s5;
	s9 =	sadd.s32 $0x1000, s0;
	s25 =	sshrl.u32 s24, $0x3  }
0x15: {  	vm0 =	vmmov $0xffff;
	v1 =	vshrl.u32 v2, $0x3;
	s0 =	simm.s32 $0x9100;
	[dreg:$0x4] =	wrdreg s5;
	s26 =	sadd.s32 s25, s4  }
0x16: {  	v0 =	vand.u32 $0x7, v2;
	v2 =	vor.u32 $0x8, v2;
	v1 =	vmul.u32 $0x8, v1;
	s5 =	simm.s32 $0xA100;
	s24 =	simm.s32 $0x0;
	[dreg:$0x5] =	wrdreg s26  }
.LBB2_5:
0x17: {  	s24 =	rddreg [dreg:$0x6]  }
0x18: {  	s23 =	rddreg [dreg:$0x3];
	s24 =	sadd.s32 $0x1, s24  }
0x19: {  	p0 =	sne.s32 s24, s23  }
.Ltmp1:
0x1a: {  	_ = 	snop;
	(pc) =	sbr.rel @!p0 .LBB2_6-.Ltmp1, $1  }
0x1b: {  	_ =	sdelay $0x3  }
.LBB2_1:
0x1c: {  	[dreg:$0x6] =	wrdreg s24  }
0x1d: {  	s23 =	rddreg [dreg:$0x2]  }
0x1e: {  	[tilespmem:s2], [sflag:$0x3] =	stream.linear.gather [hbm4b:s23+s2], $0x80, $0x38;
	[tilespmem:$0x10100] =	vst v63  }
0x1f: {  	_ =	swait.ge [sflag:s11], $0x80  }
0x20: {  	[sflag:s11] =	ssyncset.done $0x0  }
0x21: {  	[sflag:s11] =	ssyncadd.s32 $0xFFFFFF80  }
0x22: {  	v3 =	vld [tilespmem:$0x0];
	_ =	sdelay $0x4  }
0x23: {  	v4 =	vshll.u32 v3, $0x1  }
0x24: {  	v3 =	vand.u32 $0x7, v3;
	v4 =	vand.u32 $0xFFFFFFF0, v4  }
0x25: {  	v3 =	vor.u32 v3, v4  }
0x26: {  	v4 =	vperm.xlane v3, v0;
	_ =	sdelay $0x1  }
0x27: {  	v3 =	vperm.xlane v3, v2;
	v4 =	vadd.s32 v1, v4;
	_ =	sdelay $0x1  }
0x28: {  	v3 =	vadd.s32 v1, v3;
	_ =	sdelay $0x2  }
0x29: {  	[tilespmem:s12], [sflag:$0x1] =	stream.indirect_vreg.gather [hbm4b:s3+s2], $0x80, v4, vm0, $0xb8;
	[tilespmem:$0x10100] =	vst v63  }
0x2a: {  	s25 =	simm.s32 $0x900  }
0x2b: {  	[tilespmem:s25], [sflag:$0x1] =	stream.indirect_vreg.gather [hbm4b:s3+s2], $0x80, v3, vm0, $0xb8;
	[tilespmem:$0x10100] =	vst v63  }
0x2c: {  	v3 =	vld [tilespmem:$0x10];
	_ =	sdelay $0x4  }
0x2d: {  	v57 =	vshll.u32 v3, $0x1  }
0x2e: {  	v3 =	vand.u32 $0x7, v3;
	v4 =	vand.u32 $0xFFFFFFF0, v57  }
0x2f: {  	v3 =	vor.u32 v3, v4  }
0x30: {  	v4 =	vperm.xlane v3, v0;
	_ =	sdelay $0x1  }
0x31: {  	v3 =	vperm.xlane v3, v2;
	v4 =	vadd.s32 v1, v4;
	_ =	sdelay $0x1  }
0x32: {  	v3 =	vadd.s32 v1, v3;
	_ =	sdelay $0x1  }
0x33: {  	s26 =	simm.s32 $0x1100  }
0x34: {  	[tilespmem:s26], [sflag:$0x1] =	stream.indirect_vreg.gather [hbm4b:s3+s2], $0x80, v4, vm0, $0xb8;
	[tilespmem:$0x10100] =	vst v63  }
0x35: {  	s24 =	simm.s32 $0x1900  }
0x36: {  	[tilespmem:s24], [sflag:$0x1] =	stream.indirect_vreg.gather [hbm4b:s3+s2], $0x80, v3, vm0, $0xb8;
	[tilespmem:$0x10100] =	vst v63  }
0x37: {  	v3 =	vld [tilespmem:$0x20];
	_ =	sdelay $0x4  }
0x38: {  	v58 =	vshll.u32 v3, $0x1  }
0x39: {  	v3 =	vand.u32 $0x7, v3;
	v4 =	vand.u32 $0xFFFFFFF0, v58  }
0x3a: {  	v3 =	vor.u32 v3, v4  }
0x3b: {  	v4 =	vperm.xlane v3, v0;
	_ =	sdelay $0x1  }
0x3c: {  	v3 =	vperm.xlane v3, v2;
	v4 =	vadd.s32 v1, v4;
	_ =	sdelay $0x1  }
0x3d: {  	v3 =	vadd.s32 v1, v3;
	_ =	sdelay $0x1  }
0x3e: {  	s25 =	simm.s32 $0x2100  }
0x3f: {  	[tilespmem:s25], [sflag:$0x1] =	stream.indirect_vreg.gather [hbm4b:s3+s2], $0x80, v4, vm0, $0xb8;
	[tilespmem:$0x10100] =	vst v63  }
0x40: {  	s26 =	simm.s32 $0x2900  }
0x41: {  	[tilespmem:s26], [sflag:$0x1] =	stream.indirect_vreg.gather [hbm4b:s3+s2], $0x80, v3, vm0, $0xb8;
	[tilespmem:$0x10100] =	vst v63  }
0x42: {  	v3 =	vld [tilespmem:$0x30];
	_ =	sdelay $0x4  }
0x43: {  	v59 =	vshll.u32 v3, $0x1  }
0x44: {  	v3 =	vand.u32 $0x7, v3;
	v4 =	vand.u32 $0xFFFFFFF0, v59  }
0x45: {  	v3 =	vor.u32 v3, v4  }
0x46: {  	v4 =	vperm.xlane v3, v0;
	_ =	sdelay $0x1  }
0x47: {  	v3 =	vperm.xlane v3, v2;
	v4 =	vadd.s32 v1, v4;
	_ =	sdelay $0x1  }
0x48: {  	v3 =	vadd.s32 v1, v3;
	_ =	sdelay $0x1  }
0x49: {  	s24 =	simm.s32 $0x3100  }
0x4a: {  	[tilespmem:s24], [sflag:$0x1] =	stream.indirect_vreg.gather [hbm4b:s3+s2], $0x80, v4, vm0, $0xb8;
	[tilespmem:$0x10100] =	vst v63  }
0x4b: {  	s25 =	simm.s32 $0x3900  }
0x4c: {  	[tilespmem:s25], [sflag:$0x1] =	stream.indirect_vreg.gather [hbm4b:s3+s2], $0x80, v3, vm0, $0xb8;
	[tilespmem:$0x10100] =	vst v63  }
0x4d: {  	v3 =	vld [tilespmem:$0x40];
	_ =	sdelay $0x4  }
0x4e: {  	v60 =	vshll.u32 v3, $0x1  }
0x4f: {  	v3 =	vand.u32 $0x7, v3;
	v4 =	vand.u32 $0xFFFFFFF0, v60  }
0x50: {  	v3 =	vor.u32 v3, v4  }
0x51: {  	v4 =	vperm.xlane v3, v0;
	_ =	sdelay $0x1  }
0x52: {  	v3 =	vperm.xlane v3, v2;
	v4 =	vadd.s32 v1, v4;
	_ =	sdelay $0x1  }
0x53: {  	v3 =	vadd.s32 v1, v3;
	_ =	sdelay $0x1  }
0x54: {  	s26 =	simm.s32 $0x4100  }
0x55: {  	[tilespmem:s26], [sflag:$0x1] =	stream.indirect_vreg.gather [hbm4b:s3+s2], $0x80, v4, vm0, $0xb8;
	[tilespmem:$0x10100] =	vst v63  }
0x56: {  	s24 =	simm.s32 $0x4900  }
0x57: {  	[tilespmem:s24], [sflag:$0x1] =	stream.indirect_vreg.gather [hbm4b:s3+s2], $0x80, v3, vm0, $0xb8;
	[tilespmem:$0x10100] =	vst v63  }
0x58: {  	v3 =	vld [tilespmem:$0x50];
	_ =	sdelay $0x4  }
0x59: {  	v61 =	vshll.u32 v3, $0x1  }
0x5a: {  	v3 =	vand.u32 $0x7, v3;
	v4 =	vand.u32 $0xFFFFFFF0, v61  }
0x5b: {  	v3 =	vor.u32 v3, v4  }
0x5c: {  	v4 =	vperm.xlane v3, v0;
	_ =	sdelay $0x1  }
0x5d: {  	v3 =	vperm.xlane v3, v2;
	v4 =	vadd.s32 v1, v4;
	_ =	sdelay $0x1  }
0x5e: {  	v3 =	vadd.s32 v1, v3;
	_ =	sdelay $0x1  }
0x5f: {  	s25 =	simm.s32 $0x5100  }
0x60: {  	[tilespmem:s25], [sflag:$0x1] =	stream.indirect_vreg.gather [hbm4b:s3+s2], $0x80, v4, vm0, $0xb8;
	[tilespmem:$0x10100] =	vst v63  }
0x61: {  	s26 =	simm.s32 $0x5900  }
0x62: {  	[tilespmem:s26], [sflag:$0x1] =	stream.indirect_vreg.gather [hbm4b:s3+s2], $0x80, v3, vm0, $0xb8;
	[tilespmem:$0x10100] =	vst v63  }
0x63: {  	v3 =	vld [tilespmem:$0x60];
	_ =	sdelay $0x4  }
0x64: {  	v62 =	vshll.u32 v3, $0x1  }
0x65: {  	v3 =	vand.u32 $0x7, v3;
	v4 =	vand.u32 $0xFFFFFFF0, v62  }
0x66: {  	v3 =	vor.u32 v3, v4  }
0x67: {  	v4 =	vperm.xlane v3, v0;
	_ =	sdelay $0x1  }
0x68: {  	v3 =	vperm.xlane v3, v2;
	v4 =	vadd.s32 v1, v4;
	_ =	sdelay $0x1  }
0x69: {  	v3 =	vadd.s32 v1, v3;
	_ =	sdelay $0x1  }
0x6a: {  	s24 =	simm.s32 $0x6100  }
0x6b: {  	[tilespmem:s24], [sflag:$0x1] =	stream.indirect_vreg.gather [hbm4b:s3+s2], $0x80, v4, vm0, $0xb8;
	[tilespmem:$0x10100] =	vst v63  }
0x6c: {  	s25 =	simm.s32 $0x6900  }
0x6d: {  	[tilespmem:s25], [sflag:$0x1] =	stream.indirect_vreg.gather [hbm4b:s3+s2], $0x80, v3, vm0, $0xb8;
	[tilespmem:$0x10100] =	vst v63  }
0x6e: {  	v3 =	vld [tilespmem:$0x70];
	_ =	sdelay $0x4  }
0x6f: {  	v63 =	vshll.u32 v3, $0x1  }
0x70: {  	v3 =	vand.u32 $0x7, v3;
	v4 =	vand.u32 $0xFFFFFFF0, v63  }
0x71: {  	v3 =	vor.u32 v3, v4  }
0x72: {  	v4 =	vperm.xlane v3, v0;
	_ =	sdelay $0x1  }
0x73: {  	v3 =	vperm.xlane v3, v2;
	v4 =	vadd.s32 v1, v4;
	_ =	sdelay $0x1  }
0x74: {  	v3 =	vadd.s32 v1, v3  }
.Ltmp2:
0x75: {  	_ = 	snop;
	(pc) =	sbr.rel .LBB2_2-.Ltmp2, $4  }
0x76: {  	s23 =	rddreg [dreg:$0x5];
	s26 =	simm.s32 $0x7100  }
0x77: {  	[tilespmem:s26], [sflag:$0x1] =	stream.indirect_vreg.gather [hbm4b:s3+s2], $0x80, v4, vm0, $0xb8;
	[tilespmem:$0x10100] =	vst v63  }
0x78: {  	s24 =	rddreg [dreg:$0x4];
	s25 =	simm.s32 $0x0  }
0x79: {  	[tilespmem:s28], [sflag:$0x1] =	stream.indirect_vreg.gather [hbm4b:s3+s2], $0x80, v3, vm0, $0xb8;
	[tilespmem:$0x10100] =	vst v63  }
.LBB2_4:
0x7a: {  	_ =	swait.ge [sflag:s22], $0x8000;
	s26 =	sadd.s32 s25, s9;
	s25 =	sadd.s32 $0x2000, s25  }
0x7b: {  	[sflag:s22] =	ssyncset.done $0x0;
	p0 =	sne.s32 s25, $0xA000  }
.Ltmp3:
0x7c: {  	[sflag:s22] =	ssyncadd.s32 $0xFFFF8000;
	(pc) =	sbr.rel @!p0 .LBB2_5-.Ltmp3, $4  }
0x7d: {  	[hbm4b:s26+s2] =	stream.linear.scatter [tilespmem:s30], [sflag:$0x3], $0x8000, $0x38;
	[tilespmem:$0x10100] =	vst v63  }
0x7e: {  	_ =	swait.ge [sflag:s11], $0x8000  }
0x7f: {  	[sflag:s11] =	ssyncset.done $0x0  }
0x80: {  	s24 =	sadd.s32 $0x100, s24;
	s23 =	sadd.s32 $0x20, s23;
	[sflag:s11] =	ssyncadd.s32 $0xFFFF8000  }
.LBB2_2:
0x81: {  	[tilespmem:s29], [sflag:$0x3] =	stream.linear.gather [hbm4b:s23+s2], $0x80, $0x38;
	[tilespmem:$0x10100] =	vst v63  }
0x82: {  	_ =	swait.ge [sflag:s11], $0x80  }
0x83: {  	[sflag:s11] =	ssyncset.done $0x0  }
0x84: {  	[sflag:s11] =	ssyncadd.s32 $0xFFFFFF80  }
0x85: {  	v3 =	vld [tilespmem:$0x80];
	_ =	sdelay $0x4  }
0x86: {  	v4 =	vshll.u32 v3, $0x1  }
0x87: {  	v3 =	vand.u32 $0x7, v3;
	v4 =	vand.u32 $0xFFFFFFF0, v4  }
0x88: {  	v3 =	vor.u32 v3, v4  }
0x89: {  	v4 =	vperm.xlane v3, v0;
	_ =	sdelay $0x1  }
0x8a: {  	v3 =	vperm.xlane v3, v2;
	v4 =	vadd.s32 v1, v4;
	_ =	sdelay $0x1  }
0x8b: {  	v3 =	vadd.s32 v1, v3;
	_ =	sdelay $0x2  }
0x8c: {  	[tilespmem:s30], [sflag:$0x2] =	stream.indirect_vreg.gather [hbm4b:s3+s2], $0x80, v4, vm0, $0xb8;
	[tilespmem:$0x10100] =	vst v63  }
0x8d: {  	_ = 	snop  }
0x8e: {  	[tilespmem:s31], [sflag:$0x2] =	stream.indirect_vreg.gather [hbm4b:s3+s2], $0x80, v3, vm0, $0xb8;
	[tilespmem:$0x10100] =	vst v63  }
0x8f: {  	v3 =	vld [tilespmem:$0x90];
	_ =	sdelay $0x4  }
0x90: {  	v57 =	vshll.u32 v3, $0x1  }
0x91: {  	v3 =	vand.u32 $0x7, v3;
	v4 =	vand.u32 $0xFFFFFFF0, v57  }
0x92: {  	v3 =	vor.u32 v3, v4  }
0x93: {  	v4 =	vperm.xlane v3, v0;
	_ =	sdelay $0x1  }
0x94: {  	v3 =	vperm.xlane v3, v2;
	v4 =	vadd.s32 v1, v4;
	_ =	sdelay $0x1  }
0x95: {  	v3 =	vadd.s32 v1, v3;
	_ =	sdelay $0x2  }
0x96: {  	[tilespmem:s0], [sflag:$0x2] =	stream.indirect_vreg.gather [hbm4b:s3+s2], $0x80, v4, vm0, $0xb8;
	[tilespmem:$0x10100] =	vst v63  }
0x97: {  	_ = 	snop  }
0x98: {  	[tilespmem:s1], [sflag:$0x2] =	stream.indirect_vreg.gather [hbm4b:s3+s2], $0x80, v3, vm0, $0xb8;
	[tilespmem:$0x10100] =	vst v63  }
0x99: {  	v3 =	vld [tilespmem:$0xA0];
	_ =	sdelay $0x4  }
0x9a: {  	v58 =	vshll.u32 v3, $0x1  }
0x9b: {  	v3 =	vand.u32 $0x7, v3;
	v4 =	vand.u32 $0xFFFFFFF0, v58  }
0x9c: {  	v3 =	vor.u32 v3, v4  }
0x9d: {  	v4 =	vperm.xlane v3, v0;
	_ =	sdelay $0x1  }
0x9e: {  	v3 =	vperm.xlane v3, v2;
	v4 =	vadd.s32 v1, v4;
	_ =	sdelay $0x1  }
0x9f: {  	v3 =	vadd.s32 v1, v3;
	_ =	sdelay $0x2  }
0xa0: {  	[tilespmem:s5], [sflag:$0x2] =	stream.indirect_vreg.gather [hbm4b:s3+s2], $0x80, v4, vm0, $0xb8;
	[tilespmem:$0x10100] =	vst v63  }
0xa1: {  	_ = 	snop  }
0xa2: {  	[tilespmem:s6], [sflag:$0x2] =	stream.indirect_vreg.gather [hbm4b:s3+s2], $0x80, v3, vm0, $0xb8;
	[tilespmem:$0x10100] =	vst v63  }
0xa3: {  	v3 =	vld [tilespmem:$0xB0];
	_ =	sdelay $0x4  }
0xa4: {  	v59 =	vshll.u32 v3, $0x1  }
0xa5: {  	v3 =	vand.u32 $0x7, v3;
	v4 =	vand.u32 $0xFFFFFFF0, v59  }
0xa6: {  	v3 =	vor.u32 v3, v4  }
0xa7: {  	v4 =	vperm.xlane v3, v0;
	_ =	sdelay $0x1  }
0xa8: {  	v3 =	vperm.xlane v3, v2;
	v4 =	vadd.s32 v1, v4;
	_ =	sdelay $0x1  }
0xa9: {  	v3 =	vadd.s32 v1, v3;
	_ =	sdelay $0x2  }
0xaa: {  	[tilespmem:s8], [sflag:$0x2] =	stream.indirect_vreg.gather [hbm4b:s3+s2], $0x80, v4, vm0, $0xb8;
	[tilespmem:$0x10100] =	vst v63  }
0xab: {  	_ = 	snop  }
0xac: {  	[tilespmem:s10], [sflag:$0x2] =	stream.indirect_vreg.gather [hbm4b:s3+s2], $0x80, v3, vm0, $0xb8;
	[tilespmem:$0x10100] =	vst v63  }
0xad: {  	v3 =	vld [tilespmem:$0xC0];
	_ =	sdelay $0x4  }
0xae: {  	v60 =	vshll.u32 v3, $0x1  }
0xaf: {  	v3 =	vand.u32 $0x7, v3;
	v4 =	vand.u32 $0xFFFFFFF0, v60  }
0xb0: {  	v3 =	vor.u32 v3, v4  }
0xb1: {  	v4 =	vperm.xlane v3, v0;
	_ =	sdelay $0x1  }
0xb2: {  	v3 =	vperm.xlane v3, v2;
	v4 =	vadd.s32 v1, v4;
	_ =	sdelay $0x1  }
0xb3: {  	v3 =	vadd.s32 v1, v3;
	_ =	sdelay $0x2  }
0xb4: {  	[tilespmem:s13], [sflag:$0x2] =	stream.indirect_vreg.gather [hbm4b:s3+s2], $0x80, v4, vm0, $0xb8;
	[tilespmem:$0x10100] =	vst v63  }
0xb5: {  	_ = 	snop  }
0xb6: {  	[tilespmem:s14], [sflag:$0x2] =	stream.indirect_vreg.gather [hbm4b:s3+s2], $0x80, v3, vm0, $0xb8;
	[tilespmem:$0x10100] =	vst v63  }
0xb7: {  	v3 =	vld [tilespmem:$0xD0];
	_ =	sdelay $0x4  }
0xb8: {  	v61 =	vshll.u32 v3, $0x1  }
0xb9: {  	v3 =	vand.u32 $0x7, v3;
	v4 =	vand.u32 $0xFFFFFFF0, v61  }
0xba: {  	v3 =	vor.u32 v3, v4  }
0xbb: {  	v4 =	vperm.xlane v3, v0;
	_ =	sdelay $0x1  }
0xbc: {  	v3 =	vperm.xlane v3, v2;
	v4 =	vadd.s32 v1, v4;
	_ =	sdelay $0x1  }
0xbd: {  	v3 =	vadd.s32 v1, v3;
	_ =	sdelay $0x2  }
0xbe: {  	[tilespmem:s15], [sflag:$0x2] =	stream.indirect_vreg.gather [hbm4b:s3+s2], $0x80, v4, vm0, $0xb8;
	[tilespmem:$0x10100] =	vst v63  }
0xbf: {  	_ = 	snop  }
0xc0: {  	[tilespmem:s16], [sflag:$0x2] =	stream.indirect_vreg.gather [hbm4b:s3+s2], $0x80, v3, vm0, $0xb8;
	[tilespmem:$0x10100] =	vst v63  }
0xc1: {  	v3 =	vld [tilespmem:$0xE0];
	_ =	sdelay $0x4  }
0xc2: {  	v62 =	vshll.u32 v3, $0x1  }
0xc3: {  	v3 =	vand.u32 $0x7, v3;
	v4 =	vand.u32 $0xFFFFFFF0, v62  }
0xc4: {  	v3 =	vor.u32 v3, v4  }
0xc5: {  	v4 =	vperm.xlane v3, v0;
	_ =	sdelay $0x1  }
0xc6: {  	v3 =	vperm.xlane v3, v2;
	v4 =	vadd.s32 v1, v4;
	_ =	sdelay $0x1  }
0xc7: {  	v3 =	vadd.s32 v1, v3;
	_ =	sdelay $0x2  }
0xc8: {  	[tilespmem:s17], [sflag:$0x2] =	stream.indirect_vreg.gather [hbm4b:s3+s2], $0x80, v4, vm0, $0xb8;
	[tilespmem:$0x10100] =	vst v63  }
0xc9: {  	_ = 	snop  }
0xca: {  	[tilespmem:s18], [sflag:$0x2] =	stream.indirect_vreg.gather [hbm4b:s3+s2], $0x80, v3, vm0, $0xb8;
	[tilespmem:$0x10100] =	vst v63  }
0xcb: {  	v3 =	vld [tilespmem:$0xF0];
	_ =	sdelay $0x4  }
0xcc: {  	v63 =	vshll.u32 v3, $0x1  }
0xcd: {  	v3 =	vand.u32 $0x7, v3;
	v4 =	vand.u32 $0xFFFFFFF0, v63  }
0xce: {  	v3 =	vor.u32 v3, v4  }
0xcf: {  	v4 =	vperm.xlane v3, v0;
	_ =	sdelay $0x1  }
0xd0: {  	v3 =	vperm.xlane v3, v2;
	v4 =	vadd.s32 v1, v4;
	_ =	sdelay $0x1  }
0xd1: {  	v3 =	vadd.s32 v1, v3;
	_ =	sdelay $0x2  }
0xd2: {  	[tilespmem:s19], [sflag:$0x2] =	stream.indirect_vreg.gather [hbm4b:s3+s2], $0x80, v4, vm0, $0xb8;
	[tilespmem:$0x10100] =	vst v63  }
0xd3: {  	_ = 	snop  }
0xd4: {  	[tilespmem:s20], [sflag:$0x2] =	stream.indirect_vreg.gather [hbm4b:s3+s2], $0x80, v3, vm0, $0xb8;
	[tilespmem:$0x10100] =	vst v63  }
0xd5: {  	_ =	swait.ge [sflag:s21], $0x8000  }
0xd6: {  	p0 =	seq.s32 s25, $0x8000;
	[sflag:s21] =	ssyncset.done $0x0  }
.Ltmp4:
0xd7: {  	s26 =	sadd.s32 s25, s7;
	[sflag:s21] =	ssyncadd.s32 $0xFFFF8000;
	(pc) =	sbr.rel @p0 .LBB2_4-.Ltmp4, $4  }
0xd8: {  	[hbm4b:s26+s2] =	stream.linear.scatter [tilespmem:s12], [sflag:$0x3], $0x8000, $0x38;
	[tilespmem:$0x10100] =	vst v63  }
0xd9: {  	_ =	swait.ge [sflag:s11], $0x8000  }
0xda: {  	[sflag:s11] =	ssyncset.done $0x0  }
0xdb: {  	[sflag:s11] =	ssyncadd.s32 $0xFFFF8000  }
0xdc: {  	s26 =	sshrl.u32 s24, $0x3  }
0xdd: {  	s26 =	sadd.s32 s4, s26  }
0xde: {  	[tilespmem:s2], [sflag:$0x3] =	stream.linear.gather [hbm4b:s26+s2], $0x80, $0x38;
	[tilespmem:$0x10100] =	vst v63  }
0xdf: {  	_ =	swait.ge [sflag:s11], $0x80  }
0xe0: {  	[sflag:s11] =	ssyncset.done $0x0  }
0xe1: {  	[sflag:s11] =	ssyncadd.s32 $0xFFFFFF80  }
0xe2: {  	v3 =	vld [tilespmem:$0x0];
	_ =	sdelay $0x4  }
0xe3: {  	v4 =	vshll.u32 v3, $0x1  }
0xe4: {  	v3 =	vand.u32 $0x7, v3;
	v4 =	vand.u32 $0xFFFFFFF0, v4  }
0xe5: {  	v3 =	vor.u32 v3, v4  }
0xe6: {  	v4 =	vperm.xlane v3, v0;
	_ =	sdelay $0x1  }
0xe7: {  	v3 =	vperm.xlane v3, v2;
	v4 =	vadd.s32 v1, v4;
	_ =	sdelay $0x1  }
0xe8: {  	v3 =	vadd.s32 v1, v3;
	_ =	sdelay $0x2  }
0xe9: {  	[tilespmem:s12], [sflag:$0x1] =	stream.indirect_vreg.gather [hbm4b:s3+s2], $0x80, v4, vm0, $0xb8;
	[tilespmem:$0x10100] =	vst v63  }
0xea: {  	s26 =	simm.s32 $0x900  }
0xeb: {  	[tilespmem:s26], [sflag:$0x1] =	stream.indirect_vreg.gather [hbm4b:s3+s2], $0x80, v3, vm0, $0xb8;
	[tilespmem:$0x10100] =	vst v63  }
0xec: {  	v3 =	vld [tilespmem:$0x10];
	_ =	sdelay $0x4  }
0xed: {  	v57 =	vshll.u32 v3, $0x1  }
0xee: {  	v3 =	vand.u32 $0x7, v3;
	v4 =	vand.u32 $0xFFFFFFF0, v57  }
0xef: {  	v3 =	vor.u32 v3, v4  }
0xf0: {  	v4 =	vperm.xlane v3, v0;
	_ =	sdelay $0x1  }
0xf1: {  	v3 =	vperm.xlane v3, v2;
	v4 =	vadd.s32 v1, v4;
	_ =	sdelay $0x1  }
0xf2: {  	v3 =	vadd.s32 v1, v3;
	_ =	sdelay $0x1  }
0xf3: {  	s26 =	simm.s32 $0x1100  }
0xf4: {  	[tilespmem:s26], [sflag:$0x1] =	stream.indirect_vreg.gather [hbm4b:s3+s2], $0x80, v4, vm0, $0xb8;
	[tilespmem:$0x10100] =	vst v63  }
0xf5: {  	s26 =	simm.s32 $0x1900  }
0xf6: {  	[tilespmem:s26], [sflag:$0x1] =	stream.indirect_vreg.gather [hbm4b:s3+s2], $0x80, v3, vm0, $0xb8;
	[tilespmem:$0x10100] =	vst v63  }
0xf7: {  	v3 =	vld [tilespmem:$0x20];
	_ =	sdelay $0x4  }
0xf8: {  	v58 =	vshll.u32 v3, $0x1  }
0xf9: {  	v3 =	vand.u32 $0x7, v3;
	v4 =	vand.u32 $0xFFFFFFF0, v58  }
0xfa: {  	v3 =	vor.u32 v3, v4  }
0xfb: {  	v4 =	vperm.xlane v3, v0;
	_ =	sdelay $0x1  }
0xfc: {  	v3 =	vperm.xlane v3, v2;
	v4 =	vadd.s32 v1, v4;
	_ =	sdelay $0x1  }
0xfd: {  	v3 =	vadd.s32 v1, v3;
	_ =	sdelay $0x1  }
0xfe: {  	s26 =	simm.s32 $0x2100  }
0xff: {  	[tilespmem:s26], [sflag:$0x1] =	stream.indirect_vreg.gather [hbm4b:s3+s2], $0x80, v4, vm0, $0xb8;
	[tilespmem:$0x10100] =	vst v63  }
0x100: {  	s26 =	simm.s32 $0x2900  }
0x101: {  	[tilespmem:s26], [sflag:$0x1] =	stream.indirect_vreg.gather [hbm4b:s3+s2], $0x80, v3, vm0, $0xb8;
	[tilespmem:$0x10100] =	vst v63  }
0x102: {  	v3 =	vld [tilespmem:$0x30];
	_ =	sdelay $0x4  }
0x103: {  	v59 =	vshll.u32 v3, $0x1  }
0x104: {  	v3 =	vand.u32 $0x7, v3;
	v4 =	vand.u32 $0xFFFFFFF0, v59  }
0x105: {  	v3 =	vor.u32 v3, v4  }
0x106: {  	v4 =	vperm.xlane v3, v0;
	_ =	sdelay $0x1  }
0x107: {  	v3 =	vperm.xlane v3, v2;
	v4 =	vadd.s32 v1, v4;
	_ =	sdelay $0x1  }
0x108: {  	v3 =	vadd.s32 v1, v3;
	_ =	sdelay $0x1  }
0x109: {  	s26 =	simm.s32 $0x3100  }
0x10a: {  	[tilespmem:s26], [sflag:$0x1] =	stream.indirect_vreg.gather [hbm4b:s3+s2], $0x80, v4, vm0, $0xb8;
	[tilespmem:$0x10100] =	vst v63  }
0x10b: {  	s26 =	simm.s32 $0x3900  }
0x10c: {  	[tilespmem:s26], [sflag:$0x1] =	stream.indirect_vreg.gather [hbm4b:s3+s2], $0x80, v3, vm0, $0xb8;
	[tilespmem:$0x10100] =	vst v63  }
0x10d: {  	v3 =	vld [tilespmem:$0x40];
	_ =	sdelay $0x4  }
0x10e: {  	v60 =	vshll.u32 v3, $0x1  }
0x10f: {  	v3 =	vand.u32 $0x7, v3;
	v4 =	vand.u32 $0xFFFFFFF0, v60  }
0x110: {  	v3 =	vor.u32 v3, v4  }
0x111: {  	v4 =	vperm.xlane v3, v0;
	_ =	sdelay $0x1  }
0x112: {  	v3 =	vperm.xlane v3, v2;
	v4 =	vadd.s32 v1, v4;
	_ =	sdelay $0x1  }
0x113: {  	v3 =	vadd.s32 v1, v3;
	_ =	sdelay $0x1  }
0x114: {  	s26 =	simm.s32 $0x4100  }
0x115: {  	[tilespmem:s26], [sflag:$0x1] =	stream.indirect_vreg.gather [hbm4b:s3+s2], $0x80, v4, vm0, $0xb8;
	[tilespmem:$0x10100] =	vst v63  }
0x116: {  	s26 =	simm.s32 $0x4900  }
0x117: {  	[tilespmem:s26], [sflag:$0x1] =	stream.indirect_vreg.gather [hbm4b:s3+s2], $0x80, v3, vm0, $0xb8;
	[tilespmem:$0x10100] =	vst v63  }
0x118: {  	v3 =	vld [tilespmem:$0x50];
	_ =	sdelay $0x4  }
0x119: {  	v61 =	vshll.u32 v3, $0x1  }
0x11a: {  	v3 =	vand.u32 $0x7, v3;
	v4 =	vand.u32 $0xFFFFFFF0, v61  }
0x11b: {  	v3 =	vor.u32 v3, v4  }
0x11c: {  	v4 =	vperm.xlane v3, v0;
	_ =	sdelay $0x1  }
0x11d: {  	v3 =	vperm.xlane v3, v2;
	v4 =	vadd.s32 v1, v4;
	_ =	sdelay $0x1  }
0x11e: {  	v3 =	vadd.s32 v1, v3;
	_ =	sdelay $0x1  }
0x11f: {  	s26 =	simm.s32 $0x5100  }
0x120: {  	[tilespmem:s26], [sflag:$0x1] =	stream.indirect_vreg.gather [hbm4b:s3+s2], $0x80, v4, vm0, $0xb8;
	[tilespmem:$0x10100] =	vst v63  }
0x121: {  	s26 =	simm.s32 $0x5900  }
0x122: {  	[tilespmem:s26], [sflag:$0x1] =	stream.indirect_vreg.gather [hbm4b:s3+s2], $0x80, v3, vm0, $0xb8;
	[tilespmem:$0x10100] =	vst v63  }
0x123: {  	v3 =	vld [tilespmem:$0x60];
	_ =	sdelay $0x4  }
0x124: {  	v62 =	vshll.u32 v3, $0x1  }
0x125: {  	v3 =	vand.u32 $0x7, v3;
	v4 =	vand.u32 $0xFFFFFFF0, v62  }
0x126: {  	v3 =	vor.u32 v3, v4  }
0x127: {  	v4 =	vperm.xlane v3, v0;
	_ =	sdelay $0x1  }
0x128: {  	v3 =	vperm.xlane v3, v2;
	v4 =	vadd.s32 v1, v4;
	_ =	sdelay $0x1  }
0x129: {  	v3 =	vadd.s32 v1, v3;
	_ =	sdelay $0x1  }
0x12a: {  	s26 =	simm.s32 $0x6100  }
0x12b: {  	[tilespmem:s26], [sflag:$0x1] =	stream.indirect_vreg.gather [hbm4b:s3+s2], $0x80, v4, vm0, $0xb8;
	[tilespmem:$0x10100] =	vst v63  }
0x12c: {  	s26 =	simm.s32 $0x6900  }
0x12d: {  	[tilespmem:s26], [sflag:$0x1] =	stream.indirect_vreg.gather [hbm4b:s3+s2], $0x80, v3, vm0, $0xb8;
	[tilespmem:$0x10100] =	vst v63  }
0x12e: {  	v3 =	vld [tilespmem:$0x70];
	_ =	sdelay $0x4  }
0x12f: {  	v63 =	vshll.u32 v3, $0x1  }
0x130: {  	v3 =	vand.u32 $0x7, v3;
	v4 =	vand.u32 $0xFFFFFFF0, v63  }
0x131: {  	v3 =	vor.u32 v3, v4  }
0x132: {  	v4 =	vperm.xlane v3, v0;
	_ =	sdelay $0x1  }
0x133: {  	v3 =	vperm.xlane v3, v2;
	v4 =	vadd.s32 v1, v4;
	_ =	sdelay $0x1  }
0x134: {  	v3 =	vadd.s32 v1, v3  }
.Ltmp5:
0x135: {  	_ = 	snop;
	(pc) =	sbr.rel .LBB2_4-.Ltmp5, $4  }
0x136: {  	s26 =	simm.s32 $0x7100  }
0x137: {  	[tilespmem:s26], [sflag:$0x1] =	stream.indirect_vreg.gather [hbm4b:s3+s2], $0x80, v4, vm0, $0xb8;
	[tilespmem:$0x10100] =	vst v63  }
0x138: {  	_ = 	snop  }
0x139: {  	[tilespmem:s28], [sflag:$0x1] =	stream.indirect_vreg.gather [hbm4b:s3+s2], $0x80, v3, vm0, $0xb8;
	[tilespmem:$0x10100] =	vst v63  }
.LBB2_6:
0x13a: {  	_ =	sfence.sel $0x180000  }
0x13b: {  	[bflag:$0x0] =	sbarrier.arrive $0xFFFF  }
0x13c: {  	_ =	strace $0x9000004A  }
0x13d: {  	s0 =	stileid.u32;
	[bflag:$0x2] =	sbarrier.arrive $0xFFFF  }
0x13e: {  	p0 =	sne.s32 s0, $0x0;
	s0 =	rddreg [dreg:$0x1]  }
0x13f: {  	s0 =	sadd.s32 @!p0 $0x100000, s0  }
0x140: {  	[sflag:s0] =	ssyncadd.tile.s32 @!p0 $0x1;
	_ =	shalt  }
.Lfunc_end2:
_tile_overlayer_lowered:
.L_overlay_start_2:
0x141: {  	(tag) =	ssettag $0x2  }
0x142: {  	s0 =	rddreg [dreg:$0x0];
	s2 =	stileid.u32  }
0x143: {  	s1 =	rddreg [dreg:$0x1];
	p0 =	sne.s32 s2, $0x0  }
0x144: {  	s3 =	rddreg [dreg:$0x2];
	[bflag:$0x3] =	sbarrier.arrive $0xFFFF;
	s2 =	simm.s32 @!p0 $0x1C03  }
0x145: {  	[timem:s3], [sflag:s2] =	dma.local @!p0 [hbm:s0], s1  }
0x146: {  	s0 =	simm.s32 @!p0 $0x3  }
0x147: {  	_ =	swait.ge @!p0 [sflag:s0], s1  }
0x148: {  	s1 =	ssub.s32 @!p0 $0x0, s1;
	[sflag:s0] =	ssyncset.done @!p0 $0x0  }
0x149: {  	[sflag:s0] =	ssyncadd.s32 @!p0 s1  }
0x14a: {  	[bflag:$0x3] =	sbarrier.arrive $0xFFFF  }
0x14b: {  	_ =	shalt  }

// kernel: kernel.28.cloned.1.call-start
scs
__scs_entry_jumppad:
0x0: {  	(pc) =	sbr.rel $0x88, $3  }
0x1: {  	(tag) =	ssettag $0x0;
	lr =	simm.s32 $0x1  }
0x2: {  	[smem:$0x3F8F] =	sst lr;
	_ =	strace $0xD0000000  }
0x3: {  	_ = 	snop  }
0x4: {  	_ = 	snop  }
0x5: {  	_ = 	snop  }
0x6: {  	_ = 	snop  }
0x7: {  	_ = 	snop  }
__scs_overlays_trampoline_lowered:
0x8: {  	[smem:$0x3F9E] =	sst s0  }
0x9: {  	[smem:$0x3F9F] =	sst s1  }
0xa: {  	[smem:$0x3FA0] =	sst s2  }
0xb: {  	[smem:$0x3FA1] =	sst s3  }
0xc: {  	[smem:$0x3FA2] =	sst s4  }
0xd: {  	[smem:$0x3FA3] =	sst s5  }
0xe: {  	[smem:$0x3FA4] =	sst s6  }
0xf: {  	[smem:$0x3FA5] =	sst s7  }
0x10: {  	[smem:$0x3FA6] =	sst s8  }
0x11: {  	[smem:$0x3FA7] =	sst s9;
	s0 =	simm.s32 @!p0 $0x0  }
0x12: {  	s1 =	sld [smem:$0x3F8D];
	s0 =	simm.s32 @p0 $0x1  }
0x13: {  	[smem:$0x3FA8] =	sst s0;
	s0 =	simm.s32 @!p1 $0x0  }
0x14: {  	s2 =	sld [smem:$0x3F8C];
	s0 =	simm.s32 @p1 $0x1  }
0x15: {  	[smem:$0x3FA9] =	sst s0;
	s0 =	simm.s32 @!p2 $0x0  }
0x16: {  	s3 =	sld [smem:$0x3FDB];
	s0 =	simm.s32 @p2 $0x1  }
0x17: {  	s4 =	simm.s32 $0x1BF5;
	[smem:$0x3FAB] =	sst s0  }
0x18: {  	s0 =	sld [smem:$0x3F8E];
	_ =	swait.ge [sflag:s4], $0x0  }
0x19: {  	s7 =	sld [smem:$0x3F8F]  }
0x1a: {  	s8 =	sadd.s32 $0xFFFFE003, lr  }
0x1b: {  	s9 =	sadd.s32 $0xFFFFFEF7, lr;
	s5 =	simm.s32 $0xFFFFFFFF;
	p2 =	slt.u32 s8, $0xFFFFF086  }
0x1c: {  	p1 =	slt.u32 s9, $0xF7A;
	s5 =	simm.s32 @!p2 $0x0  }
0x1d: {  	s5 =	simm.s32 @p1 $0x1;
	p0 =	seq.s32 s7, s2  }
0x1e: {  	s7 =	smul.u32 @!p0 $0xF7A, s2;
	p2 =	seq.s32 @!p0 s5, $0x0  }
0x1f: {  	s9 =	smul.u32 $0xF7A, s1;
	s8 =	simm.s32 @!p0 $0x1BF5;
	p2 =	por !p2, p0  }
0x20: {  	[sflag:s8] =	ssyncset.s32 @!p0 $0xFFFFF086;
	s6 =	sadd.s32 @!p0 s3, s7;
	s7 =	simm.s32 @!p0 $0x108  }
0x21: {  	s3 =	sadd.s32 s3, s9;
	s6 =	sadd.s32 @!p0 $0x88, s6;
	s7 =	simm.s32 @p2 $0x1082  }
0x22: {  	[simem:s7], [sflag:s8] =	dma.local @!p0 [hbm:s6], $0xF7A  }
0x23: {  	s9 =	sor.u32 $0xD0000000, s2;
	s6 =	simm.s32 $0x108;
	_ =	swait.ge @!p0 [sflag:s8], $0x0  }
0x24: {  	s3 =	sadd.s32 $0x88, s3;
	s6 =	simm.s32 @!p1 $0x1082;
	[sflag:s4] =	ssyncset.s32 $0xFFFFF086  }
0x25: {  	[simem:s6], [sflag:s4] =	dma.local [hbm:s3], $0xF7A  }
0x26: {  	[smem:$0x3F8F] =	sst s1;
	(tag) =	ssettag s2;
	_ =	strace s9  }
0x27: {  	s1 =	sld [smem:$0x3F9F]  }
0x28: {  	s2 =	sld [smem:$0x3FA0]  }
0x29: {  	s4 =	sld [smem:$0x3FA2]  }
0x2a: {  	p0 =	seq.s32 s5, $0x0;
	s5 =	sld [smem:$0x3FA3]  }
0x2b: {  	s6 =	sld [smem:$0x3FA4]  }
0x2c: {  	s7 =	sld [smem:$0x3FA5]  }
0x2d: {  	s3 =	simm.s32 $0x108;
	s8 =	sld [smem:$0x3FA6]  }
0x2e: {  	s3 =	simm.s32 @!p0 $0x1082;
	s9 =	sld [smem:$0x3FA7]  }
0x2f: {  	lr =	sadd.s32 s0, s3;
	s0 =	sld [smem:$0x3F9E]  }
0x30: {  	s3 =	sld [smem:$0x3FA1]  }
0x31: {  	[smem:$0x3FAA] =	sst s10  }
0x32: {  	s10 =	sld [smem:$0x3FA8];
	_ =	sdelay $0x3  }
0x33: {  	p0 =	seq.s32 s10, $0x1;
	s10 =	sld [smem:$0x3FAA];
	_ =	sdelay $0x3  }
0x34: {  	[smem:$0x3FAA] =	sst s10  }
0x35: {  	s10 =	sld [smem:$0x3FA9];
	_ =	sdelay $0x3  }
0x36: {  	p1 =	seq.s32 s10, $0x1;
	s10 =	sld [smem:$0x3FAA];
	_ =	sdelay $0x3  }
0x37: {  	[smem:$0x3FAA] =	sst s10  }
0x38: {  	s10 =	sld [smem:$0x3FAB]  }
0x39: {  	_ = 	snop;
	(pc) =	sbr.ind lr, $3  }
0x3a: {  	_ = 	snop  }
0x3b: {  	_ = 	snop  }
0x3c: {  	p2 =	seq.s32 s10, $0x1;
	s10 =	sld [smem:$0x3FAA]  }
0x3d: {  	_ =	shalt  }
0x3e: {  	_ =	shalt  }
0x3f: {  	_ =	shalt  }
0x40: {  	_ =	shalt  }
0x41: {  	_ =	shalt  }
0x42: {  	_ =	shalt  }
0x43: {  	_ =	shalt  }
0x44: {  	_ =	shalt  }
0x45: {  	_ =	shalt  }
0x46: {  	_ =	shalt  }
0x47: {  	_ =	shalt  }
0x48: {  	_ =	shalt  }
0x49: {  	_ =	shalt  }
0x4a: {  	_ =	shalt  }
0x4b: {  	_ =	shalt  }
0x4c: {  	_ =	shalt  }
0x4d: {  	_ =	shalt  }
0x4e: {  	_ =	shalt  }
0x4f: {  	_ =	shalt  }
0x50: {  	_ =	shalt  }
0x51: {  	_ =	shalt  }
0x52: {  	_ =	shalt  }
0x53: {  	_ =	shalt  }
0x54: {  	_ =	shalt  }
0x55: {  	_ =	shalt  }
0x56: {  	_ =	shalt  }
0x57: {  	_ =	shalt  }
0x58: {  	_ =	shalt  }
0x59: {  	_ =	shalt  }
0x5a: {  	_ =	shalt  }
0x5b: {  	_ =	shalt  }
0x5c: {  	_ =	shalt  }
0x5d: {  	_ =	shalt  }
0x5e: {  	_ =	shalt  }
0x5f: {  	_ =	shalt  }
0x60: {  	_ =	shalt  }
0x61: {  	_ =	shalt  }
0x62: {  	_ =	shalt  }
0x63: {  	_ =	shalt  }
0x64: {  	_ =	shalt  }
0x65: {  	_ =	shalt  }
0x66: {  	_ =	shalt  }
0x67: {  	_ =	shalt  }
0x68: {  	_ =	shalt  }
0x69: {  	_ =	shalt  }
0x6a: {  	_ =	shalt  }
0x6b: {  	_ =	shalt  }
0x6c: {  	_ =	shalt  }
0x6d: {  	_ =	shalt  }
0x6e: {  	_ =	shalt  }
0x6f: {  	_ =	shalt  }
0x70: {  	_ =	shalt  }
0x71: {  	_ =	shalt  }
0x72: {  	_ =	shalt  }
0x73: {  	_ =	shalt  }
0x74: {  	_ =	shalt  }
0x75: {  	_ =	shalt  }
0x76: {  	_ =	shalt  }
0x77: {  	_ =	shalt  }
0x78: {  	_ =	shalt  }
0x79: {  	_ =	shalt  }
0x7a: {  	_ =	shalt  }
0x7b: {  	_ =	shalt  }
0x7c: {  	_ =	shalt  }
0x7d: {  	_ =	shalt  }
0x7e: {  	_ =	shalt  }
0x7f: {  	_ =	shalt  }
0x80: {  	_ =	shalt  }
0x81: {  	_ =	shalt  }
0x82: {  	_ =	shalt  }
0x83: {  	_ =	shalt  }
0x84: {  	_ =	shalt  }
0x85: {  	_ =	shalt  }
0x86: {  	_ =	shalt  }
0x87: {  	_ =	shalt  }
.Lfunc_end0:
.L_simem_size_0:
called_computation.2_lowered:
.L_overlay_start_0:
0x88: {  	s2 =	sld [smem:$0x3FD9]  }
0x89: {  	s3 =	sld [smem:$0x3FFE];
	_ =	sdelay $0x1  }
0x8a: {  	s1 =	srdreg.scid  }
0x8b: {  	s0 =	sand.u32 $0x1, s1  }
0x8c: {  	s17 =	sshll.u32 s0, $0xA;
	s2 =	sadd.s32 s3, s2  }
0x8d: {  	s2 =	sadd.s32 s2, s17  }
0x8e: {  	[smem:$0x3FB6] =	sst s2  }
0x8f: {  	_ = 	snop  }
0x90: {  	(tm) =	ssettm $0x1  }
0x91: {  	s18 =	sld [smem:$0x3FFB];
	_ =	sdelay $0x3  }
0x92: {  	_ =	strace s18  }
0x93: {  	s2 =	sld [smem:$0x3FFC];
	_ =	sdelay $0x3  }
0x94: {  	_ =	strace s2  }
0x95: {  	s2 =	sld [smem:$0x3FFD];
	_ =	sdelay $0x3  }
0x96: {  	_ =	strace s2  }
0x97: {  	_ =	strace $0x8FFFFFFF  }
0x98: {  	s19 =	sld [smem:$0x3FDB];
	_ =	sdelay $0x1  }
0x99: {  	s20 =	simm.s32 $_scs_section_size  }
0x9a: {  	s4 =	simm.s32 $_size__tile_overlayer_lowered;
	s5 =	simm.s32 $_tile_overlayer_lowered  }
0x9b: {  	s6 =	simm.s32 $0x1BFF;
	s21 =	sshll.u32 s5, $0x1;
	s3 =	sadd.s32 s20, s19  }
0x9c: {  	s22 =	simm.s32 $0x0;
	s4 =	sshll.u32 s4, $0x1;
	s5 =	sadd.s32 s21, s3  }
0x9d: {  	[timem:s22], [sflag:s6] =	dma.local [hbm:s5], s4  }
0x9e: {  	_ =	swait.ge [sflag:s6], s4  }
0x9f: {  	s4 =	ssub.s32 $0x0, s4;
	[sflag:s6] =	ssyncset.done $0x0  }
0xa0: {  	[sflag:s6] =	ssyncadd.s32 s4;
	_ =	sdelay $0x1  }
0xa1: {  	s23 =	simm.s32 $0x1B8B  }
0xa2: {  	_ =	swait.ge [sflag:s23], $0x1  }
0xa3: {  	[sflag:s23] =	ssyncset.done $0x0  }
0xa4: {  	[sflag:s23] =	ssyncadd.s32 $0xFFFFFFFF  }
0xa5: {  	s4 =	sld [smem:$0x0]  }
0xa6: {  	s5 =	sand.u32 $0xFFFFFFFE, s1  }
0xa7: {  	p0 =	sne.s32 s1, s5  }
0xa8: {  	s5 =	sshll.u32 @p0 s5, $0xE  }
0xa9: {  	s5 =	sadd.s32 @p0 $0x11B8D, s5;
	s6 =	sshll.u32 @p0 s4, $0x11  }
0xaa: {  	s5 =	sor.u32 @p0 s6, s5  }
0xab: {  	[sflag:s5] =	ssyncadd.remote.s32 @p0 $0x1;
	_ =	sdelay $0x1  }
0xac: {  	s5 =	simm.s32 @p0 $0x1B8D  }
0xad: {  	_ =	swait.eq @p0 [sflag:s5], $0x1  }
0xae: {  	[sflag:s5] =	ssyncadd.s32 @p0 $0xFFFFFFFF  }
0xaf: {  	s6 =	sshll.u32 @!p0 s1, $0xE  }
0xb0: {  	s6 =	sor.u32 @!p0 $0x4000, s6;
	s5 =	simm.s32 @!p0 $0x1B8D  }
0xb1: {  	s4 =	sshll.u32 @!p0 s4, $0x11;
	s6 =	sadd.s32 @!p0 $0x11B8D, s6;
	_ =	swait.eq @!p0 [sflag:s5], $0x1  }
0xb2: {  	s4 =	sor.u32 @!p0 s4, s6;
	[sflag:s5] =	ssyncadd.s32 @!p0 $0xFFFFFFFF  }
0xb3: {  	s25 =	simm.s32 $0x1B8E;
	s24 =	sld [smem:$0x3FFE];
	[sflag:s4] =	ssyncadd.remote.s32 @!p0 $0x1  }
0xb4: {  	s26 =	simm.s32 $execute0_lowered;
	[smem:$0x3FD2] =	sst s25  }
0xb5: {  	s5 =	sshll.u32 s26, $0x1;
	_ =	strace $0x8000004C;
	[dreg:$0x1] =	wrdreg $0xFFFFFFFF  }
0xb6: {  	s28 =	simm.s32 $_size_execute0_lowered;
	s3 =	sadd.s32 s3, s5;
	[dreg:$0x0] =	wrdreg $0x0  }
0xb7: {  	s5 =	sshll.u32 s28, $0x1;
	[dreg:$0x2] =	wrdreg s3  }
0xb8: {  	[dreg:$0x3] =	wrdreg s5  }
0xb9: {  	[dreg:$0x4] =	wrdreg $0xC0  }
0xba: {  	_ =	task [dreg:s22], $0x5FFFF  }
0xbb: {  	[dreg:$0x1] =	wrdreg $0xFFFFFFFF  }
0xbc: {  	[dreg:$0x0] =	wrdreg $0x60  }
0xbd: {  	[dreg:$0x2] =	wrdreg s24  }
0xbe: {  	[dreg:$0x3] =	wrdreg $0xB  }
0xbf: {  	_ =	task.clear_ibuf [dreg:s22], $0x4FFFF;
	_ =	strace $0x9000004C  }
0xc0: {  	s29 =	simm.s32 $0xB;
	_ =	strace $0x8000004E  }
0xc1: {  	_ =	swait.ge [sflag:s29], $0x1  }
0xc2: {  	[sflag:s29] =	ssyncadd.s32 $0xFFFFFFFF  }
0xc3: {  	_ =	strace $0x9000004E  }
0xc4: {  	_ =	sfence  }
0xc5: {  	s30 =	sld [smem:$0x0];
	_ =	sdelay $0x2  }
0xc6: {  	s31 =	sshll.u32 s1, $0xD;
	s1 =	sshrl.u32 s1, $0x2  }
0xc7: {  	s4 =	sand.u32 $0x4000, s31;
	s1 =	sadd.s32 s1, s30  }
0xc8: {  	s0 =	sor.u32 s4, s0;
	s1 =	sshll.u32 s1, $0x11  }
0xc9: {  	s0 =	sor.u32 s1, s0  }
0xca: {  	s0 =	sadd.s32 $0x8F2B, s0  }
0xcb: {  	[sflag:s0] =	ssyncadd.remote.s32 $0x1  }
0xcc: {  	_ =	sfence.sel $0xFFFF  }
0xcd: {  	[dreg:$0x0] =	wrdreg $0xFFFFFFFF;
	(pc) =	sbr.abs _section_cstart, $3  }
0xce: {  	[dreg:$0x1] =	wrdreg $0xFFFFFFFF  }
0xcf: {  	_ =	task.clear_ibuf [dreg:s22], $0x2FFFF;
	_ =	strace $0x9FFFFFFF  }
0xd0: {  	(tm) =	ssettm $0x7FFFFFFF  }
0xd1: {  	_ =	shalt  }
tec
execute0_lowered:
.L_overlay_start_1:
0x0: {  	(tag) =	ssettag $0x1  }
0x1: {  	s0 =	rddreg [dreg:$0x0]  }
0x2: {  	s1 =	srdreg.scid;
	s11 =	stileid.u32;
	s2 =	simm.s32 $0x0  }
0x3: {  	s12 =	simm.s32 $0x100;
	s28 =	simm.s32 $0x7900;
	s29 =	simm.s32 $0x80  }
0x4: {  	s30 =	simm.s32 $0x8100;
	s31 =	simm.s32 $0x8900;
	s13 =	simm.s32 $0xC100  }
0x5: {  	s14 =	simm.s32 $0xC900;
	s15 =	simm.s32 $0xD100;
	s16 =	simm.s32 $0xD900  }
0x6: {  	s17 =	simm.s32 $0xE100;
	s18 =	simm.s32 $0xE900;
	s6 =	smul.u32 $0xA0000, s11  }
0x7: {  	s19 =	simm.s32 $0xF100;
	s20 =	simm.s32 $0xF900;
	s10 =	smul.u32 $0xA00, s11  }
0x8: {  	s21 =	simm.s32 $0x1;
	s1 =	sand.u32 $0x1, s1;
	s23 =	smul.u32 $0x14000, s11  }
0x9: {  	s3 =	sshll.u32 s11, $0x1;
	[smem:$0x7FF] =	sst s2;
	s8 =	smul.u32 $0x50000, s1  }
0xa: {  	s4 =	sadd.s32 $0x312800, s0;
	s11 =	simm.s32 $0x3;
	s22 =	smul.u32 $0x500, s1  }
0xb: {  	s3 =	sor.u32 s1, s3;
	s7 =	ssub.s32 $0x2, s1;
	s1 =	smul.u32 $0xA000, s1  }
0xc: {  	_ =	strace $0x8000004D;
	s5 =	smul.u32 $0x500, s3;
	s9 =	sshrl.u32 s7, $0x1  }
0xd: {  	s3 =	sadd.s32 $0x3CA00, s0;
	s0 =	sadd.s32 $0x313C00, s0;
	s7 =	ssub.s32 s7, s9  }
0xe: {  	s6 =	sadd.s32 s8, s6;
	s8 =	simm.s32 $0xB100;
	s5 =	sshrl.u32 s5, $0x3  }
0xf: {  	s7 =	smax.u32 s7, $0x1;
	s6 =	sshrl.u32 s6, $0x3;
	s5 =	sadd.s32 s4, s5  }
0x10: {  	[dreg:$0x3] =	wrdreg s7;
	s7 =	sadd.s32 s6, s0;
	s0 =	sadd.s32 s23, s0  }
0x11: {  	s6 =	simm.s32 $0xA900;
	[dreg:$0x2] =	wrdreg s5;
	s5 =	sadd.s32 s22, s10  }
.Ltmp0:
0x12: {  	s0 =	sadd.s32 s1, s0;
	s1 =	simm.s32 $0x9900;
	(pc) =	sbr.rel .LBB2_1-.Ltmp0, $4  }
0x13: {  	s10 =	simm.s32 $0xB900;
	s22 =	simm.s32 $0x2;
	s24 =	sor.u32 $0x80, s5  }
0x14: {  	v2 =	vlaneseq.u32;
	s5 =	sadd.s32 $0x100, s5;
	s9 =	sadd.s32 $0x1000, s0;
	s25 =	sshrl.u32 s24, $0x3  }
0x15: {  	vm0 =	vmmov $0xffff;
	v1 =	vshrl.u32 v2, $0x3;
	s0 =	simm.s32 $0x9100;
	[dreg:$0x4] =	wrdreg s5;
	s26 =	sadd.s32 s25, s4  }
0x16: {  	v0 =	vand.u32 $0x7, v2;
	v2 =	vor.u32 $0x8, v2;
	v1 =	vmul.u32 $0x8, v1;
	s5 =	simm.s32 $0xA100;
	s24 =	simm.s32 $0x0;
	[dreg:$0x5] =	wrdreg s26  }
.LBB2_5:
0x17: {  	s24 =	rddreg [dreg:$0x6]  }
0x18: {  	s23 =	rddreg [dreg:$0x3];
	s24 =	sadd.s32 $0x1, s24  }
0x19: {  	p0 =	sne.s32 s24, s23  }
.Ltmp1:
0x1a: {  	_ = 	snop;
	(pc) =	sbr.rel @!p0 .LBB2_6-.Ltmp1, $1  }
0x1b: {  	_ =	sdelay $0x3  }
.LBB2_1:
0x1c: {  	[dreg:$0x6] =	wrdreg s24  }
0x1d: {  	s23 =	rddreg [dreg:$0x2]  }
0x1e: {  	[tilespmem:s2], [sflag:$0x3] =	stream.linear.gather [hbm4b:s23+s2], $0x80, $0x38;
	[tilespmem:$0x10100] =	vst v63  }
0x1f: {  	_ =	swait.ge [sflag:s11], $0x80  }
0x20: {  	[sflag:s11] =	ssyncset.done $0x0  }
0x21: {  	[sflag:s11] =	ssyncadd.s32 $0xFFFFFF80  }
0x22: {  	v3 =	vld [tilespmem:$0x0];
	_ =	sdelay $0x4  }
0x23: {  	v4 =	vshll.u32 v3, $0x1  }
0x24: {  	v3 =	vand.u32 $0x7, v3;
	v4 =	vand.u32 $0xFFFFFFF0, v4  }
0x25: {  	v3 =	vor.u32 v3, v4  }
0x26: {  	v4 =	vperm.xlane v3, v0;
	_ =	sdelay $0x1  }
0x27: {  	v3 =	vperm.xlane v3, v2;
	v4 =	vadd.s32 v1, v4;
	_ =	sdelay $0x1  }
0x28: {  	v3 =	vadd.s32 v1, v3;
	_ =	sdelay $0x2  }
0x29: {  	[tilespmem:s12], [sflag:$0x1] =	stream.indirect_vreg.gather [hbm4b:s3+s2], $0x80, v4, vm0, $0xb8;
	[tilespmem:$0x10100] =	vst v63  }
0x2a: {  	s25 =	simm.s32 $0x900  }
0x2b: {  	[tilespmem:s25], [sflag:$0x1] =	stream.indirect_vreg.gather [hbm4b:s3+s2], $0x80, v3, vm0, $0xb8;
	[tilespmem:$0x10100] =	vst v63  }
0x2c: {  	v3 =	vld [tilespmem:$0x10];
	_ =	sdelay $0x4  }
0x2d: {  	v57 =	vshll.u32 v3, $0x1  }
0x2e: {  	v3 =	vand.u32 $0x7, v3;
	v4 =	vand.u32 $0xFFFFFFF0, v57  }
0x2f: {  	v3 =	vor.u32 v3, v4  }
0x30: {  	v4 =	vperm.xlane v3, v0;
	_ =	sdelay $0x1  }
0x31: {  	v3 =	vperm.xlane v3, v2;
	v4 =	vadd.s32 v1, v4;
	_ =	sdelay $0x1  }
0x32: {  	v3 =	vadd.s32 v1, v3;
	_ =	sdelay $0x1  }
0x33: {  	s26 =	simm.s32 $0x1100  }
0x34: {  	[tilespmem:s26], [sflag:$0x1] =	stream.indirect_vreg.gather [hbm4b:s3+s2], $0x80, v4, vm0, $0xb8;
	[tilespmem:$0x10100] =	vst v63  }
0x35: {  	s24 =	simm.s32 $0x1900  }
0x36: {  	[tilespmem:s24], [sflag:$0x1] =	stream.indirect_vreg.gather [hbm4b:s3+s2], $0x80, v3, vm0, $0xb8;
	[tilespmem:$0x10100] =	vst v63  }
0x37: {  	v3 =	vld [tilespmem:$0x20];
	_ =	sdelay $0x4  }
0x38: {  	v58 =	vshll.u32 v3, $0x1  }
0x39: {  	v3 =	vand.u32 $0x7, v3;
	v4 =	vand.u32 $0xFFFFFFF0, v58  }
0x3a: {  	v3 =	vor.u32 v3, v4  }
0x3b: {  	v4 =	vperm.xlane v3, v0;
	_ =	sdelay $0x1  }
0x3c: {  	v3 =	vperm.xlane v3, v2;
	v4 =	vadd.s32 v1, v4;
	_ =	sdelay $0x1  }
0x3d: {  	v3 =	vadd.s32 v1, v3;
	_ =	sdelay $0x1  }
0x3e: {  	s25 =	simm.s32 $0x2100  }
0x3f: {  	[tilespmem:s25], [sflag:$0x1] =	stream.indirect_vreg.gather [hbm4b:s3+s2], $0x80, v4, vm0, $0xb8;
	[tilespmem:$0x10100] =	vst v63  }
0x40: {  	s26 =	simm.s32 $0x2900  }
0x41: {  	[tilespmem:s26], [sflag:$0x1] =	stream.indirect_vreg.gather [hbm4b:s3+s2], $0x80, v3, vm0, $0xb8;
	[tilespmem:$0x10100] =	vst v63  }
0x42: {  	v3 =	vld [tilespmem:$0x30];
	_ =	sdelay $0x4  }
0x43: {  	v59 =	vshll.u32 v3, $0x1  }
0x44: {  	v3 =	vand.u32 $0x7, v3;
	v4 =	vand.u32 $0xFFFFFFF0, v59  }
0x45: {  	v3 =	vor.u32 v3, v4  }
0x46: {  	v4 =	vperm.xlane v3, v0;
	_ =	sdelay $0x1  }
0x47: {  	v3 =	vperm.xlane v3, v2;
	v4 =	vadd.s32 v1, v4;
	_ =	sdelay $0x1  }
0x48: {  	v3 =	vadd.s32 v1, v3;
	_ =	sdelay $0x1  }
0x49: {  	s24 =	simm.s32 $0x3100  }
0x4a: {  	[tilespmem:s24], [sflag:$0x1] =	stream.indirect_vreg.gather [hbm4b:s3+s2], $0x80, v4, vm0, $0xb8;
	[tilespmem:$0x10100] =	vst v63  }
0x4b: {  	s25 =	simm.s32 $0x3900  }
0x4c: {  	[tilespmem:s25], [sflag:$0x1] =	stream.indirect_vreg.gather [hbm4b:s3+s2], $0x80, v3, vm0, $0xb8;
	[tilespmem:$0x10100] =	vst v63  }
0x4d: {  	v3 =	vld [tilespmem:$0x40];
	_ =	sdelay $0x4  }
0x4e: {  	v60 =	vshll.u32 v3, $0x1  }
0x4f: {  	v3 =	vand.u32 $0x7, v3;
	v4 =	vand.u32 $0xFFFFFFF0, v60  }
0x50: {  	v3 =	vor.u32 v3, v4  }
0x51: {  	v4 =	vperm.xlane v3, v0;
	_ =	sdelay $0x1  }
0x52: {  	v3 =	vperm.xlane v3, v2;
	v4 =	vadd.s32 v1, v4;
	_ =	sdelay $0x1  }
0x53: {  	v3 =	vadd.s32 v1, v3;
	_ =	sdelay $0x1  }
0x54: {  	s26 =	simm.s32 $0x4100  }
0x55: {  	[tilespmem:s26], [sflag:$0x1] =	stream.indirect_vreg.gather [hbm4b:s3+s2], $0x80, v4, vm0, $0xb8;
	[tilespmem:$0x10100] =	vst v63  }
0x56: {  	s24 =	simm.s32 $0x4900  }
0x57: {  	[tilespmem:s24], [sflag:$0x1] =	stream.indirect_vreg.gather [hbm4b:s3+s2], $0x80, v3, vm0, $0xb8;
	[tilespmem:$0x10100] =	vst v63  }
0x58: {  	v3 =	vld [tilespmem:$0x50];
	_ =	sdelay $0x4  }
0x59: {  	v61 =	vshll.u32 v3, $0x1  }
0x5a: {  	v3 =	vand.u32 $0x7, v3;
	v4 =	vand.u32 $0xFFFFFFF0, v61  }
0x5b: {  	v3 =	vor.u32 v3, v4  }
0x5c: {  	v4 =	vperm.xlane v3, v0;
	_ =	sdelay $0x1  }
0x5d: {  	v3 =	vperm.xlane v3, v2;
	v4 =	vadd.s32 v1, v4;
	_ =	sdelay $0x1  }
0x5e: {  	v3 =	vadd.s32 v1, v3;
	_ =	sdelay $0x1  }
0x5f: {  	s25 =	simm.s32 $0x5100  }
0x60: {  	[tilespmem:s25], [sflag:$0x1] =	stream.indirect_vreg.gather [hbm4b:s3+s2], $0x80, v4, vm0, $0xb8;
	[tilespmem:$0x10100] =	vst v63  }
0x61: {  	s26 =	simm.s32 $0x5900  }
0x62: {  	[tilespmem:s26], [sflag:$0x1] =	stream.indirect_vreg.gather [hbm4b:s3+s2], $0x80, v3, vm0, $0xb8;
	[tilespmem:$0x10100] =	vst v63  }
0x63: {  	v3 =	vld [tilespmem:$0x60];
	_ =	sdelay $0x4  }
0x64: {  	v62 =	vshll.u32 v3, $0x1  }
0x65: {  	v3 =	vand.u32 $0x7, v3;
	v4 =	vand.u32 $0xFFFFFFF0, v62  }
0x66: {  	v3 =	vor.u32 v3, v4  }
0x67: {  	v4 =	vperm.xlane v3, v0;
	_ =	sdelay $0x1  }
0x68: {  	v3 =	vperm.xlane v3, v2;
	v4 =	vadd.s32 v1, v4;
	_ =	sdelay $0x1  }
0x69: {  	v3 =	vadd.s32 v1, v3;
	_ =	sdelay $0x1  }
0x6a: {  	s24 =	simm.s32 $0x6100  }
0x6b: {  	[tilespmem:s24], [sflag:$0x1] =	stream.indirect_vreg.gather [hbm4b:s3+s2], $0x80, v4, vm0, $0xb8;
	[tilespmem:$0x10100] =	vst v63  }
0x6c: {  	s25 =	simm.s32 $0x6900  }
0x6d: {  	[tilespmem:s25], [sflag:$0x1] =	stream.indirect_vreg.gather [hbm4b:s3+s2], $0x80, v3, vm0, $0xb8;
	[tilespmem:$0x10100] =	vst v63  }
0x6e: {  	v3 =	vld [tilespmem:$0x70];
	_ =	sdelay $0x4  }
0x6f: {  	v63 =	vshll.u32 v3, $0x1  }
0x70: {  	v3 =	vand.u32 $0x7, v3;
	v4 =	vand.u32 $0xFFFFFFF0, v63  }
0x71: {  	v3 =	vor.u32 v3, v4  }
0x72: {  	v4 =	vperm.xlane v3, v0;
	_ =	sdelay $0x1  }
0x73: {  	v3 =	vperm.xlane v3, v2;
	v4 =	vadd.s32 v1, v4;
	_ =	sdelay $0x1  }
0x74: {  	v3 =	vadd.s32 v1, v3  }
.Ltmp2:
0x75: {  	_ = 	snop;
	(pc) =	sbr.rel .LBB2_2-.Ltmp2, $4  }
0x76: {  	s23 =	rddreg [dreg:$0x5];
	s26 =	simm.s32 $0x7100  }
0x77: {  	[tilespmem:s26], [sflag:$0x1] =	stream.indirect_vreg.gather [hbm4b:s3+s2], $0x80, v4, vm0, $0xb8;
	[tilespmem:$0x10100] =	vst v63  }
0x78: {  	s24 =	rddreg [dreg:$0x4];
	s25 =	simm.s32 $0x0  }
0x79: {  	[tilespmem:s28], [sflag:$0x1] =	stream.indirect_vreg.gather [hbm4b:s3+s2], $0x80, v3, vm0, $0xb8;
	[tilespmem:$0x10100] =	vst v63  }
.LBB2_4:
0x7a: {  	_ =	swait.ge [sflag:s22], $0x8000;
	s26 =	sadd.s32 s25, s9;
	s25 =	sadd.s32 $0x2000, s25  }
0x7b: {  	[sflag:s22] =	ssyncset.done $0x0;
	p0 =	sne.s32 s25, $0xA000  }
.Ltmp3:
0x7c: {  	[sflag:s22] =	ssyncadd.s32 $0xFFFF8000;
	(pc) =	sbr.rel @!p0 .LBB2_5-.Ltmp3, $4  }
0x7d: {  	[hbm4b:s26+s2] =	stream.linear.scatter [tilespmem:s30], [sflag:$0x3], $0x8000, $0x38;
	[tilespmem:$0x10100] =	vst v63  }
0x7e: {  	_ =	swait.ge [sflag:s11], $0x8000  }
0x7f: {  	[sflag:s11] =	ssyncset.done $0x0  }
0x80: {  	s24 =	sadd.s32 $0x100, s24;
	s23 =	sadd.s32 $0x20, s23;
	[sflag:s11] =	ssyncadd.s32 $0xFFFF8000  }
.LBB2_2:
0x81: {  	[tilespmem:s29], [sflag:$0x3] =	stream.linear.gather [hbm4b:s23+s2], $0x80, $0x38;
	[tilespmem:$0x10100] =	vst v63  }
0x82: {  	_ =	swait.ge [sflag:s11], $0x80  }
0x83: {  	[sflag:s11] =	ssyncset.done $0x0  }
0x84: {  	[sflag:s11] =	ssyncadd.s32 $0xFFFFFF80  }
0x85: {  	v3 =	vld [tilespmem:$0x80];
	_ =	sdelay $0x4  }
0x86: {  	v4 =	vshll.u32 v3, $0x1  }
0x87: {  	v3 =	vand.u32 $0x7, v3;
	v4 =	vand.u32 $0xFFFFFFF0, v4  }
0x88: {  	v3 =	vor.u32 v3, v4  }
0x89: {  	v4 =	vperm.xlane v3, v0;
	_ =	sdelay $0x1  }
0x8a: {  	v3 =	vperm.xlane v3, v2;
	v4 =	vadd.s32 v1, v4;
	_ =	sdelay $0x1  }
0x8b: {  	v3 =	vadd.s32 v1, v3;
	_ =	sdelay $0x2  }
0x8c: {  	[tilespmem:s30], [sflag:$0x2] =	stream.indirect_vreg.gather [hbm4b:s3+s2], $0x80, v4, vm0, $0xb8;
	[tilespmem:$0x10100] =	vst v63  }
0x8d: {  	_ = 	snop  }
0x8e: {  	[tilespmem:s31], [sflag:$0x2] =	stream.indirect_vreg.gather [hbm4b:s3+s2], $0x80, v3, vm0, $0xb8;
	[tilespmem:$0x10100] =	vst v63  }
0x8f: {  	v3 =	vld [tilespmem:$0x90];
	_ =	sdelay $0x4  }
0x90: {  	v57 =	vshll.u32 v3, $0x1  }
0x91: {  	v3 =	vand.u32 $0x7, v3;
	v4 =	vand.u32 $0xFFFFFFF0, v57  }
0x92: {  	v3 =	vor.u32 v3, v4  }
0x93: {  	v4 =	vperm.xlane v3, v0;
	_ =	sdelay $0x1  }
0x94: {  	v3 =	vperm.xlane v3, v2;
	v4 =	vadd.s32 v1, v4;
	_ =	sdelay $0x1  }
0x95: {  	v3 =	vadd.s32 v1, v3;
	_ =	sdelay $0x2  }
0x96: {  	[tilespmem:s0], [sflag:$0x2] =	stream.indirect_vreg.gather [hbm4b:s3+s2], $0x80, v4, vm0, $0xb8;
	[tilespmem:$0x10100] =	vst v63  }
0x97: {  	_ = 	snop  }
0x98: {  	[tilespmem:s1], [sflag:$0x2] =	stream.indirect_vreg.gather [hbm4b:s3+s2], $0x80, v3, vm0, $0xb8;
	[tilespmem:$0x10100] =	vst v63  }
0x99: {  	v3 =	vld [tilespmem:$0xA0];
	_ =	sdelay $0x4  }
0x9a: {  	v58 =	vshll.u32 v3, $0x1  }
0x9b: {  	v3 =	vand.u32 $0x7, v3;
	v4 =	vand.u32 $0xFFFFFFF0, v58  }
0x9c: {  	v3 =	vor.u32 v3, v4  }
0x9d: {  	v4 =	vperm.xlane v3, v0;
	_ =	sdelay $0x1  }
0x9e: {  	v3 =	vperm.xlane v3, v2;
	v4 =	vadd.s32 v1, v4;
	_ =	sdelay $0x1  }
0x9f: {  	v3 =	vadd.s32 v1, v3;
	_ =	sdelay $0x2  }
0xa0: {  	[tilespmem:s5], [sflag:$0x2] =	stream.indirect_vreg.gather [hbm4b:s3+s2], $0x80, v4, vm0, $0xb8;
	[tilespmem:$0x10100] =	vst v63  }
0xa1: {  	_ = 	snop  }
0xa2: {  	[tilespmem:s6], [sflag:$0x2] =	stream.indirect_vreg.gather [hbm4b:s3+s2], $0x80, v3, vm0, $0xb8;
	[tilespmem:$0x10100] =	vst v63  }
0xa3: {  	v3 =	vld [tilespmem:$0xB0];
	_ =	sdelay $0x4  }
0xa4: {  	v59 =	vshll.u32 v3, $0x1  }
0xa5: {  	v3 =	vand.u32 $0x7, v3;
	v4 =	vand.u32 $0xFFFFFFF0, v59  }
0xa6: {  	v3 =	vor.u32 v3, v4  }
0xa7: {  	v4 =	vperm.xlane v3, v0;
	_ =	sdelay $0x1  }
0xa8: {  	v3 =	vperm.xlane v3, v2;
	v4 =	vadd.s32 v1, v4;
	_ =	sdelay $0x1  }
0xa9: {  	v3 =	vadd.s32 v1, v3;
	_ =	sdelay $0x2  }
0xaa: {  	[tilespmem:s8], [sflag:$0x2] =	stream.indirect_vreg.gather [hbm4b:s3+s2], $0x80, v4, vm0, $0xb8;
	[tilespmem:$0x10100] =	vst v63  }
0xab: {  	_ = 	snop  }
0xac: {  	[tilespmem:s10], [sflag:$0x2] =	stream.indirect_vreg.gather [hbm4b:s3+s2], $0x80, v3, vm0, $0xb8;
	[tilespmem:$0x10100] =	vst v63  }
0xad: {  	v3 =	vld [tilespmem:$0xC0];
	_ =	sdelay $0x4  }
0xae: {  	v60 =	vshll.u32 v3, $0x1  }
0xaf: {  	v3 =	vand.u32 $0x7, v3;
	v4 =	vand.u32 $0xFFFFFFF0, v60  }
0xb0: {  	v3 =	vor.u32 v3, v4  }
0xb1: {  	v4 =	vperm.xlane v3, v0;
	_ =	sdelay $0x1  }
0xb2: {  	v3 =	vperm.xlane v3, v2;
	v4 =	vadd.s32 v1, v4;
	_ =	sdelay $0x1  }
0xb3: {  	v3 =	vadd.s32 v1, v3;
	_ =	sdelay $0x2  }
0xb4: {  	[tilespmem:s13], [sflag:$0x2] =	stream.indirect_vreg.gather [hbm4b:s3+s2], $0x80, v4, vm0, $0xb8;
	[tilespmem:$0x10100] =	vst v63  }
0xb5: {  	_ = 	snop  }
0xb6: {  	[tilespmem:s14], [sflag:$0x2] =	stream.indirect_vreg.gather [hbm4b:s3+s2], $0x80, v3, vm0, $0xb8;
	[tilespmem:$0x10100] =	vst v63  }
0xb7: {  	v3 =	vld [tilespmem:$0xD0];
	_ =	sdelay $0x4  }
0xb8: {  	v61 =	vshll.u32 v3, $0x1  }
0xb9: {  	v3 =	vand.u32 $0x7, v3;
	v4 =	vand.u32 $0xFFFFFFF0, v61  }
0xba: {  	v3 =	vor.u32 v3, v4  }
0xbb: {  	v4 =	vperm.xlane v3, v0;
	_ =	sdelay $0x1  }
0xbc: {  	v3 =	vperm.xlane v3, v2;
	v4 =	vadd.s32 v1, v4;
	_ =	sdelay $0x1  }
0xbd: {  	v3 =	vadd.s32 v1, v3;
	_ =	sdelay $0x2  }
0xbe: {  	[tilespmem:s15], [sflag:$0x2] =	stream.indirect_vreg.gather [hbm4b:s3+s2], $0x80, v4, vm0, $0xb8;
	[tilespmem:$0x10100] =	vst v63  }
0xbf: {  	_ = 	snop  }
0xc0: {  	[tilespmem:s16], [sflag:$0x2] =	stream.indirect_vreg.gather [hbm4b:s3+s2], $0x80, v3, vm0, $0xb8;
	[tilespmem:$0x10100] =	vst v63  }
0xc1: {  	v3 =	vld [tilespmem:$0xE0];
	_ =	sdelay $0x4  }
0xc2: {  	v62 =	vshll.u32 v3, $0x1  }
0xc3: {  	v3 =	vand.u32 $0x7, v3;
	v4 =	vand.u32 $0xFFFFFFF0, v62  }
0xc4: {  	v3 =	vor.u32 v3, v4  }
0xc5: {  	v4 =	vperm.xlane v3, v0;
	_ =	sdelay $0x1  }
0xc6: {  	v3 =	vperm.xlane v3, v2;
	v4 =	vadd.s32 v1, v4;
	_ =	sdelay $0x1  }
0xc7: {  	v3 =	vadd.s32 v1, v3;
	_ =	sdelay $0x2  }
0xc8: {  	[tilespmem:s17], [sflag:$0x2] =	stream.indirect_vreg.gather [hbm4b:s3+s2], $0x80, v4, vm0, $0xb8;
	[tilespmem:$0x10100] =	vst v63  }
0xc9: {  	_ = 	snop  }
0xca: {  	[tilespmem:s18], [sflag:$0x2] =	stream.indirect_vreg.gather [hbm4b:s3+s2], $0x80, v3, vm0, $0xb8;
	[tilespmem:$0x10100] =	vst v63  }
0xcb: {  	v3 =	vld [tilespmem:$0xF0];
	_ =	sdelay $0x4  }
0xcc: {  	v63 =	vshll.u32 v3, $0x1  }
0xcd: {  	v3 =	vand.u32 $0x7, v3;
	v4 =	vand.u32 $0xFFFFFFF0, v63  }
0xce: {  	v3 =	vor.u32 v3, v4  }
0xcf: {  	v4 =	vperm.xlane v3, v0;
	_ =	sdelay $0x1  }
0xd0: {  	v3 =	vperm.xlane v3, v2;
	v4 =	vadd.s32 v1, v4;
	_ =	sdelay $0x1  }
0xd1: {  	v3 =	vadd.s32 v1, v3;
	_ =	sdelay $0x2  }
0xd2: {  	[tilespmem:s19], [sflag:$0x2] =	stream.indirect_vreg.gather [hbm4b:s3+s2], $0x80, v4, vm0, $0xb8;
	[tilespmem:$0x10100] =	vst v63  }
0xd3: {  	_ = 	snop  }
0xd4: {  	[tilespmem:s20], [sflag:$0x2] =	stream.indirect_vreg.gather [hbm4b:s3+s2], $0x80, v3, vm0, $0xb8;
	[tilespmem:$0x10100] =	vst v63  }
0xd5: {  	_ =	swait.ge [sflag:s21], $0x8000  }
0xd6: {  	p0 =	seq.s32 s25, $0x8000;
	[sflag:s21] =	ssyncset.done $0x0  }
.Ltmp4:
0xd7: {  	s26 =	sadd.s32 s25, s7;
	[sflag:s21] =	ssyncadd.s32 $0xFFFF8000;
	(pc) =	sbr.rel @p0 .LBB2_4-.Ltmp4, $4  }
0xd8: {  	[hbm4b:s26+s2] =	stream.linear.scatter [tilespmem:s12], [sflag:$0x3], $0x8000, $0x38;
	[tilespmem:$0x10100] =	vst v63  }
0xd9: {  	_ =	swait.ge [sflag:s11], $0x8000  }
0xda: {  	[sflag:s11] =	ssyncset.done $0x0  }
0xdb: {  	[sflag:s11] =	ssyncadd.s32 $0xFFFF8000  }
0xdc: {  	s26 =	sshrl.u32 s24, $0x3  }
0xdd: {  	s26 =	sadd.s32 s4, s26  }
0xde: {  	[tilespmem:s2], [sflag:$0x3] =	stream.linear.gather [hbm4b:s26+s2], $0x80, $0x38;
	[tilespmem:$0x10100] =	vst v63  }
0xdf: {  	_ =	swait.ge [sflag:s11], $0x80  }
0xe0: {  	[sflag:s11] =	ssyncset.done $0x0  }
0xe1: {  	[sflag:s11] =	ssyncadd.s32 $0xFFFFFF80  }
0xe2: {  	v3 =	vld [tilespmem:$0x0];
	_ =	sdelay $0x4  }
0xe3: {  	v4 =	vshll.u32 v3, $0x1  }
0xe4: {  	v3 =	vand.u32 $0x7, v3;
	v4 =	vand.u32 $0xFFFFFFF0, v4  }
0xe5: {  	v3 =	vor.u32 v3, v4  }
0xe6: {  	v4 =	vperm.xlane v3, v0;
	_ =	sdelay $0x1  }
0xe7: {  	v3 =	vperm.xlane v3, v2;
	v4 =	vadd.s32 v1, v4;
	_ =	sdelay $0x1  }
0xe8: {  	v3 =	vadd.s32 v1, v3;
	_ =	sdelay $0x2  }
0xe9: {  	[tilespmem:s12], [sflag:$0x1] =	stream.indirect_vreg.gather [hbm4b:s3+s2], $0x80, v4, vm0, $0xb8;
	[tilespmem:$0x10100] =	vst v63  }
0xea: {  	s26 =	simm.s32 $0x900  }
0xeb: {  	[tilespmem:s26], [sflag:$0x1] =	stream.indirect_vreg.gather [hbm4b:s3+s2], $0x80, v3, vm0, $0xb8;
	[tilespmem:$0x10100] =	vst v63  }
0xec: {  	v3 =	vld [tilespmem:$0x10];
	_ =	sdelay $0x4  }
0xed: {  	v57 =	vshll.u32 v3, $0x1  }
0xee: {  	v3 =	vand.u32 $0x7, v3;
	v4 =	vand.u32 $0xFFFFFFF0, v57  }
0xef: {  	v3 =	vor.u32 v3, v4  }
0xf0: {  	v4 =	vperm.xlane v3, v0;
	_ =	sdelay $0x1  }
0xf1: {  	v3 =	vperm.xlane v3, v2;
	v4 =	vadd.s32 v1, v4;
	_ =	sdelay $0x1  }
0xf2: {  	v3 =	vadd.s32 v1, v3;
	_ =	sdelay $0x1  }
0xf3: {  	s26 =	simm.s32 $0x1100  }
0xf4: {  	[tilespmem:s26], [sflag:$0x1] =	stream.indirect_vreg.gather [hbm4b:s3+s2], $0x80, v4, vm0, $0xb8;
	[tilespmem:$0x10100] =	vst v63  }
0xf5: {  	s26 =	simm.s32 $0x1900  }
0xf6: {  	[tilespmem:s26], [sflag:$0x1] =	stream.indirect_vreg.gather [hbm4b:s3+s2], $0x80, v3, vm0, $0xb8;
	[tilespmem:$0x10100] =	vst v63  }
0xf7: {  	v3 =	vld [tilespmem:$0x20];
	_ =	sdelay $0x4  }
0xf8: {  	v58 =	vshll.u32 v3, $0x1  }
0xf9: {  	v3 =	vand.u32 $0x7, v3;
	v4 =	vand.u32 $0xFFFFFFF0, v58  }
0xfa: {  	v3 =	vor.u32 v3, v4  }
0xfb: {  	v4 =	vperm.xlane v3, v0;
	_ =	sdelay $0x1  }
0xfc: {  	v3 =	vperm.xlane v3, v2;
	v4 =	vadd.s32 v1, v4;
	_ =	sdelay $0x1  }
0xfd: {  	v3 =	vadd.s32 v1, v3;
	_ =	sdelay $0x1  }
0xfe: {  	s26 =	simm.s32 $0x2100  }
0xff: {  	[tilespmem:s26], [sflag:$0x1] =	stream.indirect_vreg.gather [hbm4b:s3+s2], $0x80, v4, vm0, $0xb8;
	[tilespmem:$0x10100] =	vst v63  }
0x100: {  	s26 =	simm.s32 $0x2900  }
0x101: {  	[tilespmem:s26], [sflag:$0x1] =	stream.indirect_vreg.gather [hbm4b:s3+s2], $0x80, v3, vm0, $0xb8;
	[tilespmem:$0x10100] =	vst v63  }
0x102: {  	v3 =	vld [tilespmem:$0x30];
	_ =	sdelay $0x4  }
0x103: {  	v59 =	vshll.u32 v3, $0x1  }
0x104: {  	v3 =	vand.u32 $0x7, v3;
	v4 =	vand.u32 $0xFFFFFFF0, v59  }
0x105: {  	v3 =	vor.u32 v3, v4  }
0x106: {  	v4 =	vperm.xlane v3, v0;
	_ =	sdelay $0x1  }
0x107: {  	v3 =	vperm.xlane v3, v2;
	v4 =	vadd.s32 v1, v4;
	_ =	sdelay $0x1  }
0x108: {  	v3 =	vadd.s32 v1, v3;
	_ =	sdelay $0x1  }
0x109: {  	s26 =	simm.s32 $0x3100  }
0x10a: {  	[tilespmem:s26], [sflag:$0x1] =	stream.indirect_vreg.gather [hbm4b:s3+s2], $0x80, v4, vm0, $0xb8;
	[tilespmem:$0x10100] =	vst v63  }
0x10b: {  	s26 =	simm.s32 $0x3900  }
0x10c: {  	[tilespmem:s26], [sflag:$0x1] =	stream.indirect_vreg.gather [hbm4b:s3+s2], $0x80, v3, vm0, $0xb8;
	[tilespmem:$0x10100] =	vst v63  }
0x10d: {  	v3 =	vld [tilespmem:$0x40];
	_ =	sdelay $0x4  }
0x10e: {  	v60 =	vshll.u32 v3, $0x1  }
0x10f: {  	v3 =	vand.u32 $0x7, v3;
	v4 =	vand.u32 $0xFFFFFFF0, v60  }
0x110: {  	v3 =	vor.u32 v3, v4  }
0x111: {  	v4 =	vperm.xlane v3, v0;
	_ =	sdelay $0x1  }
0x112: {  	v3 =	vperm.xlane v3, v2;
	v4 =	vadd.s32 v1, v4;
	_ =	sdelay $0x1  }
0x113: {  	v3 =	vadd.s32 v1, v3;
	_ =	sdelay $0x1  }
0x114: {  	s26 =	simm.s32 $0x4100  }
0x115: {  	[tilespmem:s26], [sflag:$0x1] =	stream.indirect_vreg.gather [hbm4b:s3+s2], $0x80, v4, vm0, $0xb8;
	[tilespmem:$0x10100] =	vst v63  }
0x116: {  	s26 =	simm.s32 $0x4900  }
0x117: {  	[tilespmem:s26], [sflag:$0x1] =	stream.indirect_vreg.gather [hbm4b:s3+s2], $0x80, v3, vm0, $0xb8;
	[tilespmem:$0x10100] =	vst v63  }
0x118: {  	v3 =	vld [tilespmem:$0x50];
	_ =	sdelay $0x4  }
0x119: {  	v61 =	vshll.u32 v3, $0x1  }
0x11a: {  	v3 =	vand.u32 $0x7, v3;
	v4 =	vand.u32 $0xFFFFFFF0, v61  }
0x11b: {  	v3 =	vor.u32 v3, v4  }
0x11c: {  	v4 =	vperm.xlane v3, v0;
	_ =	sdelay $0x1  }
0x11d: {  	v3 =	vperm.xlane v3, v2;
	v4 =	vadd.s32 v1, v4;
	_ =	sdelay $0x1  }
0x11e: {  	v3 =	vadd.s32 v1, v3;
	_ =	sdelay $0x1  }
0x11f: {  	s26 =	simm.s32 $0x5100  }
0x120: {  	[tilespmem:s26], [sflag:$0x1] =	stream.indirect_vreg.gather [hbm4b:s3+s2], $0x80, v4, vm0, $0xb8;
	[tilespmem:$0x10100] =	vst v63  }
0x121: {  	s26 =	simm.s32 $0x5900  }
0x122: {  	[tilespmem:s26], [sflag:$0x1] =	stream.indirect_vreg.gather [hbm4b:s3+s2], $0x80, v3, vm0, $0xb8;
	[tilespmem:$0x10100] =	vst v63  }
0x123: {  	v3 =	vld [tilespmem:$0x60];
	_ =	sdelay $0x4  }
0x124: {  	v62 =	vshll.u32 v3, $0x1  }
0x125: {  	v3 =	vand.u32 $0x7, v3;
	v4 =	vand.u32 $0xFFFFFFF0, v62  }
0x126: {  	v3 =	vor.u32 v3, v4  }
0x127: {  	v4 =	vperm.xlane v3, v0;
	_ =	sdelay $0x1  }
0x128: {  	v3 =	vperm.xlane v3, v2;
	v4 =	vadd.s32 v1, v4;
	_ =	sdelay $0x1  }
0x129: {  	v3 =	vadd.s32 v1, v3;
	_ =	sdelay $0x1  }
0x12a: {  	s26 =	simm.s32 $0x6100  }
0x12b: {  	[tilespmem:s26], [sflag:$0x1] =	stream.indirect_vreg.gather [hbm4b:s3+s2], $0x80, v4, vm0, $0xb8;
	[tilespmem:$0x10100] =	vst v63  }
0x12c: {  	s26 =	simm.s32 $0x6900  }
0x12d: {  	[tilespmem:s26], [sflag:$0x1] =	stream.indirect_vreg.gather [hbm4b:s3+s2], $0x80, v3, vm0, $0xb8;
	[tilespmem:$0x10100] =	vst v63  }
0x12e: {  	v3 =	vld [tilespmem:$0x70];
	_ =	sdelay $0x4  }
0x12f: {  	v63 =	vshll.u32 v3, $0x1  }
0x130: {  	v3 =	vand.u32 $0x7, v3;
	v4 =	vand.u32 $0xFFFFFFF0, v63  }
0x131: {  	v3 =	vor.u32 v3, v4  }
0x132: {  	v4 =	vperm.xlane v3, v0;
	_ =	sdelay $0x1  }
0x133: {  	v3 =	vperm.xlane v3, v2;
	v4 =	vadd.s32 v1, v4;
	_ =	sdelay $0x1  }
0x134: {  	v3 =	vadd.s32 v1, v3  }
.Ltmp5:
0x135: {  	_ = 	snop;
	(pc) =	sbr.rel .LBB2_4-.Ltmp5, $4  }
0x136: {  	s26 =	simm.s32 $0x7100  }
0x137: {  	[tilespmem:s26], [sflag:$0x1] =	stream.indirect_vreg.gather [hbm4b:s3+s2], $0x80, v4, vm0, $0xb8;
	[tilespmem:$0x10100] =	vst v63  }
0x138: {  	_ = 	snop  }
0x139: {  	[tilespmem:s28], [sflag:$0x1] =	stream.indirect_vreg.gather [hbm4b:s3+s2], $0x80, v3, vm0, $0xb8;
	[tilespmem:$0x10100] =	vst v63  }
.LBB2_6:
0x13a: {  	_ =	sfence.sel $0x180000  }
0x13b: {  	[bflag:$0x0] =	sbarrier.arrive $0xFFFF  }
0x13c: {  	_ =	strace $0x9000004D  }
0x13d: {  	s0 =	stileid.u32;
	[bflag:$0x2] =	sbarrier.arrive $0xFFFF  }
0x13e: {  	p0 =	sne.s32 s0, $0x0;
	s0 =	rddreg [dreg:$0x1]  }
0x13f: {  	s0 =	sadd.s32 @!p0 $0x100000, s0  }
0x140: {  	[sflag:s0] =	ssyncadd.tile.s32 @!p0 $0x1;
	_ =	shalt  }
.Lfunc_end2:
_tile_overlayer_lowered:
.L_overlay_start_2:
0x141: {  	(tag) =	ssettag $0x2  }
0x142: {  	s0 =	rddreg [dreg:$0x0];
	s2 =	stileid.u32  }
0x143: {  	s1 =	rddreg [dreg:$0x1];
	p0 =	sne.s32 s2, $0x0  }
0x144: {  	s3 =	rddreg [dreg:$0x2];
	[bflag:$0x3] =	sbarrier.arrive $0xFFFF;
	s2 =	simm.s32 @!p0 $0x1C03  }
0x145: {  	[timem:s3], [sflag:s2] =	dma.local @!p0 [hbm:s0], s1  }
0x146: {  	s0 =	simm.s32 @!p0 $0x3  }
0x147: {  	_ =	swait.ge @!p0 [sflag:s0], s1  }
0x148: {  	s1 =	ssub.s32 @!p0 $0x0, s1;
	[sflag:s0] =	ssyncset.done @!p0 $0x0  }
0x149: {  	[sflag:s0] =	ssyncadd.s32 @!p0 s1  }
0x14a: {  	[bflag:$0x3] =	sbarrier.arrive $0xFFFF  }
0x14b: {  	_ =	shalt  }

// kernel: kernel.31.cloned.1.call-start
scs
__scs_entry_jumppad:
0x0: {  	(pc) =	sbr.rel $0x88, $3  }
0x1: {  	(tag) =	ssettag $0x0;
	lr =	simm.s32 $0x1  }
0x2: {  	[smem:$0x3F8F] =	sst lr;
	_ =	strace $0xD0000000  }
0x3: {  	_ = 	snop  }
0x4: {  	_ = 	snop  }
0x5: {  	_ = 	snop  }
0x6: {  	_ = 	snop  }
0x7: {  	_ = 	snop  }
__scs_overlays_trampoline_lowered:
0x8: {  	[smem:$0x3F9E] =	sst s0  }
0x9: {  	[smem:$0x3F9F] =	sst s1  }
0xa: {  	[smem:$0x3FA0] =	sst s2  }
0xb: {  	[smem:$0x3FA1] =	sst s3  }
0xc: {  	[smem:$0x3FA2] =	sst s4  }
0xd: {  	[smem:$0x3FA3] =	sst s5  }
0xe: {  	[smem:$0x3FA4] =	sst s6  }
0xf: {  	[smem:$0x3FA5] =	sst s7  }
0x10: {  	[smem:$0x3FA6] =	sst s8  }
0x11: {  	[smem:$0x3FA7] =	sst s9;
	s0 =	simm.s32 @!p0 $0x0  }
0x12: {  	s1 =	sld [smem:$0x3F8D];
	s0 =	simm.s32 @p0 $0x1  }
0x13: {  	[smem:$0x3FA8] =	sst s0;
	s0 =	simm.s32 @!p1 $0x0  }
0x14: {  	s2 =	sld [smem:$0x3F8C];
	s0 =	simm.s32 @p1 $0x1  }
0x15: {  	[smem:$0x3FA9] =	sst s0;
	s0 =	simm.s32 @!p2 $0x0  }
0x16: {  	s3 =	sld [smem:$0x3FDB];
	s0 =	simm.s32 @p2 $0x1  }
0x17: {  	s4 =	simm.s32 $0x1BF5;
	[smem:$0x3FAB] =	sst s0  }
0x18: {  	s0 =	sld [smem:$0x3F8E];
	_ =	swait.ge [sflag:s4], $0x0  }
0x19: {  	s7 =	sld [smem:$0x3F8F]  }
0x1a: {  	s8 =	sadd.s32 $0xFFFFE003, lr  }
0x1b: {  	s9 =	sadd.s32 $0xFFFFFEF7, lr;
	s5 =	simm.s32 $0xFFFFFFFF;
	p2 =	slt.u32 s8, $0xFFFFF086  }
0x1c: {  	p1 =	slt.u32 s9, $0xF7A;
	s5 =	simm.s32 @!p2 $0x0  }
0x1d: {  	s5 =	simm.s32 @p1 $0x1;
	p0 =	seq.s32 s7, s2  }
0x1e: {  	s7 =	smul.u32 @!p0 $0xF7A, s2;
	p2 =	seq.s32 @!p0 s5, $0x0  }
0x1f: {  	s9 =	smul.u32 $0xF7A, s1;
	s8 =	simm.s32 @!p0 $0x1BF5;
	p2 =	por !p2, p0  }
0x20: {  	[sflag:s8] =	ssyncset.s32 @!p0 $0xFFFFF086;
	s6 =	sadd.s32 @!p0 s3, s7;
	s7 =	simm.s32 @!p0 $0x108  }
0x21: {  	s3 =	sadd.s32 s3, s9;
	s6 =	sadd.s32 @!p0 $0x88, s6;
	s7 =	simm.s32 @p2 $0x1082  }
0x22: {  	[simem:s7], [sflag:s8] =	dma.local @!p0 [hbm:s6], $0xF7A  }
0x23: {  	s9 =	sor.u32 $0xD0000000, s2;
	s6 =	simm.s32 $0x108;
	_ =	swait.ge @!p0 [sflag:s8], $0x0  }
0x24: {  	s3 =	sadd.s32 $0x88, s3;
	s6 =	simm.s32 @!p1 $0x1082;
	[sflag:s4] =	ssyncset.s32 $0xFFFFF086  }
0x25: {  	[simem:s6], [sflag:s4] =	dma.local [hbm:s3], $0xF7A  }
0x26: {  	[smem:$0x3F8F] =	sst s1;
	(tag) =	ssettag s2;
	_ =	strace s9  }
0x27: {  	s1 =	sld [smem:$0x3F9F]  }
0x28: {  	s2 =	sld [smem:$0x3FA0]  }
0x29: {  	s4 =	sld [smem:$0x3FA2]  }
0x2a: {  	p0 =	seq.s32 s5, $0x0;
	s5 =	sld [smem:$0x3FA3]  }
0x2b: {  	s6 =	sld [smem:$0x3FA4]  }
0x2c: {  	s7 =	sld [smem:$0x3FA5]  }
0x2d: {  	s3 =	simm.s32 $0x108;
	s8 =	sld [smem:$0x3FA6]  }
0x2e: {  	s3 =	simm.s32 @!p0 $0x1082;
	s9 =	sld [smem:$0x3FA7]  }
0x2f: {  	lr =	sadd.s32 s0, s3;
	s0 =	sld [smem:$0x3F9E]  }
0x30: {  	s3 =	sld [smem:$0x3FA1]  }
0x31: {  	[smem:$0x3FAA] =	sst s10  }
0x32: {  	s10 =	sld [smem:$0x3FA8];
	_ =	sdelay $0x3  }
0x33: {  	p0 =	seq.s32 s10, $0x1;
	s10 =	sld [smem:$0x3FAA];
	_ =	sdelay $0x3  }
0x34: {  	[smem:$0x3FAA] =	sst s10  }
0x35: {  	s10 =	sld [smem:$0x3FA9];
	_ =	sdelay $0x3  }
0x36: {  	p1 =	seq.s32 s10, $0x1;
	s10 =	sld [smem:$0x3FAA];
	_ =	sdelay $0x3  }
0x37: {  	[smem:$0x3FAA] =	sst s10  }
0x38: {  	s10 =	sld [smem:$0x3FAB]  }
0x39: {  	_ = 	snop;
	(pc) =	sbr.ind lr, $3  }
0x3a: {  	_ = 	snop  }
0x3b: {  	_ = 	snop  }
0x3c: {  	p2 =	seq.s32 s10, $0x1;
	s10 =	sld [smem:$0x3FAA]  }
0x3d: {  	_ =	shalt  }
0x3e: {  	_ =	shalt  }
0x3f: {  	_ =	shalt  }
0x40: {  	_ =	shalt  }
0x41: {  	_ =	shalt  }
0x42: {  	_ =	shalt  }
0x43: {  	_ =	shalt  }
0x44: {  	_ =	shalt  }
0x45: {  	_ =	shalt  }
0x46: {  	_ =	shalt  }
0x47: {  	_ =	shalt  }
0x48: {  	_ =	shalt  }
0x49: {  	_ =	shalt  }
0x4a: {  	_ =	shalt  }
0x4b: {  	_ =	shalt  }
0x4c: {  	_ =	shalt  }
0x4d: {  	_ =	shalt  }
0x4e: {  	_ =	shalt  }
0x4f: {  	_ =	shalt  }
0x50: {  	_ =	shalt  }
0x51: {  	_ =	shalt  }
0x52: {  	_ =	shalt  }
0x53: {  	_ =	shalt  }
0x54: {  	_ =	shalt  }
0x55: {  	_ =	shalt  }
0x56: {  	_ =	shalt  }
0x57: {  	_ =	shalt  }
0x58: {  	_ =	shalt  }
0x59: {  	_ =	shalt  }
0x5a: {  	_ =	shalt  }
0x5b: {  	_ =	shalt  }
0x5c: {  	_ =	shalt  }
0x5d: {  	_ =	shalt  }
0x5e: {  	_ =	shalt  }
0x5f: {  	_ =	shalt  }
0x60: {  	_ =	shalt  }
0x61: {  	_ =	shalt  }
0x62: {  	_ =	shalt  }
0x63: {  	_ =	shalt  }
0x64: {  	_ =	shalt  }
0x65: {  	_ =	shalt  }
0x66: {  	_ =	shalt  }
0x67: {  	_ =	shalt  }
0x68: {  	_ =	shalt  }
0x69: {  	_ =	shalt  }
0x6a: {  	_ =	shalt  }
0x6b: {  	_ =	shalt  }
0x6c: {  	_ =	shalt  }
0x6d: {  	_ =	shalt  }
0x6e: {  	_ =	shalt  }
0x6f: {  	_ =	shalt  }
0x70: {  	_ =	shalt  }
0x71: {  	_ =	shalt  }
0x72: {  	_ =	shalt  }
0x73: {  	_ =	shalt  }
0x74: {  	_ =	shalt  }
0x75: {  	_ =	shalt  }
0x76: {  	_ =	shalt  }
0x77: {  	_ =	shalt  }
0x78: {  	_ =	shalt  }
0x79: {  	_ =	shalt  }
0x7a: {  	_ =	shalt  }
0x7b: {  	_ =	shalt  }
0x7c: {  	_ =	shalt  }
0x7d: {  	_ =	shalt  }
0x7e: {  	_ =	shalt  }
0x7f: {  	_ =	shalt  }
0x80: {  	_ =	shalt  }
0x81: {  	_ =	shalt  }
0x82: {  	_ =	shalt  }
0x83: {  	_ =	shalt  }
0x84: {  	_ =	shalt  }
0x85: {  	_ =	shalt  }
0x86: {  	_ =	shalt  }
0x87: {  	_ =	shalt  }
.Lfunc_end0:
.L_simem_size_0:
called_computation.3_lowered:
.L_overlay_start_0:
0x88: {  	s2 =	sld [smem:$0x3FD9]  }
0x89: {  	s3 =	sld [smem:$0x3FFE];
	_ =	sdelay $0x1  }
0x8a: {  	s1 =	srdreg.scid  }
0x8b: {  	s0 =	sand.u32 $0x1, s1  }
0x8c: {  	s15 =	sshll.u32 s0, $0xA;
	s2 =	sadd.s32 s3, s2  }
0x8d: {  	s2 =	sadd.s32 s2, s15  }
0x8e: {  	[smem:$0x3FB6] =	sst s2  }
0x8f: {  	_ = 	snop  }
0x90: {  	s2 =	sld [smem:$0x3FD0];
	_ =	sdelay $0x2  }
0x91: {  	s16 =	simm.s32 $0xD;
	s4 =	simm.s32 $0x10  }
0x92: {  	[smem:s4], [sflag:s16] =	dma.local [hbm:s2], $0x1  }
0x93: {  	_ =	swait.eq [sflag:s16], $0x1  }
0x94: {  	[sflag:s16] =	ssyncset.done $0x0  }
0x95: {  	[sflag:s16] =	ssyncadd.s32 $0xFFFFFFFF  }
0x96: {  	s17 =	sld [smem:$0x10];
	(tm) =	ssettm $0x1  }
0x97: {  	s18 =	sld [smem:$0x3FFB];
	_ =	sdelay $0x3  }
0x98: {  	_ =	strace s18  }
0x99: {  	s2 =	sld [smem:$0x3FFC];
	_ =	sdelay $0x3  }
0x9a: {  	_ =	strace s2  }
0x9b: {  	s2 =	sld [smem:$0x3FFD];
	_ =	sdelay $0x3  }
0x9c: {  	_ =	strace s2  }
0x9d: {  	_ =	strace $0x8FFFFFFF  }
0x9e: {  	s19 =	sld [smem:$0x3FDB];
	_ =	sdelay $0x1  }
0x9f: {  	s20 =	simm.s32 $_scs_section_size  }
0xa0: {  	s5 =	simm.s32 $_size__tile_overlayer_lowered;
	s6 =	simm.s32 $_tile_overlayer_lowered  }
0xa1: {  	s7 =	simm.s32 $0x1BFF;
	s21 =	sshll.u32 s6, $0x1;
	s4 =	sadd.s32 s20, s19  }
0xa2: {  	s22 =	simm.s32 $0x0;
	s5 =	sshll.u32 s5, $0x1;
	s6 =	sadd.s32 s21, s4  }
0xa3: {  	[timem:s22], [sflag:s7] =	dma.local [hbm:s6], s5  }
0xa4: {  	_ =	swait.ge [sflag:s7], s5  }
0xa5: {  	s5 =	ssub.s32 $0x0, s5;
	[sflag:s7] =	ssyncset.done $0x0  }
0xa6: {  	[sflag:s7] =	ssyncadd.s32 s5;
	_ =	sdelay $0x1  }
0xa7: {  	s23 =	simm.s32 $0x1B8B  }
0xa8: {  	_ =	swait.ge [sflag:s23], $0x1  }
0xa9: {  	[sflag:s23] =	ssyncset.done $0x0  }
0xaa: {  	[sflag:s23] =	ssyncadd.s32 $0xFFFFFFFF  }
0xab: {  	s5 =	sld [smem:$0x0]  }
0xac: {  	s6 =	sand.u32 $0xFFFFFFFE, s1  }
0xad: {  	p0 =	sne.s32 s1, s6  }
0xae: {  	s6 =	sshll.u32 @p0 s6, $0xE  }
0xaf: {  	s6 =	sadd.s32 @p0 $0x11B8D, s6;
	s7 =	sshll.u32 @p0 s5, $0x11  }
0xb0: {  	s6 =	sor.u32 @p0 s7, s6  }
0xb1: {  	[sflag:s6] =	ssyncadd.remote.s32 @p0 $0x1;
	_ =	sdelay $0x1  }
0xb2: {  	s6 =	simm.s32 @p0 $0x1B8D  }
0xb3: {  	_ =	swait.eq @p0 [sflag:s6], $0x1  }
0xb4: {  	[sflag:s6] =	ssyncadd.s32 @p0 $0xFFFFFFFF  }
0xb5: {  	s7 =	sshll.u32 @!p0 s1, $0xE  }
0xb6: {  	s7 =	sor.u32 @!p0 $0x4000, s7;
	s6 =	simm.s32 @!p0 $0x1B8D  }
0xb7: {  	s5 =	sshll.u32 @!p0 s5, $0x11;
	s7 =	sadd.s32 @!p0 $0x11B8D, s7;
	_ =	swait.eq @!p0 [sflag:s6], $0x1  }
0xb8: {  	s5 =	sor.u32 @!p0 s5, s7;
	[sflag:s6] =	ssyncadd.s32 @!p0 $0xFFFFFFFF  }
0xb9: {  	s25 =	simm.s32 $0x1B8E;
	s24 =	sld [smem:$0x3FFE];
	[sflag:s5] =	ssyncadd.remote.s32 @!p0 $0x1  }
0xba: {  	s26 =	simm.s32 $execute0_lowered;
	[smem:$0x3FD2] =	sst s25  }
0xbb: {  	s6 =	sshll.u32 s26, $0x1;
	_ =	strace $0x8000004F;
	[dreg:$0x1] =	wrdreg $0xFFFFFFFF  }
0xbc: {  	s28 =	simm.s32 $_size_execute0_lowered;
	s4 =	sadd.s32 s4, s6;
	[dreg:$0x0] =	wrdreg $0x0  }
0xbd: {  	s6 =	sshll.u32 s28, $0x1;
	[dreg:$0x2] =	wrdreg s4  }
0xbe: {  	[dreg:$0x3] =	wrdreg s6  }
0xbf: {  	[dreg:$0x4] =	wrdreg $0xC0  }
0xc0: {  	_ =	task [dreg:s22], $0x5FFFF  }
0xc1: {  	[dreg:$0x1] =	wrdreg $0xFFFFFFFF  }
0xc2: {  	[dreg:$0x0] =	wrdreg $0x60  }
0xc3: {  	[dreg:$0x2] =	wrdreg s24  }
0xc4: {  	[dreg:$0x3] =	wrdreg s17  }
0xc5: {  	[dreg:$0x4] =	wrdreg $0xC  }
0xc6: {  	_ =	task.clear_ibuf [dreg:s22], $0x5FFFF;
	_ =	strace $0x9000004F  }
0xc7: {  	s29 =	simm.s32 $0xC;
	_ =	strace $0x80000051  }
0xc8: {  	_ =	swait.ge [sflag:s29], $0x1  }
0xc9: {  	[sflag:s29] =	ssyncadd.s32 $0xFFFFFFFF  }
0xca: {  	_ =	strace $0x90000051  }
0xcb: {  	_ =	sfence  }
0xcc: {  	s30 =	sld [smem:$0x0];
	_ =	sdelay $0x2  }
0xcd: {  	s31 =	sshll.u32 s1, $0xD;
	s1 =	sshrl.u32 s1, $0x2  }
0xce: {  	s4 =	sand.u32 $0x4000, s31;
	s1 =	sadd.s32 s1, s30  }
0xcf: {  	s0 =	sor.u32 s4, s0;
	s1 =	sshll.u32 s1, $0x11  }
0xd0: {  	s0 =	sor.u32 s1, s0  }
0xd1: {  	s0 =	sadd.s32 $0x8F2B, s0  }
0xd2: {  	[sflag:s0] =	ssyncadd.remote.s32 $0x1  }
0xd3: {  	_ =	sfence.sel $0xFFFF  }
0xd4: {  	[dreg:$0x0] =	wrdreg $0xFFFFFFFF;
	(pc) =	sbr.abs _section_cstart, $3  }
0xd5: {  	[dreg:$0x1] =	wrdreg $0xFFFFFFFF  }
0xd6: {  	_ =	task.clear_ibuf [dreg:s22], $0x2FFFF;
	_ =	strace $0x9FFFFFFF  }
0xd7: {  	(tm) =	ssettm $0x7FFFFFFF  }
tec
execute0_lowered:
.L_overlay_start_1:
0x0: {  	(tag) =	ssettag $0x1  }
0x1: {  	s0 =	rddreg [dreg:$0x0];
	s1 =	srdreg.scid  }
0x2: {  	s11 =	stileid.u32;
	s5 =	rddreg [dreg:$0x1]  }
0x3: {  	s2 =	simm.s32 $0x0;
	s12 =	simm.s32 $0x100;
	s28 =	simm.s32 $0x7900  }
0x4: {  	s29 =	simm.s32 $0x80;
	s30 =	simm.s32 $0x8100;
	s31 =	simm.s32 $0x8900  }
0x5: {  	s13 =	simm.s32 $0xC100;
	s14 =	simm.s32 $0xC900;
	s7 =	smul.u32 $0xA0000, s11  }
0x6: {  	s15 =	simm.s32 $0xD100;
	s16 =	simm.s32 $0xD900;
	s10 =	smul.u32 $0xA00, s11  }
0x7: {  	s17 =	simm.s32 $0xE100;
	s1 =	sand.u32 $0x1, s1;
	s22 =	smul.u32 $0x14000, s11  }
0x8: {  	s18 =	simm.s32 $0xE900;
	s3 =	sshll.u32 s11, $0x1;
	s8 =	smul.u32 $0x50000, s1  }
0x9: {  	[smem:$0x7FF] =	sst s2;
	s4 =	sadd.s32 $0x453C00, s0;
	s20 =	smul.u32 $0x500, s1  }
0xa: {  	s3 =	sor.u32 s1, s3;
	s19 =	ssub.s32 $0x2, s1;
	s1 =	smul.u32 $0xA000, s1  }
0xb: {  	s11 =	simm.s32 $0x3;
	_ =	strace $0x80000050;
	s6 =	smul.u32 $0x500, s3  }
0xc: {  	s3 =	sadd.s32 $0x3CA00, s0;
	s9 =	sshrl.u32 s19, $0x1;
	s23 =	sadd.s32 s22, s5  }
0xd: {  	s22 =	simm.s32 $0x2;
	s0 =	ssub.s32 s19, s9;
	s21 =	sadd.s32 s8, s7  }
0xe: {  	s8 =	simm.s32 $0xB100;
	s6 =	sshrl.u32 s6, $0x3;
	s0 =	smax.u32 s0, $0x1  }
0xf: {  	s19 =	simm.s32 $0xF100;
	s6 =	sadd.s32 s4, s6;
	[dreg:$0x4] =	wrdreg s0  }
0x10: {  	s0 =	sshrl.u32 s21, $0x3;
	s21 =	simm.s32 $0x1;
	[dreg:$0x3] =	wrdreg s6  }
0x11: {  	s6 =	sadd.s32 s20, s10;
	s7 =	sadd.s32 s0, s5;
	s0 =	sadd.s32 s1, s23  }
.Ltmp0:
0x12: {  	s1 =	simm.s32 $0x9100;
	s5 =	simm.s32 $0xA100;
	(pc) =	sbr.rel .LBB2_1-.Ltmp0, $4  }
0x13: {  	s10 =	simm.s32 $0xB900;
	s20 =	simm.s32 $0xF900;
	s24 =	sor.u32 $0x80, s6  }
0x14: {  	v2 =	vlaneseq.u32;
	s6 =	sadd.s32 $0x100, s6;
	s9 =	sadd.s32 $0x1000, s0;
	s25 =	sshrl.u32 s24, $0x3  }
0x15: {  	vm0 =	vmmov $0xffff;
	v1 =	vshrl.u32 v2, $0x3;
	s0 =	simm.s32 $0x9900;
	[dreg:$0x5] =	wrdreg s6;
	s26 =	sadd.s32 s25, s4  }
0x16: {  	v0 =	vand.u32 $0x7, v2;
	v2 =	vor.u32 $0x8, v2;
	v1 =	vmul.u32 $0x8, v1;
	s6 =	simm.s32 $0xA900;
	s24 =	simm.s32 $0x0;
	[dreg:$0x6] =	wrdreg s26  }
.LBB2_5:
0x17: {  	s24 =	rddreg [dreg:$0x7]  }
0x18: {  	s23 =	rddreg [dreg:$0x4];
	s24 =	sadd.s32 $0x1, s24  }
0x19: {  	p0 =	sne.s32 s24, s23  }
.Ltmp1:
0x1a: {  	_ = 	snop;
	(pc) =	sbr.rel @!p0 .LBB2_6-.Ltmp1, $1  }
0x1b: {  	_ =	sdelay $0x3  }
.LBB2_1:
0x1c: {  	[dreg:$0x7] =	wrdreg s24  }
0x1d: {  	s23 =	rddreg [dreg:$0x3]  }
0x1e: {  	[tilespmem:s2], [sflag:$0x3] =	stream.linear.gather [hbm4b:s23+s2], $0x80, $0x38;
	[tilespmem:$0x10100] =	vst v63  }
0x1f: {  	_ =	swait.ge [sflag:s11], $0x80  }
0x20: {  	[sflag:s11] =	ssyncset.done $0x0  }
0x21: {  	[sflag:s11] =	ssyncadd.s32 $0xFFFFFF80  }
0x22: {  	v3 =	vld [tilespmem:$0x0];
	_ =	sdelay $0x4  }
0x23: {  	v4 =	vshll.u32 v3, $0x1  }
0x24: {  	v3 =	vand.u32 $0x7, v3;
	v4 =	vand.u32 $0xFFFFFFF0, v4  }
0x25: {  	v3 =	vor.u32 v3, v4  }
0x26: {  	v4 =	vperm.xlane v3, v0;
	_ =	sdelay $0x1  }
0x27: {  	v3 =	vperm.xlane v3, v2;
	v4 =	vadd.s32 v1, v4;
	_ =	sdelay $0x1  }
0x28: {  	v3 =	vadd.s32 v1, v3;
	_ =	sdelay $0x2  }
0x29: {  	[tilespmem:s12], [sflag:$0x1] =	stream.indirect_vreg.gather [hbm4b:s3+s2], $0x80, v4, vm0, $0xb8;
	[tilespmem:$0x10100] =	vst v63  }
0x2a: {  	s25 =	simm.s32 $0x900  }
0x2b: {  	[tilespmem:s25], [sflag:$0x1] =	stream.indirect_vreg.gather [hbm4b:s3+s2], $0x80, v3, vm0, $0xb8;
	[tilespmem:$0x10100] =	vst v63  }
0x2c: {  	v3 =	vld [tilespmem:$0x10];
	_ =	sdelay $0x4  }
0x2d: {  	v57 =	vshll.u32 v3, $0x1  }
0x2e: {  	v3 =	vand.u32 $0x7, v3;
	v4 =	vand.u32 $0xFFFFFFF0, v57  }
0x2f: {  	v3 =	vor.u32 v3, v4  }
0x30: {  	v4 =	vperm.xlane v3, v0;
	_ =	sdelay $0x1  }
0x31: {  	v3 =	vperm.xlane v3, v2;
	v4 =	vadd.s32 v1, v4;
	_ =	sdelay $0x1  }
0x32: {  	v3 =	vadd.s32 v1, v3;
	_ =	sdelay $0x1  }
0x33: {  	s26 =	simm.s32 $0x1100  }
0x34: {  	[tilespmem:s26], [sflag:$0x1] =	stream.indirect_vreg.gather [hbm4b:s3+s2], $0x80, v4, vm0, $0xb8;
	[tilespmem:$0x10100] =	vst v63  }
0x35: {  	s24 =	simm.s32 $0x1900  }
0x36: {  	[tilespmem:s24], [sflag:$0x1] =	stream.indirect_vreg.gather [hbm4b:s3+s2], $0x80, v3, vm0, $0xb8;
	[tilespmem:$0x10100] =	vst v63  }
0x37: {  	v3 =	vld [tilespmem:$0x20];
	_ =	sdelay $0x4  }
0x38: {  	v58 =	vshll.u32 v3, $0x1  }
0x39: {  	v3 =	vand.u32 $0x7, v3;
	v4 =	vand.u32 $0xFFFFFFF0, v58  }
0x3a: {  	v3 =	vor.u32 v3, v4  }
0x3b: {  	v4 =	vperm.xlane v3, v0;
	_ =	sdelay $0x1  }
0x3c: {  	v3 =	vperm.xlane v3, v2;
	v4 =	vadd.s32 v1, v4;
	_ =	sdelay $0x1  }
0x3d: {  	v3 =	vadd.s32 v1, v3;
	_ =	sdelay $0x1  }
0x3e: {  	s25 =	simm.s32 $0x2100  }
0x3f: {  	[tilespmem:s25], [sflag:$0x1] =	stream.indirect_vreg.gather [hbm4b:s3+s2], $0x80, v4, vm0, $0xb8;
	[tilespmem:$0x10100] =	vst v63  }
0x40: {  	s26 =	simm.s32 $0x2900  }
0x41: {  	[tilespmem:s26], [sflag:$0x1] =	stream.indirect_vreg.gather [hbm4b:s3+s2], $0x80, v3, vm0, $0xb8;
	[tilespmem:$0x10100] =	vst v63  }
0x42: {  	v3 =	vld [tilespmem:$0x30];
	_ =	sdelay $0x4  }
0x43: {  	v59 =	vshll.u32 v3, $0x1  }
0x44: {  	v3 =	vand.u32 $0x7, v3;
	v4 =	vand.u32 $0xFFFFFFF0, v59  }
0x45: {  	v3 =	vor.u32 v3, v4  }
0x46: {  	v4 =	vperm.xlane v3, v0;
	_ =	sdelay $0x1  }
0x47: {  	v3 =	vperm.xlane v3, v2;
	v4 =	vadd.s32 v1, v4;
	_ =	sdelay $0x1  }
0x48: {  	v3 =	vadd.s32 v1, v3;
	_ =	sdelay $0x1  }
0x49: {  	s24 =	simm.s32 $0x3100  }
0x4a: {  	[tilespmem:s24], [sflag:$0x1] =	stream.indirect_vreg.gather [hbm4b:s3+s2], $0x80, v4, vm0, $0xb8;
	[tilespmem:$0x10100] =	vst v63  }
0x4b: {  	s25 =	simm.s32 $0x3900  }
0x4c: {  	[tilespmem:s25], [sflag:$0x1] =	stream.indirect_vreg.gather [hbm4b:s3+s2], $0x80, v3, vm0, $0xb8;
	[tilespmem:$0x10100] =	vst v63  }
0x4d: {  	v3 =	vld [tilespmem:$0x40];
	_ =	sdelay $0x4  }
0x4e: {  	v60 =	vshll.u32 v3, $0x1  }
0x4f: {  	v3 =	vand.u32 $0x7, v3;
	v4 =	vand.u32 $0xFFFFFFF0, v60  }
0x50: {  	v3 =	vor.u32 v3, v4  }
0x51: {  	v4 =	vperm.xlane v3, v0;
	_ =	sdelay $0x1  }
0x52: {  	v3 =	vperm.xlane v3, v2;
	v4 =	vadd.s32 v1, v4;
	_ =	sdelay $0x1  }
0x53: {  	v3 =	vadd.s32 v1, v3;
	_ =	sdelay $0x1  }
0x54: {  	s26 =	simm.s32 $0x4100  }
0x55: {  	[tilespmem:s26], [sflag:$0x1] =	stream.indirect_vreg.gather [hbm4b:s3+s2], $0x80, v4, vm0, $0xb8;
	[tilespmem:$0x10100] =	vst v63  }
0x56: {  	s24 =	simm.s32 $0x4900  }
0x57: {  	[tilespmem:s24], [sflag:$0x1] =	stream.indirect_vreg.gather [hbm4b:s3+s2], $0x80, v3, vm0, $0xb8;
	[tilespmem:$0x10100] =	vst v63  }
0x58: {  	v3 =	vld [tilespmem:$0x50];
	_ =	sdelay $0x4  }
0x59: {  	v61 =	vshll.u32 v3, $0x1  }
0x5a: {  	v3 =	vand.u32 $0x7, v3;
	v4 =	vand.u32 $0xFFFFFFF0, v61  }
0x5b: {  	v3 =	vor.u32 v3, v4  }
0x5c: {  	v4 =	vperm.xlane v3, v0;
	_ =	sdelay $0x1  }
0x5d: {  	v3 =	vperm.xlane v3, v2;
	v4 =	vadd.s32 v1, v4;
	_ =	sdelay $0x1  }
0x5e: {  	v3 =	vadd.s32 v1, v3;
	_ =	sdelay $0x1  }
0x5f: {  	s25 =	simm.s32 $0x5100  }
0x60: {  	[tilespmem:s25], [sflag:$0x1] =	stream.indirect_vreg.gather [hbm4b:s3+s2], $0x80, v4, vm0, $0xb8;
	[tilespmem:$0x10100] =	vst v63  }
0x61: {  	s26 =	simm.s32 $0x5900  }
0x62: {  	[tilespmem:s26], [sflag:$0x1] =	stream.indirect_vreg.gather [hbm4b:s3+s2], $0x80, v3, vm0, $0xb8;
	[tilespmem:$0x10100] =	vst v63  }
0x63: {  	v3 =	vld [tilespmem:$0x60];
	_ =	sdelay $0x4  }
0x64: {  	v62 =	vshll.u32 v3, $0x1  }
0x65: {  	v3 =	vand.u32 $0x7, v3;
	v4 =	vand.u32 $0xFFFFFFF0, v62  }
0x66: {  	v3 =	vor.u32 v3, v4  }
0x67: {  	v4 =	vperm.xlane v3, v0;
	_ =	sdelay $0x1  }
0x68: {  	v3 =	vperm.xlane v3, v2;
	v4 =	vadd.s32 v1, v4;
	_ =	sdelay $0x1  }
0x69: {  	v3 =	vadd.s32 v1, v3;
	_ =	sdelay $0x1  }
0x6a: {  	s24 =	simm.s32 $0x6100  }
0x6b: {  	[tilespmem:s24], [sflag:$0x1] =	stream.indirect_vreg.gather [hbm4b:s3+s2], $0x80, v4, vm0, $0xb8;
	[tilespmem:$0x10100] =	vst v63  }
0x6c: {  	s25 =	simm.s32 $0x6900  }
0x6d: {  	[tilespmem:s25], [sflag:$0x1] =	stream.indirect_vreg.gather [hbm4b:s3+s2], $0x80, v3, vm0, $0xb8;
	[tilespmem:$0x10100] =	vst v63  }
0x6e: {  	v3 =	vld [tilespmem:$0x70];
	_ =	sdelay $0x4  }
0x6f: {  	v63 =	vshll.u32 v3, $0x1  }
0x70: {  	v3 =	vand.u32 $0x7, v3;
	v4 =	vand.u32 $0xFFFFFFF0, v63  }
0x71: {  	v3 =	vor.u32 v3, v4  }
0x72: {  	v4 =	vperm.xlane v3, v0;
	_ =	sdelay $0x1  }
0x73: {  	v3 =	vperm.xlane v3, v2;
	v4 =	vadd.s32 v1, v4;
	_ =	sdelay $0x1  }
0x74: {  	v3 =	vadd.s32 v1, v3  }
.Ltmp2:
0x75: {  	_ = 	snop;
	(pc) =	sbr.rel .LBB2_2-.Ltmp2, $4  }
0x76: {  	s23 =	rddreg [dreg:$0x6];
	s26 =	simm.s32 $0x7100  }
0x77: {  	[tilespmem:s26], [sflag:$0x1] =	stream.indirect_vreg.gather [hbm4b:s3+s2], $0x80, v4, vm0, $0xb8;
	[tilespmem:$0x10100] =	vst v63  }
0x78: {  	s24 =	rddreg [dreg:$0x5];
	s25 =	simm.s32 $0x0  }
0x79: {  	[tilespmem:s28], [sflag:$0x1] =	stream.indirect_vreg.gather [hbm4b:s3+s2], $0x80, v3, vm0, $0xb8;
	[tilespmem:$0x10100] =	vst v63  }
.LBB2_4:
0x7a: {  	_ =	swait.ge [sflag:s22], $0x8000;
	s26 =	sadd.s32 s25, s9;
	s25 =	sadd.s32 $0x2000, s25  }
0x7b: {  	[sflag:s22] =	ssyncset.done $0x0;
	p0 =	sne.s32 s25, $0xA000  }
.Ltmp3:
0x7c: {  	[sflag:s22] =	ssyncadd.s32 $0xFFFF8000;
	(pc) =	sbr.rel @!p0 .LBB2_5-.Ltmp3, $4  }
0x7d: {  	[hbm4b:s26+s2] =	stream.linear.scatter [tilespmem:s30], [sflag:$0x3], $0x8000, $0x38;
	[tilespmem:$0x10100] =	vst v63  }
0x7e: {  	_ =	swait.ge [sflag:s11], $0x8000  }
0x7f: {  	[sflag:s11] =	ssyncset.done $0x0  }
0x80: {  	s24 =	sadd.s32 $0x100, s24;
	s23 =	sadd.s32 $0x20, s23;
	[sflag:s11] =	ssyncadd.s32 $0xFFFF8000  }
.LBB2_2:
0x81: {  	[tilespmem:s29], [sflag:$0x3] =	stream.linear.gather [hbm4b:s23+s2], $0x80, $0x38;
	[tilespmem:$0x10100] =	vst v63  }
0x82: {  	_ =	swait.ge [sflag:s11], $0x80  }
0x83: {  	[sflag:s11] =	ssyncset.done $0x0  }
0x84: {  	[sflag:s11] =	ssyncadd.s32 $0xFFFFFF80  }
0x85: {  	v3 =	vld [tilespmem:$0x80];
	_ =	sdelay $0x4  }
0x86: {  	v4 =	vshll.u32 v3, $0x1  }
0x87: {  	v3 =	vand.u32 $0x7, v3;
	v4 =	vand.u32 $0xFFFFFFF0, v4  }
0x88: {  	v3 =	vor.u32 v3, v4  }
0x89: {  	v4 =	vperm.xlane v3, v0;
	_ =	sdelay $0x1  }
0x8a: {  	v3 =	vperm.xlane v3, v2;
	v4 =	vadd.s32 v1, v4;
	_ =	sdelay $0x1  }
0x8b: {  	v3 =	vadd.s32 v1, v3;
	_ =	sdelay $0x2  }
0x8c: {  	[tilespmem:s30], [sflag:$0x2] =	stream.indirect_vreg.gather [hbm4b:s3+s2], $0x80, v4, vm0, $0xb8;
	[tilespmem:$0x10100] =	vst v63  }
0x8d: {  	_ = 	snop  }
0x8e: {  	[tilespmem:s31], [sflag:$0x2] =	stream.indirect_vreg.gather [hbm4b:s3+s2], $0x80, v3, vm0, $0xb8;
	[tilespmem:$0x10100] =	vst v63  }
0x8f: {  	v3 =	vld [tilespmem:$0x90];
	_ =	sdelay $0x4  }
0x90: {  	v57 =	vshll.u32 v3, $0x1  }
0x91: {  	v3 =	vand.u32 $0x7, v3;
	v4 =	vand.u32 $0xFFFFFFF0, v57  }
0x92: {  	v3 =	vor.u32 v3, v4  }
0x93: {  	v4 =	vperm.xlane v3, v0;
	_ =	sdelay $0x1  }
0x94: {  	v3 =	vperm.xlane v3, v2;
	v4 =	vadd.s32 v1, v4;
	_ =	sdelay $0x1  }
0x95: {  	v3 =	vadd.s32 v1, v3;
	_ =	sdelay $0x2  }
0x96: {  	[tilespmem:s1], [sflag:$0x2] =	stream.indirect_vreg.gather [hbm4b:s3+s2], $0x80, v4, vm0, $0xb8;
	[tilespmem:$0x10100] =	vst v63  }
0x97: {  	_ = 	snop  }
0x98: {  	[tilespmem:s0], [sflag:$0x2] =	stream.indirect_vreg.gather [hbm4b:s3+s2], $0x80, v3, vm0, $0xb8;
	[tilespmem:$0x10100] =	vst v63  }
0x99: {  	v3 =	vld [tilespmem:$0xA0];
	_ =	sdelay $0x4  }
0x9a: {  	v58 =	vshll.u32 v3, $0x1  }
0x9b: {  	v3 =	vand.u32 $0x7, v3;
	v4 =	vand.u32 $0xFFFFFFF0, v58  }
0x9c: {  	v3 =	vor.u32 v3, v4  }
0x9d: {  	v4 =	vperm.xlane v3, v0;
	_ =	sdelay $0x1  }
0x9e: {  	v3 =	vperm.xlane v3, v2;
	v4 =	vadd.s32 v1, v4;
	_ =	sdelay $0x1  }
0x9f: {  	v3 =	vadd.s32 v1, v3;
	_ =	sdelay $0x2  }
0xa0: {  	[tilespmem:s5], [sflag:$0x2] =	stream.indirect_vreg.gather [hbm4b:s3+s2], $0x80, v4, vm0, $0xb8;
	[tilespmem:$0x10100] =	vst v63  }
0xa1: {  	_ = 	snop  }
0xa2: {  	[tilespmem:s6], [sflag:$0x2] =	stream.indirect_vreg.gather [hbm4b:s3+s2], $0x80, v3, vm0, $0xb8;
	[tilespmem:$0x10100] =	vst v63  }
0xa3: {  	v3 =	vld [tilespmem:$0xB0];
	_ =	sdelay $0x4  }
0xa4: {  	v59 =	vshll.u32 v3, $0x1  }
0xa5: {  	v3 =	vand.u32 $0x7, v3;
	v4 =	vand.u32 $0xFFFFFFF0, v59  }
0xa6: {  	v3 =	vor.u32 v3, v4  }
0xa7: {  	v4 =	vperm.xlane v3, v0;
	_ =	sdelay $0x1  }
0xa8: {  	v3 =	vperm.xlane v3, v2;
	v4 =	vadd.s32 v1, v4;
	_ =	sdelay $0x1  }
0xa9: {  	v3 =	vadd.s32 v1, v3;
	_ =	sdelay $0x2  }
0xaa: {  	[tilespmem:s8], [sflag:$0x2] =	stream.indirect_vreg.gather [hbm4b:s3+s2], $0x80, v4, vm0, $0xb8;
	[tilespmem:$0x10100] =	vst v63  }
0xab: {  	_ = 	snop  }
0xac: {  	[tilespmem:s10], [sflag:$0x2] =	stream.indirect_vreg.gather [hbm4b:s3+s2], $0x80, v3, vm0, $0xb8;
	[tilespmem:$0x10100] =	vst v63  }
0xad: {  	v3 =	vld [tilespmem:$0xC0];
	_ =	sdelay $0x4  }
0xae: {  	v60 =	vshll.u32 v3, $0x1  }
0xaf: {  	v3 =	vand.u32 $0x7, v3;
	v4 =	vand.u32 $0xFFFFFFF0, v60  }
0xb0: {  	v3 =	vor.u32 v3, v4  }
0xb1: {  	v4 =	vperm.xlane v3, v0;
	_ =	sdelay $0x1  }
0xb2: {  	v3 =	vperm.xlane v3, v2;
	v4 =	vadd.s32 v1, v4;
	_ =	sdelay $0x1  }
0xb3: {  	v3 =	vadd.s32 v1, v3;
	_ =	sdelay $0x2  }
0xb4: {  	[tilespmem:s13], [sflag:$0x2] =	stream.indirect_vreg.gather [hbm4b:s3+s2], $0x80, v4, vm0, $0xb8;
	[tilespmem:$0x10100] =	vst v63  }
0xb5: {  	_ = 	snop  }
0xb6: {  	[tilespmem:s14], [sflag:$0x2] =	stream.indirect_vreg.gather [hbm4b:s3+s2], $0x80, v3, vm0, $0xb8;
	[tilespmem:$0x10100] =	vst v63  }
0xb7: {  	v3 =	vld [tilespmem:$0xD0];
	_ =	sdelay $0x4  }
0xb8: {  	v61 =	vshll.u32 v3, $0x1  }
0xb9: {  	v3 =	vand.u32 $0x7, v3;
	v4 =	vand.u32 $0xFFFFFFF0, v61  }
0xba: {  	v3 =	vor.u32 v3, v4  }
0xbb: {  	v4 =	vperm.xlane v3, v0;
	_ =	sdelay $0x1  }
0xbc: {  	v3 =	vperm.xlane v3, v2;
	v4 =	vadd.s32 v1, v4;
	_ =	sdelay $0x1  }
0xbd: {  	v3 =	vadd.s32 v1, v3;
	_ =	sdelay $0x2  }
0xbe: {  	[tilespmem:s15], [sflag:$0x2] =	stream.indirect_vreg.gather [hbm4b:s3+s2], $0x80, v4, vm0, $0xb8;
	[tilespmem:$0x10100] =	vst v63  }
0xbf: {  	_ = 	snop  }
0xc0: {  	[tilespmem:s16], [sflag:$0x2] =	stream.indirect_vreg.gather [hbm4b:s3+s2], $0x80, v3, vm0, $0xb8;
	[tilespmem:$0x10100] =	vst v63  }
0xc1: {  	v3 =	vld [tilespmem:$0xE0];
	_ =	sdelay $0x4  }
0xc2: {  	v62 =	vshll.u32 v3, $0x1  }
0xc3: {  	v3 =	vand.u32 $0x7, v3;
	v4 =	vand.u32 $0xFFFFFFF0, v62  }
0xc4: {  	v3 =	vor.u32 v3, v4  }
0xc5: {  	v4 =	vperm.xlane v3, v0;
	_ =	sdelay $0x1  }
0xc6: {  	v3 =	vperm.xlane v3, v2;
	v4 =	vadd.s32 v1, v4;
	_ =	sdelay $0x1  }
0xc7: {  	v3 =	vadd.s32 v1, v3;
	_ =	sdelay $0x2  }
0xc8: {  	[tilespmem:s17], [sflag:$0x2] =	stream.indirect_vreg.gather [hbm4b:s3+s2], $0x80, v4, vm0, $0xb8;
	[tilespmem:$0x10100] =	vst v63  }
0xc9: {  	_ = 	snop  }
0xca: {  	[tilespmem:s18], [sflag:$0x2] =	stream.indirect_vreg.gather [hbm4b:s3+s2], $0x80, v3, vm0, $0xb8;
	[tilespmem:$0x10100] =	vst v63  }
0xcb: {  	v3 =	vld [tilespmem:$0xF0];
	_ =	sdelay $0x4  }
0xcc: {  	v63 =	vshll.u32 v3, $0x1  }
0xcd: {  	v3 =	vand.u32 $0x7, v3;
	v4 =	vand.u32 $0xFFFFFFF0, v63  }
0xce: {  	v3 =	vor.u32 v3, v4  }
0xcf: {  	v4 =	vperm.xlane v3, v0;
	_ =	sdelay $0x1  }
0xd0: {  	v3 =	vperm.xlane v3, v2;
	v4 =	vadd.s32 v1, v4;
	_ =	sdelay $0x1  }
0xd1: {  	v3 =	vadd.s32 v1, v3;
	_ =	sdelay $0x2  }
0xd2: {  	[tilespmem:s19], [sflag:$0x2] =	stream.indirect_vreg.gather [hbm4b:s3+s2], $0x80, v4, vm0, $0xb8;
	[tilespmem:$0x10100] =	vst v63  }
0xd3: {  	_ = 	snop  }
0xd4: {  	[tilespmem:s20], [sflag:$0x2] =	stream.indirect_vreg.gather [hbm4b:s3+s2], $0x80, v3, vm0, $0xb8;
	[tilespmem:$0x10100] =	vst v63  }
0xd5: {  	_ =	swait.ge [sflag:s21], $0x8000  }
0xd6: {  	p0 =	seq.s32 s25, $0x8000;
	[sflag:s21] =	ssyncset.done $0x0  }
.Ltmp4:
0xd7: {  	s26 =	sadd.s32 s25, s7;
	[sflag:s21] =	ssyncadd.s32 $0xFFFF8000;
	(pc) =	sbr.rel @p0 .LBB2_4-.Ltmp4, $4  }
0xd8: {  	[hbm4b:s26+s2] =	stream.linear.scatter [tilespmem:s12], [sflag:$0x3], $0x8000, $0x38;
	[tilespmem:$0x10100] =	vst v63  }
0xd9: {  	_ =	swait.ge [sflag:s11], $0x8000  }
0xda: {  	[sflag:s11] =	ssyncset.done $0x0  }
0xdb: {  	[sflag:s11] =	ssyncadd.s32 $0xFFFF8000  }
0xdc: {  	s26 =	sshrl.u32 s24, $0x3  }
0xdd: {  	s26 =	sadd.s32 s4, s26  }
0xde: {  	[tilespmem:s2], [sflag:$0x3] =	stream.linear.gather [hbm4b:s26+s2], $0x80, $0x38;
	[tilespmem:$0x10100] =	vst v63  }
0xdf: {  	_ =	swait.ge [sflag:s11], $0x80  }
0xe0: {  	[sflag:s11] =	ssyncset.done $0x0  }
0xe1: {  	[sflag:s11] =	ssyncadd.s32 $0xFFFFFF80  }
0xe2: {  	v3 =	vld [tilespmem:$0x0];
	_ =	sdelay $0x4  }
0xe3: {  	v4 =	vshll.u32 v3, $0x1  }
0xe4: {  	v3 =	vand.u32 $0x7, v3;
	v4 =	vand.u32 $0xFFFFFFF0, v4  }
0xe5: {  	v3 =	vor.u32 v3, v4  }
0xe6: {  	v4 =	vperm.xlane v3, v0;
	_ =	sdelay $0x1  }
0xe7: {  	v3 =	vperm.xlane v3, v2;
	v4 =	vadd.s32 v1, v4;
	_ =	sdelay $0x1  }
0xe8: {  	v3 =	vadd.s32 v1, v3;
	_ =	sdelay $0x2  }
0xe9: {  	[tilespmem:s12], [sflag:$0x1] =	stream.indirect_vreg.gather [hbm4b:s3+s2], $0x80, v4, vm0, $0xb8;
	[tilespmem:$0x10100] =	vst v63  }
0xea: {  	s26 =	simm.s32 $0x900  }
0xeb: {  	[tilespmem:s26], [sflag:$0x1] =	stream.indirect_vreg.gather [hbm4b:s3+s2], $0x80, v3, vm0, $0xb8;
	[tilespmem:$0x10100] =	vst v63  }
0xec: {  	v3 =	vld [tilespmem:$0x10];
	_ =	sdelay $0x4  }
0xed: {  	v57 =	vshll.u32 v3, $0x1  }
0xee: {  	v3 =	vand.u32 $0x7, v3;
	v4 =	vand.u32 $0xFFFFFFF0, v57  }
0xef: {  	v3 =	vor.u32 v3, v4  }
0xf0: {  	v4 =	vperm.xlane v3, v0;
	_ =	sdelay $0x1  }
0xf1: {  	v3 =	vperm.xlane v3, v2;
	v4 =	vadd.s32 v1, v4;
	_ =	sdelay $0x1  }
0xf2: {  	v3 =	vadd.s32 v1, v3;
	_ =	sdelay $0x1  }
0xf3: {  	s26 =	simm.s32 $0x1100  }
0xf4: {  	[tilespmem:s26], [sflag:$0x1] =	stream.indirect_vreg.gather [hbm4b:s3+s2], $0x80, v4, vm0, $0xb8;
	[tilespmem:$0x10100] =	vst v63  }
0xf5: {  	s26 =	simm.s32 $0x1900  }
0xf6: {  	[tilespmem:s26], [sflag:$0x1] =	stream.indirect_vreg.gather [hbm4b:s3+s2], $0x80, v3, vm0, $0xb8;
	[tilespmem:$0x10100] =	vst v63  }
0xf7: {  	v3 =	vld [tilespmem:$0x20];
	_ =	sdelay $0x4  }
0xf8: {  	v58 =	vshll.u32 v3, $0x1  }
0xf9: {  	v3 =	vand.u32 $0x7, v3;
	v4 =	vand.u32 $0xFFFFFFF0, v58  }
0xfa: {  	v3 =	vor.u32 v3, v4  }
0xfb: {  	v4 =	vperm.xlane v3, v0;
	_ =	sdelay $0x1  }
0xfc: {  	v3 =	vperm.xlane v3, v2;
	v4 =	vadd.s32 v1, v4;
	_ =	sdelay $0x1  }
0xfd: {  	v3 =	vadd.s32 v1, v3;
	_ =	sdelay $0x1  }
0xfe: {  	s26 =	simm.s32 $0x2100  }
0xff: {  	[tilespmem:s26], [sflag:$0x1] =	stream.indirect_vreg.gather [hbm4b:s3+s2], $0x80, v4, vm0, $0xb8;
	[tilespmem:$0x10100] =	vst v63  }
0x100: {  	s26 =	simm.s32 $0x2900  }
0x101: {  	[tilespmem:s26], [sflag:$0x1] =	stream.indirect_vreg.gather [hbm4b:s3+s2], $0x80, v3, vm0, $0xb8;
	[tilespmem:$0x10100] =	vst v63  }
0x102: {  	v3 =	vld [tilespmem:$0x30];
	_ =	sdelay $0x4  }
0x103: {  	v59 =	vshll.u32 v3, $0x1  }
0x104: {  	v3 =	vand.u32 $0x7, v3;
	v4 =	vand.u32 $0xFFFFFFF0, v59  }
0x105: {  	v3 =	vor.u32 v3, v4  }
0x106: {  	v4 =	vperm.xlane v3, v0;
	_ =	sdelay $0x1  }
0x107: {  	v3 =	vperm.xlane v3, v2;
	v4 =	vadd.s32 v1, v4;
	_ =	sdelay $0x1  }
0x108: {  	v3 =	vadd.s32 v1, v3;
	_ =	sdelay $0x1  }
0x109: {  	s26 =	simm.s32 $0x3100  }
0x10a: {  	[tilespmem:s26], [sflag:$0x1] =	stream.indirect_vreg.gather [hbm4b:s3+s2], $0x80, v4, vm0, $0xb8;
	[tilespmem:$0x10100] =	vst v63  }
0x10b: {  	s26 =	simm.s32 $0x3900  }
0x10c: {  	[tilespmem:s26], [sflag:$0x1] =	stream.indirect_vreg.gather [hbm4b:s3+s2], $0x80, v3, vm0, $0xb8;
	[tilespmem:$0x10100] =	vst v63  }
0x10d: {  	v3 =	vld [tilespmem:$0x40];
	_ =	sdelay $0x4  }
0x10e: {  	v60 =	vshll.u32 v3, $0x1  }
0x10f: {  	v3 =	vand.u32 $0x7, v3;
	v4 =	vand.u32 $0xFFFFFFF0, v60  }
0x110: {  	v3 =	vor.u32 v3, v4  }
0x111: {  	v4 =	vperm.xlane v3, v0;
	_ =	sdelay $0x1  }
0x112: {  	v3 =	vperm.xlane v3, v2;
	v4 =	vadd.s32 v1, v4;
	_ =	sdelay $0x1  }
0x113: {  	v3 =	vadd.s32 v1, v3;
	_ =	sdelay $0x1  }
0x114: {  	s26 =	simm.s32 $0x4100  }
0x115: {  	[tilespmem:s26], [sflag:$0x1] =	stream.indirect_vreg.gather [hbm4b:s3+s2], $0x80, v4, vm0, $0xb8;
	[tilespmem:$0x10100] =	vst v63  }
0x116: {  	s26 =	simm.s32 $0x4900  }
0x117: {  	[tilespmem:s26], [sflag:$0x1] =	stream.indirect_vreg.gather [hbm4b:s3+s2], $0x80, v3, vm0, $0xb8;
	[tilespmem:$0x10100] =	vst v63  }
0x118: {  	v3 =	vld [tilespmem:$0x50];
	_ =	sdelay $0x4  }
0x119: {  	v61 =	vshll.u32 v3, $0x1  }
0x11a: {  	v3 =	vand.u32 $0x7, v3;
	v4 =	vand.u32 $0xFFFFFFF0, v61  }
0x11b: {  	v3 =	vor.u32 v3, v4  }
0x11c: {  	v4 =	vperm.xlane v3, v0;
	_ =	sdelay $0x1  }
0x11d: {  	v3 =	vperm.xlane v3, v2;
	v4 =	vadd.s32 v1, v4;
	_ =	sdelay $0x1  }
0x11e: {  	v3 =	vadd.s32 v1, v3;
	_ =	sdelay $0x1  }
0x11f: {  	s26 =	simm.s32 $0x5100  }
0x120: {  	[tilespmem:s26], [sflag:$0x1] =	stream.indirect_vreg.gather [hbm4b:s3+s2], $0x80, v4, vm0, $0xb8;
	[tilespmem:$0x10100] =	vst v63  }
0x121: {  	s26 =	simm.s32 $0x5900  }
0x122: {  	[tilespmem:s26], [sflag:$0x1] =	stream.indirect_vreg.gather [hbm4b:s3+s2], $0x80, v3, vm0, $0xb8;
	[tilespmem:$0x10100] =	vst v63  }
0x123: {  	v3 =	vld [tilespmem:$0x60];
	_ =	sdelay $0x4  }
0x124: {  	v62 =	vshll.u32 v3, $0x1  }
0x125: {  	v3 =	vand.u32 $0x7, v3;
	v4 =	vand.u32 $0xFFFFFFF0, v62  }
0x126: {  	v3 =	vor.u32 v3, v4  }
0x127: {  	v4 =	vperm.xlane v3, v0;
	_ =	sdelay $0x1  }
0x128: {  	v3 =	vperm.xlane v3, v2;
	v4 =	vadd.s32 v1, v4;
	_ =	sdelay $0x1  }
0x129: {  	v3 =	vadd.s32 v1, v3;
	_ =	sdelay $0x1  }
0x12a: {  	s26 =	simm.s32 $0x6100  }
0x12b: {  	[tilespmem:s26], [sflag:$0x1] =	stream.indirect_vreg.gather [hbm4b:s3+s2], $0x80, v4, vm0, $0xb8;
	[tilespmem:$0x10100] =	vst v63  }
0x12c: {  	s26 =	simm.s32 $0x6900  }
0x12d: {  	[tilespmem:s26], [sflag:$0x1] =	stream.indirect_vreg.gather [hbm4b:s3+s2], $0x80, v3, vm0, $0xb8;
	[tilespmem:$0x10100] =	vst v63  }
0x12e: {  	v3 =	vld [tilespmem:$0x70];
	_ =	sdelay $0x4  }
0x12f: {  	v63 =	vshll.u32 v3, $0x1  }
0x130: {  	v3 =	vand.u32 $0x7, v3;
	v4 =	vand.u32 $0xFFFFFFF0, v63  }
0x131: {  	v3 =	vor.u32 v3, v4  }
0x132: {  	v4 =	vperm.xlane v3, v0;
	_ =	sdelay $0x1  }
0x133: {  	v3 =	vperm.xlane v3, v2;
	v4 =	vadd.s32 v1, v4;
	_ =	sdelay $0x1  }
0x134: {  	v3 =	vadd.s32 v1, v3  }
.Ltmp5:
0x135: {  	_ = 	snop;
	(pc) =	sbr.rel .LBB2_4-.Ltmp5, $4  }
0x136: {  	s26 =	simm.s32 $0x7100  }
0x137: {  	[tilespmem:s26], [sflag:$0x1] =	stream.indirect_vreg.gather [hbm4b:s3+s2], $0x80, v4, vm0, $0xb8;
	[tilespmem:$0x10100] =	vst v63  }
0x138: {  	_ = 	snop  }
0x139: {  	[tilespmem:s28], [sflag:$0x1] =	stream.indirect_vreg.gather [hbm4b:s3+s2], $0x80, v3, vm0, $0xb8;
	[tilespmem:$0x10100] =	vst v63  }
.LBB2_6:
0x13a: {  	_ =	sfence.sel $0x180000  }
0x13b: {  	[bflag:$0x0] =	sbarrier.arrive $0xFFFF  }
0x13c: {  	_ =	strace $0x90000050  }
0x13d: {  	s0 =	stileid.u32;
	[bflag:$0x2] =	sbarrier.arrive $0xFFFF  }
0x13e: {  	p0 =	sne.s32 s0, $0x0;
	s0 =	rddreg [dreg:$0x2]  }
0x13f: {  	s0 =	sadd.s32 @!p0 $0x100000, s0  }
0x140: {  	[sflag:s0] =	ssyncadd.tile.s32 @!p0 $0x1;
	_ =	shalt  }
.Lfunc_end2:
_tile_overlayer_lowered:
.L_overlay_start_2:
0x141: {  	(tag) =	ssettag $0x2  }
0x142: {  	s0 =	rddreg [dreg:$0x0];
	s2 =	stileid.u32  }
0x143: {  	s1 =	rddreg [dreg:$0x1];
	p0 =	sne.s32 s2, $0x0  }
0x144: {  	s3 =	rddreg [dreg:$0x2];
	[bflag:$0x3] =	sbarrier.arrive $0xFFFF;
	s2 =	simm.s32 @!p0 $0x1C03  }
0x145: {  	[timem:s3], [sflag:s2] =	dma.local @!p0 [hbm:s0], s1  }
0x146: {  	s0 =	simm.s32 @!p0 $0x3  }
0x147: {  	_ =	swait.ge @!p0 [sflag:s0], s1  }
0x148: {  	s1 =	ssub.s32 @!p0 $0x0, s1;
	[sflag:s0] =	ssyncset.done @!p0 $0x0  }
0x149: {  	[sflag:s0] =	ssyncadd.s32 @!p0 s1  }
0x14a: {  	[bflag:$0x3] =	sbarrier.arrive $0xFFFF  }
0x14b: {  	_ =	shalt  }

</sc_bundles>
